<compile_context>
chip_gen: v7x
topology: tpu7x:2x2x1
jax: 0.10.2.dev20260603
libtpu: 0.0.44.dev20260713+nightly
codegen_flags: <defaults>
</compile_context>

<pallas_src>
import functools

import jax
import jax.numpy as jnp
from jax import lax
from jax.experimental import pallas as pl
from jax.experimental.pallas import tpu as pltpu
from jax.experimental.pallas import tpu_sc as plsc

N = 10000
E = 320000
EP = 327680
H = 128
HH = 64
HEADS = 4
OUT = 32
DS = 512

NS = 16
NP = 10240
NPT = NP // NS
KC = 128
CC = EP // NS // KC
CB = EP // (2 * NS) // KC
RING = 2

_sc_mesh = plsc.VectorSubcoreMesh(core_axis_name="c", subcore_axis_name="s")
_sc_params = pltpu.CompilerParams(needs_layout_passes=False,
                                  use_tc_tiling_on_sc=False)
f32 = jnp.float32


@functools.partial(
    pl.kernel,
    out_type=jax.ShapeDtypeStruct((2, NP, H), f32),
    mesh=_sc_mesh,
    compiler_params=_sc_params,
    scratch_types=[
        pltpu.VMEM((KC,), jnp.int32),
        pltpu.VMEM((KC,), jnp.int32),
        pltpu.VMEM((KC, 8), f32),
        pltpu.VMEM_SHARED((NP, 8), f32),
        pltpu.SemaphoreType.DMA,
        pltpu.SemaphoreType.DMA,
    ],
)
def _deg_kernel(col_hbm, z128_hbm, deg_hbm, i0, i1, ones_v, deg_sh, is_, ss):
    c = lax.axis_index("c")
    s = lax.axis_index("s")
    w = c * NS + s
    rs = pl.ds(s * NPT, NPT)
    iota = lax.iota(jnp.int32, 16)
    ones16 = jnp.full((16,), 1.0, f32)
    zcol = jnp.zeros((16,), jnp.int32)
    pltpu.sync_copy(z128_hbm.at[pl.ds(0, KC), pl.ds(0, 8)], ones_v)
    for g in range(KC // 16):
        plsc.store_scatter(ones_v, [iota + g * 16, zcol], ones16)
    pltpu.sync_copy(z128_hbm.at[:, pl.ds(0, 8)], deg_sh.at[rs])
    plsc.subcore_barrier()

    ib = [i0, i1]

    def body(j, carry):
        for b in range(2):
            ch = j * 2 + b
            pltpu.sync_copy(col_hbm.at[w, ch], ib[b])
            pltpu.async_copy(ones_v, deg_sh.at[ib[b]], ss, add=True)
        for b in range(2):
            pltpu.make_async_copy(ones_v, deg_sh.at[pl.ds(0, KC)], ss).wait()
        return carry

    lax.fori_loop(0, CB // 2, body, 0)
    plsc.subcore_barrier()
    pltpu.sync_copy(deg_sh.at[rs], deg_hbm.at[c, rs, pl.ds(0, 8)])


BR = 400
GR = N // BR


def _tc_pre_body(x_ref, deg2_ref, ewt_ref, eb_ref, gwt_ref, acat_ref,
                 z_ref, h_ref, xg_ref, h2_ref, asd_ref, disv_ref):
    xb = x_ref[...]
    z = jnp.dot(xb, ewt_ref[...], preferred_element_type=f32) + eb_ref[...]
    hb = jnp.tanh(z)
    xg = jnp.dot(hb, gwt_ref[...], preferred_element_type=f32)
    asdb = jnp.dot(xg, acat_ref[...], preferred_element_type=f32)
    degb = deg2_ref[0, :, 0:8] + deg2_ref[1, :, 0:8]
    dis8 = jnp.where(degb > 0, lax.rsqrt(degb), 0.0)
    z_ref[...] = z
    h_ref[...] = hb
    xg_ref[...] = xg
    h2_ref[...] = dis8[:, 0:1] * hb
    asd_ref[...] = asdb
    disv_ref[...] = dis8


def _tc_pre(x, deg2, ewt, eb, gwt, acat):
    return pl.pallas_call(
        _tc_pre_body,
        grid=(GR,),
        in_specs=[
            pl.BlockSpec((BR, H), lambda i: (i, 0)),
            pl.BlockSpec((2, BR, H), lambda i: (0, i, 0)),
            pl.BlockSpec((H, H), lambda i: (0, 0)),
            pl.BlockSpec((1, H), lambda i: (0, 0)),
            pl.BlockSpec((H, H), lambda i: (0, 0)),
            pl.BlockSpec((H, 8), lambda i: (0, 0)),
        ],
        out_specs=[
            pl.BlockSpec((BR, H), lambda i: (i, 0)),
            pl.BlockSpec((BR, H), lambda i: (i, 0)),
            pl.BlockSpec((BR, H), lambda i: (i, 0)),
            pl.BlockSpec((BR, H), lambda i: (i, 0)),
            pl.BlockSpec((BR, 8), lambda i: (i, 0)),
            pl.BlockSpec((BR, 8), lambda i: (i, 0)),
        ],
        out_shape=[
            jax.ShapeDtypeStruct((N, H), f32),
            jax.ShapeDtypeStruct((N, H), f32),
            jax.ShapeDtypeStruct((N, H), f32),
            jax.ShapeDtypeStruct((N, H), f32),
            jax.ShapeDtypeStruct((N, 8), f32),
            jax.ShapeDtypeStruct((N, 8), f32),
        ],
    )(x, deg2, ewt, eb, gwt, acat)


@functools.partial(
    pl.kernel,
    out_type=[
        jax.ShapeDtypeStruct((EP * 4,), f32),
        jax.ShapeDtypeStruct((2, NP, H), f32),
    ],
    mesh=_sc_mesh,
    compiler_params=_sc_params,
    scratch_types=[
        pltpu.VMEM((NP * 8,), f32),
        pltpu.VMEM((KC,), jnp.int32),
        pltpu.VMEM((KC,), jnp.int32),
        pltpu.VMEM((KC, 8), f32),
        pltpu.VMEM((KC * 4,), f32),
        pltpu.VMEM_SHARED((NP, 8), f32),
        pltpu.SemaphoreType.DMA,
    ],
)
def _ee_kernel(rowr, colr, asdf, z128, ee_hbm, den_hbm,
               asd_v, ir, ic, eeb, eef, den_sh, ss):
    c = lax.axis_index("c")
    s = lax.axis_index("s")
    w = c * NS + s
    rs = pl.ds(s * NPT, NPT)
    pltpu.sync_copy(asdf, asd_v)
    pltpu.sync_copy(z128.at[pl.ds(0, KC), pl.ds(0, 8)], eeb)
    pltpu.sync_copy(z128.at[:, pl.ds(0, 8)], den_sh.at[rs])
    plsc.subcore_barrier()
    iota = lax.iota(jnp.int32, 16)

    def body(j, carry):
        pltpu.sync_copy(rowr.at[w, j], ir)
        pltpu.sync_copy(colr.at[w, j], ic)
        for g in range(KC // 16):
            gsl = pl.ds(g * 16, 16)
            rv = ir[gsl] * 8
            cv = ic[gsl] * 8 + 4
            ide = iota + (g * 16)
            for hh in range(HEADS):
                av = (plsc.load_gather(asd_v, [rv + hh])
                      + plsc.load_gather(asd_v, [cv + hh]))
                ev = jnp.exp(jnp.maximum(av, 0.2 * av))
                plsc.store_scatter(eeb, [ide, jnp.full((16,), hh, jnp.int32)],
                                   ev)
                plsc.store_scatter(eef, [ide * 4 + hh], ev)
        pltpu.sync_copy(eeb, den_sh.at[ic], add=True)
        pltpu.sync_copy(eef, ee_hbm.at[pl.ds((w * CB + j) * KC * 4, KC * 4)])
        return carry

    lax.fori_loop(0, CB, body, 0)
    plsc.subcore_barrier()
    pltpu.sync_copy(den_sh.at[rs], den_hbm.at[c, rs, pl.ds(0, 8)])


@functools.partial(
    pl.kernel,
    out_type=[
        jax.ShapeDtypeStruct((NP, H), f32),
        jax.ShapeDtypeStruct((NP, H), f32),
    ],
    mesh=_sc_mesh,
    compiler_params=_sc_params,
    scratch_types=(
        [pltpu.VMEM((KC,), jnp.int32) for _ in range(RING)]
        + [pltpu.VMEM((KC,), jnp.int32) for _ in range(RING)]
        + [pltpu.VMEM((KC, H), f32) for _ in range(RING)]
        + [pltpu.VMEM((KC, HH), f32) for _ in range(RING)]
        + [pltpu.VMEM((KC * 4,), f32) for _ in range(RING)]
        + [pltpu.VMEM_SHARED((NP, HH), f32)]
        + [pltpu.SemaphoreType.DMA for _ in range(3 * RING)]
    ),
)
def _edge_kernel(rowr, colr, h2p, xgp, eeflat, z128, agg_out, gat_out, *refs):
    gi = list(refs[0:RING])
    si = list(refs[RING:2 * RING])
    gb = list(refs[2 * RING:3 * RING])
    sb = list(refs[3 * RING:4 * RING])
    eb = list(refs[4 * RING:5 * RING])
    acc_sh = refs[5 * RING]
    isem = list(refs[5 * RING + 1:5 * RING + 1 + RING])
    gsem = list(refs[5 * RING + 1 + RING:5 * RING + 1 + 2 * RING])
    ssem = list(refs[5 * RING + 1 + 2 * RING:5 * RING + 1 + 3 * RING])
    c = lax.axis_index("c")
    s = lax.axis_index("s")
    rs = pl.ds(s * NPT, NPT)
    iota = lax.iota(jnp.int32, 16)

    pltpu.sync_copy(z128.at[:, pl.ds(0, HH)], acc_sh.at[rs])
    plsc.subcore_barrier()

    def idx_start(b, ch, gat):
        if gat:
            pltpu.async_copy(rowr.at[s, ch], gi[b], isem[b])
            pltpu.async_copy(colr.at[s, ch], si[b], isem[b])
        else:
            pltpu.async_copy(colr.at[s, ch], gi[b], isem[b])
            pltpu.async_copy(rowr.at[s, ch], si[b], isem[b])

    def idx_wait(b):
        pltpu.make_async_copy(rowr.at[0, 0], gi[b], isem[b]).wait()
        pltpu.make_async_copy(rowr.at[0, 0], si[b], isem[b]).wait()

    def run_phase(src, out_col, gat, heads):
        for b in range(RING):
            idx_start(b, b, gat)

        def body(j, carry):
            for b in range(RING):
                ch = j * RING + b
                idx_wait(b)
                pltpu.async_copy(src.at[gi[b]], gb[b], gsem[b])
                if gat:
                    off = (s * CC + ch) * KC * 4
                    pltpu.async_copy(eeflat.at[pl.ds(off, KC * 4)], eb[b],
                                     gsem[b])
            for b in range(RING):
                ch = j * RING + b
                pltpu.make_async_copy(src.at[pl.ds(0, KC)], gb[b],
                                      gsem[b]).wait()
                if gat:
                    pltpu.make_async_copy(eeflat.at[pl.ds(0, KC * 4)], eb[b],
                                          gsem[b]).wait()

                    def sc_body(q, cy):
                        ev16 = eb[b][pl.ds(q * 16, 16)]
                        for jj in range(4):
                            e = q * 4 + jj
                            for hh in heads:
                                sv = ev16[jj * 4 + hh]
                                for v in range(2):
                                    gco = hh * OUT + v * 16
                                    sco = (hh % 2) * OUT + v * 16
                                    sb[b][e, pl.ds(sco, 16)] = (
                                        gb[b][e, pl.ds(gco, 16)] * sv)
                        return cy

                    lax.fori_loop(0, KC // 4, sc_body, 0)
                else:

                    def cp_body(e, cy):
                        for v in range(4):
                            sb[b][e, pl.ds(v * 16, 16)] = (
                                gb[b][e, pl.ds(out_col + v * 16, 16)])
                        return cy

                    lax.fori_loop(0, KC, cp_body, 0)
                pltpu.async_copy(sb[b], acc_sh.at[si[b]], ssem[b], add=True)
            for b in range(RING):
                ch = j * RING + b
                pltpu.make_async_copy(sb[b], acc_sh.at[pl.ds(0, KC)],
                                      ssem[b]).wait()

                @pl.when(ch + RING < CC)
                def _():
                    idx_start(b, ch + RING, gat)
            return carry

        lax.fori_loop(0, CC // RING, body, 0)
        plsc.subcore_barrier()

    @pl.when(c == 0)
    def _gcn():
        run_phase(h2p, 0, False, (0, 1))
        pltpu.sync_copy(acc_sh.at[rs], agg_out.at[rs, pl.ds(0, HH)])
        pltpu.sync_copy(z128.at[:, pl.ds(0, HH)], acc_sh.at[rs])
        plsc.subcore_barrier()
        run_phase(h2p, HH, False, (0, 1))
        pltpu.sync_copy(acc_sh.at[rs], agg_out.at[rs, pl.ds(HH, HH)])

    @pl.when(c == 1)
    def _gat():
        run_phase(xgp, 0, True, (0, 1))
        pltpu.sync_copy(acc_sh.at[rs], gat_out.at[rs, pl.ds(0, HH)])
        pltpu.sync_copy(z128.at[:, pl.ds(0, HH)], acc_sh.at[rs])
        plsc.subcore_barrier()
        run_phase(xgp, 0, True, (2, 3))
        pltpu.sync_copy(acc_sh.at[rs], gat_out.at[rs, pl.ds(HH, HH)])


def _tc_post_body(h_ref, xg_ref, asd_ref, agg_ref, gat_ref, den_ref, disv_ref,
                  gwt_ref, fwa_ref, fwb_ref, fb_ref, gb_ref,
                  lng_ref, lnb_ref, rm_ref, saew_ref, saeb_ref,
                  r1wt_ref, r1b_ref, r2wt_ref, r2b_ref,
                  lg_ref, hr_ref, zs_ref, zf_ref, xo_ref):
    hb = h_ref[...]
    xg = xg_ref[...]
    asdb = asd_ref[...]
    rm = rm_ref[...]
    dis = disv_ref[...][:, 0:1]
    x_gcn = jnp.dot(dis * agg_ref[...], gwt_ref[...],
                    preferred_element_type=f32)
    e4s = asdb[:, 0:4] + asdb[:, 4:8]
    ee_self = jnp.exp(jnp.maximum(e4s, 0.2 * e4s))
    den_f = (den_ref[0, :, 0:4] + den_ref[1, :, 0:4]) + ee_self + 1e-16
    x_gat = ((gat_ref[...] + jnp.dot(ee_self, rm, preferred_element_type=f32)
              * xg)
             / jnp.dot(den_f, rm, preferred_element_type=f32)) + gb_ref[...]
    x_fused = (jnp.dot(x_gcn, fwa_ref[...], preferred_element_type=f32)
               + jnp.dot(x_gat, fwb_ref[...], preferred_element_type=f32)
               + fb_ref[...])
    pre = x_fused + hb
    mu = jnp.mean(pre, axis=-1, keepdims=True)
    var = jnp.mean((pre - mu) ** 2, axis=-1, keepdims=True)
    ln = (pre - mu) / jnp.sqrt(var + 1e-5) * lng_ref[...] + lnb_ref[...]
    x_out = jnp.maximum(ln, 0.0)
    z_sae = jnp.maximum(jnp.dot(x_out, saew_ref[...],
                                preferred_element_type=f32) + saeb_ref[...],
                        0.0)
    h_recon = lax.dot_general(z_sae, saew_ref[...], (((1,), (1,)), ((), ())),
                              preferred_element_type=f32)
    hid = jnp.maximum(jnp.dot(x_out, r1wt_ref[...],
                              preferred_element_type=f32) + r1b_ref[...], 0.0)
    logits = jax.nn.sigmoid(jnp.dot(hid, r2wt_ref[...],
                                    preferred_element_type=f32) + r2b_ref[...])
    lg_ref[...] = logits
    hr_ref[...] = h_recon
    zs_ref[...] = z_sae
    zf_ref[...] = x_fused
    xo_ref[...] = x_out


def _tc_post(h, xg, asd, agg, gat, den, disv, gwt, fwa, fwb, fb, gbias,
             lng, lnb, rm, saew, saeb, r1wt, r1b, r2wt, r2b):
    full = lambda shp: pl.BlockSpec(shp, lambda i: tuple(0 for _ in shp))
    rowblk = lambda m: pl.BlockSpec((BR, m), lambda i: (i, 0))
    return pl.pallas_call(
        _tc_post_body,
        grid=(GR,),
        in_specs=[
            rowblk(H), rowblk(H), rowblk(8), rowblk(H), rowblk(H),
            pl.BlockSpec((2, BR, H), lambda i: (0, i, 0)), rowblk(8),
            full((H, H)), full((H, H)), full((H, H)),
            full((1, H)), full((1, H)), full((1, H)), full((1, H)),
            full((HEADS, H)), full((H, DS)), full((1, DS)),
            full((H, 64)), full((1, 64)), full((64, 8)), full((1, 8)),
        ],
        out_specs=[
            pl.BlockSpec((BR, 8), lambda i: (i, 0)),
            rowblk(H), rowblk(DS), rowblk(H), rowblk(H),
        ],
        out_shape=[
            jax.ShapeDtypeStruct((N, 8), f32),
            jax.ShapeDtypeStruct((N, H), f32),
            jax.ShapeDtypeStruct((N, DS), f32),
            jax.ShapeDtypeStruct((N, H), f32),
            jax.ShapeDtypeStruct((N, H), f32),
        ],
    )(h, xg, asd, agg, gat, den, disv, gwt, fwa, fwb, fb, gbias,
      lng, lnb, rm, saew, saeb, r1wt, r1b, r2wt, r2b)


def kernel(x, edge_index, embed_W, embed_b, gcn_W, gat_W, att_src, att_dst,
           gat_b, fus_W, fus_b, ln_g, ln_b, sae_W, sae_b, r1_W, r1_b, r2_W,
           r2_b):
    row = edge_index[0]
    col = edge_index[1]

    nd = EP - E
    dummy = N + (jnp.arange(nd, dtype=jnp.int32) % 240)
    rowp = jnp.concatenate([row, dummy])
    colp = jnp.concatenate([col, dummy])
    rowr = rowp.reshape(NS, CC, KC)
    colr = colp.reshape(NS, CC, KC)
    rowr2 = rowp.reshape(2 * NS, CB, KC)
    colr2 = colp.reshape(2 * NS, CB, KC)

    z128 = jnp.zeros((NPT, H), f32)

    deg2 = _deg_kernel(colr2, z128)

    eye4 = jnp.eye(HEADS, dtype=f32)
    acat = jnp.concatenate(
        [(att_src[:, :, None] * eye4[:, None, :]).reshape(H, HEADS),
         (att_dst[:, :, None] * eye4[:, None, :]).reshape(H, HEADS)], axis=1)

    z_embed, h, xg, h2, asd, disv = _tc_pre(
        x, deg2, embed_W.T, embed_b.reshape(1, H), gat_W.T, acat)

    asdf = jnp.zeros((NP * 8,), f32).at[:N * 8].set(asd.reshape(N * 8))
    h2p = jnp.zeros((NP, H), f32).at[:N].set(h2)
    xgp = jnp.zeros((NP, H), f32).at[:N].set(xg)

    eeflat, den = _ee_kernel(rowr2, colr2, asdf, z128)
    agg, gat = _edge_kernel(rowr, colr, h2p, xgp, eeflat, z128)

    rm = jnp.repeat(eye4, OUT, axis=1)
    r2wt = jnp.zeros((64, 8), f32).at[:, 0].set(r2_W[0])
    r2b8 = jnp.zeros((1, 8), f32).at[0, 0].set(r2_b[0])

    logits8, h_recon, z_sae, z_fused, x_out = _tc_post(
        h, xg, asd, agg[:N], gat[:N], den[:, :N], disv,
        gcn_W.T, fus_W[:, :H].T, fus_W[:, H:].T, fus_b.reshape(1, H),
        gat_b.reshape(1, H), ln_g.reshape(1, H), ln_b.reshape(1, H), rm,
        sae_W, sae_b.reshape(1, DS), r1_W.T, r1_b.reshape(1, 64), r2wt, r2b8)

    return (logits8[:, 0:1], h_recon, z_sae, z_embed, z_fused, x_out)

# --- scband reference (transcript-rebuilt; emitter-appended) ---
"""Pipeline reference for scband-swan-elliptic-gnn-v51-74088185856430 (READ-ONLY COPY).

The authoritative reference and input builder live on the scoring server;
editing this copy changes nothing except your own understanding.
"""

import jax, jax.numpy as jnp
import numpy as np

N = 10000
E = 320000
IN = 128
H = 128
HEADS = 4
OUT = H // HEADS
D_SAE = 4 * H

def setup_inputs(seed: int = 0) -> dict:
    key = jax.random.key(seed)
    ks = jax.random.split(key, 20)
    x = jax.random.normal(ks[0], (N, IN), dtype=jnp.float32)
    edge_index = jax.random.randint(ks[1], (2, E), 0, N, dtype=jnp.int32)
    s = 0.05
    inp = {
        'x': x,
        'edge_index': edge_index,
        'embed_W': jax.random.normal(ks[2], (H, IN), jnp.float32) * s,
        'embed_b': jnp.zeros((H,), jnp.float32),
        'gcn_W': jax.random.normal(ks[3], (H, H), jnp.float32) * s,
        'gat_W': jax.random.normal(ks[4], (HEADS * OUT, H), jnp.float32) * s,
        'att_src': jax.random.normal(ks[5], (HEADS, OUT), jnp.float32) * s,
        'att_dst': jax.random.normal(ks[6], (HEADS, OUT), jnp.float32) * s,
        'gat_b': jnp.zeros((H,), jnp.float32),
        'fus_W': jax.random.normal(ks[7], (H, 2 * H), jnp.float32) * s,
        'fus_b': jnp.zeros((H,), jnp.float32),
        'ln_g': jnp.ones((H,), jnp.float32),
        'ln_b': jnp.zeros((H,), jnp.float32),
        'sae_W': jax.random.normal(ks[8], (H, D_SAE), jnp.float32) * s,
        'sae_b': jnp.zeros((D_SAE,), jnp.float32),
        'r1_W': jax.random.normal(ks[9], (H // 2, H), jnp.float32) * s,
        'r1_b': jnp.zeros((H // 2,), jnp.float32),
        'r2_W': jax.random.normal(ks[10], (1, H // 2), jnp.float32) * s,
        'r2_b': jnp.zeros((1,), jnp.float32),
    }
    return inp

def reference(x, edge_index, embed_W, embed_b, gcn_W, gat_W, att_src, att_dst, gat_b, fus_W, fus_b, ln_g, ln_b, sae_W, sae_b, r1_W, r1_b, r2_W, r2_b):
    row = edge_index[0]
    col = edge_index[1]
    # embed (eval mode: topo_mask is all ones, no dropout)
    z_embed = x @ embed_W.T + embed_b
    h = jnp.tanh(z_embed)
    res = h
    # FastGCNLayer: symmetric-normalized sparse adj @ h, then linear
    deg = jnp.zeros((N,), jnp.float32).at[col].add(1.0)
    dis = jnp.where(deg > 0, deg ** -0.5, 0.0)
    vals = dis[row] * dis[col]
    agg = jnp.zeros((N, H), jnp.float32).at[row].add(vals[:, None] * h[col])
    x_gcn = agg @ gcn_W.T
    # GATConv (4 heads, concat=True, self-loops added, eval: no dropout)
    self_idx = jnp.arange(N, dtype=edge_index.dtype)
    row2 = jnp.concatenate([row, self_idx])
    col2 = jnp.concatenate([col, self_idx])
    xg = (h @ gat_W.T).reshape(N, HEADS, OUT)
    a_src = (xg * att_src[None, :, :]).sum(-1)
    a_dst = (xg * att_dst[None, :, :]).sum(-1)
    e = jax.nn.leaky_relu(a_src[row2] + a_dst[col2], 0.2)
    emax = jax.ops.segment_max(e, col2, num_segments=N)
    emax = jnp.where(jnp.isfinite(emax), emax, 0.0)
    emax = jax.lax.stop_gradient(emax)
    ee = jnp.exp(e - emax[col2])
    denom = jax.ops.segment_sum(ee, col2, num_segments=N) + 1e-16
    alpha = ee / denom[col2]
    msg = alpha[:, :, None] * xg[row2]
    x_gat = jax.ops.segment_sum(msg, col2, num_segments=N).reshape(N, H) + gat_b
    # fusion + residual + layernorm + relu
    x_fused = jnp.concatenate([x_gcn, x_gat], axis=-1) @ fus_W.T + fus_b
    z_fused = x_fused
    pre = x_fused + res
    mu = pre.mean(-1, keepdims=True)
    var = ((pre - mu) ** 2).mean(-1, keepdims=True)
    ln = (pre - mu) / jnp.sqrt(var + 1e-5) * ln_g + ln_b
    x_out = jax.nn.relu(ln)
    # RigidSAE (tied weights)
    z_sae = jax.nn.relu(x_out @ sae_W + sae_b)
    h_recon = z_sae @ sae_W.T
    # readout
    hid = jax.nn.relu(x_out @ r1_W.T + r1_b)
    logits = jax.nn.sigmoid(hid @ r2_W.T + r2_b)
    return (logits, h_recon, z_sae, z_embed, z_fused, x_out)

if __name__ == "__main__":
    import jax
    _d = setup_inputs()
    print(jax.jit(kernel)(*tuple(_d.values())))

</pallas_src>

<mosaic_0001>
#map = affine_map<(d0, d1) -> (0, 0, 0)>
#map1 = affine_map<(d0, d1) -> (0, 0)>
module attributes {stable_mosaic.version = 14 : i64} {
  func.func @_deg_kernel(%arg0: i32, %arg1: i32, %arg2: memref<32x80x128xi32, #tpu.memory_space<hbm>>, %arg3: memref<640x128xf32, #tpu.memory_space<hbm>>, %arg4: memref<2x10240x128xf32, #tpu.memory_space<hbm>>, %arg5: memref<128xi32, #tpu.memory_space<vmem>>, %arg6: memref<128xi32, #tpu.memory_space<vmem>>, %arg7: memref<128x8xf32, #tpu.memory_space<vmem>>, %arg8: memref<10240x8xf32, #tpu.memory_space<vmem_shared>>, %arg9: memref<!tpu.dma_semaphore, #tpu.memory_space<semaphore_mem>>, %arg10: memref<!tpu.dma_semaphore, #tpu.memory_space<semaphore_mem>>) attributes {dimension_semantics = [#tpu.dimension_semantics<core_parallel>, #tpu.dimension_semantics<subcore_parallel>], iteration_bounds = array<i64: 2, 16>, scalar_prefetch = 0 : i64, scratch_operands = 6 : i64, tpu.core_type = #tpu.core_type<sc_vector_subcore>, window_params = [{transform_indices = #map}, {transform_indices = #map1}, {transform_indices = #map}]} {
    %mul3A = arith.constant 16 : i32
    %mul3A_0 = arith.muli %arg0, %mul3A : i32
    %add3A = arith.addi %mul3A_0, %arg1 : i32
    %mul3A_1 = arith.constant 640 : i32
    %mul3A_2 = arith.muli %arg1, %mul3A_1 : i32
    %iota3A = tpu.iota {dimensions = array<i32: 0>} : vector<16xi32>
    %broadcast_in_dim3A = arith.constant 1.000000e+00 : f32
    %broadcast_in_dim3A_3 = vector.broadcast %broadcast_in_dim3A : f32 to vector<16xf32>
    %broadcast_in_dim3A_4 = arith.constant 0 : i32
    %broadcast_in_dim3A_5 = vector.broadcast %broadcast_in_dim3A_4 : i32 to vector<16xi32>
    "tpu.region"() ({
      %run_scoped3A = tpu.sem_alloc : memref<!tpu.dma_semaphore, #tpu.memory_space<semaphore_mem>>
      %dma_start3A = arith.constant 0 : i32
      %dma_start3A_36 = arith.constant 0 : i32
      %dma_start3A_37 = tpu.memref_slice %arg3[%dma_start3A, %dma_start3A_36] : memref<640x128xf32, #tpu.memory_space<hbm>> -> memref<128x8xf32, #tpu.memory_space<hbm>>
      %dma_start3A_38 = arith.constant 0 : i32
      %dma_start3A_39 = arith.constant 0 : i32
      %dma_start3A_40 = tpu.memref_slice %arg3[%dma_start3A_38, %dma_start3A_39] : memref<640x128xf32, #tpu.memory_space<hbm>> -> memref<128x8xf32, #tpu.memory_space<hbm>>
      tpu.enqueue_dma source(%dma_start3A_40 : memref<128x8xf32, #tpu.memory_space<hbm>>) target(%arg7 : memref<128x8xf32, #tpu.memory_space<vmem>>) target_semaphore(%run_scoped3A : memref<!tpu.dma_semaphore, #tpu.memory_space<semaphore_mem>>)
      %dma_wait3A = arith.constant 0 : i32
      %dma_wait3A_41 = arith.constant 0 : i32
      %dma_wait3A_42 = tpu.memref_slice %arg3[%dma_wait3A, %dma_wait3A_41] : memref<640x128xf32, #tpu.memory_space<hbm>> -> memref<128x8xf32, #tpu.memory_space<hbm>>
      %dma_wait3A_43 = arith.constant 0 : i32
      %dma_wait3A_44 = arith.constant 0 : i32
      %dma_wait3A_45 = tpu.memref_slice %arg3[%dma_wait3A_43, %dma_wait3A_44] : memref<640x128xf32, #tpu.memory_space<hbm>> -> memref<128x8xf32, #tpu.memory_space<hbm>>
      tpu.wait_dma2 semaphore(%run_scoped3A : memref<!tpu.dma_semaphore, #tpu.memory_space<semaphore_mem>>) src(%dma_wait3A_45 : memref<128x8xf32, #tpu.memory_space<hbm>>) dst(%arg7 : memref<128x8xf32, #tpu.memory_space<vmem>>)
      tpu.yield
    }) : () -> ()
    %add3A_6 = arith.constant 0 : i32
    %add3A_7 = vector.broadcast %add3A_6 : i32 to vector<16xi32>
    %add3A_8 = arith.addi %iota3A, %add3A_7 : vector<16xi32>
    tpu.vector_store_idx %arg7[%add3A_8, %broadcast_in_dim3A_5], %broadcast_in_dim3A_3 : memref<128x8xf32, #tpu.memory_space<vmem>>[vector<16xi32>, vector<16xi32>], vector<16xf32>,
    %add3A_9 = arith.constant 16 : i32
    %add3A_10 = vector.broadcast %add3A_9 : i32 to vector<16xi32>
    %add3A_11 = arith.addi %iota3A, %add3A_10 : vector<16xi32>
    tpu.vector_store_idx %arg7[%add3A_11, %broadcast_in_dim3A_5], %broadcast_in_dim3A_3 : memref<128x8xf32, #tpu.memory_space<vmem>>[vector<16xi32>, vector<16xi32>], vector<16xf32>,
    %add3A_12 = arith.constant 32 : i32
    %add3A_13 = vector.broadcast %add3A_12 : i32 to vector<16xi32>
    %add3A_14 = arith.addi %iota3A, %add3A_13 : vector<16xi32>
    tpu.vector_store_idx %arg7[%add3A_14, %broadcast_in_dim3A_5], %broadcast_in_dim3A_3 : memref<128x8xf32, #tpu.memory_space<vmem>>[vector<16xi32>, vector<16xi32>], vector<16xf32>,
    %add3A_15 = arith.constant 48 : i32
    %add3A_16 = vector.broadcast %add3A_15 : i32 to vector<16xi32>
    %add3A_17 = arith.addi %iota3A, %add3A_16 : vector<16xi32>
    tpu.vector_store_idx %arg7[%add3A_17, %broadcast_in_dim3A_5], %broadcast_in_dim3A_3 : memref<128x8xf32, #tpu.memory_space<vmem>>[vector<16xi32>, vector<16xi32>], vector<16xf32>,
    %add3A_18 = arith.constant 64 : i32
    %add3A_19 = vector.broadcast %add3A_18 : i32 to vector<16xi32>
    %add3A_20 = arith.addi %iota3A, %add3A_19 : vector<16xi32>
    tpu.vector_store_idx %arg7[%add3A_20, %broadcast_in_dim3A_5], %broadcast_in_dim3A_3 : memref<128x8xf32, #tpu.memory_space<vmem>>[vector<16xi32>, vector<16xi32>], vector<16xf32>,
    %add3A_21 = arith.constant 80 : i32
    %add3A_22 = vector.broadcast %add3A_21 : i32 to vector<16xi32>
    %add3A_23 = arith.addi %iota3A, %add3A_22 : vector<16xi32>
    tpu.vector_store_idx %arg7[%add3A_23, %broadcast_in_dim3A_5], %broadcast_in_dim3A_3 : memref<128x8xf32, #tpu.memory_space<vmem>>[vector<16xi32>, vector<16xi32>], vector<16xf32>,
    %add3A_24 = arith.constant 96 : i32
    %add3A_25 = vector.broadcast %add3A_24 : i32 to vector<16xi32>
    %add3A_26 = arith.addi %iota3A, %add3A_25 : vector<16xi32>
    tpu.vector_store_idx %arg7[%add3A_26, %broadcast_in_dim3A_5], %broadcast_in_dim3A_3 : memref<128x8xf32, #tpu.memory_space<vmem>>[vector<16xi32>, vector<16xi32>], vector<16xf32>,
    %add3A_27 = arith.constant 112 : i32
    %add3A_28 = vector.broadcast %add3A_27 : i32 to vector<16xi32>
    %add3A_29 = arith.addi %iota3A, %add3A_28 : vector<16xi32>
    tpu.vector_store_idx %arg7[%add3A_29, %broadcast_in_dim3A_5], %broadcast_in_dim3A_3 : memref<128x8xf32, #tpu.memory_space<vmem>>[vector<16xi32>, vector<16xi32>], vector<16xf32>,
    "tpu.region"() ({
      %run_scoped3A = tpu.sem_alloc : memref<!tpu.dma_semaphore, #tpu.memory_space<semaphore_mem>>
      %dma_start3A = arith.constant 0 : i32
      %dma_start3A_36 = tpu.memref_slice %arg8[%mul3A_2, %dma_start3A] : memref<10240x8xf32, #tpu.memory_space<vmem_shared>> -> memref<640x8xf32, #tpu.memory_space<vmem_shared>>
      %dma_start3A_37 = arith.constant 0 : i32
      %dma_start3A_38 = arith.constant 0 : i32
      %dma_start3A_39 = tpu.memref_slice %arg3[%dma_start3A_37, %dma_start3A_38] : memref<640x128xf32, #tpu.memory_space<hbm>> -> memref<640x8xf32, #tpu.memory_space<hbm>>
      tpu.enqueue_dma source(%dma_start3A_39 : memref<640x8xf32, #tpu.memory_space<hbm>>) target(%dma_start3A_36 : memref<640x8xf32, #tpu.memory_space<vmem_shared>>) target_semaphore(%run_scoped3A : memref<!tpu.dma_semaphore, #tpu.memory_space<semaphore_mem>>)
      %dma_wait3A = arith.constant 0 : i32
      %dma_wait3A_40 = tpu.memref_slice %arg8[%mul3A_2, %dma_wait3A] : memref<10240x8xf32, #tpu.memory_space<vmem_shared>> -> memref<640x8xf32, #tpu.memory_space<vmem_shared>>
      %dma_wait3A_41 = arith.constant 0 : i32
      %dma_wait3A_42 = arith.constant 0 : i32
      %dma_wait3A_43 = tpu.memref_slice %arg3[%dma_wait3A_41, %dma_wait3A_42] : memref<640x128xf32, #tpu.memory_space<hbm>> -> memref<640x8xf32, #tpu.memory_space<hbm>>
      tpu.wait_dma2 semaphore(%run_scoped3A : memref<!tpu.dma_semaphore, #tpu.memory_space<semaphore_mem>>) src(%dma_wait3A_43 : memref<640x8xf32, #tpu.memory_space<hbm>>) dst(%dma_wait3A_40 : memref<640x8xf32, #tpu.memory_space<vmem_shared>>)
      tpu.yield
    }) : () -> ()
    %barrier3A = arith.constant 0 : index
    tpu.barrier barrier_id(%barrier3A)
    %scan3A = arith.constant 0 : i32
    %scan3A_30 = arith.constant 0 : i32
    %scan3A_31 = arith.constant 40 : i32
    %scan3A_32 = arith.addi %scan3A_30, %scan3A_31 : i32
    %scan3A_33 = arith.constant 1 : i32
    scf.for %scan3A_36 = %scan3A_30 to %scan3A_32 step %scan3A_33  : i32 {
      %mul3A_37 = arith.constant 2 : i32
      %mul3A_38 = arith.muli %scan3A_36, %mul3A_37 : i32
      %add3A_39 = arith.constant 0 : i32
      %add3A_40 = arith.addi %mul3A_38, %add3A_39 : i32
      "tpu.region"() ({
        %run_scoped3A = tpu.sem_alloc : memref<!tpu.dma_semaphore, #tpu.memory_space<semaphore_mem>>
        %dma_start3A_61 = arith.constant 0 : i32
        %dma_start3A_62 = tpu.memref_slice %arg2[%add3A, %add3A_40, %dma_start3A_61] : memref<32x80x128xi32, #tpu.memory_space<hbm>> -> memref<1x1x128xi32, #tpu.memory_space<hbm>>
        %dma_start3A_63 = tpu.memref_squeeze %dma_start3A_62 : memref<1x1x128xi32, #tpu.memory_space<hbm>> -> memref<128xi32, #tpu.memory_space<hbm>>
        %dma_start3A_64 = arith.constant 0 : i32
        %dma_start3A_65 = tpu.memref_slice %arg2[%add3A, %add3A_40, %dma_start3A_64] : memref<32x80x128xi32, #tpu.memory_space<hbm>> -> memref<1x1x128xi32, #tpu.memory_space<hbm>>
        %dma_start3A_66 = tpu.memref_squeeze %dma_start3A_65 : memref<1x1x128xi32, #tpu.memory_space<hbm>> -> memref<128xi32, #tpu.memory_space<hbm>>
        tpu.enqueue_dma source(%dma_start3A_66 : memref<128xi32, #tpu.memory_space<hbm>>) target(%arg5 : memref<128xi32, #tpu.memory_space<vmem>>) target_semaphore(%run_scoped3A : memref<!tpu.dma_semaphore, #tpu.memory_space<semaphore_mem>>)
        %dma_wait3A_67 = arith.constant 0 : i32
        %dma_wait3A_68 = tpu.memref_slice %arg2[%add3A, %add3A_40, %dma_wait3A_67] : memref<32x80x128xi32, #tpu.memory_space<hbm>> -> memref<1x1x128xi32, #tpu.memory_space<hbm>>
        %dma_wait3A_69 = tpu.memref_squeeze %dma_wait3A_68 : memref<1x1x128xi32, #tpu.memory_space<hbm>> -> memref<128xi32, #tpu.memory_space<hbm>>
        %dma_wait3A_70 = arith.constant 0 : i32
        %dma_wait3A_71 = tpu.memref_slice %arg2[%add3A, %add3A_40, %dma_wait3A_70] : memref<32x80x128xi32, #tpu.memory_space<hbm>> -> memref<1x1x128xi32, #tpu.memory_space<hbm>>
        %dma_wait3A_72 = tpu.memref_squeeze %dma_wait3A_71 : memref<1x1x128xi32, #tpu.memory_space<hbm>> -> memref<128xi32, #tpu.memory_space<hbm>>
        tpu.wait_dma2 semaphore(%run_scoped3A : memref<!tpu.dma_semaphore, #tpu.memory_space<semaphore_mem>>) src(%dma_wait3A_72 : memref<128xi32, #tpu.memory_space<hbm>>) dst(%arg5 : memref<128xi32, #tpu.memory_space<vmem>>)
        tpu.yield
      }) : () -> ()
      %dma_start3A = arith.constant 0 : i32
      %dma_start3A_41 = arith.constant 0 : i32
      %dma_start3A_42 = tpu.memref_slice %arg8[%dma_start3A, %dma_start3A_41] : memref<10240x8xf32, #tpu.memory_space<vmem_shared>> -> memref<10240x8xf32, #tpu.memory_space<vmem_shared>>
      tpu.enqueue_indirect_dma source(%arg7 : memref<128x8xf32, #tpu.memory_space<vmem>>) target(%dma_start3A_42 : memref<10240x8xf32, #tpu.memory_space<vmem_shared>>) offsets(%arg5 : memref<128xi32, #tpu.memory_space<vmem>>) semaphore(%arg10 : memref<!tpu.dma_semaphore, #tpu.memory_space<semaphore_mem>>) {add = true}
      %mul3A_43 = arith.constant 2 : i32
      %mul3A_44 = arith.muli %scan3A_36, %mul3A_43 : i32
      %add3A_45 = arith.constant 1 : i32
      %add3A_46 = arith.addi %mul3A_44, %add3A_45 : i32
      "tpu.region"() ({
        %run_scoped3A = tpu.sem_alloc : memref<!tpu.dma_semaphore, #tpu.memory_space<semaphore_mem>>
        %dma_start3A_61 = arith.constant 0 : i32
        %dma_start3A_62 = tpu.memref_slice %arg2[%add3A, %add3A_46, %dma_start3A_61] : memref<32x80x128xi32, #tpu.memory_space<hbm>> -> memref<1x1x128xi32, #tpu.memory_space<hbm>>
        %dma_start3A_63 = tpu.memref_squeeze %dma_start3A_62 : memref<1x1x128xi32, #tpu.memory_space<hbm>> -> memref<128xi32, #tpu.memory_space<hbm>>
        %dma_start3A_64 = arith.constant 0 : i32
        %dma_start3A_65 = tpu.memref_slice %arg2[%add3A, %add3A_46, %dma_start3A_64] : memref<32x80x128xi32, #tpu.memory_space<hbm>> -> memref<1x1x128xi32, #tpu.memory_space<hbm>>
        %dma_start3A_66 = tpu.memref_squeeze %dma_start3A_65 : memref<1x1x128xi32, #tpu.memory_space<hbm>> -> memref<128xi32, #tpu.memory_space<hbm>>
        tpu.enqueue_dma source(%dma_start3A_66 : memref<128xi32, #tpu.memory_space<hbm>>) target(%arg6 : memref<128xi32, #tpu.memory_space<vmem>>) target_semaphore(%run_scoped3A : memref<!tpu.dma_semaphore, #tpu.memory_space<semaphore_mem>>)
        %dma_wait3A_67 = arith.constant 0 : i32
        %dma_wait3A_68 = tpu.memref_slice %arg2[%add3A, %add3A_46, %dma_wait3A_67] : memref<32x80x128xi32, #tpu.memory_space<hbm>> -> memref<1x1x128xi32, #tpu.memory_space<hbm>>
        %dma_wait3A_69 = tpu.memref_squeeze %dma_wait3A_68 : memref<1x1x128xi32, #tpu.memory_space<hbm>> -> memref<128xi32, #tpu.memory_space<hbm>>
        %dma_wait3A_70 = arith.constant 0 : i32
        %dma_wait3A_71 = tpu.memref_slice %arg2[%add3A, %add3A_46, %dma_wait3A_70] : memref<32x80x128xi32, #tpu.memory_space<hbm>> -> memref<1x1x128xi32, #tpu.memory_space<hbm>>
        %dma_wait3A_72 = tpu.memref_squeeze %dma_wait3A_71 : memref<1x1x128xi32, #tpu.memory_space<hbm>> -> memref<128xi32, #tpu.memory_space<hbm>>
        tpu.wait_dma2 semaphore(%run_scoped3A : memref<!tpu.dma_semaphore, #tpu.memory_space<semaphore_mem>>) src(%dma_wait3A_72 : memref<128xi32, #tpu.memory_space<hbm>>) dst(%arg6 : memref<128xi32, #tpu.memory_space<vmem>>)
        tpu.yield
      }) : () -> ()
      %dma_start3A_47 = arith.constant 0 : i32
      %dma_start3A_48 = arith.constant 0 : i32
      %dma_start3A_49 = tpu.memref_slice %arg8[%dma_start3A_47, %dma_start3A_48] : memref<10240x8xf32, #tpu.memory_space<vmem_shared>> -> memref<10240x8xf32, #tpu.memory_space<vmem_shared>>
      tpu.enqueue_indirect_dma source(%arg7 : memref<128x8xf32, #tpu.memory_space<vmem>>) target(%dma_start3A_49 : memref<10240x8xf32, #tpu.memory_space<vmem_shared>>) offsets(%arg6 : memref<128xi32, #tpu.memory_space<vmem>>) semaphore(%arg10 : memref<!tpu.dma_semaphore, #tpu.memory_space<semaphore_mem>>) {add = true}
      %dma_wait3A = arith.constant 0 : i32
      %dma_wait3A_50 = arith.constant 0 : i32
      %dma_wait3A_51 = tpu.memref_slice %arg8[%dma_wait3A, %dma_wait3A_50] : memref<10240x8xf32, #tpu.memory_space<vmem_shared>> -> memref<128x8xf32, #tpu.memory_space<vmem_shared>>
      %dma_wait3A_52 = arith.constant 0 : i32
      %dma_wait3A_53 = arith.constant 0 : i32
      %dma_wait3A_54 = tpu.memref_slice %arg8[%dma_wait3A_52, %dma_wait3A_53] : memref<10240x8xf32, #tpu.memory_space<vmem_shared>> -> memref<128x8xf32, #tpu.memory_space<vmem_shared>>
      tpu.wait_dma2 semaphore(%arg10 : memref<!tpu.dma_semaphore, #tpu.memory_space<semaphore_mem>>) src(%arg7 : memref<128x8xf32, #tpu.memory_space<vmem>>) dst(%dma_wait3A_54 : memref<128x8xf32, #tpu.memory_space<vmem_shared>>)
      %dma_wait3A_55 = arith.constant 0 : i32
      %dma_wait3A_56 = arith.constant 0 : i32
      %dma_wait3A_57 = tpu.memref_slice %arg8[%dma_wait3A_55, %dma_wait3A_56] : memref<10240x8xf32, #tpu.memory_space<vmem_shared>> -> memref<128x8xf32, #tpu.memory_space<vmem_shared>>
      %dma_wait3A_58 = arith.constant 0 : i32
      %dma_wait3A_59 = arith.constant 0 : i32
      %dma_wait3A_60 = tpu.memref_slice %arg8[%dma_wait3A_58, %dma_wait3A_59] : memref<10240x8xf32, #tpu.memory_space<vmem_shared>> -> memref<128x8xf32, #tpu.memory_space<vmem_shared>>
      tpu.wait_dma2 semaphore(%arg10 : memref<!tpu.dma_semaphore, #tpu.memory_space<semaphore_mem>>) src(%arg7 : memref<128x8xf32, #tpu.memory_space<vmem>>) dst(%dma_wait3A_60 : memref<128x8xf32, #tpu.memory_space<vmem_shared>>)
    }
    %scan3A_34 = arith.constant 40 : i32
    %barrier3A_35 = arith.constant 0 : index
    tpu.barrier barrier_id(%barrier3A_35)
    "tpu.region"() ({
      %run_scoped3A = tpu.sem_alloc : memref<!tpu.dma_semaphore, #tpu.memory_space<semaphore_mem>>
      %dma_start3A = arith.constant 0 : i32
      %dma_start3A_36 = tpu.memref_slice %arg4[%arg0, %mul3A_2, %dma_start3A] : memref<2x10240x128xf32, #tpu.memory_space<hbm>> -> memref<1x640x8xf32, #tpu.memory_space<hbm>>
      %dma_start3A_37 = tpu.memref_squeeze %dma_start3A_36 : memref<1x640x8xf32, #tpu.memory_space<hbm>> -> memref<640x8xf32, #tpu.memory_space<hbm>>
      %dma_start3A_38 = arith.constant 0 : i32
      %dma_start3A_39 = tpu.memref_slice %arg8[%mul3A_2, %dma_start3A_38] : memref<10240x8xf32, #tpu.memory_space<vmem_shared>> -> memref<640x8xf32, #tpu.memory_space<vmem_shared>>
      tpu.enqueue_dma source(%dma_start3A_39 : memref<640x8xf32, #tpu.memory_space<vmem_shared>>) target(%dma_start3A_37 : memref<640x8xf32, #tpu.memory_space<hbm>>) target_semaphore(%run_scoped3A : memref<!tpu.dma_semaphore, #tpu.memory_space<semaphore_mem>>)
      %dma_wait3A = arith.constant 0 : i32
      %dma_wait3A_40 = tpu.memref_slice %arg4[%arg0, %mul3A_2, %dma_wait3A] : memref<2x10240x128xf32, #tpu.memory_space<hbm>> -> memref<1x640x8xf32, #tpu.memory_space<hbm>>
      %dma_wait3A_41 = tpu.memref_squeeze %dma_wait3A_40 : memref<1x640x8xf32, #tpu.memory_space<hbm>> -> memref<640x8xf32, #tpu.memory_space<hbm>>
      %dma_wait3A_42 = arith.constant 0 : i32
      %dma_wait3A_43 = tpu.memref_slice %arg8[%mul3A_2, %dma_wait3A_42] : memref<10240x8xf32, #tpu.memory_space<vmem_shared>> -> memref<640x8xf32, #tpu.memory_space<vmem_shared>>
      tpu.wait_dma2 semaphore(%run_scoped3A : memref<!tpu.dma_semaphore, #tpu.memory_space<semaphore_mem>>) src(%dma_wait3A_43 : memref<640x8xf32, #tpu.memory_space<vmem_shared>>) dst(%dma_wait3A_41 : memref<640x8xf32, #tpu.memory_space<hbm>>)
      tpu.yield
    }) : () -> ()
    return
  }
}

#map = affine_map<(d0, d1) -> (0, 0, 0)>
#map1 = affine_map<(d0, d1) -> (0, 0)>
#map2 = affine_map<(d0, d1) -> (0)>
module attributes {stable_mosaic.version = 14 : i64} {
  func.func @_edge_kernel(%arg0: i32, %arg1: i32, %arg2: memref<16x160x128xi32, #tpu.memory_space<hbm>>, %arg3: memref<16x160x128xi32, #tpu.memory_space<hbm>>, %arg4: memref<10240x128xf32, #tpu.memory_space<hbm>>, %arg5: memref<10240x128xf32, #tpu.memory_space<hbm>>, %arg6: memref<1310720xf32, #tpu.memory_space<hbm>>, %arg7: memref<640x128xf32, #tpu.memory_space<hbm>>, %arg8: memref<10240x128xf32, #tpu.memory_space<hbm>>, %arg9: memref<10240x128xf32, #tpu.memory_space<hbm>>, %arg10: memref<128xi32, #tpu.memory_space<vmem>>, %arg11: memref<128xi32, #tpu.memory_space<vmem>>, %arg12: memref<128xi32, #tpu.memory_space<vmem>>, %arg13: memref<128xi32, #tpu.memory_space<vmem>>, %arg14: memref<128x128xf32, #tpu.memory_space<vmem>>, %arg15: memref<128x128xf32, #tpu.memory_space<vmem>>, %arg16: memref<128x64xf32, #tpu.memory_space<vmem>>, %arg17: memref<128x64xf32, #tpu.memory_space<vmem>>, %arg18: memref<512xf32, #tpu.memory_space<vmem>>, %arg19: memref<512xf32, #tpu.memory_space<vmem>>, %arg20: memref<10240x64xf32, #tpu.memory_space<vmem_shared>>, %arg21: memref<!tpu.dma_semaphore, #tpu.memory_space<semaphore_mem>>, %arg22: memref<!tpu.dma_semaphore, #tpu.memory_space<semaphore_mem>>, %arg23: memref<!tpu.dma_semaphore, #tpu.memory_space<semaphore_mem>>, %arg24: memref<!tpu.dma_semaphore, #tpu.memory_space<semaphore_mem>>, %arg25: memref<!tpu.dma_semaphore, #tpu.memory_space<semaphore_mem>>, %arg26: memref<!tpu.dma_semaphore, #tpu.memory_space<semaphore_mem>>) attributes {dimension_semantics = [#tpu.dimension_semantics<core_parallel>, #tpu.dimension_semantics<subcore_parallel>], iteration_bounds = array<i64: 2, 16>, scalar_prefetch = 0 : i64, scratch_operands = 17 : i64, tpu.core_type = #tpu.core_type<sc_vector_subcore>, window_params = [{transform_indices = #map}, {transform_indices = #map}, {transform_indices = #map1}, {transform_indices = #map1}, {transform_indices = #map2}, {transform_indices = #map1}, {transform_indices = #map1}, {transform_indices = #map1}]} {
    %mul3A = arith.constant 640 : i32
    %mul3A_0 = arith.muli %arg1, %mul3A : i32
    %iota3A = tpu.iota {dimensions = array<i32: 0>} : vector<16xi32>
    "tpu.region"() ({
      %run_scoped3A = tpu.sem_alloc : memref<!tpu.dma_semaphore, #tpu.memory_space<semaphore_mem>>
      %dma_start3A = arith.constant 0 : i32
      %dma_start3A_8 = tpu.memref_slice %arg20[%mul3A_0, %dma_start3A] : memref<10240x64xf32, #tpu.memory_space<vmem_shared>> -> memref<640x64xf32, #tpu.memory_space<vmem_shared>>
      %dma_start3A_9 = arith.constant 0 : i32
      %dma_start3A_10 = arith.constant 0 : i32
      %dma_start3A_11 = tpu.memref_slice %arg7[%dma_start3A_9, %dma_start3A_10] : memref<640x128xf32, #tpu.memory_space<hbm>> -> memref<640x64xf32, #tpu.memory_space<hbm>>
      tpu.enqueue_dma source(%dma_start3A_11 : memref<640x64xf32, #tpu.memory_space<hbm>>) target(%dma_start3A_8 : memref<640x64xf32, #tpu.memory_space<vmem_shared>>) target_semaphore(%run_scoped3A : memref<!tpu.dma_semaphore, #tpu.memory_space<semaphore_mem>>)
      %dma_wait3A = arith.constant 0 : i32
      %dma_wait3A_12 = tpu.memref_slice %arg20[%mul3A_0, %dma_wait3A] : memref<10240x64xf32, #tpu.memory_space<vmem_shared>> -> memref<640x64xf32, #tpu.memory_space<vmem_shared>>
      %dma_wait3A_13 = arith.constant 0 : i32
      %dma_wait3A_14 = arith.constant 0 : i32
      %dma_wait3A_15 = tpu.memref_slice %arg7[%dma_wait3A_13, %dma_wait3A_14] : memref<640x128xf32, #tpu.memory_space<hbm>> -> memref<640x64xf32, #tpu.memory_space<hbm>>
      tpu.wait_dma2 semaphore(%run_scoped3A : memref<!tpu.dma_semaphore, #tpu.memory_space<semaphore_mem>>) src(%dma_wait3A_15 : memref<640x64xf32, #tpu.memory_space<hbm>>) dst(%dma_wait3A_12 : memref<640x64xf32, #tpu.memory_space<vmem_shared>>)
      tpu.yield
    }) : () -> ()
    %barrier3A = arith.constant 0 : index
    tpu.barrier barrier_id(%barrier3A)
    %eq3A = arith.constant 0 : i32
    %eq3A_1 = arith.cmpi eq, %arg0, %eq3A : i32
    %convert_element_type3A = arith.extui %eq3A_1 : i1 to i32
    %cond3A = arith.constant 0 : i32
    %cond3A_2 = arith.cmpi ne, %convert_element_type3A, %cond3A : i32
    scf.if %cond3A_2 {
      %dma_start3A = arith.constant 0 : i32
      %dma_start3A_8 = arith.constant 0 : i32
      %dma_start3A_9 = tpu.memref_slice %arg3[%arg1, %dma_start3A, %dma_start3A_8] : memref<16x160x128xi32, #tpu.memory_space<hbm>> -> memref<1x1x128xi32, #tpu.memory_space<hbm>>
      %dma_start3A_10 = tpu.memref_squeeze %dma_start3A_9 : memref<1x1x128xi32, #tpu.memory_space<hbm>> -> memref<128xi32, #tpu.memory_space<hbm>>
      %dma_start3A_11 = arith.constant 0 : i32
      %dma_start3A_12 = tpu.memref_slice %arg3[%arg1, %dma_start3A, %dma_start3A_11] : memref<16x160x128xi32, #tpu.memory_space<hbm>> -> memref<1x1x128xi32, #tpu.memory_space<hbm>>
      %dma_start3A_13 = tpu.memref_squeeze %dma_start3A_12 : memref<1x1x128xi32, #tpu.memory_space<hbm>> -> memref<128xi32, #tpu.memory_space<hbm>>
      tpu.enqueue_dma source(%dma_start3A_13 : memref<128xi32, #tpu.memory_space<hbm>>) target(%arg10 : memref<128xi32, #tpu.memory_space<vmem>>) target_semaphore(%arg21 : memref<!tpu.dma_semaphore, #tpu.memory_space<semaphore_mem>>)
      %dma_start3A_14 = arith.constant 0 : i32
      %dma_start3A_15 = arith.constant 0 : i32
      %dma_start3A_16 = tpu.memref_slice %arg2[%arg1, %dma_start3A_14, %dma_start3A_15] : memref<16x160x128xi32, #tpu.memory_space<hbm>> -> memref<1x1x128xi32, #tpu.memory_space<hbm>>
      %dma_start3A_17 = tpu.memref_squeeze %dma_start3A_16 : memref<1x1x128xi32, #tpu.memory_space<hbm>> -> memref<128xi32, #tpu.memory_space<hbm>>
      %dma_start3A_18 = arith.constant 0 : i32
      %dma_start3A_19 = tpu.memref_slice %arg2[%arg1, %dma_start3A_14, %dma_start3A_18] : memref<16x160x128xi32, #tpu.memory_space<hbm>> -> memref<1x1x128xi32, #tpu.memory_space<hbm>>
      %dma_start3A_20 = tpu.memref_squeeze %dma_start3A_19 : memref<1x1x128xi32, #tpu.memory_space<hbm>> -> memref<128xi32, #tpu.memory_space<hbm>>
      tpu.enqueue_dma source(%dma_start3A_20 : memref<128xi32, #tpu.memory_space<hbm>>) target(%arg12 : memref<128xi32, #tpu.memory_space<vmem>>) target_semaphore(%arg21 : memref<!tpu.dma_semaphore, #tpu.memory_space<semaphore_mem>>)
      %dma_start3A_21 = arith.constant 1 : i32
      %dma_start3A_22 = arith.constant 0 : i32
      %dma_start3A_23 = tpu.memref_slice %arg3[%arg1, %dma_start3A_21, %dma_start3A_22] : memref<16x160x128xi32, #tpu.memory_space<hbm>> -> memref<1x1x128xi32, #tpu.memory_space<hbm>>
      %dma_start3A_24 = tpu.memref_squeeze %dma_start3A_23 : memref<1x1x128xi32, #tpu.memory_space<hbm>> -> memref<128xi32, #tpu.memory_space<hbm>>
      %dma_start3A_25 = arith.constant 0 : i32
      %dma_start3A_26 = tpu.memref_slice %arg3[%arg1, %dma_start3A_21, %dma_start3A_25] : memref<16x160x128xi32, #tpu.memory_space<hbm>> -> memref<1x1x128xi32, #tpu.memory_space<hbm>>
      %dma_start3A_27 = tpu.memref_squeeze %dma_start3A_26 : memref<1x1x128xi32, #tpu.memory_space<hbm>> -> memref<128xi32, #tpu.memory_space<hbm>>
      tpu.enqueue_dma source(%dma_start3A_27 : memref<128xi32, #tpu.memory_space<hbm>>) target(%arg11 : memref<128xi32, #tpu.memory_space<vmem>>) target_semaphore(%arg22 : memref<!tpu.dma_semaphore, #tpu.memory_space<semaphore_mem>>)
      %dma_start3A_28 = arith.constant 1 : i32
      %dma_start3A_29 = arith.constant 0 : i32
      %dma_start3A_30 = tpu.memref_slice %arg2[%arg1, %dma_start3A_28, %dma_start3A_29] : memref<16x160x128xi32, #tpu.memory_space<hbm>> -> memref<1x1x128xi32, #tpu.memory_space<hbm>>
      %dma_start3A_31 = tpu.memref_squeeze %dma_start3A_30 : memref<1x1x128xi32, #tpu.memory_space<hbm>> -> memref<128xi32, #tpu.memory_space<hbm>>
      %dma_start3A_32 = arith.constant 0 : i32
      %dma_start3A_33 = tpu.memref_slice %arg2[%arg1, %dma_start3A_28, %dma_start3A_32] : memref<16x160x128xi32, #tpu.memory_space<hbm>> -> memref<1x1x128xi32, #tpu.memory_space<hbm>>
      %dma_start3A_34 = tpu.memref_squeeze %dma_start3A_33 : memref<1x1x128xi32, #tpu.memory_space<hbm>> -> memref<128xi32, #tpu.memory_space<hbm>>
      tpu.enqueue_dma source(%dma_start3A_34 : memref<128xi32, #tpu.memory_space<hbm>>) target(%arg13 : memref<128xi32, #tpu.memory_space<vmem>>) target_semaphore(%arg22 : memref<!tpu.dma_semaphore, #tpu.memory_space<semaphore_mem>>)
      %scan3A = arith.constant 0 : i32
      %scan3A_35 = arith.constant 0 : i32
      %scan3A_36 = arith.constant 80 : i32
      %scan3A_37 = arith.addi %scan3A_35, %scan3A_36 : i32
      %scan3A_38 = arith.constant 1 : i32
      scf.for %scan3A_77 = %scan3A_35 to %scan3A_37 step %scan3A_38  : i32 {
        %mul3A_78 = arith.constant 2 : i32
        %mul3A_79 = arith.muli %scan3A_77, %mul3A_78 : i32
        %add3A = arith.constant 0 : i32
        %add3A_80 = arith.addi %mul3A_79, %add3A : i32
        %dma_wait3A = arith.constant 0 : i32
        %dma_wait3A_81 = arith.constant 0 : i32
        %dma_wait3A_82 = arith.constant 0 : i32
        %dma_wait3A_83 = tpu.memref_slice %arg2[%dma_wait3A, %dma_wait3A_81, %dma_wait3A_82] : memref<16x160x128xi32, #tpu.memory_space<hbm>> -> memref<1x1x128xi32, #tpu.memory_space<hbm>>
        %dma_wait3A_84 = tpu.memref_squeeze %dma_wait3A_83 : memref<1x1x128xi32, #tpu.memory_space<hbm>> -> memref<128xi32, #tpu.memory_space<hbm>>
        %dma_wait3A_85 = arith.constant 0 : i32
        %dma_wait3A_86 = tpu.memref_slice %arg2[%dma_wait3A, %dma_wait3A_81, %dma_wait3A_85] : memref<16x160x128xi32, #tpu.memory_space<hbm>> -> memref<1x1x128xi32, #tpu.memory_space<hbm>>
        %dma_wait3A_87 = tpu.memref_squeeze %dma_wait3A_86 : memref<1x1x128xi32, #tpu.memory_space<hbm>> -> memref<128xi32, #tpu.memory_space<hbm>>
        tpu.wait_dma2 semaphore(%arg21 : memref<!tpu.dma_semaphore, #tpu.memory_space<semaphore_mem>>) src(%dma_wait3A_87 : memref<128xi32, #tpu.memory_space<hbm>>) dst(%arg10 : memref<128xi32, #tpu.memory_space<vmem>>)
        %dma_wait3A_88 = arith.constant 0 : i32
        %dma_wait3A_89 = arith.constant 0 : i32
        %dma_wait3A_90 = arith.constant 0 : i32
        %dma_wait3A_91 = tpu.memref_slice %arg2[%dma_wait3A_88, %dma_wait3A_89, %dma_wait3A_90] : memref<16x160x128xi32, #tpu.memory_space<hbm>> -> memref<1x1x128xi32, #tpu.memory_space<hbm>>
        %dma_wait3A_92 = tpu.memref_squeeze %dma_wait3A_91 : memref<1x1x128xi32, #tpu.memory_space<hbm>> -> memref<128xi32, #tpu.memory_space<hbm>>
        %dma_wait3A_93 = arith.constant 0 : i32
        %dma_wait3A_94 = tpu.memref_slice %arg2[%dma_wait3A_88, %dma_wait3A_89, %dma_wait3A_93] : memref<16x160x128xi32, #tpu.memory_space<hbm>> -> memref<1x1x128xi32, #tpu.memory_space<hbm>>
        %dma_wait3A_95 = tpu.memref_squeeze %dma_wait3A_94 : memref<1x1x128xi32, #tpu.memory_space<hbm>> -> memref<128xi32, #tpu.memory_space<hbm>>
        tpu.wait_dma2 semaphore(%arg21 : memref<!tpu.dma_semaphore, #tpu.memory_space<semaphore_mem>>) src(%dma_wait3A_95 : memref<128xi32, #tpu.memory_space<hbm>>) dst(%arg12 : memref<128xi32, #tpu.memory_space<vmem>>)
        %dma_start3A_96 = arith.constant 0 : i32
        %dma_start3A_97 = arith.constant 0 : i32
        %dma_start3A_98 = tpu.memref_slice %arg4[%dma_start3A_96, %dma_start3A_97] : memref<10240x128xf32, #tpu.memory_space<hbm>> -> memref<10240x128xf32, #tpu.memory_space<hbm>>
        tpu.enqueue_indirect_dma source(%dma_start3A_98 : memref<10240x128xf32, #tpu.memory_space<hbm>>) target(%arg14 : memref<128x128xf32, #tpu.memory_space<vmem>>) offsets(%arg10 : memref<128xi32, #tpu.memory_space<vmem>>) semaphore(%arg23 : memref<!tpu.dma_semaphore, #tpu.memory_space<semaphore_mem>>)
        %mul3A_99 = arith.constant 2 : i32
        %mul3A_100 = arith.muli %scan3A_77, %mul3A_99 : i32
        %add3A_101 = arith.constant 1 : i32
        %add3A_102 = arith.addi %mul3A_100, %add3A_101 : i32
        %dma_wait3A_103 = arith.constant 0 : i32
        %dma_wait3A_104 = arith.constant 0 : i32
        %dma_wait3A_105 = arith.constant 0 : i32
        %dma_wait3A_106 = tpu.memref_slice %arg2[%dma_wait3A_103, %dma_wait3A_104, %dma_wait3A_105] : memref<16x160x128xi32, #tpu.memory_space<hbm>> -> memref<1x1x128xi32, #tpu.memory_space<hbm>>
        %dma_wait3A_107 = tpu.memref_squeeze %dma_wait3A_106 : memref<1x1x128xi32, #tpu.memory_space<hbm>> -> memref<128xi32, #tpu.memory_space<hbm>>
        %dma_wait3A_108 = arith.constant 0 : i32
        %dma_wait3A_109 = tpu.memref_slice %arg2[%dma_wait3A_103, %dma_wait3A_104, %dma_wait3A_108] : memref<16x160x128xi32, #tpu.memory_space<hbm>> -> memref<1x1x128xi32, #tpu.memory_space<hbm>>
        %dma_wait3A_110 = tpu.memref_squeeze %dma_wait3A_109 : memref<1x1x128xi32, #tpu.memory_space<hbm>> -> memref<128xi32, #tpu.memory_space<hbm>>
        tpu.wait_dma2 semaphore(%arg22 : memref<!tpu.dma_semaphore, #tpu.memory_space<semaphore_mem>>) src(%dma_wait3A_110 : memref<128xi32, #tpu.memory_space<hbm>>) dst(%arg11 : memref<128xi32, #tpu.memory_space<vmem>>)
        %dma_wait3A_111 = arith.constant 0 : i32
        %dma_wait3A_112 = arith.constant 0 : i32
        %dma_wait3A_113 = arith.constant 0 : i32
        %dma_wait3A_114 = tpu.memref_slice %arg2[%dma_wait3A_111, %dma_wait3A_112, %dma_wait3A_113] : memref<16x160x128xi32, #tpu.memory_space<hbm>> -> memref<1x1x128xi32, #tpu.memory_space<hbm>>
        %dma_wait3A_115 = tpu.memref_squeeze %dma_wait3A_114 : memref<1x1x128xi32, #tpu.memory_space<hbm>> -> memref<128xi32, #tpu.memory_space<hbm>>
        %dma_wait3A_116 = arith.constant 0 : i32
        %dma_wait3A_117 = tpu.memref_slice %arg2[%dma_wait3A_111, %dma_wait3A_112, %dma_wait3A_116] : memref<16x160x128xi32, #tpu.memory_space<hbm>> -> memref<1x1x128xi32, #tpu.memory_space<hbm>>
        %dma_wait3A_118 = tpu.memref_squeeze %dma_wait3A_117 : memref<1x1x128xi32, #tpu.memory_space<hbm>> -> memref<128xi32, #tpu.memory_space<hbm>>
        tpu.wait_dma2 semaphore(%arg22 : memref<!tpu.dma_semaphore, #tpu.memory_space<semaphore_mem>>) src(%dma_wait3A_118 : memref<128xi32, #tpu.memory_space<hbm>>) dst(%arg13 : memref<128xi32, #tpu.memory_space<vmem>>)
        %dma_start3A_119 = arith.constant 0 : i32
        %dma_start3A_120 = arith.constant 0 : i32
        %dma_start3A_121 = tpu.memref_slice %arg4[%dma_start3A_119, %dma_start3A_120] : memref<10240x128xf32, #tpu.memory_space<hbm>> -> memref<10240x128xf32, #tpu.memory_space<hbm>>
        tpu.enqueue_indirect_dma source(%dma_start3A_121 : memref<10240x128xf32, #tpu.memory_space<hbm>>) target(%arg15 : memref<128x128xf32, #tpu.memory_space<vmem>>) offsets(%arg11 : memref<128xi32, #tpu.memory_space<vmem>>) semaphore(%arg24 : memref<!tpu.dma_semaphore, #tpu.memory_space<semaphore_mem>>)
        %mul3A_122 = arith.constant 2 : i32
        %mul3A_123 = arith.muli %scan3A_77, %mul3A_122 : i32
        %add3A_124 = arith.constant 0 : i32
        %add3A_125 = arith.addi %mul3A_123, %add3A_124 : i32
        %dma_wait3A_126 = arith.constant 0 : i32
        %dma_wait3A_127 = arith.constant 0 : i32
        %dma_wait3A_128 = tpu.memref_slice %arg4[%dma_wait3A_126, %dma_wait3A_127] : memref<10240x128xf32, #tpu.memory_space<hbm>> -> memref<128x128xf32, #tpu.memory_space<hbm>>
        %dma_wait3A_129 = arith.constant 0 : i32
        %dma_wait3A_130 = arith.constant 0 : i32
        %dma_wait3A_131 = tpu.memref_slice %arg4[%dma_wait3A_129, %dma_wait3A_130] : memref<10240x128xf32, #tpu.memory_space<hbm>> -> memref<128x128xf32, #tpu.memory_space<hbm>>
        tpu.wait_dma2 semaphore(%arg23 : memref<!tpu.dma_semaphore, #tpu.memory_space<semaphore_mem>>) src(%dma_wait3A_131 : memref<128x128xf32, #tpu.memory_space<hbm>>) dst(%arg14 : memref<128x128xf32, #tpu.memory_space<vmem>>)
        %scan3A_132 = arith.constant 0 : i32
        %scan3A_133 = arith.constant 0 : i32
        %scan3A_134 = arith.constant 128 : i32
        %scan3A_135 = arith.addi %scan3A_133, %scan3A_134 : i32
        %scan3A_136 = arith.constant 1 : i32
        scf.for %scan3A_193 = %scan3A_133 to %scan3A_135 step %scan3A_136  : i32 {
          %get3A = arith.index_cast %scan3A_193 : i32 to index
          %get3A_194 = arith.constant 0 : index
          %get3A_195 = tpu.vector_load %arg14[%get3A, %get3A_194] {strides = array<i32>} : memref<128x128xf32, #tpu.memory_space<vmem>>, vector<16xf32>,
          %swap3A = arith.index_cast %scan3A_193 : i32 to index
          %swap3A_196 = arith.constant 0 : index
          %swap3A_197 = tpu.vector_load %arg16[%swap3A, %swap3A_196] {strides = array<i32>} : memref<128x64xf32, #tpu.memory_space<vmem>>, vector<16xf32>,
          tpu.vector_store %arg16[%swap3A, %swap3A_196], %get3A_195 {strides = array<i32>} : memref<128x64xf32, #tpu.memory_space<vmem>>, vector<16xf32>,
          %get3A_198 = arith.index_cast %scan3A_193 : i32 to index
          %get3A_199 = arith.constant 16 : index
          %get3A_200 = tpu.vector_load %arg14[%get3A_198, %get3A_199] {strides = array<i32>} : memref<128x128xf32, #tpu.memory_space<vmem>>, vector<16xf32>,
          %swap3A_201 = arith.index_cast %scan3A_193 : i32 to index
          %swap3A_202 = arith.constant 16 : index
          %swap3A_203 = tpu.vector_load %arg16[%swap3A_201, %swap3A_202] {strides = array<i32>} : memref<128x64xf32, #tpu.memory_space<vmem>>, vector<16xf32>,
          tpu.vector_store %arg16[%swap3A_201, %swap3A_202], %get3A_200 {strides = array<i32>} : memref<128x64xf32, #tpu.memory_space<vmem>>, vector<16xf32>,
          %get3A_204 = arith.index_cast %scan3A_193 : i32 to index
          %get3A_205 = arith.constant 32 : index
          %get3A_206 = tpu.vector_load %arg14[%get3A_204, %get3A_205] {strides = array<i32>} : memref<128x128xf32, #tpu.memory_space<vmem>>, vector<16xf32>,
          %swap3A_207 = arith.index_cast %scan3A_193 : i32 to index
          %swap3A_208 = arith.constant 32 : index
          %swap3A_209 = tpu.vector_load %arg16[%swap3A_207, %swap3A_208] {strides = array<i32>} : memref<128x64xf32, #tpu.memory_space<vmem>>, vector<16xf32>,
          tpu.vector_store %arg16[%swap3A_207, %swap3A_208], %get3A_206 {strides = array<i32>} : memref<128x64xf32, #tpu.memory_space<vmem>>, vector<16xf32>,
          %get3A_210 = arith.index_cast %scan3A_193 : i32 to index
          %get3A_211 = arith.constant 48 : index
          %get3A_212 = tpu.vector_load %arg14[%get3A_210, %get3A_211] {strides = array<i32>} : memref<128x128xf32, #tpu.memory_space<vmem>>, vector<16xf32>,
          %swap3A_213 = arith.index_cast %scan3A_193 : i32 to index
          %swap3A_214 = arith.constant 48 : index
          %swap3A_215 = tpu.vector_load %arg16[%swap3A_213, %swap3A_214] {strides = array<i32>} : memref<128x64xf32, #tpu.memory_space<vmem>>, vector<16xf32>,
          tpu.vector_store %arg16[%swap3A_213, %swap3A_214], %get3A_212 {strides = array<i32>} : memref<128x64xf32, #tpu.memory_space<vmem>>, vector<16xf32>,
        }
        %scan3A_137 = arith.constant 128 : i32
        %dma_start3A_138 = arith.constant 0 : i32
        %dma_start3A_139 = arith.constant 0 : i32
        %dma_start3A_140 = tpu.memref_slice %arg20[%dma_start3A_138, %dma_start3A_139] : memref<10240x64xf32, #tpu.memory_space<vmem_shared>> -> memref<10240x64xf32, #tpu.memory_space<vmem_shared>>
        tpu.enqueue_indirect_dma source(%arg16 : memref<128x64xf32, #tpu.memory_space<vmem>>) target(%dma_start3A_140 : memref<10240x64xf32, #tpu.memory_space<vmem_shared>>) offsets(%arg12 : memref<128xi32, #tpu.memory_space<vmem>>) semaphore(%arg25 : memref<!tpu.dma_semaphore, #tpu.memory_space<semaphore_mem>>) {add = true}
        %mul3A_141 = arith.constant 2 : i32
        %mul3A_142 = arith.muli %scan3A_77, %mul3A_141 : i32
        %add3A_143 = arith.constant 1 : i32
        %add3A_144 = arith.addi %mul3A_142, %add3A_143 : i32
        %dma_wait3A_145 = arith.constant 0 : i32
        %dma_wait3A_146 = arith.constant 0 : i32
        %dma_wait3A_147 = tpu.memref_slice %arg4[%dma_wait3A_145, %dma_wait3A_146] : memref<10240x128xf32, #tpu.memory_space<hbm>> -> memref<128x128xf32, #tpu.memory_space<hbm>>
        %dma_wait3A_148 = arith.constant 0 : i32
        %dma_wait3A_149 = arith.constant 0 : i32
        %dma_wait3A_150 = tpu.memref_slice %arg4[%dma_wait3A_148, %dma_wait3A_149] : memref<10240x128xf32, #tpu.memory_space<hbm>> -> memref<128x128xf32, #tpu.memory_space<hbm>>
        tpu.wait_dma2 semaphore(%arg24 : memref<!tpu.dma_semaphore, #tpu.memory_space<semaphore_mem>>) src(%dma_wait3A_150 : memref<128x128xf32, #tpu.memory_space<hbm>>) dst(%arg15 : memref<128x128xf32, #tpu.memory_space<vmem>>)
        %scan3A_151 = arith.constant 0 : i32
        %scan3A_152 = arith.constant 0 : i32
        %scan3A_153 = arith.constant 128 : i32
        %scan3A_154 = arith.addi %scan3A_152, %scan3A_153 : i32
        %scan3A_155 = arith.constant 1 : i32
        scf.for %scan3A_193 = %scan3A_152 to %scan3A_154 step %scan3A_155  : i32 {
          %get3A = arith.index_cast %scan3A_193 : i32 to index
          %get3A_194 = arith.constant 0 : index
          %get3A_195 = tpu.vector_load %arg15[%get3A, %get3A_194] {strides = array<i32>} : memref<128x128xf32, #tpu.memory_space<vmem>>, vector<16xf32>,
          %swap3A = arith.index_cast %scan3A_193 : i32 to index
          %swap3A_196 = arith.constant 0 : index
          %swap3A_197 = tpu.vector_load %arg17[%swap3A, %swap3A_196] {strides = array<i32>} : memref<128x64xf32, #tpu.memory_space<vmem>>, vector<16xf32>,
          tpu.vector_store %arg17[%swap3A, %swap3A_196], %get3A_195 {strides = array<i32>} : memref<128x64xf32, #tpu.memory_space<vmem>>, vector<16xf32>,
          %get3A_198 = arith.index_cast %scan3A_193 : i32 to index
          %get3A_199 = arith.constant 16 : index
          %get3A_200 = tpu.vector_load %arg15[%get3A_198, %get3A_199] {strides = array<i32>} : memref<128x128xf32, #tpu.memory_space<vmem>>, vector<16xf32>,
          %swap3A_201 = arith.index_cast %scan3A_193 : i32 to index
          %swap3A_202 = arith.constant 16 : index
          %swap3A_203 = tpu.vector_load %arg17[%swap3A_201, %swap3A_202] {strides = array<i32>} : memref<128x64xf32, #tpu.memory_space<vmem>>, vector<16xf32>,
          tpu.vector_store %arg17[%swap3A_201, %swap3A_202], %get3A_200 {strides = array<i32>} : memref<128x64xf32, #tpu.memory_space<vmem>>, vector<16xf32>,
          %get3A_204 = arith.index_cast %scan3A_193 : i32 to index
          %get3A_205 = arith.constant 32 : index
          %get3A_206 = tpu.vector_load %arg15[%get3A_204, %get3A_205] {strides = array<i32>} : memref<128x128xf32, #tpu.memory_space<vmem>>, vector<16xf32>,
          %swap3A_207 = arith.index_cast %scan3A_193 : i32 to index
          %swap3A_208 = arith.constant 32 : index
          %swap3A_209 = tpu.vector_load %arg17[%swap3A_207, %swap3A_208] {strides = array<i32>} : memref<128x64xf32, #tpu.memory_space<vmem>>, vector<16xf32>,
          tpu.vector_store %arg17[%swap3A_207, %swap3A_208], %get3A_206 {strides = array<i32>} : memref<128x64xf32, #tpu.memory_space<vmem>>, vector<16xf32>,
          %get3A_210 = arith.index_cast %scan3A_193 : i32 to index
          %get3A_211 = arith.constant 48 : index
          %get3A_212 = tpu.vector_load %arg15[%get3A_210, %get3A_211] {strides = array<i32>} : memref<128x128xf32, #tpu.memory_space<vmem>>, vector<16xf32>,
          %swap3A_213 = arith.index_cast %scan3A_193 : i32 to index
          %swap3A_214 = arith.constant 48 : index
          %swap3A_215 = tpu.vector_load %arg17[%swap3A_213, %swap3A_214] {strides = array<i32>} : memref<128x64xf32, #tpu.memory_space<vmem>>, vector<16xf32>,
          tpu.vector_store %arg17[%swap3A_213, %swap3A_214], %get3A_212 {strides = array<i32>} : memref<128x64xf32, #tpu.memory_space<vmem>>, vector<16xf32>,
        }
        %scan3A_156 = arith.constant 128 : i32
        %dma_start3A_157 = arith.constant 0 : i32
        %dma_start3A_158 = arith.constant 0 : i32
        %dma_start3A_159 = tpu.memref_slice %arg20[%dma_start3A_157, %dma_start3A_158] : memref<10240x64xf32, #tpu.memory_space<vmem_shared>> -> memref<10240x64xf32, #tpu.memory_space<vmem_shared>>
        tpu.enqueue_indirect_dma source(%arg17 : memref<128x64xf32, #tpu.memory_space<vmem>>) target(%dma_start3A_159 : memref<10240x64xf32, #tpu.memory_space<vmem_shared>>) offsets(%arg13 : memref<128xi32, #tpu.memory_space<vmem>>) semaphore(%arg26 : memref<!tpu.dma_semaphore, #tpu.memory_space<semaphore_mem>>) {add = true}
        %mul3A_160 = arith.constant 2 : i32
        %mul3A_161 = arith.muli %scan3A_77, %mul3A_160 : i32
        %add3A_162 = arith.constant 0 : i32
        %add3A_163 = arith.addi %mul3A_161, %add3A_162 : i32
        %dma_wait3A_164 = arith.constant 0 : i32
        %dma_wait3A_165 = arith.constant 0 : i32
        %dma_wait3A_166 = tpu.memref_slice %arg20[%dma_wait3A_164, %dma_wait3A_165] : memref<10240x64xf32, #tpu.memory_space<vmem_shared>> -> memref<128x64xf32, #tpu.memory_space<vmem_shared>>
        %dma_wait3A_167 = arith.constant 0 : i32
        %dma_wait3A_168 = arith.constant 0 : i32
        %dma_wait3A_169 = tpu.memref_slice %arg20[%dma_wait3A_167, %dma_wait3A_168] : memref<10240x64xf32, #tpu.memory_space<vmem_shared>> -> memref<128x64xf32, #tpu.memory_space<vmem_shared>>
        tpu.wait_dma2 semaphore(%arg25 : memref<!tpu.dma_semaphore, #tpu.memory_space<semaphore_mem>>) src(%arg16 : memref<128x64xf32, #tpu.memory_space<vmem>>) dst(%dma_wait3A_169 : memref<128x64xf32, #tpu.memory_space<vmem_shared>>)
        %add3A_170 = arith.constant 2 : i32
        %add3A_171 = arith.addi %add3A_163, %add3A_170 : i32
        %lt3A = arith.constant 160 : i32
        %lt3A_172 = arith.cmpi slt, %add3A_171, %lt3A : i32
        %convert_element_type3A_173 = arith.extui %lt3A_172 : i1 to i32
        %cond3A_174 = arith.constant 0 : i32
        %cond3A_175 = arith.cmpi ne, %convert_element_type3A_173, %cond3A_174 : i32
        scf.if %cond3A_175 {
          %add3A_193 = arith.constant 2 : i32
          %add3A_194 = arith.addi %add3A_163, %add3A_193 : i32
          %dma_start3A_195 = arith.constant 0 : i32
          %dma_start3A_196 = tpu.memref_slice %arg3[%arg1, %add3A_194, %dma_start3A_195] : memref<16x160x128xi32, #tpu.memory_space<hbm>> -> memref<1x1x128xi32, #tpu.memory_space<hbm>>
          %dma_start3A_197 = tpu.memref_squeeze %dma_start3A_196 : memref<1x1x128xi32, #tpu.memory_space<hbm>> -> memref<128xi32, #tpu.memory_space<hbm>>
          %dma_start3A_198 = arith.constant 0 : i32
          %dma_start3A_199 = tpu.memref_slice %arg3[%arg1, %add3A_194, %dma_start3A_198] : memref<16x160x128xi32, #tpu.memory_space<hbm>> -> memref<1x1x128xi32, #tpu.memory_space<hbm>>
          %dma_start3A_200 = tpu.memref_squeeze %dma_start3A_199 : memref<1x1x128xi32, #tpu.memory_space<hbm>> -> memref<128xi32, #tpu.memory_space<hbm>>
          tpu.enqueue_dma source(%dma_start3A_200 : memref<128xi32, #tpu.memory_space<hbm>>) target(%arg10 : memref<128xi32, #tpu.memory_space<vmem>>) target_semaphore(%arg21 : memref<!tpu.dma_semaphore, #tpu.memory_space<semaphore_mem>>)
          %dma_start3A_201 = arith.constant 0 : i32
          %dma_start3A_202 = tpu.memref_slice %arg2[%arg1, %add3A_194, %dma_start3A_201] : memref<16x160x128xi32, #tpu.memory_space<hbm>> -> memref<1x1x128xi32, #tpu.memory_space<hbm>>
          %dma_start3A_203 = tpu.memref_squeeze %dma_start3A_202 : memref<1x1x128xi32, #tpu.memory_space<hbm>> -> memref<128xi32, #tpu.memory_space<hbm>>
          %dma_start3A_204 = arith.constant 0 : i32
          %dma_start3A_205 = tpu.memref_slice %arg2[%arg1, %add3A_194, %dma_start3A_204] : memref<16x160x128xi32, #tpu.memory_space<hbm>> -> memref<1x1x128xi32, #tpu.memory_space<hbm>>
          %dma_start3A_206 = tpu.memref_squeeze %dma_start3A_205 : memref<1x1x128xi32, #tpu.memory_space<hbm>> -> memref<128xi32, #tpu.memory_space<hbm>>
          tpu.enqueue_dma source(%dma_start3A_206 : memref<128xi32, #tpu.memory_space<hbm>>) target(%arg12 : memref<128xi32, #tpu.memory_space<vmem>>) target_semaphore(%arg21 : memref<!tpu.dma_semaphore, #tpu.memory_space<semaphore_mem>>)
        } else {
        }
        %mul3A_176 = arith.constant 2 : i32
        %mul3A_177 = arith.muli %scan3A_77, %mul3A_176 : i32
        %add3A_178 = arith.constant 1 : i32
        %add3A_179 = arith.addi %mul3A_177, %add3A_178 : i32
        %dma_wait3A_180 = arith.constant 0 : i32
        %dma_wait3A_181 = arith.constant 0 : i32
        %dma_wait3A_182 = tpu.memref_slice %arg20[%dma_wait3A_180, %dma_wait3A_181] : memref<10240x64xf32, #tpu.memory_space<vmem_shared>> -> memref<128x64xf32, #tpu.memory_space<vmem_shared>>
        %dma_wait3A_183 = arith.constant 0 : i32
        %dma_wait3A_184 = arith.constant 0 : i32
        %dma_wait3A_185 = tpu.memref_slice %arg20[%dma_wait3A_183, %dma_wait3A_184] : memref<10240x64xf32, #tpu.memory_space<vmem_shared>> -> memref<128x64xf32, #tpu.memory_space<vmem_shared>>
        tpu.wait_dma2 semaphore(%arg26 : memref<!tpu.dma_semaphore, #tpu.memory_space<semaphore_mem>>) src(%arg17 : memref<128x64xf32, #tpu.memory_space<vmem>>) dst(%dma_wait3A_185 : memref<128x64xf32, #tpu.memory_space<vmem_shared>>)
        %add3A_186 = arith.constant 2 : i32
        %add3A_187 = arith.addi %add3A_179, %add3A_186 : i32
        %lt3A_188 = arith.constant 160 : i32
        %lt3A_189 = arith.cmpi slt, %add3A_187, %lt3A_188 : i32
        %convert_element_type3A_190 = arith.extui %lt3A_189 : i1 to i32
        %cond3A_191 = arith.constant 0 : i32
        %cond3A_192 = arith.cmpi ne, %convert_element_type3A_190, %cond3A_191 : i32
        scf.if %cond3A_192 {
          %add3A_193 = arith.constant 2 : i32
          %add3A_194 = arith.addi %add3A_179, %add3A_193 : i32
          %dma_start3A_195 = arith.constant 0 : i32
          %dma_start3A_196 = tpu.memref_slice %arg3[%arg1, %add3A_194, %dma_start3A_195] : memref<16x160x128xi32, #tpu.memory_space<hbm>> -> memref<1x1x128xi32, #tpu.memory_space<hbm>>
          %dma_start3A_197 = tpu.memref_squeeze %dma_start3A_196 : memref<1x1x128xi32, #tpu.memory_space<hbm>> -> memref<128xi32, #tpu.memory_space<hbm>>
          %dma_start3A_198 = arith.constant 0 : i32
          %dma_start3A_199 = tpu.memref_slice %arg3[%arg1, %add3A_194, %dma_start3A_198] : memref<16x160x128xi32, #tpu.memory_space<hbm>> -> memref<1x1x128xi32, #tpu.memory_space<hbm>>
          %dma_start3A_200 = tpu.memref_squeeze %dma_start3A_199 : memref<1x1x128xi32, #tpu.memory_space<hbm>> -> memref<128xi32, #tpu.memory_space<hbm>>
          tpu.enqueue_dma source(%dma_start3A_200 : memref<128xi32, #tpu.memory_space<hbm>>) target(%arg11 : memref<128xi32, #tpu.memory_space<vmem>>) target_semaphore(%arg22 : memref<!tpu.dma_semaphore, #tpu.memory_space<semaphore_mem>>)
          %dma_start3A_201 = arith.constant 0 : i32
          %dma_start3A_202 = tpu.memref_slice %arg2[%arg1, %add3A_194, %dma_start3A_201] : memref<16x160x128xi32, #tpu.memory_space<hbm>> -> memref<1x1x128xi32, #tpu.memory_space<hbm>>
          %dma_start3A_203 = tpu.memref_squeeze %dma_start3A_202 : memref<1x1x128xi32, #tpu.memory_space<hbm>> -> memref<128xi32, #tpu.memory_space<hbm>>
          %dma_start3A_204 = arith.constant 0 : i32
          %dma_start3A_205 = tpu.memref_slice %arg2[%arg1, %add3A_194, %dma_start3A_204] : memref<16x160x128xi32, #tpu.memory_space<hbm>> -> memref<1x1x128xi32, #tpu.memory_space<hbm>>
          %dma_start3A_206 = tpu.memref_squeeze %dma_start3A_205 : memref<1x1x128xi32, #tpu.memory_space<hbm>> -> memref<128xi32, #tpu.memory_space<hbm>>
          tpu.enqueue_dma source(%dma_start3A_206 : memref<128xi32, #tpu.memory_space<hbm>>) target(%arg13 : memref<128xi32, #tpu.memory_space<vmem>>) target_semaphore(%arg22 : memref<!tpu.dma_semaphore, #tpu.memory_space<semaphore_mem>>)
        } else {
        }
      }
      %scan3A_39 = arith.constant 80 : i32
      %barrier3A_40 = arith.constant 0 : index
      tpu.barrier barrier_id(%barrier3A_40)
      "tpu.region"() ({
        %run_scoped3A = tpu.sem_alloc : memref<!tpu.dma_semaphore, #tpu.memory_space<semaphore_mem>>
        %dma_start3A_77 = arith.constant 0 : i32
        %dma_start3A_78 = tpu.memref_slice %arg8[%mul3A_0, %dma_start3A_77] : memref<10240x128xf32, #tpu.memory_space<hbm>> -> memref<640x64xf32, #tpu.memory_space<hbm>>
        %dma_start3A_79 = arith.constant 0 : i32
        %dma_start3A_80 = tpu.memref_slice %arg20[%mul3A_0, %dma_start3A_79] : memref<10240x64xf32, #tpu.memory_space<vmem_shared>> -> memref<640x64xf32, #tpu.memory_space<vmem_shared>>
        tpu.enqueue_dma source(%dma_start3A_80 : memref<640x64xf32, #tpu.memory_space<vmem_shared>>) target(%dma_start3A_78 : memref<640x64xf32, #tpu.memory_space<hbm>>) target_semaphore(%run_scoped3A : memref<!tpu.dma_semaphore, #tpu.memory_space<semaphore_mem>>)
        %dma_wait3A = arith.constant 0 : i32
        %dma_wait3A_81 = tpu.memref_slice %arg8[%mul3A_0, %dma_wait3A] : memref<10240x128xf32, #tpu.memory_space<hbm>> -> memref<640x64xf32, #tpu.memory_space<hbm>>
        %dma_wait3A_82 = arith.constant 0 : i32
        %dma_wait3A_83 = tpu.memref_slice %arg20[%mul3A_0, %dma_wait3A_82] : memref<10240x64xf32, #tpu.memory_space<vmem_shared>> -> memref<640x64xf32, #tpu.memory_space<vmem_shared>>
        tpu.wait_dma2 semaphore(%run_scoped3A : memref<!tpu.dma_semaphore, #tpu.memory_space<semaphore_mem>>) src(%dma_wait3A_83 : memref<640x64xf32, #tpu.memory_space<vmem_shared>>) dst(%dma_wait3A_81 : memref<640x64xf32, #tpu.memory_space<hbm>>)
        tpu.yield
      }) : () -> ()
      "tpu.region"() ({
        %run_scoped3A = tpu.sem_alloc : memref<!tpu.dma_semaphore, #tpu.memory_space<semaphore_mem>>
        %dma_start3A_77 = arith.constant 0 : i32
        %dma_start3A_78 = tpu.memref_slice %arg20[%mul3A_0, %dma_start3A_77] : memref<10240x64xf32, #tpu.memory_space<vmem_shared>> -> memref<640x64xf32, #tpu.memory_space<vmem_shared>>
        %dma_start3A_79 = arith.constant 0 : i32
        %dma_start3A_80 = arith.constant 0 : i32
        %dma_start3A_81 = tpu.memref_slice %arg7[%dma_start3A_79, %dma_start3A_80] : memref<640x128xf32, #tpu.memory_space<hbm>> -> memref<640x64xf32, #tpu.memory_space<hbm>>
        tpu.enqueue_dma source(%dma_start3A_81 : memref<640x64xf32, #tpu.memory_space<hbm>>) target(%dma_start3A_78 : memref<640x64xf32, #tpu.memory_space<vmem_shared>>) target_semaphore(%run_scoped3A : memref<!tpu.dma_semaphore, #tpu.memory_space<semaphore_mem>>)
        %dma_wait3A = arith.constant 0 : i32
        %dma_wait3A_82 = tpu.memref_slice %arg20[%mul3A_0, %dma_wait3A] : memref<10240x64xf32, #tpu.memory_space<vmem_shared>> -> memref<640x64xf32, #tpu.memory_space<vmem_shared>>
        %dma_wait3A_83 = arith.constant 0 : i32
        %dma_wait3A_84 = arith.constant 0 : i32
        %dma_wait3A_85 = tpu.memref_slice %arg7[%dma_wait3A_83, %dma_wait3A_84] : memref<640x128xf32, #tpu.memory_space<hbm>> -> memref<640x64xf32, #tpu.memory_space<hbm>>
        tpu.wait_dma2 semaphore(%run_scoped3A : memref<!tpu.dma_semaphore, #tpu.memory_space<semaphore_mem>>) src(%dma_wait3A_85 : memref<640x64xf32, #tpu.memory_space<hbm>>) dst(%dma_wait3A_82 : memref<640x64xf32, #tpu.memory_space<vmem_shared>>)
        tpu.yield
      }) : () -> ()
      %barrier3A_41 = arith.constant 0 : index
      tpu.barrier barrier_id(%barrier3A_41)
      %dma_start3A_42 = arith.constant 0 : i32
      %dma_start3A_43 = arith.constant 0 : i32
      %dma_start3A_44 = tpu.memref_slice %arg3[%arg1, %dma_start3A_42, %dma_start3A_43] : memref<16x160x128xi32, #tpu.memory_space<hbm>> -> memref<1x1x128xi32, #tpu.memory_space<hbm>>
      %dma_start3A_45 = tpu.memref_squeeze %dma_start3A_44 : memref<1x1x128xi32, #tpu.memory_space<hbm>> -> memref<128xi32, #tpu.memory_space<hbm>>
      %dma_start3A_46 = arith.constant 0 : i32
      %dma_start3A_47 = tpu.memref_slice %arg3[%arg1, %dma_start3A_42, %dma_start3A_46] : memref<16x160x128xi32, #tpu.memory_space<hbm>> -> memref<1x1x128xi32, #tpu.memory_space<hbm>>
      %dma_start3A_48 = tpu.memref_squeeze %dma_start3A_47 : memref<1x1x128xi32, #tpu.memory_space<hbm>> -> memref<128xi32, #tpu.memory_space<hbm>>
      tpu.enqueue_dma source(%dma_start3A_48 : memref<128xi32, #tpu.memory_space<hbm>>) target(%arg10 : memref<128xi32, #tpu.memory_space<vmem>>) target_semaphore(%arg21 : memref<!tpu.dma_semaphore, #tpu.memory_space<semaphore_mem>>)
      %dma_start3A_49 = arith.constant 0 : i32
      %dma_start3A_50 = arith.constant 0 : i32
      %dma_start3A_51 = tpu.memref_slice %arg2[%arg1, %dma_start3A_49, %dma_start3A_50] : memref<16x160x128xi32, #tpu.memory_space<hbm>> -> memref<1x1x128xi32, #tpu.memory_space<hbm>>
      %dma_start3A_52 = tpu.memref_squeeze %dma_start3A_51 : memref<1x1x128xi32, #tpu.memory_space<hbm>> -> memref<128xi32, #tpu.memory_space<hbm>>
      %dma_start3A_53 = arith.constant 0 : i32
      %dma_start3A_54 = tpu.memref_slice %arg2[%arg1, %dma_start3A_49, %dma_start3A_53] : memref<16x160x128xi32, #tpu.memory_space<hbm>> -> memref<1x1x128xi32, #tpu.memory_space<hbm>>
      %dma_start3A_55 = tpu.memref_squeeze %dma_start3A_54 : memref<1x1x128xi32, #tpu.memory_space<hbm>> -> memref<128xi32, #tpu.memory_space<hbm>>
      tpu.enqueue_dma source(%dma_start3A_55 : memref<128xi32, #tpu.memory_space<hbm>>) target(%arg12 : memref<128xi32, #tpu.memory_space<vmem>>) target_semaphore(%arg21 : memref<!tpu.dma_semaphore, #tpu.memory_space<semaphore_mem>>)
      %dma_start3A_56 = arith.constant 1 : i32
      %dma_start3A_57 = arith.constant 0 : i32
      %dma_start3A_58 = tpu.memref_slice %arg3[%arg1, %dma_start3A_56, %dma_start3A_57] : memref<16x160x128xi32, #tpu.memory_space<hbm>> -> memref<1x1x128xi32, #tpu.memory_space<hbm>>
      %dma_start3A_59 = tpu.memref_squeeze %dma_start3A_58 : memref<1x1x128xi32, #tpu.memory_space<hbm>> -> memref<128xi32, #tpu.memory_space<hbm>>
      %dma_start3A_60 = arith.constant 0 : i32
      %dma_start3A_61 = tpu.memref_slice %arg3[%arg1, %dma_start3A_56, %dma_start3A_60] : memref<16x160x128xi32, #tpu.memory_space<hbm>> -> memref<1x1x128xi32, #tpu.memory_space<hbm>>
      %dma_start3A_62 = tpu.memref_squeeze %dma_start3A_61 : memref<1x1x128xi32, #tpu.memory_space<hbm>> -> memref<128xi32, #tpu.memory_space<hbm>>
      tpu.enqueue_dma source(%dma_start3A_62 : memref<128xi32, #tpu.memory_space<hbm>>) target(%arg11 : memref<128xi32, #tpu.memory_space<vmem>>) target_semaphore(%arg22 : memref<!tpu.dma_semaphore, #tpu.memory_space<semaphore_mem>>)
      %dma_start3A_63 = arith.constant 1 : i32
      %dma_start3A_64 = arith.constant 0 : i32
      %dma_start3A_65 = tpu.memref_slice %arg2[%arg1, %dma_start3A_63, %dma_start3A_64] : memref<16x160x128xi32, #tpu.memory_space<hbm>> -> memref<1x1x128xi32, #tpu.memory_space<hbm>>
      %dma_start3A_66 = tpu.memref_squeeze %dma_start3A_65 : memref<1x1x128xi32, #tpu.memory_space<hbm>> -> memref<128xi32, #tpu.memory_space<hbm>>
      %dma_start3A_67 = arith.constant 0 : i32
      %dma_start3A_68 = tpu.memref_slice %arg2[%arg1, %dma_start3A_63, %dma_start3A_67] : memref<16x160x128xi32, #tpu.memory_space<hbm>> -> memref<1x1x128xi32, #tpu.memory_space<hbm>>
      %dma_start3A_69 = tpu.memref_squeeze %dma_start3A_68 : memref<1x1x128xi32, #tpu.memory_space<hbm>> -> memref<128xi32, #tpu.memory_space<hbm>>
      tpu.enqueue_dma source(%dma_start3A_69 : memref<128xi32, #tpu.memory_space<hbm>>) target(%arg13 : memref<128xi32, #tpu.memory_space<vmem>>) target_semaphore(%arg22 : memref<!tpu.dma_semaphore, #tpu.memory_space<semaphore_mem>>)
      %scan3A_70 = arith.constant 0 : i32
      %scan3A_71 = arith.constant 0 : i32
      %scan3A_72 = arith.constant 80 : i32
      %scan3A_73 = arith.addi %scan3A_71, %scan3A_72 : i32
      %scan3A_74 = arith.constant 1 : i32
      scf.for %scan3A_77 = %scan3A_71 to %scan3A_73 step %scan3A_74  : i32 {
        %mul3A_78 = arith.constant 2 : i32
        %mul3A_79 = arith.muli %scan3A_77, %mul3A_78 : i32
        %add3A = arith.constant 0 : i32
        %add3A_80 = arith.addi %mul3A_79, %add3A : i32
        %dma_wait3A = arith.constant 0 : i32
        %dma_wait3A_81 = arith.constant 0 : i32
        %dma_wait3A_82 = arith.constant 0 : i32
        %dma_wait3A_83 = tpu.memref_slice %arg2[%dma_wait3A, %dma_wait3A_81, %dma_wait3A_82] : memref<16x160x128xi32, #tpu.memory_space<hbm>> -> memref<1x1x128xi32, #tpu.memory_space<hbm>>
        %dma_wait3A_84 = tpu.memref_squeeze %dma_wait3A_83 : memref<1x1x128xi32, #tpu.memory_space<hbm>> -> memref<128xi32, #tpu.memory_space<hbm>>
        %dma_wait3A_85 = arith.constant 0 : i32
        %dma_wait3A_86 = tpu.memref_slice %arg2[%dma_wait3A, %dma_wait3A_81, %dma_wait3A_85] : memref<16x160x128xi32, #tpu.memory_space<hbm>> -> memref<1x1x128xi32, #tpu.memory_space<hbm>>
        %dma_wait3A_87 = tpu.memref_squeeze %dma_wait3A_86 : memref<1x1x128xi32, #tpu.memory_space<hbm>> -> memref<128xi32, #tpu.memory_space<hbm>>
        tpu.wait_dma2 semaphore(%arg21 : memref<!tpu.dma_semaphore, #tpu.memory_space<semaphore_mem>>) src(%dma_wait3A_87 : memref<128xi32, #tpu.memory_space<hbm>>) dst(%arg10 : memref<128xi32, #tpu.memory_space<vmem>>)
        %dma_wait3A_88 = arith.constant 0 : i32
        %dma_wait3A_89 = arith.constant 0 : i32
        %dma_wait3A_90 = arith.constant 0 : i32
        %dma_wait3A_91 = tpu.memref_slice %arg2[%dma_wait3A_88, %dma_wait3A_89, %dma_wait3A_90] : memref<16x160x128xi32, #tpu.memory_space<hbm>> -> memref<1x1x128xi32, #tpu.memory_space<hbm>>
        %dma_wait3A_92 = tpu.memref_squeeze %dma_wait3A_91 : memref<1x1x128xi32, #tpu.memory_space<hbm>> -> memref<128xi32, #tpu.memory_space<hbm>>
        %dma_wait3A_93 = arith.constant 0 : i32
        %dma_wait3A_94 = tpu.memref_slice %arg2[%dma_wait3A_88, %dma_wait3A_89, %dma_wait3A_93] : memref<16x160x128xi32, #tpu.memory_space<hbm>> -> memref<1x1x128xi32, #tpu.memory_space<hbm>>
        %dma_wait3A_95 = tpu.memref_squeeze %dma_wait3A_94 : memref<1x1x128xi32, #tpu.memory_space<hbm>> -> memref<128xi32, #tpu.memory_space<hbm>>
        tpu.wait_dma2 semaphore(%arg21 : memref<!tpu.dma_semaphore, #tpu.memory_space<semaphore_mem>>) src(%dma_wait3A_95 : memref<128xi32, #tpu.memory_space<hbm>>) dst(%arg12 : memref<128xi32, #tpu.memory_space<vmem>>)
        %dma_start3A_96 = arith.constant 0 : i32
        %dma_start3A_97 = arith.constant 0 : i32
        %dma_start3A_98 = tpu.memref_slice %arg4[%dma_start3A_96, %dma_start3A_97] : memref<10240x128xf32, #tpu.memory_space<hbm>> -> memref<10240x128xf32, #tpu.memory_space<hbm>>
        tpu.enqueue_indirect_dma source(%dma_start3A_98 : memref<10240x128xf32, #tpu.memory_space<hbm>>) target(%arg14 : memref<128x128xf32, #tpu.memory_space<vmem>>) offsets(%arg10 : memref<128xi32, #tpu.memory_space<vmem>>) semaphore(%arg23 : memref<!tpu.dma_semaphore, #tpu.memory_space<semaphore_mem>>)
        %mul3A_99 = arith.constant 2 : i32
        %mul3A_100 = arith.muli %scan3A_77, %mul3A_99 : i32
        %add3A_101 = arith.constant 1 : i32
        %add3A_102 = arith.addi %mul3A_100, %add3A_101 : i32
        %dma_wait3A_103 = arith.constant 0 : i32
        %dma_wait3A_104 = arith.constant 0 : i32
        %dma_wait3A_105 = arith.constant 0 : i32
        %dma_wait3A_106 = tpu.memref_slice %arg2[%dma_wait3A_103, %dma_wait3A_104, %dma_wait3A_105] : memref<16x160x128xi32, #tpu.memory_space<hbm>> -> memref<1x1x128xi32, #tpu.memory_space<hbm>>
        %dma_wait3A_107 = tpu.memref_squeeze %dma_wait3A_106 : memref<1x1x128xi32, #tpu.memory_space<hbm>> -> memref<128xi32, #tpu.memory_space<hbm>>
        %dma_wait3A_108 = arith.constant 0 : i32
        %dma_wait3A_109 = tpu.memref_slice %arg2[%dma_wait3A_103, %dma_wait3A_104, %dma_wait3A_108] : memref<16x160x128xi32, #tpu.memory_space<hbm>> -> memref<1x1x128xi32, #tpu.memory_space<hbm>>
        %dma_wait3A_110 = tpu.memref_squeeze %dma_wait3A_109 : memref<1x1x128xi32, #tpu.memory_space<hbm>> -> memref<128xi32, #tpu.memory_space<hbm>>
        tpu.wait_dma2 semaphore(%arg22 : memref<!tpu.dma_semaphore, #tpu.memory_space<semaphore_mem>>) src(%dma_wait3A_110 : memref<128xi32, #tpu.memory_space<hbm>>) dst(%arg11 : memref<128xi32, #tpu.memory_space<vmem>>)
        %dma_wait3A_111 = arith.constant 0 : i32
        %dma_wait3A_112 = arith.constant 0 : i32
        %dma_wait3A_113 = arith.constant 0 : i32
        %dma_wait3A_114 = tpu.memref_slice %arg2[%dma_wait3A_111, %dma_wait3A_112, %dma_wait3A_113] : memref<16x160x128xi32, #tpu.memory_space<hbm>> -> memref<1x1x128xi32, #tpu.memory_space<hbm>>
        %dma_wait3A_115 = tpu.memref_squeeze %dma_wait3A_114 : memref<1x1x128xi32, #tpu.memory_space<hbm>> -> memref<128xi32, #tpu.memory_space<hbm>>
        %dma_wait3A_116 = arith.constant 0 : i32
        %dma_wait3A_117 = tpu.memref_slice %arg2[%dma_wait3A_111, %dma_wait3A_112, %dma_wait3A_116] : memref<16x160x128xi32, #tpu.memory_space<hbm>> -> memref<1x1x128xi32, #tpu.memory_space<hbm>>
        %dma_wait3A_118 = tpu.memref_squeeze %dma_wait3A_117 : memref<1x1x128xi32, #tpu.memory_space<hbm>> -> memref<128xi32, #tpu.memory_space<hbm>>
        tpu.wait_dma2 semaphore(%arg22 : memref<!tpu.dma_semaphore, #tpu.memory_space<semaphore_mem>>) src(%dma_wait3A_118 : memref<128xi32, #tpu.memory_space<hbm>>) dst(%arg13 : memref<128xi32, #tpu.memory_space<vmem>>)
        %dma_start3A_119 = arith.constant 0 : i32
        %dma_start3A_120 = arith.constant 0 : i32
        %dma_start3A_121 = tpu.memref_slice %arg4[%dma_start3A_119, %dma_start3A_120] : memref<10240x128xf32, #tpu.memory_space<hbm>> -> memref<10240x128xf32, #tpu.memory_space<hbm>>
        tpu.enqueue_indirect_dma source(%dma_start3A_121 : memref<10240x128xf32, #tpu.memory_space<hbm>>) target(%arg15 : memref<128x128xf32, #tpu.memory_space<vmem>>) offsets(%arg11 : memref<128xi32, #tpu.memory_space<vmem>>) semaphore(%arg24 : memref<!tpu.dma_semaphore, #tpu.memory_space<semaphore_mem>>)
        %mul3A_122 = arith.constant 2 : i32
        %mul3A_123 = arith.muli %scan3A_77, %mul3A_122 : i32
        %add3A_124 = arith.constant 0 : i32
        %add3A_125 = arith.addi %mul3A_123, %add3A_124 : i32
        %dma_wait3A_126 = arith.constant 0 : i32
        %dma_wait3A_127 = arith.constant 0 : i32
        %dma_wait3A_128 = tpu.memref_slice %arg4[%dma_wait3A_126, %dma_wait3A_127] : memref<10240x128xf32, #tpu.memory_space<hbm>> -> memref<128x128xf32, #tpu.memory_space<hbm>>
        %dma_wait3A_129 = arith.constant 0 : i32
        %dma_wait3A_130 = arith.constant 0 : i32
        %dma_wait3A_131 = tpu.memref_slice %arg4[%dma_wait3A_129, %dma_wait3A_130] : memref<10240x128xf32, #tpu.memory_space<hbm>> -> memref<128x128xf32, #tpu.memory_space<hbm>>
        tpu.wait_dma2 semaphore(%arg23 : memref<!tpu.dma_semaphore, #tpu.memory_space<semaphore_mem>>) src(%dma_wait3A_131 : memref<128x128xf32, #tpu.memory_space<hbm>>) dst(%arg14 : memref<128x128xf32, #tpu.memory_space<vmem>>)
        %scan3A_132 = arith.constant 0 : i32
        %scan3A_133 = arith.constant 0 : i32
        %scan3A_134 = arith.constant 128 : i32
        %scan3A_135 = arith.addi %scan3A_133, %scan3A_134 : i32
        %scan3A_136 = arith.constant 1 : i32
        scf.for %scan3A_193 = %scan3A_133 to %scan3A_135 step %scan3A_136  : i32 {
          %get3A = arith.index_cast %scan3A_193 : i32 to index
          %get3A_194 = arith.constant 64 : index
          %get3A_195 = tpu.vector_load %arg14[%get3A, %get3A_194] {strides = array<i32>} : memref<128x128xf32, #tpu.memory_space<vmem>>, vector<16xf32>,
          %swap3A = arith.index_cast %scan3A_193 : i32 to index
          %swap3A_196 = arith.constant 0 : index
          %swap3A_197 = tpu.vector_load %arg16[%swap3A, %swap3A_196] {strides = array<i32>} : memref<128x64xf32, #tpu.memory_space<vmem>>, vector<16xf32>,
          tpu.vector_store %arg16[%swap3A, %swap3A_196], %get3A_195 {strides = array<i32>} : memref<128x64xf32, #tpu.memory_space<vmem>>, vector<16xf32>,
          %get3A_198 = arith.index_cast %scan3A_193 : i32 to index
          %get3A_199 = arith.constant 80 : index
          %get3A_200 = tpu.vector_load %arg14[%get3A_198, %get3A_199] {strides = array<i32>} : memref<128x128xf32, #tpu.memory_space<vmem>>, vector<16xf32>,
          %swap3A_201 = arith.index_cast %scan3A_193 : i32 to index
          %swap3A_202 = arith.constant 16 : index
          %swap3A_203 = tpu.vector_load %arg16[%swap3A_201, %swap3A_202] {strides = array<i32>} : memref<128x64xf32, #tpu.memory_space<vmem>>, vector<16xf32>,
          tpu.vector_store %arg16[%swap3A_201, %swap3A_202], %get3A_200 {strides = array<i32>} : memref<128x64xf32, #tpu.memory_space<vmem>>, vector<16xf32>,
          %get3A_204 = arith.index_cast %scan3A_193 : i32 to index
          %get3A_205 = arith.constant 96 : index
          %get3A_206 = tpu.vector_load %arg14[%get3A_204, %get3A_205] {strides = array<i32>} : memref<128x128xf32, #tpu.memory_space<vmem>>, vector<16xf32>,
          %swap3A_207 = arith.index_cast %scan3A_193 : i32 to index
          %swap3A_208 = arith.constant 32 : index
          %swap3A_209 = tpu.vector_load %arg16[%swap3A_207, %swap3A_208] {strides = array<i32>} : memref<128x64xf32, #tpu.memory_space<vmem>>, vector<16xf32>,
          tpu.vector_store %arg16[%swap3A_207, %swap3A_208], %get3A_206 {strides = array<i32>} : memref<128x64xf32, #tpu.memory_space<vmem>>, vector<16xf32>,
          %get3A_210 = arith.index_cast %scan3A_193 : i32 to index
          %get3A_211 = arith.constant 112 : index
          %get3A_212 = tpu.vector_load %arg14[%get3A_210, %get3A_211] {strides = array<i32>} : memref<128x128xf32, #tpu.memory_space<vmem>>, vector<16xf32>,
          %swap3A_213 = arith.index_cast %scan3A_193 : i32 to index
          %swap3A_214 = arith.constant 48 : index
          %swap3A_215 = tpu.vector_load %arg16[%swap3A_213, %swap3A_214] {strides = array<i32>} : memref<128x64xf32, #tpu.memory_space<vmem>>, vector<16xf32>,
          tpu.vector_store %arg16[%swap3A_213, %swap3A_214], %get3A_212 {strides = array<i32>} : memref<128x64xf32, #tpu.memory_space<vmem>>, vector<16xf32>,
        }
        %scan3A_137 = arith.constant 128 : i32
        %dma_start3A_138 = arith.constant 0 : i32
        %dma_start3A_139 = arith.constant 0 : i32
        %dma_start3A_140 = tpu.memref_slice %arg20[%dma_start3A_138, %dma_start3A_139] : memref<10240x64xf32, #tpu.memory_space<vmem_shared>> -> memref<10240x64xf32, #tpu.memory_space<vmem_shared>>
        tpu.enqueue_indirect_dma source(%arg16 : memref<128x64xf32, #tpu.memory_space<vmem>>) target(%dma_start3A_140 : memref<10240x64xf32, #tpu.memory_space<vmem_shared>>) offsets(%arg12 : memref<128xi32, #tpu.memory_space<vmem>>) semaphore(%arg25 : memref<!tpu.dma_semaphore, #tpu.memory_space<semaphore_mem>>) {add = true}
        %mul3A_141 = arith.constant 2 : i32
        %mul3A_142 = arith.muli %scan3A_77, %mul3A_141 : i32
        %add3A_143 = arith.constant 1 : i32
        %add3A_144 = arith.addi %mul3A_142, %add3A_143 : i32
        %dma_wait3A_145 = arith.constant 0 : i32
        %dma_wait3A_146 = arith.constant 0 : i32
        %dma_wait3A_147 = tpu.memref_slice %arg4[%dma_wait3A_145, %dma_wait3A_146] : memref<10240x128xf32, #tpu.memory_space<hbm>> -> memref<128x128xf32, #tpu.memory_space<hbm>>
        %dma_wait3A_148 = arith.constant 0 : i32
        %dma_wait3A_149 = arith.constant 0 : i32
        %dma_wait3A_150 = tpu.memref_slice %arg4[%dma_wait3A_148, %dma_wait3A_149] : memref<10240x128xf32, #tpu.memory_space<hbm>> -> memref<128x128xf32, #tpu.memory_space<hbm>>
        tpu.wait_dma2 semaphore(%arg24 : memref<!tpu.dma_semaphore, #tpu.memory_space<semaphore_mem>>) src(%dma_wait3A_150 : memref<128x128xf32, #tpu.memory_space<hbm>>) dst(%arg15 : memref<128x128xf32, #tpu.memory_space<vmem>>)
        %scan3A_151 = arith.constant 0 : i32
        %scan3A_152 = arith.constant 0 : i32
        %scan3A_153 = arith.constant 128 : i32
        %scan3A_154 = arith.addi %scan3A_152, %scan3A_153 : i32
        %scan3A_155 = arith.constant 1 : i32
        scf.for %scan3A_193 = %scan3A_152 to %scan3A_154 step %scan3A_155  : i32 {
          %get3A = arith.index_cast %scan3A_193 : i32 to index
          %get3A_194 = arith.constant 64 : index
          %get3A_195 = tpu.vector_load %arg15[%get3A, %get3A_194] {strides = array<i32>} : memref<128x128xf32, #tpu.memory_space<vmem>>, vector<16xf32>,
          %swap3A = arith.index_cast %scan3A_193 : i32 to index
          %swap3A_196 = arith.constant 0 : index
          %swap3A_197 = tpu.vector_load %arg17[%swap3A, %swap3A_196] {strides = array<i32>} : memref<128x64xf32, #tpu.memory_space<vmem>>, vector<16xf32>,
          tpu.vector_store %arg17[%swap3A, %swap3A_196], %get3A_195 {strides = array<i32>} : memref<128x64xf32, #tpu.memory_space<vmem>>, vector<16xf32>,
          %get3A_198 = arith.index_cast %scan3A_193 : i32 to index
          %get3A_199 = arith.constant 80 : index
          %get3A_200 = tpu.vector_load %arg15[%get3A_198, %get3A_199] {strides = array<i32>} : memref<128x128xf32, #tpu.memory_space<vmem>>, vector<16xf32>,
          %swap3A_201 = arith.index_cast %scan3A_193 : i32 to index
          %swap3A_202 = arith.constant 16 : index
          %swap3A_203 = tpu.vector_load %arg17[%swap3A_201, %swap3A_202] {strides = array<i32>} : memref<128x64xf32, #tpu.memory_space<vmem>>, vector<16xf32>,
          tpu.vector_store %arg17[%swap3A_201, %swap3A_202], %get3A_200 {strides = array<i32>} : memref<128x64xf32, #tpu.memory_space<vmem>>, vector<16xf32>,
          %get3A_204 = arith.index_cast %scan3A_193 : i32 to index
          %get3A_205 = arith.constant 96 : index
          %get3A_206 = tpu.vector_load %arg15[%get3A_204, %get3A_205] {strides = array<i32>} : memref<128x128xf32, #tpu.memory_space<vmem>>, vector<16xf32>,
          %swap3A_207 = arith.index_cast %scan3A_193 : i32 to index
          %swap3A_208 = arith.constant 32 : index
          %swap3A_209 = tpu.vector_load %arg17[%swap3A_207, %swap3A_208] {strides = array<i32>} : memref<128x64xf32, #tpu.memory_space<vmem>>, vector<16xf32>,
          tpu.vector_store %arg17[%swap3A_207, %swap3A_208], %get3A_206 {strides = array<i32>} : memref<128x64xf32, #tpu.memory_space<vmem>>, vector<16xf32>,
          %get3A_210 = arith.index_cast %scan3A_193 : i32 to index
          %get3A_211 = arith.constant 112 : index
          %get3A_212 = tpu.vector_load %arg15[%get3A_210, %get3A_211] {strides = array<i32>} : memref<128x128xf32, #tpu.memory_space<vmem>>, vector<16xf32>,
          %swap3A_213 = arith.index_cast %scan3A_193 : i32 to index
          %swap3A_214 = arith.constant 48 : index
          %swap3A_215 = tpu.vector_load %arg17[%swap3A_213, %swap3A_214] {strides = array<i32>} : memref<128x64xf32, #tpu.memory_space<vmem>>, vector<16xf32>,
          tpu.vector_store %arg17[%swap3A_213, %swap3A_214], %get3A_212 {strides = array<i32>} : memref<128x64xf32, #tpu.memory_space<vmem>>, vector<16xf32>,
        }
        %scan3A_156 = arith.constant 128 : i32
        %dma_start3A_157 = arith.constant 0 : i32
        %dma_start3A_158 = arith.constant 0 : i32
        %dma_start3A_159 = tpu.memref_slice %arg20[%dma_start3A_157, %dma_start3A_158] : memref<10240x64xf32, #tpu.memory_space<vmem_shared>> -> memref<10240x64xf32, #tpu.memory_space<vmem_shared>>
        tpu.enqueue_indirect_dma source(%arg17 : memref<128x64xf32, #tpu.memory_space<vmem>>) target(%dma_start3A_159 : memref<10240x64xf32, #tpu.memory_space<vmem_shared>>) offsets(%arg13 : memref<128xi32, #tpu.memory_space<vmem>>) semaphore(%arg26 : memref<!tpu.dma_semaphore, #tpu.memory_space<semaphore_mem>>) {add = true}
        %mul3A_160 = arith.constant 2 : i32
        %mul3A_161 = arith.muli %scan3A_77, %mul3A_160 : i32
        %add3A_162 = arith.constant 0 : i32
        %add3A_163 = arith.addi %mul3A_161, %add3A_162 : i32
        %dma_wait3A_164 = arith.constant 0 : i32
        %dma_wait3A_165 = arith.constant 0 : i32
        %dma_wait3A_166 = tpu.memref_slice %arg20[%dma_wait3A_164, %dma_wait3A_165] : memref<10240x64xf32, #tpu.memory_space<vmem_shared>> -> memref<128x64xf32, #tpu.memory_space<vmem_shared>>
        %dma_wait3A_167 = arith.constant 0 : i32
        %dma_wait3A_168 = arith.constant 0 : i32
        %dma_wait3A_169 = tpu.memref_slice %arg20[%dma_wait3A_167, %dma_wait3A_168] : memref<10240x64xf32, #tpu.memory_space<vmem_shared>> -> memref<128x64xf32, #tpu.memory_space<vmem_shared>>
        tpu.wait_dma2 semaphore(%arg25 : memref<!tpu.dma_semaphore, #tpu.memory_space<semaphore_mem>>) src(%arg16 : memref<128x64xf32, #tpu.memory_space<vmem>>) dst(%dma_wait3A_169 : memref<128x64xf32, #tpu.memory_space<vmem_shared>>)
        %add3A_170 = arith.constant 2 : i32
        %add3A_171 = arith.addi %add3A_163, %add3A_170 : i32
        %lt3A = arith.constant 160 : i32
        %lt3A_172 = arith.cmpi slt, %add3A_171, %lt3A : i32
        %convert_element_type3A_173 = arith.extui %lt3A_172 : i1 to i32
        %cond3A_174 = arith.constant 0 : i32
        %cond3A_175 = arith.cmpi ne, %convert_element_type3A_173, %cond3A_174 : i32
        scf.if %cond3A_175 {
          %add3A_193 = arith.constant 2 : i32
          %add3A_194 = arith.addi %add3A_163, %add3A_193 : i32
          %dma_start3A_195 = arith.constant 0 : i32
          %dma_start3A_196 = tpu.memref_slice %arg3[%arg1, %add3A_194, %dma_start3A_195] : memref<16x160x128xi32, #tpu.memory_space<hbm>> -> memref<1x1x128xi32, #tpu.memory_space<hbm>>
          %dma_start3A_197 = tpu.memref_squeeze %dma_start3A_196 : memref<1x1x128xi32, #tpu.memory_space<hbm>> -> memref<128xi32, #tpu.memory_space<hbm>>
          %dma_start3A_198 = arith.constant 0 : i32
          %dma_start3A_199 = tpu.memref_slice %arg3[%arg1, %add3A_194, %dma_start3A_198] : memref<16x160x128xi32, #tpu.memory_space<hbm>> -> memref<1x1x128xi32, #tpu.memory_space<hbm>>
          %dma_start3A_200 = tpu.memref_squeeze %dma_start3A_199 : memref<1x1x128xi32, #tpu.memory_space<hbm>> -> memref<128xi32, #tpu.memory_space<hbm>>
          tpu.enqueue_dma source(%dma_start3A_200 : memref<128xi32, #tpu.memory_space<hbm>>) target(%arg10 : memref<128xi32, #tpu.memory_space<vmem>>) target_semaphore(%arg21 : memref<!tpu.dma_semaphore, #tpu.memory_space<semaphore_mem>>)
          %dma_start3A_201 = arith.constant 0 : i32
          %dma_start3A_202 = tpu.memref_slice %arg2[%arg1, %add3A_194, %dma_start3A_201] : memref<16x160x128xi32, #tpu.memory_space<hbm>> -> memref<1x1x128xi32, #tpu.memory_space<hbm>>
          %dma_start3A_203 = tpu.memref_squeeze %dma_start3A_202 : memref<1x1x128xi32, #tpu.memory_space<hbm>> -> memref<128xi32, #tpu.memory_space<hbm>>
          %dma_start3A_204 = arith.constant 0 : i32
          %dma_start3A_205 = tpu.memref_slice %arg2[%arg1, %add3A_194, %dma_start3A_204] : memref<16x160x128xi32, #tpu.memory_space<hbm>> -> memref<1x1x128xi32, #tpu.memory_space<hbm>>
          %dma_start3A_206 = tpu.memref_squeeze %dma_start3A_205 : memref<1x1x128xi32, #tpu.memory_space<hbm>> -> memref<128xi32, #tpu.memory_space<hbm>>
          tpu.enqueue_dma source(%dma_start3A_206 : memref<128xi32, #tpu.memory_space<hbm>>) target(%arg12 : memref<128xi32, #tpu.memory_space<vmem>>) target_semaphore(%arg21 : memref<!tpu.dma_semaphore, #tpu.memory_space<semaphore_mem>>)
        } else {
        }
        %mul3A_176 = arith.constant 2 : i32
        %mul3A_177 = arith.muli %scan3A_77, %mul3A_176 : i32
        %add3A_178 = arith.constant 1 : i32
        %add3A_179 = arith.addi %mul3A_177, %add3A_178 : i32
        %dma_wait3A_180 = arith.constant 0 : i32
        %dma_wait3A_181 = arith.constant 0 : i32
        %dma_wait3A_182 = tpu.memref_slice %arg20[%dma_wait3A_180, %dma_wait3A_181] : memref<10240x64xf32, #tpu.memory_space<vmem_shared>> -> memref<128x64xf32, #tpu.memory_space<vmem_shared>>
        %dma_wait3A_183 = arith.constant 0 : i32
        %dma_wait3A_184 = arith.constant 0 : i32
        %dma_wait3A_185 = tpu.memref_slice %arg20[%dma_wait3A_183, %dma_wait3A_184] : memref<10240x64xf32, #tpu.memory_space<vmem_shared>> -> memref<128x64xf32, #tpu.memory_space<vmem_shared>>
        tpu.wait_dma2 semaphore(%arg26 : memref<!tpu.dma_semaphore, #tpu.memory_space<semaphore_mem>>) src(%arg17 : memref<128x64xf32, #tpu.memory_space<vmem>>) dst(%dma_wait3A_185 : memref<128x64xf32, #tpu.memory_space<vmem_shared>>)
        %add3A_186 = arith.constant 2 : i32
        %add3A_187 = arith.addi %add3A_179, %add3A_186 : i32
        %lt3A_188 = arith.constant 160 : i32
        %lt3A_189 = arith.cmpi slt, %add3A_187, %lt3A_188 : i32
        %convert_element_type3A_190 = arith.extui %lt3A_189 : i1 to i32
        %cond3A_191 = arith.constant 0 : i32
        %cond3A_192 = arith.cmpi ne, %convert_element_type3A_190, %cond3A_191 : i32
        scf.if %cond3A_192 {
          %add3A_193 = arith.constant 2 : i32
          %add3A_194 = arith.addi %add3A_179, %add3A_193 : i32
          %dma_start3A_195 = arith.constant 0 : i32
          %dma_start3A_196 = tpu.memref_slice %arg3[%arg1, %add3A_194, %dma_start3A_195] : memref<16x160x128xi32, #tpu.memory_space<hbm>> -> memref<1x1x128xi32, #tpu.memory_space<hbm>>
          %dma_start3A_197 = tpu.memref_squeeze %dma_start3A_196 : memref<1x1x128xi32, #tpu.memory_space<hbm>> -> memref<128xi32, #tpu.memory_space<hbm>>
          %dma_start3A_198 = arith.constant 0 : i32
          %dma_start3A_199 = tpu.memref_slice %arg3[%arg1, %add3A_194, %dma_start3A_198] : memref<16x160x128xi32, #tpu.memory_space<hbm>> -> memref<1x1x128xi32, #tpu.memory_space<hbm>>
          %dma_start3A_200 = tpu.memref_squeeze %dma_start3A_199 : memref<1x1x128xi32, #tpu.memory_space<hbm>> -> memref<128xi32, #tpu.memory_space<hbm>>
          tpu.enqueue_dma source(%dma_start3A_200 : memref<128xi32, #tpu.memory_space<hbm>>) target(%arg11 : memref<128xi32, #tpu.memory_space<vmem>>) target_semaphore(%arg22 : memref<!tpu.dma_semaphore, #tpu.memory_space<semaphore_mem>>)
          %dma_start3A_201 = arith.constant 0 : i32
          %dma_start3A_202 = tpu.memref_slice %arg2[%arg1, %add3A_194, %dma_start3A_201] : memref<16x160x128xi32, #tpu.memory_space<hbm>> -> memref<1x1x128xi32, #tpu.memory_space<hbm>>
          %dma_start3A_203 = tpu.memref_squeeze %dma_start3A_202 : memref<1x1x128xi32, #tpu.memory_space<hbm>> -> memref<128xi32, #tpu.memory_space<hbm>>
          %dma_start3A_204 = arith.constant 0 : i32
          %dma_start3A_205 = tpu.memref_slice %arg2[%arg1, %add3A_194, %dma_start3A_204] : memref<16x160x128xi32, #tpu.memory_space<hbm>> -> memref<1x1x128xi32, #tpu.memory_space<hbm>>
          %dma_start3A_206 = tpu.memref_squeeze %dma_start3A_205 : memref<1x1x128xi32, #tpu.memory_space<hbm>> -> memref<128xi32, #tpu.memory_space<hbm>>
          tpu.enqueue_dma source(%dma_start3A_206 : memref<128xi32, #tpu.memory_space<hbm>>) target(%arg13 : memref<128xi32, #tpu.memory_space<vmem>>) target_semaphore(%arg22 : memref<!tpu.dma_semaphore, #tpu.memory_space<semaphore_mem>>)
        } else {
        }
      }
      %scan3A_75 = arith.constant 80 : i32
      %barrier3A_76 = arith.constant 0 : index
      tpu.barrier barrier_id(%barrier3A_76)
      "tpu.region"() ({
        %run_scoped3A = tpu.sem_alloc : memref<!tpu.dma_semaphore, #tpu.memory_space<semaphore_mem>>
        %dma_start3A_77 = arith.constant 64 : i32
        %dma_start3A_78 = tpu.memref_slice %arg8[%mul3A_0, %dma_start3A_77] : memref<10240x128xf32, #tpu.memory_space<hbm>> -> memref<640x64xf32, #tpu.memory_space<hbm>>
        %dma_start3A_79 = arith.constant 0 : i32
        %dma_start3A_80 = tpu.memref_slice %arg20[%mul3A_0, %dma_start3A_79] : memref<10240x64xf32, #tpu.memory_space<vmem_shared>> -> memref<640x64xf32, #tpu.memory_space<vmem_shared>>
        tpu.enqueue_dma source(%dma_start3A_80 : memref<640x64xf32, #tpu.memory_space<vmem_shared>>) target(%dma_start3A_78 : memref<640x64xf32, #tpu.memory_space<hbm>>) target_semaphore(%run_scoped3A : memref<!tpu.dma_semaphore, #tpu.memory_space<semaphore_mem>>)
        %dma_wait3A = arith.constant 64 : i32
        %dma_wait3A_81 = tpu.memref_slice %arg8[%mul3A_0, %dma_wait3A] : memref<10240x128xf32, #tpu.memory_space<hbm>> -> memref<640x64xf32, #tpu.memory_space<hbm>>
        %dma_wait3A_82 = arith.constant 0 : i32
        %dma_wait3A_83 = tpu.memref_slice %arg20[%mul3A_0, %dma_wait3A_82] : memref<10240x64xf32, #tpu.memory_space<vmem_shared>> -> memref<640x64xf32, #tpu.memory_space<vmem_shared>>
        tpu.wait_dma2 semaphore(%run_scoped3A : memref<!tpu.dma_semaphore, #tpu.memory_space<semaphore_mem>>) src(%dma_wait3A_83 : memref<640x64xf32, #tpu.memory_space<vmem_shared>>) dst(%dma_wait3A_81 : memref<640x64xf32, #tpu.memory_space<hbm>>)
        tpu.yield
      }) : () -> ()
    } else {
    }
    %eq3A_3 = arith.constant 1 : i32
    %eq3A_4 = arith.cmpi eq, %arg0, %eq3A_3 : i32
    %convert_element_type3A_5 = arith.extui %eq3A_4 : i1 to i32
    %cond3A_6 = arith.constant 0 : i32
    %cond3A_7 = arith.cmpi ne, %convert_element_type3A_5, %cond3A_6 : i32
    scf.if %cond3A_7 {
      %dma_start3A = arith.constant 0 : i32
      %dma_start3A_8 = arith.constant 0 : i32
      %dma_start3A_9 = tpu.memref_slice %arg2[%arg1, %dma_start3A, %dma_start3A_8] : memref<16x160x128xi32, #tpu.memory_space<hbm>> -> memref<1x1x128xi32, #tpu.memory_space<hbm>>
      %dma_start3A_10 = tpu.memref_squeeze %dma_start3A_9 : memref<1x1x128xi32, #tpu.memory_space<hbm>> -> memref<128xi32, #tpu.memory_space<hbm>>
      %dma_start3A_11 = arith.constant 0 : i32
      %dma_start3A_12 = tpu.memref_slice %arg2[%arg1, %dma_start3A, %dma_start3A_11] : memref<16x160x128xi32, #tpu.memory_space<hbm>> -> memref<1x1x128xi32, #tpu.memory_space<hbm>>
      %dma_start3A_13 = tpu.memref_squeeze %dma_start3A_12 : memref<1x1x128xi32, #tpu.memory_space<hbm>> -> memref<128xi32, #tpu.memory_space<hbm>>
      tpu.enqueue_dma source(%dma_start3A_13 : memref<128xi32, #tpu.memory_space<hbm>>) target(%arg10 : memref<128xi32, #tpu.memory_space<vmem>>) target_semaphore(%arg21 : memref<!tpu.dma_semaphore, #tpu.memory_space<semaphore_mem>>)
      %dma_start3A_14 = arith.constant 0 : i32
      %dma_start3A_15 = arith.constant 0 : i32
      %dma_start3A_16 = tpu.memref_slice %arg3[%arg1, %dma_start3A_14, %dma_start3A_15] : memref<16x160x128xi32, #tpu.memory_space<hbm>> -> memref<1x1x128xi32, #tpu.memory_space<hbm>>
      %dma_start3A_17 = tpu.memref_squeeze %dma_start3A_16 : memref<1x1x128xi32, #tpu.memory_space<hbm>> -> memref<128xi32, #tpu.memory_space<hbm>>
      %dma_start3A_18 = arith.constant 0 : i32
      %dma_start3A_19 = tpu.memref_slice %arg3[%arg1, %dma_start3A_14, %dma_start3A_18] : memref<16x160x128xi32, #tpu.memory_space<hbm>> -> memref<1x1x128xi32, #tpu.memory_space<hbm>>
      %dma_start3A_20 = tpu.memref_squeeze %dma_start3A_19 : memref<1x1x128xi32, #tpu.memory_space<hbm>> -> memref<128xi32, #tpu.memory_space<hbm>>
      tpu.enqueue_dma source(%dma_start3A_20 : memref<128xi32, #tpu.memory_space<hbm>>) target(%arg12 : memref<128xi32, #tpu.memory_space<vmem>>) target_semaphore(%arg21 : memref<!tpu.dma_semaphore, #tpu.memory_space<semaphore_mem>>)
      %dma_start3A_21 = arith.constant 1 : i32
      %dma_start3A_22 = arith.constant 0 : i32
      %dma_start3A_23 = tpu.memref_slice %arg2[%arg1, %dma_start3A_21, %dma_start3A_22] : memref<16x160x128xi32, #tpu.memory_space<hbm>> -> memref<1x1x128xi32, #tpu.memory_space<hbm>>
      %dma_start3A_24 = tpu.memref_squeeze %dma_start3A_23 : memref<1x1x128xi32, #tpu.memory_space<hbm>> -> memref<128xi32, #tpu.memory_space<hbm>>
      %dma_start3A_25 = arith.constant 0 : i32
      %dma_start3A_26 = tpu.memref_slice %arg2[%arg1, %dma_start3A_21, %dma_start3A_25] : memref<16x160x128xi32, #tpu.memory_space<hbm>> -> memref<1x1x128xi32, #tpu.memory_space<hbm>>
      %dma_start3A_27 = tpu.memref_squeeze %dma_start3A_26 : memref<1x1x128xi32, #tpu.memory_space<hbm>> -> memref<128xi32, #tpu.memory_space<hbm>>
      tpu.enqueue_dma source(%dma_start3A_27 : memref<128xi32, #tpu.memory_space<hbm>>) target(%arg11 : memref<128xi32, #tpu.memory_space<vmem>>) target_semaphore(%arg22 : memref<!tpu.dma_semaphore, #tpu.memory_space<semaphore_mem>>)
      %dma_start3A_28 = arith.constant 1 : i32
      %dma_start3A_29 = arith.constant 0 : i32
      %dma_start3A_30 = tpu.memref_slice %arg3[%arg1, %dma_start3A_28, %dma_start3A_29] : memref<16x160x128xi32, #tpu.memory_space<hbm>> -> memref<1x1x128xi32, #tpu.memory_space<hbm>>
      %dma_start3A_31 = tpu.memref_squeeze %dma_start3A_30 : memref<1x1x128xi32, #tpu.memory_space<hbm>> -> memref<128xi32, #tpu.memory_space<hbm>>
      %dma_start3A_32 = arith.constant 0 : i32
      %dma_start3A_33 = tpu.memref_slice %arg3[%arg1, %dma_start3A_28, %dma_start3A_32] : memref<16x160x128xi32, #tpu.memory_space<hbm>> -> memref<1x1x128xi32, #tpu.memory_space<hbm>>
      %dma_start3A_34 = tpu.memref_squeeze %dma_start3A_33 : memref<1x1x128xi32, #tpu.memory_space<hbm>> -> memref<128xi32, #tpu.memory_space<hbm>>
      tpu.enqueue_dma source(%dma_start3A_34 : memref<128xi32, #tpu.memory_space<hbm>>) target(%arg13 : memref<128xi32, #tpu.memory_space<vmem>>) target_semaphore(%arg22 : memref<!tpu.dma_semaphore, #tpu.memory_space<semaphore_mem>>)
      %scan3A = arith.constant 0 : i32
      %scan3A_35 = arith.constant 0 : i32
      %scan3A_36 = arith.constant 80 : i32
      %scan3A_37 = arith.addi %scan3A_35, %scan3A_36 : i32
      %scan3A_38 = arith.constant 1 : i32
      scf.for %scan3A_77 = %scan3A_35 to %scan3A_37 step %scan3A_38  : i32 {
        %mul3A_78 = arith.constant 2 : i32
        %mul3A_79 = arith.muli %scan3A_77, %mul3A_78 : i32
        %add3A = arith.constant 0 : i32
        %add3A_80 = arith.addi %mul3A_79, %add3A : i32
        %dma_wait3A = arith.constant 0 : i32
        %dma_wait3A_81 = arith.constant 0 : i32
        %dma_wait3A_82 = arith.constant 0 : i32
        %dma_wait3A_83 = tpu.memref_slice %arg2[%dma_wait3A, %dma_wait3A_81, %dma_wait3A_82] : memref<16x160x128xi32, #tpu.memory_space<hbm>> -> memref<1x1x128xi32, #tpu.memory_space<hbm>>
        %dma_wait3A_84 = tpu.memref_squeeze %dma_wait3A_83 : memref<1x1x128xi32, #tpu.memory_space<hbm>> -> memref<128xi32, #tpu.memory_space<hbm>>
        %dma_wait3A_85 = arith.constant 0 : i32
        %dma_wait3A_86 = tpu.memref_slice %arg2[%dma_wait3A, %dma_wait3A_81, %dma_wait3A_85] : memref<16x160x128xi32, #tpu.memory_space<hbm>> -> memref<1x1x128xi32, #tpu.memory_space<hbm>>
        %dma_wait3A_87 = tpu.memref_squeeze %dma_wait3A_86 : memref<1x1x128xi32, #tpu.memory_space<hbm>> -> memref<128xi32, #tpu.memory_space<hbm>>
        tpu.wait_dma2 semaphore(%arg21 : memref<!tpu.dma_semaphore, #tpu.memory_space<semaphore_mem>>) src(%dma_wait3A_87 : memref<128xi32, #tpu.memory_space<hbm>>) dst(%arg10 : memref<128xi32, #tpu.memory_space<vmem>>)
        %dma_wait3A_88 = arith.constant 0 : i32
        %dma_wait3A_89 = arith.constant 0 : i32
        %dma_wait3A_90 = arith.constant 0 : i32
        %dma_wait3A_91 = tpu.memref_slice %arg2[%dma_wait3A_88, %dma_wait3A_89, %dma_wait3A_90] : memref<16x160x128xi32, #tpu.memory_space<hbm>> -> memref<1x1x128xi32, #tpu.memory_space<hbm>>
        %dma_wait3A_92 = tpu.memref_squeeze %dma_wait3A_91 : memref<1x1x128xi32, #tpu.memory_space<hbm>> -> memref<128xi32, #tpu.memory_space<hbm>>
        %dma_wait3A_93 = arith.constant 0 : i32
        %dma_wait3A_94 = tpu.memref_slice %arg2[%dma_wait3A_88, %dma_wait3A_89, %dma_wait3A_93] : memref<16x160x128xi32, #tpu.memory_space<hbm>> -> memref<1x1x128xi32, #tpu.memory_space<hbm>>
        %dma_wait3A_95 = tpu.memref_squeeze %dma_wait3A_94 : memref<1x1x128xi32, #tpu.memory_space<hbm>> -> memref<128xi32, #tpu.memory_space<hbm>>
        tpu.wait_dma2 semaphore(%arg21 : memref<!tpu.dma_semaphore, #tpu.memory_space<semaphore_mem>>) src(%dma_wait3A_95 : memref<128xi32, #tpu.memory_space<hbm>>) dst(%arg12 : memref<128xi32, #tpu.memory_space<vmem>>)
        %dma_start3A_96 = arith.constant 0 : i32
        %dma_start3A_97 = arith.constant 0 : i32
        %dma_start3A_98 = tpu.memref_slice %arg5[%dma_start3A_96, %dma_start3A_97] : memref<10240x128xf32, #tpu.memory_space<hbm>> -> memref<10240x128xf32, #tpu.memory_space<hbm>>
        tpu.enqueue_indirect_dma source(%dma_start3A_98 : memref<10240x128xf32, #tpu.memory_space<hbm>>) target(%arg14 : memref<128x128xf32, #tpu.memory_space<vmem>>) offsets(%arg10 : memref<128xi32, #tpu.memory_space<vmem>>) semaphore(%arg23 : memref<!tpu.dma_semaphore, #tpu.memory_space<semaphore_mem>>)
        %mul3A_99 = arith.constant 160 : i32
        %mul3A_100 = arith.muli %arg1, %mul3A_99 : i32
        %add3A_101 = arith.addi %mul3A_100, %add3A_80 : i32
        %mul3A_102 = arith.constant 128 : i32
        %mul3A_103 = arith.muli %add3A_101, %mul3A_102 : i32
        %mul3A_104 = arith.constant 4 : i32
        %mul3A_105 = arith.muli %mul3A_103, %mul3A_104 : i32
        %dma_start3A_106 = tpu.memref_slice %arg6[%mul3A_105] : memref<1310720xf32, #tpu.memory_space<hbm>> -> memref<512xf32, #tpu.memory_space<hbm>>
        %dma_start3A_107 = tpu.memref_slice %arg6[%mul3A_105] : memref<1310720xf32, #tpu.memory_space<hbm>> -> memref<512xf32, #tpu.memory_space<hbm>>
        tpu.enqueue_dma source(%dma_start3A_107 : memref<512xf32, #tpu.memory_space<hbm>>) target(%arg18 : memref<512xf32, #tpu.memory_space<vmem>>) target_semaphore(%arg23 : memref<!tpu.dma_semaphore, #tpu.memory_space<semaphore_mem>>)
        %mul3A_108 = arith.constant 2 : i32
        %mul3A_109 = arith.muli %scan3A_77, %mul3A_108 : i32
        %add3A_110 = arith.constant 1 : i32
        %add3A_111 = arith.addi %mul3A_109, %add3A_110 : i32
        %dma_wait3A_112 = arith.constant 0 : i32
        %dma_wait3A_113 = arith.constant 0 : i32
        %dma_wait3A_114 = arith.constant 0 : i32
        %dma_wait3A_115 = tpu.memref_slice %arg2[%dma_wait3A_112, %dma_wait3A_113, %dma_wait3A_114] : memref<16x160x128xi32, #tpu.memory_space<hbm>> -> memref<1x1x128xi32, #tpu.memory_space<hbm>>
        %dma_wait3A_116 = tpu.memref_squeeze %dma_wait3A_115 : memref<1x1x128xi32, #tpu.memory_space<hbm>> -> memref<128xi32, #tpu.memory_space<hbm>>
        %dma_wait3A_117 = arith.constant 0 : i32
        %dma_wait3A_118 = tpu.memref_slice %arg2[%dma_wait3A_112, %dma_wait3A_113, %dma_wait3A_117] : memref<16x160x128xi32, #tpu.memory_space<hbm>> -> memref<1x1x128xi32, #tpu.memory_space<hbm>>
        %dma_wait3A_119 = tpu.memref_squeeze %dma_wait3A_118 : memref<1x1x128xi32, #tpu.memory_space<hbm>> -> memref<128xi32, #tpu.memory_space<hbm>>
        tpu.wait_dma2 semaphore(%arg22 : memref<!tpu.dma_semaphore, #tpu.memory_space<semaphore_mem>>) src(%dma_wait3A_119 : memref<128xi32, #tpu.memory_space<hbm>>) dst(%arg11 : memref<128xi32, #tpu.memory_space<vmem>>)
        %dma_wait3A_120 = arith.constant 0 : i32
        %dma_wait3A_121 = arith.constant 0 : i32
        %dma_wait3A_122 = arith.constant 0 : i32
        %dma_wait3A_123 = tpu.memref_slice %arg2[%dma_wait3A_120, %dma_wait3A_121, %dma_wait3A_122] : memref<16x160x128xi32, #tpu.memory_space<hbm>> -> memref<1x1x128xi32, #tpu.memory_space<hbm>>
        %dma_wait3A_124 = tpu.memref_squeeze %dma_wait3A_123 : memref<1x1x128xi32, #tpu.memory_space<hbm>> -> memref<128xi32, #tpu.memory_space<hbm>>
        %dma_wait3A_125 = arith.constant 0 : i32
        %dma_wait3A_126 = tpu.memref_slice %arg2[%dma_wait3A_120, %dma_wait3A_121, %dma_wait3A_125] : memref<16x160x128xi32, #tpu.memory_space<hbm>> -> memref<1x1x128xi32, #tpu.memory_space<hbm>>
        %dma_wait3A_127 = tpu.memref_squeeze %dma_wait3A_126 : memref<1x1x128xi32, #tpu.memory_space<hbm>> -> memref<128xi32, #tpu.memory_space<hbm>>
        tpu.wait_dma2 semaphore(%arg22 : memref<!tpu.dma_semaphore, #tpu.memory_space<semaphore_mem>>) src(%dma_wait3A_127 : memref<128xi32, #tpu.memory_space<hbm>>) dst(%arg13 : memref<128xi32, #tpu.memory_space<vmem>>)
        %dma_start3A_128 = arith.constant 0 : i32
        %dma_start3A_129 = arith.constant 0 : i32
        %dma_start3A_130 = tpu.memref_slice %arg5[%dma_start3A_128, %dma_start3A_129] : memref<10240x128xf32, #tpu.memory_space<hbm>> -> memref<10240x128xf32, #tpu.memory_space<hbm>>
        tpu.enqueue_indirect_dma source(%dma_start3A_130 : memref<10240x128xf32, #tpu.memory_space<hbm>>) target(%arg15 : memref<128x128xf32, #tpu.memory_space<vmem>>) offsets(%arg11 : memref<128xi32, #tpu.memory_space<vmem>>) semaphore(%arg24 : memref<!tpu.dma_semaphore, #tpu.memory_space<semaphore_mem>>)
        %mul3A_131 = arith.constant 160 : i32
        %mul3A_132 = arith.muli %arg1, %mul3A_131 : i32
        %add3A_133 = arith.addi %mul3A_132, %add3A_111 : i32
        %mul3A_134 = arith.constant 128 : i32
        %mul3A_135 = arith.muli %add3A_133, %mul3A_134 : i32
        %mul3A_136 = arith.constant 4 : i32
        %mul3A_137 = arith.muli %mul3A_135, %mul3A_136 : i32
        %dma_start3A_138 = tpu.memref_slice %arg6[%mul3A_137] : memref<1310720xf32, #tpu.memory_space<hbm>> -> memref<512xf32, #tpu.memory_space<hbm>>
        %dma_start3A_139 = tpu.memref_slice %arg6[%mul3A_137] : memref<1310720xf32, #tpu.memory_space<hbm>> -> memref<512xf32, #tpu.memory_space<hbm>>
        tpu.enqueue_dma source(%dma_start3A_139 : memref<512xf32, #tpu.memory_space<hbm>>) target(%arg19 : memref<512xf32, #tpu.memory_space<vmem>>) target_semaphore(%arg24 : memref<!tpu.dma_semaphore, #tpu.memory_space<semaphore_mem>>)
        %mul3A_140 = arith.constant 2 : i32
        %mul3A_141 = arith.muli %scan3A_77, %mul3A_140 : i32
        %add3A_142 = arith.constant 0 : i32
        %add3A_143 = arith.addi %mul3A_141, %add3A_142 : i32
        %dma_wait3A_144 = arith.constant 0 : i32
        %dma_wait3A_145 = arith.constant 0 : i32
        %dma_wait3A_146 = tpu.memref_slice %arg5[%dma_wait3A_144, %dma_wait3A_145] : memref<10240x128xf32, #tpu.memory_space<hbm>> -> memref<128x128xf32, #tpu.memory_space<hbm>>
        %dma_wait3A_147 = arith.constant 0 : i32
        %dma_wait3A_148 = arith.constant 0 : i32
        %dma_wait3A_149 = tpu.memref_slice %arg5[%dma_wait3A_147, %dma_wait3A_148] : memref<10240x128xf32, #tpu.memory_space<hbm>> -> memref<128x128xf32, #tpu.memory_space<hbm>>
        tpu.wait_dma2 semaphore(%arg23 : memref<!tpu.dma_semaphore, #tpu.memory_space<semaphore_mem>>) src(%dma_wait3A_149 : memref<128x128xf32, #tpu.memory_space<hbm>>) dst(%arg14 : memref<128x128xf32, #tpu.memory_space<vmem>>)
        %dma_wait3A_150 = arith.constant 0 : i32
        %dma_wait3A_151 = tpu.memref_slice %arg6[%dma_wait3A_150] : memref<1310720xf32, #tpu.memory_space<hbm>> -> memref<512xf32, #tpu.memory_space<hbm>>
        %dma_wait3A_152 = arith.constant 0 : i32
        %dma_wait3A_153 = tpu.memref_slice %arg6[%dma_wait3A_152] : memref<1310720xf32, #tpu.memory_space<hbm>> -> memref<512xf32, #tpu.memory_space<hbm>>
        tpu.wait_dma2 semaphore(%arg23 : memref<!tpu.dma_semaphore, #tpu.memory_space<semaphore_mem>>) src(%dma_wait3A_153 : memref<512xf32, #tpu.memory_space<hbm>>) dst(%arg18 : memref<512xf32, #tpu.memory_space<vmem>>)
        %scan3A_154 = arith.constant 0 : i32
        %scan3A_155 = arith.constant 0 : i32
        %scan3A_156 = arith.constant 32 : i32
        %scan3A_157 = arith.addi %scan3A_155, %scan3A_156 : i32
        %scan3A_158 = arith.constant 1 : i32
        scf.for %scan3A_219 = %scan3A_155 to %scan3A_157 step %scan3A_158  : i32 {
          %mul3A_220 = arith.constant 16 : i32
          %mul3A_221 = arith.muli %scan3A_219, %mul3A_220 : i32
          %get3A = arith.index_cast %mul3A_221 : i32 to index
          %get3A_222 = tpu.vector_load %arg18[%get3A] {strides = array<i32>} : memref<512xf32, #tpu.memory_space<vmem>>, vector<16xf32>,
          %mul3A_223 = arith.constant 4 : i32
          %mul3A_224 = arith.muli %scan3A_219, %mul3A_223 : i32
          %add3A_225 = arith.constant 0 : i32
          %add3A_226 = arith.addi %mul3A_224, %add3A_225 : i32
          %slice3A = vector.extract_strided_slice %get3A_222 {offsets = [0], sizes = [1], strides = [1]} : vector<16xf32> to vector<1xf32>
          %squeeze3A = vector.extract %slice3A[0] : f32 from vector<1xf32>
          %get3A_227 = arith.index_cast %add3A_226 : i32 to index
          %get3A_228 = arith.constant 0 : index
          %get3A_229 = tpu.vector_load %arg14[%get3A_227, %get3A_228] {strides = array<i32>} : memref<128x128xf32, #tpu.memory_space<vmem>>, vector<16xf32>,
          %mul3A_230 = vector.broadcast %squeeze3A : f32 to vector<16xf32>
          %mul3A_231 = arith.mulf %get3A_229, %mul3A_230 : vector<16xf32>
          %swap3A = arith.index_cast %add3A_226 : i32 to index
          %swap3A_232 = arith.constant 0 : index
          %swap3A_233 = tpu.vector_load %arg16[%swap3A, %swap3A_232] {strides = array<i32>} : memref<128x64xf32, #tpu.memory_space<vmem>>, vector<16xf32>,
          tpu.vector_store %arg16[%swap3A, %swap3A_232], %mul3A_231 {strides = array<i32>} : memref<128x64xf32, #tpu.memory_space<vmem>>, vector<16xf32>,
          %get3A_234 = arith.index_cast %add3A_226 : i32 to index
          %get3A_235 = arith.constant 16 : index
          %get3A_236 = tpu.vector_load %arg14[%get3A_234, %get3A_235] {strides = array<i32>} : memref<128x128xf32, #tpu.memory_space<vmem>>, vector<16xf32>,
          %mul3A_237 = vector.broadcast %squeeze3A : f32 to vector<16xf32>
          %mul3A_238 = arith.mulf %get3A_236, %mul3A_237 : vector<16xf32>
          %swap3A_239 = arith.index_cast %add3A_226 : i32 to index
          %swap3A_240 = arith.constant 16 : index
          %swap3A_241 = tpu.vector_load %arg16[%swap3A_239, %swap3A_240] {strides = array<i32>} : memref<128x64xf32, #tpu.memory_space<vmem>>, vector<16xf32>,
          tpu.vector_store %arg16[%swap3A_239, %swap3A_240], %mul3A_238 {strides = array<i32>} : memref<128x64xf32, #tpu.memory_space<vmem>>, vector<16xf32>,
          %slice3A_242 = vector.extract_strided_slice %get3A_222 {offsets = [1], sizes = [1], strides = [1]} : vector<16xf32> to vector<1xf32>
          %squeeze3A_243 = vector.extract %slice3A_242[0] : f32 from vector<1xf32>
          %get3A_244 = arith.index_cast %add3A_226 : i32 to index
          %get3A_245 = arith.constant 32 : index
          %get3A_246 = tpu.vector_load %arg14[%get3A_244, %get3A_245] {strides = array<i32>} : memref<128x128xf32, #tpu.memory_space<vmem>>, vector<16xf32>,
          %mul3A_247 = vector.broadcast %squeeze3A_243 : f32 to vector<16xf32>
          %mul3A_248 = arith.mulf %get3A_246, %mul3A_247 : vector<16xf32>
          %swap3A_249 = arith.index_cast %add3A_226 : i32 to index
          %swap3A_250 = arith.constant 32 : index
          %swap3A_251 = tpu.vector_load %arg16[%swap3A_249, %swap3A_250] {strides = array<i32>} : memref<128x64xf32, #tpu.memory_space<vmem>>, vector<16xf32>,
          tpu.vector_store %arg16[%swap3A_249, %swap3A_250], %mul3A_248 {strides = array<i32>} : memref<128x64xf32, #tpu.memory_space<vmem>>, vector<16xf32>,
          %get3A_252 = arith.index_cast %add3A_226 : i32 to index
          %get3A_253 = arith.constant 48 : index
          %get3A_254 = tpu.vector_load %arg14[%get3A_252, %get3A_253] {strides = array<i32>} : memref<128x128xf32, #tpu.memory_space<vmem>>, vector<16xf32>,
          %mul3A_255 = vector.broadcast %squeeze3A_243 : f32 to vector<16xf32>
          %mul3A_256 = arith.mulf %get3A_254, %mul3A_255 : vector<16xf32>
          %swap3A_257 = arith.index_cast %add3A_226 : i32 to index
          %swap3A_258 = arith.constant 48 : index
          %swap3A_259 = tpu.vector_load %arg16[%swap3A_257, %swap3A_258] {strides = array<i32>} : memref<128x64xf32, #tpu.memory_space<vmem>>, vector<16xf32>,
          tpu.vector_store %arg16[%swap3A_257, %swap3A_258], %mul3A_256 {strides = array<i32>} : memref<128x64xf32, #tpu.memory_space<vmem>>, vector<16xf32>,
          %mul3A_260 = arith.constant 4 : i32
          %mul3A_261 = arith.muli %scan3A_219, %mul3A_260 : i32
          %add3A_262 = arith.constant 1 : i32
          %add3A_263 = arith.addi %mul3A_261, %add3A_262 : i32
          %slice3A_264 = vector.extract_strided_slice %get3A_222 {offsets = [4], sizes = [1], strides = [1]} : vector<16xf32> to vector<1xf32>
          %squeeze3A_265 = vector.extract %slice3A_264[0] : f32 from vector<1xf32>
          %get3A_266 = arith.index_cast %add3A_263 : i32 to index
          %get3A_267 = arith.constant 0 : index
          %get3A_268 = tpu.vector_load %arg14[%get3A_266, %get3A_267] {strides = array<i32>} : memref<128x128xf32, #tpu.memory_space<vmem>>, vector<16xf32>,
          %mul3A_269 = vector.broadcast %squeeze3A_265 : f32 to vector<16xf32>
          %mul3A_270 = arith.mulf %get3A_268, %mul3A_269 : vector<16xf32>
          %swap3A_271 = arith.index_cast %add3A_263 : i32 to index
          %swap3A_272 = arith.constant 0 : index
          %swap3A_273 = tpu.vector_load %arg16[%swap3A_271, %swap3A_272] {strides = array<i32>} : memref<128x64xf32, #tpu.memory_space<vmem>>, vector<16xf32>,
          tpu.vector_store %arg16[%swap3A_271, %swap3A_272], %mul3A_270 {strides = array<i32>} : memref<128x64xf32, #tpu.memory_space<vmem>>, vector<16xf32>,
          %get3A_274 = arith.index_cast %add3A_263 : i32 to index
          %get3A_275 = arith.constant 16 : index
          %get3A_276 = tpu.vector_load %arg14[%get3A_274, %get3A_275] {strides = array<i32>} : memref<128x128xf32, #tpu.memory_space<vmem>>, vector<16xf32>,
          %mul3A_277 = vector.broadcast %squeeze3A_265 : f32 to vector<16xf32>
          %mul3A_278 = arith.mulf %get3A_276, %mul3A_277 : vector<16xf32>
          %swap3A_279 = arith.index_cast %add3A_263 : i32 to index
          %swap3A_280 = arith.constant 16 : index
          %swap3A_281 = tpu.vector_load %arg16[%swap3A_279, %swap3A_280] {strides = array<i32>} : memref<128x64xf32, #tpu.memory_space<vmem>>, vector<16xf32>,
          tpu.vector_store %arg16[%swap3A_279, %swap3A_280], %mul3A_278 {strides = array<i32>} : memref<128x64xf32, #tpu.memory_space<vmem>>, vector<16xf32>,
          %slice3A_282 = vector.extract_strided_slice %get3A_222 {offsets = [5], sizes = [1], strides = [1]} : vector<16xf32> to vector<1xf32>
          %squeeze3A_283 = vector.extract %slice3A_282[0] : f32 from vector<1xf32>
          %get3A_284 = arith.index_cast %add3A_263 : i32 to index
          %get3A_285 = arith.constant 32 : index
          %get3A_286 = tpu.vector_load %arg14[%get3A_284, %get3A_285] {strides = array<i32>} : memref<128x128xf32, #tpu.memory_space<vmem>>, vector<16xf32>,
          %mul3A_287 = vector.broadcast %squeeze3A_283 : f32 to vector<16xf32>
          %mul3A_288 = arith.mulf %get3A_286, %mul3A_287 : vector<16xf32>
          %swap3A_289 = arith.index_cast %add3A_263 : i32 to index
          %swap3A_290 = arith.constant 32 : index
          %swap3A_291 = tpu.vector_load %arg16[%swap3A_289, %swap3A_290] {strides = array<i32>} : memref<128x64xf32, #tpu.memory_space<vmem>>, vector<16xf32>,
          tpu.vector_store %arg16[%swap3A_289, %swap3A_290], %mul3A_288 {strides = array<i32>} : memref<128x64xf32, #tpu.memory_space<vmem>>, vector<16xf32>,
          %get3A_292 = arith.index_cast %add3A_263 : i32 to index
          %get3A_293 = arith.constant 48 : index
          %get3A_294 = tpu.vector_load %arg14[%get3A_292, %get3A_293] {strides = array<i32>} : memref<128x128xf32, #tpu.memory_space<vmem>>, vector<16xf32>,
          %mul3A_295 = vector.broadcast %squeeze3A_283 : f32 to vector<16xf32>
          %mul3A_296 = arith.mulf %get3A_294, %mul3A_295 : vector<16xf32>
          %swap3A_297 = arith.index_cast %add3A_263 : i32 to index
          %swap3A_298 = arith.constant 48 : index
          %swap3A_299 = tpu.vector_load %arg16[%swap3A_297, %swap3A_298] {strides = array<i32>} : memref<128x64xf32, #tpu.memory_space<vmem>>, vector<16xf32>,
          tpu.vector_store %arg16[%swap3A_297, %swap3A_298], %mul3A_296 {strides = array<i32>} : memref<128x64xf32, #tpu.memory_space<vmem>>, vector<16xf32>,
          %mul3A_300 = arith.constant 4 : i32
          %mul3A_301 = arith.muli %scan3A_219, %mul3A_300 : i32
          %add3A_302 = arith.constant 2 : i32
          %add3A_303 = arith.addi %mul3A_301, %add3A_302 : i32
          %slice3A_304 = vector.extract_strided_slice %get3A_222 {offsets = [8], sizes = [1], strides = [1]} : vector<16xf32> to vector<1xf32>
          %squeeze3A_305 = vector.extract %slice3A_304[0] : f32 from vector<1xf32>
          %get3A_306 = arith.index_cast %add3A_303 : i32 to index
          %get3A_307 = arith.constant 0 : index
          %get3A_308 = tpu.vector_load %arg14[%get3A_306, %get3A_307] {strides = array<i32>} : memref<128x128xf32, #tpu.memory_space<vmem>>, vector<16xf32>,
          %mul3A_309 = vector.broadcast %squeeze3A_305 : f32 to vector<16xf32>
          %mul3A_310 = arith.mulf %get3A_308, %mul3A_309 : vector<16xf32>
          %swap3A_311 = arith.index_cast %add3A_303 : i32 to index
          %swap3A_312 = arith.constant 0 : index
          %swap3A_313 = tpu.vector_load %arg16[%swap3A_311, %swap3A_312] {strides = array<i32>} : memref<128x64xf32, #tpu.memory_space<vmem>>, vector<16xf32>,
          tpu.vector_store %arg16[%swap3A_311, %swap3A_312], %mul3A_310 {strides = array<i32>} : memref<128x64xf32, #tpu.memory_space<vmem>>, vector<16xf32>,
          %get3A_314 = arith.index_cast %add3A_303 : i32 to index
          %get3A_315 = arith.constant 16 : index
          %get3A_316 = tpu.vector_load %arg14[%get3A_314, %get3A_315] {strides = array<i32>} : memref<128x128xf32, #tpu.memory_space<vmem>>, vector<16xf32>,
          %mul3A_317 = vector.broadcast %squeeze3A_305 : f32 to vector<16xf32>
          %mul3A_318 = arith.mulf %get3A_316, %mul3A_317 : vector<16xf32>
          %swap3A_319 = arith.index_cast %add3A_303 : i32 to index
          %swap3A_320 = arith.constant 16 : index
          %swap3A_321 = tpu.vector_load %arg16[%swap3A_319, %swap3A_320] {strides = array<i32>} : memref<128x64xf32, #tpu.memory_space<vmem>>, vector<16xf32>,
          tpu.vector_store %arg16[%swap3A_319, %swap3A_320], %mul3A_318 {strides = array<i32>} : memref<128x64xf32, #tpu.memory_space<vmem>>, vector<16xf32>,
          %slice3A_322 = vector.extract_strided_slice %get3A_222 {offsets = [9], sizes = [1], strides = [1]} : vector<16xf32> to vector<1xf32>
          %squeeze3A_323 = vector.extract %slice3A_322[0] : f32 from vector<1xf32>
          %get3A_324 = arith.index_cast %add3A_303 : i32 to index
          %get3A_325 = arith.constant 32 : index
          %get3A_326 = tpu.vector_load %arg14[%get3A_324, %get3A_325] {strides = array<i32>} : memref<128x128xf32, #tpu.memory_space<vmem>>, vector<16xf32>,
          %mul3A_327 = vector.broadcast %squeeze3A_323 : f32 to vector<16xf32>
          %mul3A_328 = arith.mulf %get3A_326, %mul3A_327 : vector<16xf32>
          %swap3A_329 = arith.index_cast %add3A_303 : i32 to index
          %swap3A_330 = arith.constant 32 : index
          %swap3A_331 = tpu.vector_load %arg16[%swap3A_329, %swap3A_330] {strides = array<i32>} : memref<128x64xf32, #tpu.memory_space<vmem>>, vector<16xf32>,
          tpu.vector_store %arg16[%swap3A_329, %swap3A_330], %mul3A_328 {strides = array<i32>} : memref<128x64xf32, #tpu.memory_space<vmem>>, vector<16xf32>,
          %get3A_332 = arith.index_cast %add3A_303 : i32 to index
          %get3A_333 = arith.constant 48 : index
          %get3A_334 = tpu.vector_load %arg14[%get3A_332, %get3A_333] {strides = array<i32>} : memref<128x128xf32, #tpu.memory_space<vmem>>, vector<16xf32>,
          %mul3A_335 = vector.broadcast %squeeze3A_323 : f32 to vector<16xf32>
          %mul3A_336 = arith.mulf %get3A_334, %mul3A_335 : vector<16xf32>
          %swap3A_337 = arith.index_cast %add3A_303 : i32 to index
          %swap3A_338 = arith.constant 48 : index
          %swap3A_339 = tpu.vector_load %arg16[%swap3A_337, %swap3A_338] {strides = array<i32>} : memref<128x64xf32, #tpu.memory_space<vmem>>, vector<16xf32>,
          tpu.vector_store %arg16[%swap3A_337, %swap3A_338], %mul3A_336 {strides = array<i32>} : memref<128x64xf32, #tpu.memory_space<vmem>>, vector<16xf32>,
          %mul3A_340 = arith.constant 4 : i32
          %mul3A_341 = arith.muli %scan3A_219, %mul3A_340 : i32
          %add3A_342 = arith.constant 3 : i32
          %add3A_343 = arith.addi %mul3A_341, %add3A_342 : i32
          %slice3A_344 = vector.extract_strided_slice %get3A_222 {offsets = [12], sizes = [1], strides = [1]} : vector<16xf32> to vector<1xf32>
          %squeeze3A_345 = vector.extract %slice3A_344[0] : f32 from vector<1xf32>
          %get3A_346 = arith.index_cast %add3A_343 : i32 to index
          %get3A_347 = arith.constant 0 : index
          %get3A_348 = tpu.vector_load %arg14[%get3A_346, %get3A_347] {strides = array<i32>} : memref<128x128xf32, #tpu.memory_space<vmem>>, vector<16xf32>,
          %mul3A_349 = vector.broadcast %squeeze3A_345 : f32 to vector<16xf32>
          %mul3A_350 = arith.mulf %get3A_348, %mul3A_349 : vector<16xf32>
          %swap3A_351 = arith.index_cast %add3A_343 : i32 to index
          %swap3A_352 = arith.constant 0 : index
          %swap3A_353 = tpu.vector_load %arg16[%swap3A_351, %swap3A_352] {strides = array<i32>} : memref<128x64xf32, #tpu.memory_space<vmem>>, vector<16xf32>,
          tpu.vector_store %arg16[%swap3A_351, %swap3A_352], %mul3A_350 {strides = array<i32>} : memref<128x64xf32, #tpu.memory_space<vmem>>, vector<16xf32>,
          %get3A_354 = arith.index_cast %add3A_343 : i32 to index
          %get3A_355 = arith.constant 16 : index
          %get3A_356 = tpu.vector_load %arg14[%get3A_354, %get3A_355] {strides = array<i32>} : memref<128x128xf32, #tpu.memory_space<vmem>>, vector<16xf32>,
          %mul3A_357 = vector.broadcast %squeeze3A_345 : f32 to vector<16xf32>
          %mul3A_358 = arith.mulf %get3A_356, %mul3A_357 : vector<16xf32>
          %swap3A_359 = arith.index_cast %add3A_343 : i32 to index
          %swap3A_360 = arith.constant 16 : index
          %swap3A_361 = tpu.vector_load %arg16[%swap3A_359, %swap3A_360] {strides = array<i32>} : memref<128x64xf32, #tpu.memory_space<vmem>>, vector<16xf32>,
          tpu.vector_store %arg16[%swap3A_359, %swap3A_360], %mul3A_358 {strides = array<i32>} : memref<128x64xf32, #tpu.memory_space<vmem>>, vector<16xf32>,
          %slice3A_362 = vector.extract_strided_slice %get3A_222 {offsets = [13], sizes = [1], strides = [1]} : vector<16xf32> to vector<1xf32>
          %squeeze3A_363 = vector.extract %slice3A_362[0] : f32 from vector<1xf32>
          %get3A_364 = arith.index_cast %add3A_343 : i32 to index
          %get3A_365 = arith.constant 32 : index
          %get3A_366 = tpu.vector_load %arg14[%get3A_364, %get3A_365] {strides = array<i32>} : memref<128x128xf32, #tpu.memory_space<vmem>>, vector<16xf32>,
          %mul3A_367 = vector.broadcast %squeeze3A_363 : f32 to vector<16xf32>
          %mul3A_368 = arith.mulf %get3A_366, %mul3A_367 : vector<16xf32>
          %swap3A_369 = arith.index_cast %add3A_343 : i32 to index
          %swap3A_370 = arith.constant 32 : index
          %swap3A_371 = tpu.vector_load %arg16[%swap3A_369, %swap3A_370] {strides = array<i32>} : memref<128x64xf32, #tpu.memory_space<vmem>>, vector<16xf32>,
          tpu.vector_store %arg16[%swap3A_369, %swap3A_370], %mul3A_368 {strides = array<i32>} : memref<128x64xf32, #tpu.memory_space<vmem>>, vector<16xf32>,
          %get3A_372 = arith.index_cast %add3A_343 : i32 to index
          %get3A_373 = arith.constant 48 : index
          %get3A_374 = tpu.vector_load %arg14[%get3A_372, %get3A_373] {strides = array<i32>} : memref<128x128xf32, #tpu.memory_space<vmem>>, vector<16xf32>,
          %mul3A_375 = vector.broadcast %squeeze3A_363 : f32 to vector<16xf32>
          %mul3A_376 = arith.mulf %get3A_374, %mul3A_375 : vector<16xf32>
          %swap3A_377 = arith.index_cast %add3A_343 : i32 to index
          %swap3A_378 = arith.constant 48 : index
          %swap3A_379 = tpu.vector_load %arg16[%swap3A_377, %swap3A_378] {strides = array<i32>} : memref<128x64xf32, #tpu.memory_space<vmem>>, vector<16xf32>,
          tpu.vector_store %arg16[%swap3A_377, %swap3A_378], %mul3A_376 {strides = array<i32>} : memref<128x64xf32, #tpu.memory_space<vmem>>, vector<16xf32>,
        }
        %scan3A_159 = arith.constant 32 : i32
        %dma_start3A_160 = arith.constant 0 : i32
        %dma_start3A_161 = arith.constant 0 : i32
        %dma_start3A_162 = tpu.memref_slice %arg20[%dma_start3A_160, %dma_start3A_161] : memref<10240x64xf32, #tpu.memory_space<vmem_shared>> -> memref<10240x64xf32, #tpu.memory_space<vmem_shared>>
        tpu.enqueue_indirect_dma source(%arg16 : memref<128x64xf32, #tpu.memory_space<vmem>>) target(%dma_start3A_162 : memref<10240x64xf32, #tpu.memory_space<vmem_shared>>) offsets(%arg12 : memref<128xi32, #tpu.memory_space<vmem>>) semaphore(%arg25 : memref<!tpu.dma_semaphore, #tpu.memory_space<semaphore_mem>>) {add = true}
        %mul3A_163 = arith.constant 2 : i32
        %mul3A_164 = arith.muli %scan3A_77, %mul3A_163 : i32
        %add3A_165 = arith.constant 1 : i32
        %add3A_166 = arith.addi %mul3A_164, %add3A_165 : i32
        %dma_wait3A_167 = arith.constant 0 : i32
        %dma_wait3A_168 = arith.constant 0 : i32
        %dma_wait3A_169 = tpu.memref_slice %arg5[%dma_wait3A_167, %dma_wait3A_168] : memref<10240x128xf32, #tpu.memory_space<hbm>> -> memref<128x128xf32, #tpu.memory_space<hbm>>
        %dma_wait3A_170 = arith.constant 0 : i32
        %dma_wait3A_171 = arith.constant 0 : i32
        %dma_wait3A_172 = tpu.memref_slice %arg5[%dma_wait3A_170, %dma_wait3A_171] : memref<10240x128xf32, #tpu.memory_space<hbm>> -> memref<128x128xf32, #tpu.memory_space<hbm>>
        tpu.wait_dma2 semaphore(%arg24 : memref<!tpu.dma_semaphore, #tpu.memory_space<semaphore_mem>>) src(%dma_wait3A_172 : memref<128x128xf32, #tpu.memory_space<hbm>>) dst(%arg15 : memref<128x128xf32, #tpu.memory_space<vmem>>)
        %dma_wait3A_173 = arith.constant 0 : i32
        %dma_wait3A_174 = tpu.memref_slice %arg6[%dma_wait3A_173] : memref<1310720xf32, #tpu.memory_space<hbm>> -> memref<512xf32, #tpu.memory_space<hbm>>
        %dma_wait3A_175 = arith.constant 0 : i32
        %dma_wait3A_176 = tpu.memref_slice %arg6[%dma_wait3A_175] : memref<1310720xf32, #tpu.memory_space<hbm>> -> memref<512xf32, #tpu.memory_space<hbm>>
        tpu.wait_dma2 semaphore(%arg24 : memref<!tpu.dma_semaphore, #tpu.memory_space<semaphore_mem>>) src(%dma_wait3A_176 : memref<512xf32, #tpu.memory_space<hbm>>) dst(%arg19 : memref<512xf32, #tpu.memory_space<vmem>>)
        %scan3A_177 = arith.constant 0 : i32
        %scan3A_178 = arith.constant 0 : i32
        %scan3A_179 = arith.constant 32 : i32
        %scan3A_180 = arith.addi %scan3A_178, %scan3A_179 : i32
        %scan3A_181 = arith.constant 1 : i32
        scf.for %scan3A_219 = %scan3A_178 to %scan3A_180 step %scan3A_181  : i32 {
          %mul3A_220 = arith.constant 16 : i32
          %mul3A_221 = arith.muli %scan3A_219, %mul3A_220 : i32
          %get3A = arith.index_cast %mul3A_221 : i32 to index
          %get3A_222 = tpu.vector_load %arg19[%get3A] {strides = array<i32>} : memref<512xf32, #tpu.memory_space<vmem>>, vector<16xf32>,
          %mul3A_223 = arith.constant 4 : i32
          %mul3A_224 = arith.muli %scan3A_219, %mul3A_223 : i32
          %add3A_225 = arith.constant 0 : i32
          %add3A_226 = arith.addi %mul3A_224, %add3A_225 : i32
          %slice3A = vector.extract_strided_slice %get3A_222 {offsets = [0], sizes = [1], strides = [1]} : vector<16xf32> to vector<1xf32>
          %squeeze3A = vector.extract %slice3A[0] : f32 from vector<1xf32>
          %get3A_227 = arith.index_cast %add3A_226 : i32 to index
          %get3A_228 = arith.constant 0 : index
          %get3A_229 = tpu.vector_load %arg15[%get3A_227, %get3A_228] {strides = array<i32>} : memref<128x128xf32, #tpu.memory_space<vmem>>, vector<16xf32>,
          %mul3A_230 = vector.broadcast %squeeze3A : f32 to vector<16xf32>
          %mul3A_231 = arith.mulf %get3A_229, %mul3A_230 : vector<16xf32>
          %swap3A = arith.index_cast %add3A_226 : i32 to index
          %swap3A_232 = arith.constant 0 : index
          %swap3A_233 = tpu.vector_load %arg17[%swap3A, %swap3A_232] {strides = array<i32>} : memref<128x64xf32, #tpu.memory_space<vmem>>, vector<16xf32>,
          tpu.vector_store %arg17[%swap3A, %swap3A_232], %mul3A_231 {strides = array<i32>} : memref<128x64xf32, #tpu.memory_space<vmem>>, vector<16xf32>,
          %get3A_234 = arith.index_cast %add3A_226 : i32 to index
          %get3A_235 = arith.constant 16 : index
          %get3A_236 = tpu.vector_load %arg15[%get3A_234, %get3A_235] {strides = array<i32>} : memref<128x128xf32, #tpu.memory_space<vmem>>, vector<16xf32>,
          %mul3A_237 = vector.broadcast %squeeze3A : f32 to vector<16xf32>
          %mul3A_238 = arith.mulf %get3A_236, %mul3A_237 : vector<16xf32>
          %swap3A_239 = arith.index_cast %add3A_226 : i32 to index
          %swap3A_240 = arith.constant 16 : index
          %swap3A_241 = tpu.vector_load %arg17[%swap3A_239, %swap3A_240] {strides = array<i32>} : memref<128x64xf32, #tpu.memory_space<vmem>>, vector<16xf32>,
          tpu.vector_store %arg17[%swap3A_239, %swap3A_240], %mul3A_238 {strides = array<i32>} : memref<128x64xf32, #tpu.memory_space<vmem>>, vector<16xf32>,
          %slice3A_242 = vector.extract_strided_slice %get3A_222 {offsets = [1], sizes = [1], strides = [1]} : vector<16xf32> to vector<1xf32>
          %squeeze3A_243 = vector.extract %slice3A_242[0] : f32 from vector<1xf32>
          %get3A_244 = arith.index_cast %add3A_226 : i32 to index
          %get3A_245 = arith.constant 32 : index
          %get3A_246 = tpu.vector_load %arg15[%get3A_244, %get3A_245] {strides = array<i32>} : memref<128x128xf32, #tpu.memory_space<vmem>>, vector<16xf32>,
          %mul3A_247 = vector.broadcast %squeeze3A_243 : f32 to vector<16xf32>
          %mul3A_248 = arith.mulf %get3A_246, %mul3A_247 : vector<16xf32>
          %swap3A_249 = arith.index_cast %add3A_226 : i32 to index
          %swap3A_250 = arith.constant 32 : index
          %swap3A_251 = tpu.vector_load %arg17[%swap3A_249, %swap3A_250] {strides = array<i32>} : memref<128x64xf32, #tpu.memory_space<vmem>>, vector<16xf32>,
          tpu.vector_store %arg17[%swap3A_249, %swap3A_250], %mul3A_248 {strides = array<i32>} : memref<128x64xf32, #tpu.memory_space<vmem>>, vector<16xf32>,
          %get3A_252 = arith.index_cast %add3A_226 : i32 to index
          %get3A_253 = arith.constant 48 : index
          %get3A_254 = tpu.vector_load %arg15[%get3A_252, %get3A_253] {strides = array<i32>} : memref<128x128xf32, #tpu.memory_space<vmem>>, vector<16xf32>,
          %mul3A_255 = vector.broadcast %squeeze3A_243 : f32 to vector<16xf32>
          %mul3A_256 = arith.mulf %get3A_254, %mul3A_255 : vector<16xf32>
          %swap3A_257 = arith.index_cast %add3A_226 : i32 to index
          %swap3A_258 = arith.constant 48 : index
          %swap3A_259 = tpu.vector_load %arg17[%swap3A_257, %swap3A_258] {strides = array<i32>} : memref<128x64xf32, #tpu.memory_space<vmem>>, vector<16xf32>,
          tpu.vector_store %arg17[%swap3A_257, %swap3A_258], %mul3A_256 {strides = array<i32>} : memref<128x64xf32, #tpu.memory_space<vmem>>, vector<16xf32>,
          %mul3A_260 = arith.constant 4 : i32
          %mul3A_261 = arith.muli %scan3A_219, %mul3A_260 : i32
          %add3A_262 = arith.constant 1 : i32
          %add3A_263 = arith.addi %mul3A_261, %add3A_262 : i32
          %slice3A_264 = vector.extract_strided_slice %get3A_222 {offsets = [4], sizes = [1], strides = [1]} : vector<16xf32> to vector<1xf32>
          %squeeze3A_265 = vector.extract %slice3A_264[0] : f32 from vector<1xf32>
          %get3A_266 = arith.index_cast %add3A_263 : i32 to index
          %get3A_267 = arith.constant 0 : index
          %get3A_268 = tpu.vector_load %arg15[%get3A_266, %get3A_267] {strides = array<i32>} : memref<128x128xf32, #tpu.memory_space<vmem>>, vector<16xf32>,
          %mul3A_269 = vector.broadcast %squeeze3A_265 : f32 to vector<16xf32>
          %mul3A_270 = arith.mulf %get3A_268, %mul3A_269 : vector<16xf32>
          %swap3A_271 = arith.index_cast %add3A_263 : i32 to index
          %swap3A_272 = arith.constant 0 : index
          %swap3A_273 = tpu.vector_load %arg17[%swap3A_271, %swap3A_272] {strides = array<i32>} : memref<128x64xf32, #tpu.memory_space<vmem>>, vector<16xf32>,
          tpu.vector_store %arg17[%swap3A_271, %swap3A_272], %mul3A_270 {strides = array<i32>} : memref<128x64xf32, #tpu.memory_space<vmem>>, vector<16xf32>,
          %get3A_274 = arith.index_cast %add3A_263 : i32 to index
          %get3A_275 = arith.constant 16 : index
          %get3A_276 = tpu.vector_load %arg15[%get3A_274, %get3A_275] {strides = array<i32>} : memref<128x128xf32, #tpu.memory_space<vmem>>, vector<16xf32>,
          %mul3A_277 = vector.broadcast %squeeze3A_265 : f32 to vector<16xf32>
          %mul3A_278 = arith.mulf %get3A_276, %mul3A_277 : vector<16xf32>
          %swap3A_279 = arith.index_cast %add3A_263 : i32 to index
          %swap3A_280 = arith.constant 16 : index
          %swap3A_281 = tpu.vector_load %arg17[%swap3A_279, %swap3A_280] {strides = array<i32>} : memref<128x64xf32, #tpu.memory_space<vmem>>, vector<16xf32>,
          tpu.vector_store %arg17[%swap3A_279, %swap3A_280], %mul3A_278 {strides = array<i32>} : memref<128x64xf32, #tpu.memory_space<vmem>>, vector<16xf32>,
          %slice3A_282 = vector.extract_strided_slice %get3A_222 {offsets = [5], sizes = [1], strides = [1]} : vector<16xf32> to vector<1xf32>
          %squeeze3A_283 = vector.extract %slice3A_282[0] : f32 from vector<1xf32>
          %get3A_284 = arith.index_cast %add3A_263 : i32 to index
          %get3A_285 = arith.constant 32 : index
          %get3A_286 = tpu.vector_load %arg15[%get3A_284, %get3A_285] {strides = array<i32>} : memref<128x128xf32, #tpu.memory_space<vmem>>, vector<16xf32>,
          %mul3A_287 = vector.broadcast %squeeze3A_283 : f32 to vector<16xf32>
          %mul3A_288 = arith.mulf %get3A_286, %mul3A_287 : vector<16xf32>
          %swap3A_289 = arith.index_cast %add3A_263 : i32 to index
          %swap3A_290 = arith.constant 32 : index
          %swap3A_291 = tpu.vector_load %arg17[%swap3A_289, %swap3A_290] {strides = array<i32>} : memref<128x64xf32, #tpu.memory_space<vmem>>, vector<16xf32>,
          tpu.vector_store %arg17[%swap3A_289, %swap3A_290], %mul3A_288 {strides = array<i32>} : memref<128x64xf32, #tpu.memory_space<vmem>>, vector<16xf32>,
          %get3A_292 = arith.index_cast %add3A_263 : i32 to index
          %get3A_293 = arith.constant 48 : index
          %get3A_294 = tpu.vector_load %arg15[%get3A_292, %get3A_293] {strides = array<i32>} : memref<128x128xf32, #tpu.memory_space<vmem>>, vector<16xf32>,
          %mul3A_295 = vector.broadcast %squeeze3A_283 : f32 to vector<16xf32>
          %mul3A_296 = arith.mulf %get3A_294, %mul3A_295 : vector<16xf32>
          %swap3A_297 = arith.index_cast %add3A_263 : i32 to index
          %swap3A_298 = arith.constant 48 : index
          %swap3A_299 = tpu.vector_load %arg17[%swap3A_297, %swap3A_298] {strides = array<i32>} : memref<128x64xf32, #tpu.memory_space<vmem>>, vector<16xf32>,
          tpu.vector_store %arg17[%swap3A_297, %swap3A_298], %mul3A_296 {strides = array<i32>} : memref<128x64xf32, #tpu.memory_space<vmem>>, vector<16xf32>,
          %mul3A_300 = arith.constant 4 : i32
          %mul3A_301 = arith.muli %scan3A_219, %mul3A_300 : i32
          %add3A_302 = arith.constant 2 : i32
          %add3A_303 = arith.addi %mul3A_301, %add3A_302 : i32
          %slice3A_304 = vector.extract_strided_slice %get3A_222 {offsets = [8], sizes = [1], strides = [1]} : vector<16xf32> to vector<1xf32>
          %squeeze3A_305 = vector.extract %slice3A_304[0] : f32 from vector<1xf32>
          %get3A_306 = arith.index_cast %add3A_303 : i32 to index
          %get3A_307 = arith.constant 0 : index
          %get3A_308 = tpu.vector_load %arg15[%get3A_306, %get3A_307] {strides = array<i32>} : memref<128x128xf32, #tpu.memory_space<vmem>>, vector<16xf32>,
          %mul3A_309 = vector.broadcast %squeeze3A_305 : f32 to vector<16xf32>
          %mul3A_310 = arith.mulf %get3A_308, %mul3A_309 : vector<16xf32>
          %swap3A_311 = arith.index_cast %add3A_303 : i32 to index
          %swap3A_312 = arith.constant 0 : index
          %swap3A_313 = tpu.vector_load %arg17[%swap3A_311, %swap3A_312] {strides = array<i32>} : memref<128x64xf32, #tpu.memory_space<vmem>>, vector<16xf32>,
          tpu.vector_store %arg17[%swap3A_311, %swap3A_312], %mul3A_310 {strides = array<i32>} : memref<128x64xf32, #tpu.memory_space<vmem>>, vector<16xf32>,
          %get3A_314 = arith.index_cast %add3A_303 : i32 to index
          %get3A_315 = arith.constant 16 : index
          %get3A_316 = tpu.vector_load %arg15[%get3A_314, %get3A_315] {strides = array<i32>} : memref<128x128xf32, #tpu.memory_space<vmem>>, vector<16xf32>,
          %mul3A_317 = vector.broadcast %squeeze3A_305 : f32 to vector<16xf32>
          %mul3A_318 = arith.mulf %get3A_316, %mul3A_317 : vector<16xf32>
          %swap3A_319 = arith.index_cast %add3A_303 : i32 to index
          %swap3A_320 = arith.constant 16 : index
          %swap3A_321 = tpu.vector_load %arg17[%swap3A_319, %swap3A_320] {strides = array<i32>} : memref<128x64xf32, #tpu.memory_space<vmem>>, vector<16xf32>,
          tpu.vector_store %arg17[%swap3A_319, %swap3A_320], %mul3A_318 {strides = array<i32>} : memref<128x64xf32, #tpu.memory_space<vmem>>, vector<16xf32>,
          %slice3A_322 = vector.extract_strided_slice %get3A_222 {offsets = [9], sizes = [1], strides = [1]} : vector<16xf32> to vector<1xf32>
          %squeeze3A_323 = vector.extract %slice3A_322[0] : f32 from vector<1xf32>
          %get3A_324 = arith.index_cast %add3A_303 : i32 to index
          %get3A_325 = arith.constant 32 : index
          %get3A_326 = tpu.vector_load %arg15[%get3A_324, %get3A_325] {strides = array<i32>} : memref<128x128xf32, #tpu.memory_space<vmem>>, vector<16xf32>,
          %mul3A_327 = vector.broadcast %squeeze3A_323 : f32 to vector<16xf32>
          %mul3A_328 = arith.mulf %get3A_326, %mul3A_327 : vector<16xf32>
          %swap3A_329 = arith.index_cast %add3A_303 : i32 to index
          %swap3A_330 = arith.constant 32 : index
          %swap3A_331 = tpu.vector_load %arg17[%swap3A_329, %swap3A_330] {strides = array<i32>} : memref<128x64xf32, #tpu.memory_space<vmem>>, vector<16xf32>,
          tpu.vector_store %arg17[%swap3A_329, %swap3A_330], %mul3A_328 {strides = array<i32>} : memref<128x64xf32, #tpu.memory_space<vmem>>, vector<16xf32>,
          %get3A_332 = arith.index_cast %add3A_303 : i32 to index
          %get3A_333 = arith.constant 48 : index
          %get3A_334 = tpu.vector_load %arg15[%get3A_332, %get3A_333] {strides = array<i32>} : memref<128x128xf32, #tpu.memory_space<vmem>>, vector<16xf32>,
          %mul3A_335 = vector.broadcast %squeeze3A_323 : f32 to vector<16xf32>
          %mul3A_336 = arith.mulf %get3A_334, %mul3A_335 : vector<16xf32>
          %swap3A_337 = arith.index_cast %add3A_303 : i32 to index
          %swap3A_338 = arith.constant 48 : index
          %swap3A_339 = tpu.vector_load %arg17[%swap3A_337, %swap3A_338] {strides = array<i32>} : memref<128x64xf32, #tpu.memory_space<vmem>>, vector<16xf32>,
          tpu.vector_store %arg17[%swap3A_337, %swap3A_338], %mul3A_336 {strides = array<i32>} : memref<128x64xf32, #tpu.memory_space<vmem>>, vector<16xf32>,
          %mul3A_340 = arith.constant 4 : i32
          %mul3A_341 = arith.muli %scan3A_219, %mul3A_340 : i32
          %add3A_342 = arith.constant 3 : i32
          %add3A_343 = arith.addi %mul3A_341, %add3A_342 : i32
          %slice3A_344 = vector.extract_strided_slice %get3A_222 {offsets = [12], sizes = [1], strides = [1]} : vector<16xf32> to vector<1xf32>
          %squeeze3A_345 = vector.extract %slice3A_344[0] : f32 from vector<1xf32>
          %get3A_346 = arith.index_cast %add3A_343 : i32 to index
          %get3A_347 = arith.constant 0 : index
          %get3A_348 = tpu.vector_load %arg15[%get3A_346, %get3A_347] {strides = array<i32>} : memref<128x128xf32, #tpu.memory_space<vmem>>, vector<16xf32>,
          %mul3A_349 = vector.broadcast %squeeze3A_345 : f32 to vector<16xf32>
          %mul3A_350 = arith.mulf %get3A_348, %mul3A_349 : vector<16xf32>
          %swap3A_351 = arith.index_cast %add3A_343 : i32 to index
          %swap3A_352 = arith.constant 0 : index
          %swap3A_353 = tpu.vector_load %arg17[%swap3A_351, %swap3A_352] {strides = array<i32>} : memref<128x64xf32, #tpu.memory_space<vmem>>, vector<16xf32>,
          tpu.vector_store %arg17[%swap3A_351, %swap3A_352], %mul3A_350 {strides = array<i32>} : memref<128x64xf32, #tpu.memory_space<vmem>>, vector<16xf32>,
          %get3A_354 = arith.index_cast %add3A_343 : i32 to index
          %get3A_355 = arith.constant 16 : index
          %get3A_356 = tpu.vector_load %arg15[%get3A_354, %get3A_355] {strides = array<i32>} : memref<128x128xf32, #tpu.memory_space<vmem>>, vector<16xf32>,
          %mul3A_357 = vector.broadcast %squeeze3A_345 : f32 to vector<16xf32>
          %mul3A_358 = arith.mulf %get3A_356, %mul3A_357 : vector<16xf32>
          %swap3A_359 = arith.index_cast %add3A_343 : i32 to index
          %swap3A_360 = arith.constant 16 : index
          %swap3A_361 = tpu.vector_load %arg17[%swap3A_359, %swap3A_360] {strides = array<i32>} : memref<128x64xf32, #tpu.memory_space<vmem>>, vector<16xf32>,
          tpu.vector_store %arg17[%swap3A_359, %swap3A_360], %mul3A_358 {strides = array<i32>} : memref<128x64xf32, #tpu.memory_space<vmem>>, vector<16xf32>,
          %slice3A_362 = vector.extract_strided_slice %get3A_222 {offsets = [13], sizes = [1], strides = [1]} : vector<16xf32> to vector<1xf32>
          %squeeze3A_363 = vector.extract %slice3A_362[0] : f32 from vector<1xf32>
          %get3A_364 = arith.index_cast %add3A_343 : i32 to index
          %get3A_365 = arith.constant 32 : index
          %get3A_366 = tpu.vector_load %arg15[%get3A_364, %get3A_365] {strides = array<i32>} : memref<128x128xf32, #tpu.memory_space<vmem>>, vector<16xf32>,
          %mul3A_367 = vector.broadcast %squeeze3A_363 : f32 to vector<16xf32>
          %mul3A_368 = arith.mulf %get3A_366, %mul3A_367 : vector<16xf32>
          %swap3A_369 = arith.index_cast %add3A_343 : i32 to index
          %swap3A_370 = arith.constant 32 : index
          %swap3A_371 = tpu.vector_load %arg17[%swap3A_369, %swap3A_370] {strides = array<i32>} : memref<128x64xf32, #tpu.memory_space<vmem>>, vector<16xf32>,
          tpu.vector_store %arg17[%swap3A_369, %swap3A_370], %mul3A_368 {strides = array<i32>} : memref<128x64xf32, #tpu.memory_space<vmem>>, vector<16xf32>,
          %get3A_372 = arith.index_cast %add3A_343 : i32 to index
          %get3A_373 = arith.constant 48 : index
          %get3A_374 = tpu.vector_load %arg15[%get3A_372, %get3A_373] {strides = array<i32>} : memref<128x128xf32, #tpu.memory_space<vmem>>, vector<16xf32>,
          %mul3A_375 = vector.broadcast %squeeze3A_363 : f32 to vector<16xf32>
          %mul3A_376 = arith.mulf %get3A_374, %mul3A_375 : vector<16xf32>
          %swap3A_377 = arith.index_cast %add3A_343 : i32 to index
          %swap3A_378 = arith.constant 48 : index
          %swap3A_379 = tpu.vector_load %arg17[%swap3A_377, %swap3A_378] {strides = array<i32>} : memref<128x64xf32, #tpu.memory_space<vmem>>, vector<16xf32>,
          tpu.vector_store %arg17[%swap3A_377, %swap3A_378], %mul3A_376 {strides = array<i32>} : memref<128x64xf32, #tpu.memory_space<vmem>>, vector<16xf32>,
        }
        %scan3A_182 = arith.constant 32 : i32
        %dma_start3A_183 = arith.constant 0 : i32
        %dma_start3A_184 = arith.constant 0 : i32
        %dma_start3A_185 = tpu.memref_slice %arg20[%dma_start3A_183, %dma_start3A_184] : memref<10240x64xf32, #tpu.memory_space<vmem_shared>> -> memref<10240x64xf32, #tpu.memory_space<vmem_shared>>
        tpu.enqueue_indirect_dma source(%arg17 : memref<128x64xf32, #tpu.memory_space<vmem>>) target(%dma_start3A_185 : memref<10240x64xf32, #tpu.memory_space<vmem_shared>>) offsets(%arg13 : memref<128xi32, #tpu.memory_space<vmem>>) semaphore(%arg26 : memref<!tpu.dma_semaphore, #tpu.memory_space<semaphore_mem>>) {add = true}
        %mul3A_186 = arith.constant 2 : i32
        %mul3A_187 = arith.muli %scan3A_77, %mul3A_186 : i32
        %add3A_188 = arith.constant 0 : i32
        %add3A_189 = arith.addi %mul3A_187, %add3A_188 : i32
        %dma_wait3A_190 = arith.constant 0 : i32
        %dma_wait3A_191 = arith.constant 0 : i32
        %dma_wait3A_192 = tpu.memref_slice %arg20[%dma_wait3A_190, %dma_wait3A_191] : memref<10240x64xf32, #tpu.memory_space<vmem_shared>> -> memref<128x64xf32, #tpu.memory_space<vmem_shared>>
        %dma_wait3A_193 = arith.constant 0 : i32
        %dma_wait3A_194 = arith.constant 0 : i32
        %dma_wait3A_195 = tpu.memref_slice %arg20[%dma_wait3A_193, %dma_wait3A_194] : memref<10240x64xf32, #tpu.memory_space<vmem_shared>> -> memref<128x64xf32, #tpu.memory_space<vmem_shared>>
        tpu.wait_dma2 semaphore(%arg25 : memref<!tpu.dma_semaphore, #tpu.memory_space<semaphore_mem>>) src(%arg16 : memref<128x64xf32, #tpu.memory_space<vmem>>) dst(%dma_wait3A_195 : memref<128x64xf32, #tpu.memory_space<vmem_shared>>)
        %add3A_196 = arith.constant 2 : i32
        %add3A_197 = arith.addi %add3A_189, %add3A_196 : i32
        %lt3A = arith.constant 160 : i32
        %lt3A_198 = arith.cmpi slt, %add3A_197, %lt3A : i32
        %convert_element_type3A_199 = arith.extui %lt3A_198 : i1 to i32
        %cond3A_200 = arith.constant 0 : i32
        %cond3A_201 = arith.cmpi ne, %convert_element_type3A_199, %cond3A_200 : i32
        scf.if %cond3A_201 {
          %add3A_219 = arith.constant 2 : i32
          %add3A_220 = arith.addi %add3A_189, %add3A_219 : i32
          %dma_start3A_221 = arith.constant 0 : i32
          %dma_start3A_222 = tpu.memref_slice %arg2[%arg1, %add3A_220, %dma_start3A_221] : memref<16x160x128xi32, #tpu.memory_space<hbm>> -> memref<1x1x128xi32, #tpu.memory_space<hbm>>
          %dma_start3A_223 = tpu.memref_squeeze %dma_start3A_222 : memref<1x1x128xi32, #tpu.memory_space<hbm>> -> memref<128xi32, #tpu.memory_space<hbm>>
          %dma_start3A_224 = arith.constant 0 : i32
          %dma_start3A_225 = tpu.memref_slice %arg2[%arg1, %add3A_220, %dma_start3A_224] : memref<16x160x128xi32, #tpu.memory_space<hbm>> -> memref<1x1x128xi32, #tpu.memory_space<hbm>>
          %dma_start3A_226 = tpu.memref_squeeze %dma_start3A_225 : memref<1x1x128xi32, #tpu.memory_space<hbm>> -> memref<128xi32, #tpu.memory_space<hbm>>
          tpu.enqueue_dma source(%dma_start3A_226 : memref<128xi32, #tpu.memory_space<hbm>>) target(%arg10 : memref<128xi32, #tpu.memory_space<vmem>>) target_semaphore(%arg21 : memref<!tpu.dma_semaphore, #tpu.memory_space<semaphore_mem>>)
          %dma_start3A_227 = arith.constant 0 : i32
          %dma_start3A_228 = tpu.memref_slice %arg3[%arg1, %add3A_220, %dma_start3A_227] : memref<16x160x128xi32, #tpu.memory_space<hbm>> -> memref<1x1x128xi32, #tpu.memory_space<hbm>>
          %dma_start3A_229 = tpu.memref_squeeze %dma_start3A_228 : memref<1x1x128xi32, #tpu.memory_space<hbm>> -> memref<128xi32, #tpu.memory_space<hbm>>
          %dma_start3A_230 = arith.constant 0 : i32
          %dma_start3A_231 = tpu.memref_slice %arg3[%arg1, %add3A_220, %dma_start3A_230] : memref<16x160x128xi32, #tpu.memory_space<hbm>> -> memref<1x1x128xi32, #tpu.memory_space<hbm>>
          %dma_start3A_232 = tpu.memref_squeeze %dma_start3A_231 : memref<1x1x128xi32, #tpu.memory_space<hbm>> -> memref<128xi32, #tpu.memory_space<hbm>>
          tpu.enqueue_dma source(%dma_start3A_232 : memref<128xi32, #tpu.memory_space<hbm>>) target(%arg12 : memref<128xi32, #tpu.memory_space<vmem>>) target_semaphore(%arg21 : memref<!tpu.dma_semaphore, #tpu.memory_space<semaphore_mem>>)
        } else {
        }
        %mul3A_202 = arith.constant 2 : i32
        %mul3A_203 = arith.muli %scan3A_77, %mul3A_202 : i32
        %add3A_204 = arith.constant 1 : i32
        %add3A_205 = arith.addi %mul3A_203, %add3A_204 : i32
        %dma_wait3A_206 = arith.constant 0 : i32
        %dma_wait3A_207 = arith.constant 0 : i32
        %dma_wait3A_208 = tpu.memref_slice %arg20[%dma_wait3A_206, %dma_wait3A_207] : memref<10240x64xf32, #tpu.memory_space<vmem_shared>> -> memref<128x64xf32, #tpu.memory_space<vmem_shared>>
        %dma_wait3A_209 = arith.constant 0 : i32
        %dma_wait3A_210 = arith.constant 0 : i32
        %dma_wait3A_211 = tpu.memref_slice %arg20[%dma_wait3A_209, %dma_wait3A_210] : memref<10240x64xf32, #tpu.memory_space<vmem_shared>> -> memref<128x64xf32, #tpu.memory_space<vmem_shared>>
        tpu.wait_dma2 semaphore(%arg26 : memref<!tpu.dma_semaphore, #tpu.memory_space<semaphore_mem>>) src(%arg17 : memref<128x64xf32, #tpu.memory_space<vmem>>) dst(%dma_wait3A_211 : memref<128x64xf32, #tpu.memory_space<vmem_shared>>)
        %add3A_212 = arith.constant 2 : i32
        %add3A_213 = arith.addi %add3A_205, %add3A_212 : i32
        %lt3A_214 = arith.constant 160 : i32
        %lt3A_215 = arith.cmpi slt, %add3A_213, %lt3A_214 : i32
        %convert_element_type3A_216 = arith.extui %lt3A_215 : i1 to i32
        %cond3A_217 = arith.constant 0 : i32
        %cond3A_218 = arith.cmpi ne, %convert_element_type3A_216, %cond3A_217 : i32
        scf.if %cond3A_218 {
          %add3A_219 = arith.constant 2 : i32
          %add3A_220 = arith.addi %add3A_205, %add3A_219 : i32
          %dma_start3A_221 = arith.constant 0 : i32
          %dma_start3A_222 = tpu.memref_slice %arg2[%arg1, %add3A_220, %dma_start3A_221] : memref<16x160x128xi32, #tpu.memory_space<hbm>> -> memref<1x1x128xi32, #tpu.memory_space<hbm>>
          %dma_start3A_223 = tpu.memref_squeeze %dma_start3A_222 : memref<1x1x128xi32, #tpu.memory_space<hbm>> -> memref<128xi32, #tpu.memory_space<hbm>>
          %dma_start3A_224 = arith.constant 0 : i32
          %dma_start3A_225 = tpu.memref_slice %arg2[%arg1, %add3A_220, %dma_start3A_224] : memref<16x160x128xi32, #tpu.memory_space<hbm>> -> memref<1x1x128xi32, #tpu.memory_space<hbm>>
          %dma_start3A_226 = tpu.memref_squeeze %dma_start3A_225 : memref<1x1x128xi32, #tpu.memory_space<hbm>> -> memref<128xi32, #tpu.memory_space<hbm>>
          tpu.enqueue_dma source(%dma_start3A_226 : memref<128xi32, #tpu.memory_space<hbm>>) target(%arg11 : memref<128xi32, #tpu.memory_space<vmem>>) target_semaphore(%arg22 : memref<!tpu.dma_semaphore, #tpu.memory_space<semaphore_mem>>)
          %dma_start3A_227 = arith.constant 0 : i32
          %dma_start3A_228 = tpu.memref_slice %arg3[%arg1, %add3A_220, %dma_start3A_227] : memref<16x160x128xi32, #tpu.memory_space<hbm>> -> memref<1x1x128xi32, #tpu.memory_space<hbm>>
          %dma_start3A_229 = tpu.memref_squeeze %dma_start3A_228 : memref<1x1x128xi32, #tpu.memory_space<hbm>> -> memref<128xi32, #tpu.memory_space<hbm>>
          %dma_start3A_230 = arith.constant 0 : i32
          %dma_start3A_231 = tpu.memref_slice %arg3[%arg1, %add3A_220, %dma_start3A_230] : memref<16x160x128xi32, #tpu.memory_space<hbm>> -> memref<1x1x128xi32, #tpu.memory_space<hbm>>
          %dma_start3A_232 = tpu.memref_squeeze %dma_start3A_231 : memref<1x1x128xi32, #tpu.memory_space<hbm>> -> memref<128xi32, #tpu.memory_space<hbm>>
          tpu.enqueue_dma source(%dma_start3A_232 : memref<128xi32, #tpu.memory_space<hbm>>) target(%arg13 : memref<128xi32, #tpu.memory_space<vmem>>) target_semaphore(%arg22 : memref<!tpu.dma_semaphore, #tpu.memory_space<semaphore_mem>>)
        } else {
        }
      }
      %scan3A_39 = arith.constant 80 : i32
      %barrier3A_40 = arith.constant 0 : index
      tpu.barrier barrier_id(%barrier3A_40)
      "tpu.region"() ({
        %run_scoped3A = tpu.sem_alloc : memref<!tpu.dma_semaphore, #tpu.memory_space<semaphore_mem>>
        %dma_start3A_77 = arith.constant 0 : i32
        %dma_start3A_78 = tpu.memref_slice %arg9[%mul3A_0, %dma_start3A_77] : memref<10240x128xf32, #tpu.memory_space<hbm>> -> memref<640x64xf32, #tpu.memory_space<hbm>>
        %dma_start3A_79 = arith.constant 0 : i32
        %dma_start3A_80 = tpu.memref_slice %arg20[%mul3A_0, %dma_start3A_79] : memref<10240x64xf32, #tpu.memory_space<vmem_shared>> -> memref<640x64xf32, #tpu.memory_space<vmem_shared>>
        tpu.enqueue_dma source(%dma_start3A_80 : memref<640x64xf32, #tpu.memory_space<vmem_shared>>) target(%dma_start3A_78 : memref<640x64xf32, #tpu.memory_space<hbm>>) target_semaphore(%run_scoped3A : memref<!tpu.dma_semaphore, #tpu.memory_space<semaphore_mem>>)
        %dma_wait3A = arith.constant 0 : i32
        %dma_wait3A_81 = tpu.memref_slice %arg9[%mul3A_0, %dma_wait3A] : memref<10240x128xf32, #tpu.memory_space<hbm>> -> memref<640x64xf32, #tpu.memory_space<hbm>>
        %dma_wait3A_82 = arith.constant 0 : i32
        %dma_wait3A_83 = tpu.memref_slice %arg20[%mul3A_0, %dma_wait3A_82] : memref<10240x64xf32, #tpu.memory_space<vmem_shared>> -> memref<640x64xf32, #tpu.memory_space<vmem_shared>>
        tpu.wait_dma2 semaphore(%run_scoped3A : memref<!tpu.dma_semaphore, #tpu.memory_space<semaphore_mem>>) src(%dma_wait3A_83 : memref<640x64xf32, #tpu.memory_space<vmem_shared>>) dst(%dma_wait3A_81 : memref<640x64xf32, #tpu.memory_space<hbm>>)
        tpu.yield
      }) : () -> ()
      "tpu.region"() ({
        %run_scoped3A = tpu.sem_alloc : memref<!tpu.dma_semaphore, #tpu.memory_space<semaphore_mem>>
        %dma_start3A_77 = arith.constant 0 : i32
        %dma_start3A_78 = tpu.memref_slice %arg20[%mul3A_0, %dma_start3A_77] : memref<10240x64xf32, #tpu.memory_space<vmem_shared>> -> memref<640x64xf32, #tpu.memory_space<vmem_shared>>
        %dma_start3A_79 = arith.constant 0 : i32
        %dma_start3A_80 = arith.constant 0 : i32
        %dma_start3A_81 = tpu.memref_slice %arg7[%dma_start3A_79, %dma_start3A_80] : memref<640x128xf32, #tpu.memory_space<hbm>> -> memref<640x64xf32, #tpu.memory_space<hbm>>
        tpu.enqueue_dma source(%dma_start3A_81 : memref<640x64xf32, #tpu.memory_space<hbm>>) target(%dma_start3A_78 : memref<640x64xf32, #tpu.memory_space<vmem_shared>>) target_semaphore(%run_scoped3A : memref<!tpu.dma_semaphore, #tpu.memory_space<semaphore_mem>>)
        %dma_wait3A = arith.constant 0 : i32
        %dma_wait3A_82 = tpu.memref_slice %arg20[%mul3A_0, %dma_wait3A] : memref<10240x64xf32, #tpu.memory_space<vmem_shared>> -> memref<640x64xf32, #tpu.memory_space<vmem_shared>>
        %dma_wait3A_83 = arith.constant 0 : i32
        %dma_wait3A_84 = arith.constant 0 : i32
        %dma_wait3A_85 = tpu.memref_slice %arg7[%dma_wait3A_83, %dma_wait3A_84] : memref<640x128xf32, #tpu.memory_space<hbm>> -> memref<640x64xf32, #tpu.memory_space<hbm>>
        tpu.wait_dma2 semaphore(%run_scoped3A : memref<!tpu.dma_semaphore, #tpu.memory_space<semaphore_mem>>) src(%dma_wait3A_85 : memref<640x64xf32, #tpu.memory_space<hbm>>) dst(%dma_wait3A_82 : memref<640x64xf32, #tpu.memory_space<vmem_shared>>)
        tpu.yield
      }) : () -> ()
      %barrier3A_41 = arith.constant 0 : index
      tpu.barrier barrier_id(%barrier3A_41)
      %dma_start3A_42 = arith.constant 0 : i32
      %dma_start3A_43 = arith.constant 0 : i32
      %dma_start3A_44 = tpu.memref_slice %arg2[%arg1, %dma_start3A_42, %dma_start3A_43] : memref<16x160x128xi32, #tpu.memory_space<hbm>> -> memref<1x1x128xi32, #tpu.memory_space<hbm>>
      %dma_start3A_45 = tpu.memref_squeeze %dma_start3A_44 : memref<1x1x128xi32, #tpu.memory_space<hbm>> -> memref<128xi32, #tpu.memory_space<hbm>>
      %dma_start3A_46 = arith.constant 0 : i32
      %dma_start3A_47 = tpu.memref_slice %arg2[%arg1, %dma_start3A_42, %dma_start3A_46] : memref<16x160x128xi32, #tpu.memory_space<hbm>> -> memref<1x1x128xi32, #tpu.memory_space<hbm>>
      %dma_start3A_48 = tpu.memref_squeeze %dma_start3A_47 : memref<1x1x128xi32, #tpu.memory_space<hbm>> -> memref<128xi32, #tpu.memory_space<hbm>>
      tpu.enqueue_dma source(%dma_start3A_48 : memref<128xi32, #tpu.memory_space<hbm>>) target(%arg10 : memref<128xi32, #tpu.memory_space<vmem>>) target_semaphore(%arg21 : memref<!tpu.dma_semaphore, #tpu.memory_space<semaphore_mem>>)
      %dma_start3A_49 = arith.constant 0 : i32
      %dma_start3A_50 = arith.constant 0 : i32
      %dma_start3A_51 = tpu.memref_slice %arg3[%arg1, %dma_start3A_49, %dma_start3A_50] : memref<16x160x128xi32, #tpu.memory_space<hbm>> -> memref<1x1x128xi32, #tpu.memory_space<hbm>>
      %dma_start3A_52 = tpu.memref_squeeze %dma_start3A_51 : memref<1x1x128xi32, #tpu.memory_space<hbm>> -> memref<128xi32, #tpu.memory_space<hbm>>
      %dma_start3A_53 = arith.constant 0 : i32
      %dma_start3A_54 = tpu.memref_slice %arg3[%arg1, %dma_start3A_49, %dma_start3A_53] : memref<16x160x128xi32, #tpu.memory_space<hbm>> -> memref<1x1x128xi32, #tpu.memory_space<hbm>>
      %dma_start3A_55 = tpu.memref_squeeze %dma_start3A_54 : memref<1x1x128xi32, #tpu.memory_space<hbm>> -> memref<128xi32, #tpu.memory_space<hbm>>
      tpu.enqueue_dma source(%dma_start3A_55 : memref<128xi32, #tpu.memory_space<hbm>>) target(%arg12 : memref<128xi32, #tpu.memory_space<vmem>>) target_semaphore(%arg21 : memref<!tpu.dma_semaphore, #tpu.memory_space<semaphore_mem>>)
      %dma_start3A_56 = arith.constant 1 : i32
      %dma_start3A_57 = arith.constant 0 : i32
      %dma_start3A_58 = tpu.memref_slice %arg2[%arg1, %dma_start3A_56, %dma_start3A_57] : memref<16x160x128xi32, #tpu.memory_space<hbm>> -> memref<1x1x128xi32, #tpu.memory_space<hbm>>
      %dma_start3A_59 = tpu.memref_squeeze %dma_start3A_58 : memref<1x1x128xi32, #tpu.memory_space<hbm>> -> memref<128xi32, #tpu.memory_space<hbm>>
      %dma_start3A_60 = arith.constant 0 : i32
      %dma_start3A_61 = tpu.memref_slice %arg2[%arg1, %dma_start3A_56, %dma_start3A_60] : memref<16x160x128xi32, #tpu.memory_space<hbm>> -> memref<1x1x128xi32, #tpu.memory_space<hbm>>
      %dma_start3A_62 = tpu.memref_squeeze %dma_start3A_61 : memref<1x1x128xi32, #tpu.memory_space<hbm>> -> memref<128xi32, #tpu.memory_space<hbm>>
      tpu.enqueue_dma source(%dma_start3A_62 : memref<128xi32, #tpu.memory_space<hbm>>) target(%arg11 : memref<128xi32, #tpu.memory_space<vmem>>) target_semaphore(%arg22 : memref<!tpu.dma_semaphore, #tpu.memory_space<semaphore_mem>>)
      %dma_start3A_63 = arith.constant 1 : i32
      %dma_start3A_64 = arith.constant 0 : i32
      %dma_start3A_65 = tpu.memref_slice %arg3[%arg1, %dma_start3A_63, %dma_start3A_64] : memref<16x160x128xi32, #tpu.memory_space<hbm>> -> memref<1x1x128xi32, #tpu.memory_space<hbm>>
      %dma_start3A_66 = tpu.memref_squeeze %dma_start3A_65 : memref<1x1x128xi32, #tpu.memory_space<hbm>> -> memref<128xi32, #tpu.memory_space<hbm>>
      %dma_start3A_67 = arith.constant 0 : i32
      %dma_start3A_68 = tpu.memref_slice %arg3[%arg1, %dma_start3A_63, %dma_start3A_67] : memref<16x160x128xi32, #tpu.memory_space<hbm>> -> memref<1x1x128xi32, #tpu.memory_space<hbm>>
      %dma_start3A_69 = tpu.memref_squeeze %dma_start3A_68 : memref<1x1x128xi32, #tpu.memory_space<hbm>> -> memref<128xi32, #tpu.memory_space<hbm>>
      tpu.enqueue_dma source(%dma_start3A_69 : memref<128xi32, #tpu.memory_space<hbm>>) target(%arg13 : memref<128xi32, #tpu.memory_space<vmem>>) target_semaphore(%arg22 : memref<!tpu.dma_semaphore, #tpu.memory_space<semaphore_mem>>)
      %scan3A_70 = arith.constant 0 : i32
      %scan3A_71 = arith.constant 0 : i32
      %scan3A_72 = arith.constant 80 : i32
      %scan3A_73 = arith.addi %scan3A_71, %scan3A_72 : i32
      %scan3A_74 = arith.constant 1 : i32
      scf.for %scan3A_77 = %scan3A_71 to %scan3A_73 step %scan3A_74  : i32 {
        %mul3A_78 = arith.constant 2 : i32
        %mul3A_79 = arith.muli %scan3A_77, %mul3A_78 : i32
        %add3A = arith.constant 0 : i32
        %add3A_80 = arith.addi %mul3A_79, %add3A : i32
        %dma_wait3A = arith.constant 0 : i32
        %dma_wait3A_81 = arith.constant 0 : i32
        %dma_wait3A_82 = arith.constant 0 : i32
        %dma_wait3A_83 = tpu.memref_slice %arg2[%dma_wait3A, %dma_wait3A_81, %dma_wait3A_82] : memref<16x160x128xi32, #tpu.memory_space<hbm>> -> memref<1x1x128xi32, #tpu.memory_space<hbm>>
        %dma_wait3A_84 = tpu.memref_squeeze %dma_wait3A_83 : memref<1x1x128xi32, #tpu.memory_space<hbm>> -> memref<128xi32, #tpu.memory_space<hbm>>
        %dma_wait3A_85 = arith.constant 0 : i32
        %dma_wait3A_86 = tpu.memref_slice %arg2[%dma_wait3A, %dma_wait3A_81, %dma_wait3A_85] : memref<16x160x128xi32, #tpu.memory_space<hbm>> -> memref<1x1x128xi32, #tpu.memory_space<hbm>>
        %dma_wait3A_87 = tpu.memref_squeeze %dma_wait3A_86 : memref<1x1x128xi32, #tpu.memory_space<hbm>> -> memref<128xi32, #tpu.memory_space<hbm>>
        tpu.wait_dma2 semaphore(%arg21 : memref<!tpu.dma_semaphore, #tpu.memory_space<semaphore_mem>>) src(%dma_wait3A_87 : memref<128xi32, #tpu.memory_space<hbm>>) dst(%arg10 : memref<128xi32, #tpu.memory_space<vmem>>)
        %dma_wait3A_88 = arith.constant 0 : i32
        %dma_wait3A_89 = arith.constant 0 : i32
        %dma_wait3A_90 = arith.constant 0 : i32
        %dma_wait3A_91 = tpu.memref_slice %arg2[%dma_wait3A_88, %dma_wait3A_89, %dma_wait3A_90] : memref<16x160x128xi32, #tpu.memory_space<hbm>> -> memref<1x1x128xi32, #tpu.memory_space<hbm>>
        %dma_wait3A_92 = tpu.memref_squeeze %dma_wait3A_91 : memref<1x1x128xi32, #tpu.memory_space<hbm>> -> memref<128xi32, #tpu.memory_space<hbm>>
        %dma_wait3A_93 = arith.constant 0 : i32
        %dma_wait3A_94 = tpu.memref_slice %arg2[%dma_wait3A_88, %dma_wait3A_89, %dma_wait3A_93] : memref<16x160x128xi32, #tpu.memory_space<hbm>> -> memref<1x1x128xi32, #tpu.memory_space<hbm>>
        %dma_wait3A_95 = tpu.memref_squeeze %dma_wait3A_94 : memref<1x1x128xi32, #tpu.memory_space<hbm>> -> memref<128xi32, #tpu.memory_space<hbm>>
        tpu.wait_dma2 semaphore(%arg21 : memref<!tpu.dma_semaphore, #tpu.memory_space<semaphore_mem>>) src(%dma_wait3A_95 : memref<128xi32, #tpu.memory_space<hbm>>) dst(%arg12 : memref<128xi32, #tpu.memory_space<vmem>>)
        %dma_start3A_96 = arith.constant 0 : i32
        %dma_start3A_97 = arith.constant 0 : i32
        %dma_start3A_98 = tpu.memref_slice %arg5[%dma_start3A_96, %dma_start3A_97] : memref<10240x128xf32, #tpu.memory_space<hbm>> -> memref<10240x128xf32, #tpu.memory_space<hbm>>
        tpu.enqueue_indirect_dma source(%dma_start3A_98 : memref<10240x128xf32, #tpu.memory_space<hbm>>) target(%arg14 : memref<128x128xf32, #tpu.memory_space<vmem>>) offsets(%arg10 : memref<128xi32, #tpu.memory_space<vmem>>) semaphore(%arg23 : memref<!tpu.dma_semaphore, #tpu.memory_space<semaphore_mem>>)
        %mul3A_99 = arith.constant 160 : i32
        %mul3A_100 = arith.muli %arg1, %mul3A_99 : i32
        %add3A_101 = arith.addi %mul3A_100, %add3A_80 : i32
        %mul3A_102 = arith.constant 128 : i32
        %mul3A_103 = arith.muli %add3A_101, %mul3A_102 : i32
        %mul3A_104 = arith.constant 4 : i32
        %mul3A_105 = arith.muli %mul3A_103, %mul3A_104 : i32
        %dma_start3A_106 = tpu.memref_slice %arg6[%mul3A_105] : memref<1310720xf32, #tpu.memory_space<hbm>> -> memref<512xf32, #tpu.memory_space<hbm>>
        %dma_start3A_107 = tpu.memref_slice %arg6[%mul3A_105] : memref<1310720xf32, #tpu.memory_space<hbm>> -> memref<512xf32, #tpu.memory_space<hbm>>
        tpu.enqueue_dma source(%dma_start3A_107 : memref<512xf32, #tpu.memory_space<hbm>>) target(%arg18 : memref<512xf32, #tpu.memory_space<vmem>>) target_semaphore(%arg23 : memref<!tpu.dma_semaphore, #tpu.memory_space<semaphore_mem>>)
        %mul3A_108 = arith.constant 2 : i32
        %mul3A_109 = arith.muli %scan3A_77, %mul3A_108 : i32
        %add3A_110 = arith.constant 1 : i32
        %add3A_111 = arith.addi %mul3A_109, %add3A_110 : i32
        %dma_wait3A_112 = arith.constant 0 : i32
        %dma_wait3A_113 = arith.constant 0 : i32
        %dma_wait3A_114 = arith.constant 0 : i32
        %dma_wait3A_115 = tpu.memref_slice %arg2[%dma_wait3A_112, %dma_wait3A_113, %dma_wait3A_114] : memref<16x160x128xi32, #tpu.memory_space<hbm>> -> memref<1x1x128xi32, #tpu.memory_space<hbm>>
        %dma_wait3A_116 = tpu.memref_squeeze %dma_wait3A_115 : memref<1x1x128xi32, #tpu.memory_space<hbm>> -> memref<128xi32, #tpu.memory_space<hbm>>
        %dma_wait3A_117 = arith.constant 0 : i32
        %dma_wait3A_118 = tpu.memref_slice %arg2[%dma_wait3A_112, %dma_wait3A_113, %dma_wait3A_117] : memref<16x160x128xi32, #tpu.memory_space<hbm>> -> memref<1x1x128xi32, #tpu.memory_space<hbm>>
        %dma_wait3A_119 = tpu.memref_squeeze %dma_wait3A_118 : memref<1x1x128xi32, #tpu.memory_space<hbm>> -> memref<128xi32, #tpu.memory_space<hbm>>
        tpu.wait_dma2 semaphore(%arg22 : memref<!tpu.dma_semaphore, #tpu.memory_space<semaphore_mem>>) src(%dma_wait3A_119 : memref<128xi32, #tpu.memory_space<hbm>>) dst(%arg11 : memref<128xi32, #tpu.memory_space<vmem>>)
        %dma_wait3A_120 = arith.constant 0 : i32
        %dma_wait3A_121 = arith.constant 0 : i32
        %dma_wait3A_122 = arith.constant 0 : i32
        %dma_wait3A_123 = tpu.memref_slice %arg2[%dma_wait3A_120, %dma_wait3A_121, %dma_wait3A_122] : memref<16x160x128xi32, #tpu.memory_space<hbm>> -> memref<1x1x128xi32, #tpu.memory_space<hbm>>
        %dma_wait3A_124 = tpu.memref_squeeze %dma_wait3A_123 : memref<1x1x128xi32, #tpu.memory_space<hbm>> -> memref<128xi32, #tpu.memory_space<hbm>>
        %dma_wait3A_125 = arith.constant 0 : i32
        %dma_wait3A_126 = tpu.memref_slice %arg2[%dma_wait3A_120, %dma_wait3A_121, %dma_wait3A_125] : memref<16x160x128xi32, #tpu.memory_space<hbm>> -> memref<1x1x128xi32, #tpu.memory_space<hbm>>
        %dma_wait3A_127 = tpu.memref_squeeze %dma_wait3A_126 : memref<1x1x128xi32, #tpu.memory_space<hbm>> -> memref<128xi32, #tpu.memory_space<hbm>>
        tpu.wait_dma2 semaphore(%arg22 : memref<!tpu.dma_semaphore, #tpu.memory_space<semaphore_mem>>) src(%dma_wait3A_127 : memref<128xi32, #tpu.memory_space<hbm>>) dst(%arg13 : memref<128xi32, #tpu.memory_space<vmem>>)
        %dma_start3A_128 = arith.constant 0 : i32
        %dma_start3A_129 = arith.constant 0 : i32
        %dma_start3A_130 = tpu.memref_slice %arg5[%dma_start3A_128, %dma_start3A_129] : memref<10240x128xf32, #tpu.memory_space<hbm>> -> memref<10240x128xf32, #tpu.memory_space<hbm>>
        tpu.enqueue_indirect_dma source(%dma_start3A_130 : memref<10240x128xf32, #tpu.memory_space<hbm>>) target(%arg15 : memref<128x128xf32, #tpu.memory_space<vmem>>) offsets(%arg11 : memref<128xi32, #tpu.memory_space<vmem>>) semaphore(%arg24 : memref<!tpu.dma_semaphore, #tpu.memory_space<semaphore_mem>>)
        %mul3A_131 = arith.constant 160 : i32
        %mul3A_132 = arith.muli %arg1, %mul3A_131 : i32
        %add3A_133 = arith.addi %mul3A_132, %add3A_111 : i32
        %mul3A_134 = arith.constant 128 : i32
        %mul3A_135 = arith.muli %add3A_133, %mul3A_134 : i32
        %mul3A_136 = arith.constant 4 : i32
        %mul3A_137 = arith.muli %mul3A_135, %mul3A_136 : i32
        %dma_start3A_138 = tpu.memref_slice %arg6[%mul3A_137] : memref<1310720xf32, #tpu.memory_space<hbm>> -> memref<512xf32, #tpu.memory_space<hbm>>
        %dma_start3A_139 = tpu.memref_slice %arg6[%mul3A_137] : memref<1310720xf32, #tpu.memory_space<hbm>> -> memref<512xf32, #tpu.memory_space<hbm>>
        tpu.enqueue_dma source(%dma_start3A_139 : memref<512xf32, #tpu.memory_space<hbm>>) target(%arg19 : memref<512xf32, #tpu.memory_space<vmem>>) target_semaphore(%arg24 : memref<!tpu.dma_semaphore, #tpu.memory_space<semaphore_mem>>)
        %mul3A_140 = arith.constant 2 : i32
        %mul3A_141 = arith.muli %scan3A_77, %mul3A_140 : i32
        %add3A_142 = arith.constant 0 : i32
        %add3A_143 = arith.addi %mul3A_141, %add3A_142 : i32
        %dma_wait3A_144 = arith.constant 0 : i32
        %dma_wait3A_145 = arith.constant 0 : i32
        %dma_wait3A_146 = tpu.memref_slice %arg5[%dma_wait3A_144, %dma_wait3A_145] : memref<10240x128xf32, #tpu.memory_space<hbm>> -> memref<128x128xf32, #tpu.memory_space<hbm>>
        %dma_wait3A_147 = arith.constant 0 : i32
        %dma_wait3A_148 = arith.constant 0 : i32
        %dma_wait3A_149 = tpu.memref_slice %arg5[%dma_wait3A_147, %dma_wait3A_148] : memref<10240x128xf32, #tpu.memory_space<hbm>> -> memref<128x128xf32, #tpu.memory_space<hbm>>
        tpu.wait_dma2 semaphore(%arg23 : memref<!tpu.dma_semaphore, #tpu.memory_space<semaphore_mem>>) src(%dma_wait3A_149 : memref<128x128xf32, #tpu.memory_space<hbm>>) dst(%arg14 : memref<128x128xf32, #tpu.memory_space<vmem>>)
        %dma_wait3A_150 = arith.constant 0 : i32
        %dma_wait3A_151 = tpu.memref_slice %arg6[%dma_wait3A_150] : memref<1310720xf32, #tpu.memory_space<hbm>> -> memref<512xf32, #tpu.memory_space<hbm>>
        %dma_wait3A_152 = arith.constant 0 : i32
        %dma_wait3A_153 = tpu.memref_slice %arg6[%dma_wait3A_152] : memref<1310720xf32, #tpu.memory_space<hbm>> -> memref<512xf32, #tpu.memory_space<hbm>>
        tpu.wait_dma2 semaphore(%arg23 : memref<!tpu.dma_semaphore, #tpu.memory_space<semaphore_mem>>) src(%dma_wait3A_153 : memref<512xf32, #tpu.memory_space<hbm>>) dst(%arg18 : memref<512xf32, #tpu.memory_space<vmem>>)
        %scan3A_154 = arith.constant 0 : i32
        %scan3A_155 = arith.constant 0 : i32
        %scan3A_156 = arith.constant 32 : i32
        %scan3A_157 = arith.addi %scan3A_155, %scan3A_156 : i32
        %scan3A_158 = arith.constant 1 : i32
        scf.for %scan3A_219 = %scan3A_155 to %scan3A_157 step %scan3A_158  : i32 {
          %mul3A_220 = arith.constant 16 : i32
          %mul3A_221 = arith.muli %scan3A_219, %mul3A_220 : i32
          %get3A = arith.index_cast %mul3A_221 : i32 to index
          %get3A_222 = tpu.vector_load %arg18[%get3A] {strides = array<i32>} : memref<512xf32, #tpu.memory_space<vmem>>, vector<16xf32>,
          %mul3A_223 = arith.constant 4 : i32
          %mul3A_224 = arith.muli %scan3A_219, %mul3A_223 : i32
          %add3A_225 = arith.constant 0 : i32
          %add3A_226 = arith.addi %mul3A_224, %add3A_225 : i32
          %slice3A = vector.extract_strided_slice %get3A_222 {offsets = [2], sizes = [1], strides = [1]} : vector<16xf32> to vector<1xf32>
          %squeeze3A = vector.extract %slice3A[0] : f32 from vector<1xf32>
          %get3A_227 = arith.index_cast %add3A_226 : i32 to index
          %get3A_228 = arith.constant 64 : index
          %get3A_229 = tpu.vector_load %arg14[%get3A_227, %get3A_228] {strides = array<i32>} : memref<128x128xf32, #tpu.memory_space<vmem>>, vector<16xf32>,
          %mul3A_230 = vector.broadcast %squeeze3A : f32 to vector<16xf32>
          %mul3A_231 = arith.mulf %get3A_229, %mul3A_230 : vector<16xf32>
          %swap3A = arith.index_cast %add3A_226 : i32 to index
          %swap3A_232 = arith.constant 0 : index
          %swap3A_233 = tpu.vector_load %arg16[%swap3A, %swap3A_232] {strides = array<i32>} : memref<128x64xf32, #tpu.memory_space<vmem>>, vector<16xf32>,
          tpu.vector_store %arg16[%swap3A, %swap3A_232], %mul3A_231 {strides = array<i32>} : memref<128x64xf32, #tpu.memory_space<vmem>>, vector<16xf32>,
          %get3A_234 = arith.index_cast %add3A_226 : i32 to index
          %get3A_235 = arith.constant 80 : index
          %get3A_236 = tpu.vector_load %arg14[%get3A_234, %get3A_235] {strides = array<i32>} : memref<128x128xf32, #tpu.memory_space<vmem>>, vector<16xf32>,
          %mul3A_237 = vector.broadcast %squeeze3A : f32 to vector<16xf32>
          %mul3A_238 = arith.mulf %get3A_236, %mul3A_237 : vector<16xf32>
          %swap3A_239 = arith.index_cast %add3A_226 : i32 to index
          %swap3A_240 = arith.constant 16 : index
          %swap3A_241 = tpu.vector_load %arg16[%swap3A_239, %swap3A_240] {strides = array<i32>} : memref<128x64xf32, #tpu.memory_space<vmem>>, vector<16xf32>,
          tpu.vector_store %arg16[%swap3A_239, %swap3A_240], %mul3A_238 {strides = array<i32>} : memref<128x64xf32, #tpu.memory_space<vmem>>, vector<16xf32>,
          %slice3A_242 = vector.extract_strided_slice %get3A_222 {offsets = [3], sizes = [1], strides = [1]} : vector<16xf32> to vector<1xf32>
          %squeeze3A_243 = vector.extract %slice3A_242[0] : f32 from vector<1xf32>
          %get3A_244 = arith.index_cast %add3A_226 : i32 to index
          %get3A_245 = arith.constant 96 : index
          %get3A_246 = tpu.vector_load %arg14[%get3A_244, %get3A_245] {strides = array<i32>} : memref<128x128xf32, #tpu.memory_space<vmem>>, vector<16xf32>,
          %mul3A_247 = vector.broadcast %squeeze3A_243 : f32 to vector<16xf32>
          %mul3A_248 = arith.mulf %get3A_246, %mul3A_247 : vector<16xf32>
          %swap3A_249 = arith.index_cast %add3A_226 : i32 to index
          %swap3A_250 = arith.constant 32 : index
          %swap3A_251 = tpu.vector_load %arg16[%swap3A_249, %swap3A_250] {strides = array<i32>} : memref<128x64xf32, #tpu.memory_space<vmem>>, vector<16xf32>,
          tpu.vector_store %arg16[%swap3A_249, %swap3A_250], %mul3A_248 {strides = array<i32>} : memref<128x64xf32, #tpu.memory_space<vmem>>, vector<16xf32>,
          %get3A_252 = arith.index_cast %add3A_226 : i32 to index
          %get3A_253 = arith.constant 112 : index
          %get3A_254 = tpu.vector_load %arg14[%get3A_252, %get3A_253] {strides = array<i32>} : memref<128x128xf32, #tpu.memory_space<vmem>>, vector<16xf32>,
          %mul3A_255 = vector.broadcast %squeeze3A_243 : f32 to vector<16xf32>
          %mul3A_256 = arith.mulf %get3A_254, %mul3A_255 : vector<16xf32>
          %swap3A_257 = arith.index_cast %add3A_226 : i32 to index
          %swap3A_258 = arith.constant 48 : index
          %swap3A_259 = tpu.vector_load %arg16[%swap3A_257, %swap3A_258] {strides = array<i32>} : memref<128x64xf32, #tpu.memory_space<vmem>>, vector<16xf32>,
          tpu.vector_store %arg16[%swap3A_257, %swap3A_258], %mul3A_256 {strides = array<i32>} : memref<128x64xf32, #tpu.memory_space<vmem>>, vector<16xf32>,
          %mul3A_260 = arith.constant 4 : i32
          %mul3A_261 = arith.muli %scan3A_219, %mul3A_260 : i32
          %add3A_262 = arith.constant 1 : i32
          %add3A_263 = arith.addi %mul3A_261, %add3A_262 : i32
          %slice3A_264 = vector.extract_strided_slice %get3A_222 {offsets = [6], sizes = [1], strides = [1]} : vector<16xf32> to vector<1xf32>
          %squeeze3A_265 = vector.extract %slice3A_264[0] : f32 from vector<1xf32>
          %get3A_266 = arith.index_cast %add3A_263 : i32 to index
          %get3A_267 = arith.constant 64 : index
          %get3A_268 = tpu.vector_load %arg14[%get3A_266, %get3A_267] {strides = array<i32>} : memref<128x128xf32, #tpu.memory_space<vmem>>, vector<16xf32>,
          %mul3A_269 = vector.broadcast %squeeze3A_265 : f32 to vector<16xf32>
          %mul3A_270 = arith.mulf %get3A_268, %mul3A_269 : vector<16xf32>
          %swap3A_271 = arith.index_cast %add3A_263 : i32 to index
          %swap3A_272 = arith.constant 0 : index
          %swap3A_273 = tpu.vector_load %arg16[%swap3A_271, %swap3A_272] {strides = array<i32>} : memref<128x64xf32, #tpu.memory_space<vmem>>, vector<16xf32>,
          tpu.vector_store %arg16[%swap3A_271, %swap3A_272], %mul3A_270 {strides = array<i32>} : memref<128x64xf32, #tpu.memory_space<vmem>>, vector<16xf32>,
          %get3A_274 = arith.index_cast %add3A_263 : i32 to index
          %get3A_275 = arith.constant 80 : index
          %get3A_276 = tpu.vector_load %arg14[%get3A_274, %get3A_275] {strides = array<i32>} : memref<128x128xf32, #tpu.memory_space<vmem>>, vector<16xf32>,
          %mul3A_277 = vector.broadcast %squeeze3A_265 : f32 to vector<16xf32>
          %mul3A_278 = arith.mulf %get3A_276, %mul3A_277 : vector<16xf32>
          %swap3A_279 = arith.index_cast %add3A_263 : i32 to index
          %swap3A_280 = arith.constant 16 : index
          %swap3A_281 = tpu.vector_load %arg16[%swap3A_279, %swap3A_280] {strides = array<i32>} : memref<128x64xf32, #tpu.memory_space<vmem>>, vector<16xf32>,
          tpu.vector_store %arg16[%swap3A_279, %swap3A_280], %mul3A_278 {strides = array<i32>} : memref<128x64xf32, #tpu.memory_space<vmem>>, vector<16xf32>,
          %slice3A_282 = vector.extract_strided_slice %get3A_222 {offsets = [7], sizes = [1], strides = [1]} : vector<16xf32> to vector<1xf32>
          %squeeze3A_283 = vector.extract %slice3A_282[0] : f32 from vector<1xf32>
          %get3A_284 = arith.index_cast %add3A_263 : i32 to index
          %get3A_285 = arith.constant 96 : index
          %get3A_286 = tpu.vector_load %arg14[%get3A_284, %get3A_285] {strides = array<i32>} : memref<128x128xf32, #tpu.memory_space<vmem>>, vector<16xf32>,
          %mul3A_287 = vector.broadcast %squeeze3A_283 : f32 to vector<16xf32>
          %mul3A_288 = arith.mulf %get3A_286, %mul3A_287 : vector<16xf32>
          %swap3A_289 = arith.index_cast %add3A_263 : i32 to index
          %swap3A_290 = arith.constant 32 : index
          %swap3A_291 = tpu.vector_load %arg16[%swap3A_289, %swap3A_290] {strides = array<i32>} : memref<128x64xf32, #tpu.memory_space<vmem>>, vector<16xf32>,
          tpu.vector_store %arg16[%swap3A_289, %swap3A_290], %mul3A_288 {strides = array<i32>} : memref<128x64xf32, #tpu.memory_space<vmem>>, vector<16xf32>,
          %get3A_292 = arith.index_cast %add3A_263 : i32 to index
          %get3A_293 = arith.constant 112 : index
          %get3A_294 = tpu.vector_load %arg14[%get3A_292, %get3A_293] {strides = array<i32>} : memref<128x128xf32, #tpu.memory_space<vmem>>, vector<16xf32>,
          %mul3A_295 = vector.broadcast %squeeze3A_283 : f32 to vector<16xf32>
          %mul3A_296 = arith.mulf %get3A_294, %mul3A_295 : vector<16xf32>
          %swap3A_297 = arith.index_cast %add3A_263 : i32 to index
          %swap3A_298 = arith.constant 48 : index
          %swap3A_299 = tpu.vector_load %arg16[%swap3A_297, %swap3A_298] {strides = array<i32>} : memref<128x64xf32, #tpu.memory_space<vmem>>, vector<16xf32>,
          tpu.vector_store %arg16[%swap3A_297, %swap3A_298], %mul3A_296 {strides = array<i32>} : memref<128x64xf32, #tpu.memory_space<vmem>>, vector<16xf32>,
          %mul3A_300 = arith.constant 4 : i32
          %mul3A_301 = arith.muli %scan3A_219, %mul3A_300 : i32
          %add3A_302 = arith.constant 2 : i32
          %add3A_303 = arith.addi %mul3A_301, %add3A_302 : i32
          %slice3A_304 = vector.extract_strided_slice %get3A_222 {offsets = [10], sizes = [1], strides = [1]} : vector<16xf32> to vector<1xf32>
          %squeeze3A_305 = vector.extract %slice3A_304[0] : f32 from vector<1xf32>
          %get3A_306 = arith.index_cast %add3A_303 : i32 to index
          %get3A_307 = arith.constant 64 : index
          %get3A_308 = tpu.vector_load %arg14[%get3A_306, %get3A_307] {strides = array<i32>} : memref<128x128xf32, #tpu.memory_space<vmem>>, vector<16xf32>,
          %mul3A_309 = vector.broadcast %squeeze3A_305 : f32 to vector<16xf32>
          %mul3A_310 = arith.mulf %get3A_308, %mul3A_309 : vector<16xf32>
          %swap3A_311 = arith.index_cast %add3A_303 : i32 to index
          %swap3A_312 = arith.constant 0 : index
          %swap3A_313 = tpu.vector_load %arg16[%swap3A_311, %swap3A_312] {strides = array<i32>} : memref<128x64xf32, #tpu.memory_space<vmem>>, vector<16xf32>,
          tpu.vector_store %arg16[%swap3A_311, %swap3A_312], %mul3A_310 {strides = array<i32>} : memref<128x64xf32, #tpu.memory_space<vmem>>, vector<16xf32>,
          %get3A_314 = arith.index_cast %add3A_303 : i32 to index
          %get3A_315 = arith.constant 80 : index
          %get3A_316 = tpu.vector_load %arg14[%get3A_314, %get3A_315] {strides = array<i32>} : memref<128x128xf32, #tpu.memory_space<vmem>>, vector<16xf32>,
          %mul3A_317 = vector.broadcast %squeeze3A_305 : f32 to vector<16xf32>
          %mul3A_318 = arith.mulf %get3A_316, %mul3A_317 : vector<16xf32>
          %swap3A_319 = arith.index_cast %add3A_303 : i32 to index
          %swap3A_320 = arith.constant 16 : index
          %swap3A_321 = tpu.vector_load %arg16[%swap3A_319, %swap3A_320] {strides = array<i32>} : memref<128x64xf32, #tpu.memory_space<vmem>>, vector<16xf32>,
          tpu.vector_store %arg16[%swap3A_319, %swap3A_320], %mul3A_318 {strides = array<i32>} : memref<128x64xf32, #tpu.memory_space<vmem>>, vector<16xf32>,
          %slice3A_322 = vector.extract_strided_slice %get3A_222 {offsets = [11], sizes = [1], strides = [1]} : vector<16xf32> to vector<1xf32>
          %squeeze3A_323 = vector.extract %slice3A_322[0] : f32 from vector<1xf32>
          %get3A_324 = arith.index_cast %add3A_303 : i32 to index
          %get3A_325 = arith.constant 96 : index
          %get3A_326 = tpu.vector_load %arg14[%get3A_324, %get3A_325] {strides = array<i32>} : memref<128x128xf32, #tpu.memory_space<vmem>>, vector<16xf32>,
          %mul3A_327 = vector.broadcast %squeeze3A_323 : f32 to vector<16xf32>
          %mul3A_328 = arith.mulf %get3A_326, %mul3A_327 : vector<16xf32>
          %swap3A_329 = arith.index_cast %add3A_303 : i32 to index
          %swap3A_330 = arith.constant 32 : index
          %swap3A_331 = tpu.vector_load %arg16[%swap3A_329, %swap3A_330] {strides = array<i32>} : memref<128x64xf32, #tpu.memory_space<vmem>>, vector<16xf32>,
          tpu.vector_store %arg16[%swap3A_329, %swap3A_330], %mul3A_328 {strides = array<i32>} : memref<128x64xf32, #tpu.memory_space<vmem>>, vector<16xf32>,
          %get3A_332 = arith.index_cast %add3A_303 : i32 to index
          %get3A_333 = arith.constant 112 : index
          %get3A_334 = tpu.vector_load %arg14[%get3A_332, %get3A_333] {strides = array<i32>} : memref<128x128xf32, #tpu.memory_space<vmem>>, vector<16xf32>,
          %mul3A_335 = vector.broadcast %squeeze3A_323 : f32 to vector<16xf32>
          %mul3A_336 = arith.mulf %get3A_334, %mul3A_335 : vector<16xf32>
          %swap3A_337 = arith.index_cast %add3A_303 : i32 to index
          %swap3A_338 = arith.constant 48 : index
          %swap3A_339 = tpu.vector_load %arg16[%swap3A_337, %swap3A_338] {strides = array<i32>} : memref<128x64xf32, #tpu.memory_space<vmem>>, vector<16xf32>,
          tpu.vector_store %arg16[%swap3A_337, %swap3A_338], %mul3A_336 {strides = array<i32>} : memref<128x64xf32, #tpu.memory_space<vmem>>, vector<16xf32>,
          %mul3A_340 = arith.constant 4 : i32
          %mul3A_341 = arith.muli %scan3A_219, %mul3A_340 : i32
          %add3A_342 = arith.constant 3 : i32
          %add3A_343 = arith.addi %mul3A_341, %add3A_342 : i32
          %slice3A_344 = vector.extract_strided_slice %get3A_222 {offsets = [14], sizes = [1], strides = [1]} : vector<16xf32> to vector<1xf32>
          %squeeze3A_345 = vector.extract %slice3A_344[0] : f32 from vector<1xf32>
          %get3A_346 = arith.index_cast %add3A_343 : i32 to index
          %get3A_347 = arith.constant 64 : index
          %get3A_348 = tpu.vector_load %arg14[%get3A_346, %get3A_347] {strides = array<i32>} : memref<128x128xf32, #tpu.memory_space<vmem>>, vector<16xf32>,
          %mul3A_349 = vector.broadcast %squeeze3A_345 : f32 to vector<16xf32>
          %mul3A_350 = arith.mulf %get3A_348, %mul3A_349 : vector<16xf32>
          %swap3A_351 = arith.index_cast %add3A_343 : i32 to index
          %swap3A_352 = arith.constant 0 : index
          %swap3A_353 = tpu.vector_load %arg16[%swap3A_351, %swap3A_352] {strides = array<i32>} : memref<128x64xf32, #tpu.memory_space<vmem>>, vector<16xf32>,
          tpu.vector_store %arg16[%swap3A_351, %swap3A_352], %mul3A_350 {strides = array<i32>} : memref<128x64xf32, #tpu.memory_space<vmem>>, vector<16xf32>,
          %get3A_354 = arith.index_cast %add3A_343 : i32 to index
          %get3A_355 = arith.constant 80 : index
          %get3A_356 = tpu.vector_load %arg14[%get3A_354, %get3A_355] {strides = array<i32>} : memref<128x128xf32, #tpu.memory_space<vmem>>, vector<16xf32>,
          %mul3A_357 = vector.broadcast %squeeze3A_345 : f32 to vector<16xf32>
          %mul3A_358 = arith.mulf %get3A_356, %mul3A_357 : vector<16xf32>
          %swap3A_359 = arith.index_cast %add3A_343 : i32 to index
          %swap3A_360 = arith.constant 16 : index
          %swap3A_361 = tpu.vector_load %arg16[%swap3A_359, %swap3A_360] {strides = array<i32>} : memref<128x64xf32, #tpu.memory_space<vmem>>, vector<16xf32>,
          tpu.vector_store %arg16[%swap3A_359, %swap3A_360], %mul3A_358 {strides = array<i32>} : memref<128x64xf32, #tpu.memory_space<vmem>>, vector<16xf32>,
          %slice3A_362 = vector.extract_strided_slice %get3A_222 {offsets = [15], sizes = [1], strides = [1]} : vector<16xf32> to vector<1xf32>
          %squeeze3A_363 = vector.extract %slice3A_362[0] : f32 from vector<1xf32>
          %get3A_364 = arith.index_cast %add3A_343 : i32 to index
          %get3A_365 = arith.constant 96 : index
          %get3A_366 = tpu.vector_load %arg14[%get3A_364, %get3A_365] {strides = array<i32>} : memref<128x128xf32, #tpu.memory_space<vmem>>, vector<16xf32>,
          %mul3A_367 = vector.broadcast %squeeze3A_363 : f32 to vector<16xf32>
          %mul3A_368 = arith.mulf %get3A_366, %mul3A_367 : vector<16xf32>
          %swap3A_369 = arith.index_cast %add3A_343 : i32 to index
          %swap3A_370 = arith.constant 32 : index
          %swap3A_371 = tpu.vector_load %arg16[%swap3A_369, %swap3A_370] {strides = array<i32>} : memref<128x64xf32, #tpu.memory_space<vmem>>, vector<16xf32>,
          tpu.vector_store %arg16[%swap3A_369, %swap3A_370], %mul3A_368 {strides = array<i32>} : memref<128x64xf32, #tpu.memory_space<vmem>>, vector<16xf32>,
          %get3A_372 = arith.index_cast %add3A_343 : i32 to index
          %get3A_373 = arith.constant 112 : index
          %get3A_374 = tpu.vector_load %arg14[%get3A_372, %get3A_373] {strides = array<i32>} : memref<128x128xf32, #tpu.memory_space<vmem>>, vector<16xf32>,
          %mul3A_375 = vector.broadcast %squeeze3A_363 : f32 to vector<16xf32>
          %mul3A_376 = arith.mulf %get3A_374, %mul3A_375 : vector<16xf32>
          %swap3A_377 = arith.index_cast %add3A_343 : i32 to index
          %swap3A_378 = arith.constant 48 : index
          %swap3A_379 = tpu.vector_load %arg16[%swap3A_377, %swap3A_378] {strides = array<i32>} : memref<128x64xf32, #tpu.memory_space<vmem>>, vector<16xf32>,
          tpu.vector_store %arg16[%swap3A_377, %swap3A_378], %mul3A_376 {strides = array<i32>} : memref<128x64xf32, #tpu.memory_space<vmem>>, vector<16xf32>,
        }
        %scan3A_159 = arith.constant 32 : i32
        %dma_start3A_160 = arith.constant 0 : i32
        %dma_start3A_161 = arith.constant 0 : i32
        %dma_start3A_162 = tpu.memref_slice %arg20[%dma_start3A_160, %dma_start3A_161] : memref<10240x64xf32, #tpu.memory_space<vmem_shared>> -> memref<10240x64xf32, #tpu.memory_space<vmem_shared>>
        tpu.enqueue_indirect_dma source(%arg16 : memref<128x64xf32, #tpu.memory_space<vmem>>) target(%dma_start3A_162 : memref<10240x64xf32, #tpu.memory_space<vmem_shared>>) offsets(%arg12 : memref<128xi32, #tpu.memory_space<vmem>>) semaphore(%arg25 : memref<!tpu.dma_semaphore, #tpu.memory_space<semaphore_mem>>) {add = true}
        %mul3A_163 = arith.constant 2 : i32
        %mul3A_164 = arith.muli %scan3A_77, %mul3A_163 : i32
        %add3A_165 = arith.constant 1 : i32
        %add3A_166 = arith.addi %mul3A_164, %add3A_165 : i32
        %dma_wait3A_167 = arith.constant 0 : i32
        %dma_wait3A_168 = arith.constant 0 : i32
        %dma_wait3A_169 = tpu.memref_slice %arg5[%dma_wait3A_167, %dma_wait3A_168] : memref<10240x128xf32, #tpu.memory_space<hbm>> -> memref<128x128xf32, #tpu.memory_space<hbm>>
        %dma_wait3A_170 = arith.constant 0 : i32
        %dma_wait3A_171 = arith.constant 0 : i32
        %dma_wait3A_172 = tpu.memref_slice %arg5[%dma_wait3A_170, %dma_wait3A_171] : memref<10240x128xf32, #tpu.memory_space<hbm>> -> memref<128x128xf32, #tpu.memory_space<hbm>>
        tpu.wait_dma2 semaphore(%arg24 : memref<!tpu.dma_semaphore, #tpu.memory_space<semaphore_mem>>) src(%dma_wait3A_172 : memref<128x128xf32, #tpu.memory_space<hbm>>) dst(%arg15 : memref<128x128xf32, #tpu.memory_space<vmem>>)
        %dma_wait3A_173 = arith.constant 0 : i32
        %dma_wait3A_174 = tpu.memref_slice %arg6[%dma_wait3A_173] : memref<1310720xf32, #tpu.memory_space<hbm>> -> memref<512xf32, #tpu.memory_space<hbm>>
        %dma_wait3A_175 = arith.constant 0 : i32
        %dma_wait3A_176 = tpu.memref_slice %arg6[%dma_wait3A_175] : memref<1310720xf32, #tpu.memory_space<hbm>> -> memref<512xf32, #tpu.memory_space<hbm>>
        tpu.wait_dma2 semaphore(%arg24 : memref<!tpu.dma_semaphore, #tpu.memory_space<semaphore_mem>>) src(%dma_wait3A_176 : memref<512xf32, #tpu.memory_space<hbm>>) dst(%arg19 : memref<512xf32, #tpu.memory_space<vmem>>)
        %scan3A_177 = arith.constant 0 : i32
        %scan3A_178 = arith.constant 0 : i32
        %scan3A_179 = arith.constant 32 : i32
        %scan3A_180 = arith.addi %scan3A_178, %scan3A_179 : i32
        %scan3A_181 = arith.constant 1 : i32
        scf.for %scan3A_219 = %scan3A_178 to %scan3A_180 step %scan3A_181  : i32 {
          %mul3A_220 = arith.constant 16 : i32
          %mul3A_221 = arith.muli %scan3A_219, %mul3A_220 : i32
          %get3A = arith.index_cast %mul3A_221 : i32 to index
          %get3A_222 = tpu.vector_load %arg19[%get3A] {strides = array<i32>} : memref<512xf32, #tpu.memory_space<vmem>>, vector<16xf32>,
          %mul3A_223 = arith.constant 4 : i32
          %mul3A_224 = arith.muli %scan3A_219, %mul3A_223 : i32
          %add3A_225 = arith.constant 0 : i32
          %add3A_226 = arith.addi %mul3A_224, %add3A_225 : i32
          %slice3A = vector.extract_strided_slice %get3A_222 {offsets = [2], sizes = [1], strides = [1]} : vector<16xf32> to vector<1xf32>
          %squeeze3A = vector.extract %slice3A[0] : f32 from vector<1xf32>
          %get3A_227 = arith.index_cast %add3A_226 : i32 to index
          %get3A_228 = arith.constant 64 : index
          %get3A_229 = tpu.vector_load %arg15[%get3A_227, %get3A_228] {strides = array<i32>} : memref<128x128xf32, #tpu.memory_space<vmem>>, vector<16xf32>,
          %mul3A_230 = vector.broadcast %squeeze3A : f32 to vector<16xf32>
          %mul3A_231 = arith.mulf %get3A_229, %mul3A_230 : vector<16xf32>
          %swap3A = arith.index_cast %add3A_226 : i32 to index
          %swap3A_232 = arith.constant 0 : index
          %swap3A_233 = tpu.vector_load %arg17[%swap3A, %swap3A_232] {strides = array<i32>} : memref<128x64xf32, #tpu.memory_space<vmem>>, vector<16xf32>,
          tpu.vector_store %arg17[%swap3A, %swap3A_232], %mul3A_231 {strides = array<i32>} : memref<128x64xf32, #tpu.memory_space<vmem>>, vector<16xf32>,
          %get3A_234 = arith.index_cast %add3A_226 : i32 to index
          %get3A_235 = arith.constant 80 : index
          %get3A_236 = tpu.vector_load %arg15[%get3A_234, %get3A_235] {strides = array<i32>} : memref<128x128xf32, #tpu.memory_space<vmem>>, vector<16xf32>,
          %mul3A_237 = vector.broadcast %squeeze3A : f32 to vector<16xf32>
          %mul3A_238 = arith.mulf %get3A_236, %mul3A_237 : vector<16xf32>
          %swap3A_239 = arith.index_cast %add3A_226 : i32 to index
          %swap3A_240 = arith.constant 16 : index
          %swap3A_241 = tpu.vector_load %arg17[%swap3A_239, %swap3A_240] {strides = array<i32>} : memref<128x64xf32, #tpu.memory_space<vmem>>, vector<16xf32>,
          tpu.vector_store %arg17[%swap3A_239, %swap3A_240], %mul3A_238 {strides = array<i32>} : memref<128x64xf32, #tpu.memory_space<vmem>>, vector<16xf32>,
          %slice3A_242 = vector.extract_strided_slice %get3A_222 {offsets = [3], sizes = [1], strides = [1]} : vector<16xf32> to vector<1xf32>
          %squeeze3A_243 = vector.extract %slice3A_242[0] : f32 from vector<1xf32>
          %get3A_244 = arith.index_cast %add3A_226 : i32 to index
          %get3A_245 = arith.constant 96 : index
          %get3A_246 = tpu.vector_load %arg15[%get3A_244, %get3A_245] {strides = array<i32>} : memref<128x128xf32, #tpu.memory_space<vmem>>, vector<16xf32>,
          %mul3A_247 = vector.broadcast %squeeze3A_243 : f32 to vector<16xf32>
          %mul3A_248 = arith.mulf %get3A_246, %mul3A_247 : vector<16xf32>
          %swap3A_249 = arith.index_cast %add3A_226 : i32 to index
          %swap3A_250 = arith.constant 32 : index
          %swap3A_251 = tpu.vector_load %arg17[%swap3A_249, %swap3A_250] {strides = array<i32>} : memref<128x64xf32, #tpu.memory_space<vmem>>, vector<16xf32>,
          tpu.vector_store %arg17[%swap3A_249, %swap3A_250], %mul3A_248 {strides = array<i32>} : memref<128x64xf32, #tpu.memory_space<vmem>>, vector<16xf32>,
          %get3A_252 = arith.index_cast %add3A_226 : i32 to index
          %get3A_253 = arith.constant 112 : index
          %get3A_254 = tpu.vector_load %arg15[%get3A_252, %get3A_253] {strides = array<i32>} : memref<128x128xf32, #tpu.memory_space<vmem>>, vector<16xf32>,
          %mul3A_255 = vector.broadcast %squeeze3A_243 : f32 to vector<16xf32>
          %mul3A_256 = arith.mulf %get3A_254, %mul3A_255 : vector<16xf32>
          %swap3A_257 = arith.index_cast %add3A_226 : i32 to index
          %swap3A_258 = arith.constant 48 : index
          %swap3A_259 = tpu.vector_load %arg17[%swap3A_257, %swap3A_258] {strides = array<i32>} : memref<128x64xf32, #tpu.memory_space<vmem>>, vector<16xf32>,
          tpu.vector_store %arg17[%swap3A_257, %swap3A_258], %mul3A_256 {strides = array<i32>} : memref<128x64xf32, #tpu.memory_space<vmem>>, vector<16xf32>,
          %mul3A_260 = arith.constant 4 : i32
          %mul3A_261 = arith.muli %scan3A_219, %mul3A_260 : i32
          %add3A_262 = arith.constant 1 : i32
          %add3A_263 = arith.addi %mul3A_261, %add3A_262 : i32
          %slice3A_264 = vector.extract_strided_slice %get3A_222 {offsets = [6], sizes = [1], strides = [1]} : vector<16xf32> to vector<1xf32>
          %squeeze3A_265 = vector.extract %slice3A_264[0] : f32 from vector<1xf32>
          %get3A_266 = arith.index_cast %add3A_263 : i32 to index
          %get3A_267 = arith.constant 64 : index
          %get3A_268 = tpu.vector_load %arg15[%get3A_266, %get3A_267] {strides = array<i32>} : memref<128x128xf32, #tpu.memory_space<vmem>>, vector<16xf32>,
          %mul3A_269 = vector.broadcast %squeeze3A_265 : f32 to vector<16xf32>
          %mul3A_270 = arith.mulf %get3A_268, %mul3A_269 : vector<16xf32>
          %swap3A_271 = arith.index_cast %add3A_263 : i32 to index
          %swap3A_272 = arith.constant 0 : index
          %swap3A_273 = tpu.vector_load %arg17[%swap3A_271, %swap3A_272] {strides = array<i32>} : memref<128x64xf32, #tpu.memory_space<vmem>>, vector<16xf32>,
          tpu.vector_store %arg17[%swap3A_271, %swap3A_272], %mul3A_270 {strides = array<i32>} : memref<128x64xf32, #tpu.memory_space<vmem>>, vector<16xf32>,
          %get3A_274 = arith.index_cast %add3A_263 : i32 to index
          %get3A_275 = arith.constant 80 : index
          %get3A_276 = tpu.vector_load %arg15[%get3A_274, %get3A_275] {strides = array<i32>} : memref<128x128xf32, #tpu.memory_space<vmem>>, vector<16xf32>,
          %mul3A_277 = vector.broadcast %squeeze3A_265 : f32 to vector<16xf32>
          %mul3A_278 = arith.mulf %get3A_276, %mul3A_277 : vector<16xf32>
          %swap3A_279 = arith.index_cast %add3A_263 : i32 to index
          %swap3A_280 = arith.constant 16 : index
          %swap3A_281 = tpu.vector_load %arg17[%swap3A_279, %swap3A_280] {strides = array<i32>} : memref<128x64xf32, #tpu.memory_space<vmem>>, vector<16xf32>,
          tpu.vector_store %arg17[%swap3A_279, %swap3A_280], %mul3A_278 {strides = array<i32>} : memref<128x64xf32, #tpu.memory_space<vmem>>, vector<16xf32>,
          %slice3A_282 = vector.extract_strided_slice %get3A_222 {offsets = [7], sizes = [1], strides = [1]} : vector<16xf32> to vector<1xf32>
          %squeeze3A_283 = vector.extract %slice3A_282[0] : f32 from vector<1xf32>
          %get3A_284 = arith.index_cast %add3A_263 : i32 to index
          %get3A_285 = arith.constant 96 : index
          %get3A_286 = tpu.vector_load %arg15[%get3A_284, %get3A_285] {strides = array<i32>} : memref<128x128xf32, #tpu.memory_space<vmem>>, vector<16xf32>,
          %mul3A_287 = vector.broadcast %squeeze3A_283 : f32 to vector<16xf32>
          %mul3A_288 = arith.mulf %get3A_286, %mul3A_287 : vector<16xf32>
          %swap3A_289 = arith.index_cast %add3A_263 : i32 to index
          %swap3A_290 = arith.constant 32 : index
          %swap3A_291 = tpu.vector_load %arg17[%swap3A_289, %swap3A_290] {strides = array<i32>} : memref<128x64xf32, #tpu.memory_space<vmem>>, vector<16xf32>,
          tpu.vector_store %arg17[%swap3A_289, %swap3A_290], %mul3A_288 {strides = array<i32>} : memref<128x64xf32, #tpu.memory_space<vmem>>, vector<16xf32>,
          %get3A_292 = arith.index_cast %add3A_263 : i32 to index
          %get3A_293 = arith.constant 112 : index
          %get3A_294 = tpu.vector_load %arg15[%get3A_292, %get3A_293] {strides = array<i32>} : memref<128x128xf32, #tpu.memory_space<vmem>>, vector<16xf32>,
          %mul3A_295 = vector.broadcast %squeeze3A_283 : f32 to vector<16xf32>
          %mul3A_296 = arith.mulf %get3A_294, %mul3A_295 : vector<16xf32>
          %swap3A_297 = arith.index_cast %add3A_263 : i32 to index
          %swap3A_298 = arith.constant 48 : index
          %swap3A_299 = tpu.vector_load %arg17[%swap3A_297, %swap3A_298] {strides = array<i32>} : memref<128x64xf32, #tpu.memory_space<vmem>>, vector<16xf32>,
          tpu.vector_store %arg17[%swap3A_297, %swap3A_298], %mul3A_296 {strides = array<i32>} : memref<128x64xf32, #tpu.memory_space<vmem>>, vector<16xf32>,
          %mul3A_300 = arith.constant 4 : i32
          %mul3A_301 = arith.muli %scan3A_219, %mul3A_300 : i32
          %add3A_302 = arith.constant 2 : i32
          %add3A_303 = arith.addi %mul3A_301, %add3A_302 : i32
          %slice3A_304 = vector.extract_strided_slice %get3A_222 {offsets = [10], sizes = [1], strides = [1]} : vector<16xf32> to vector<1xf32>
          %squeeze3A_305 = vector.extract %slice3A_304[0] : f32 from vector<1xf32>
          %get3A_306 = arith.index_cast %add3A_303 : i32 to index
          %get3A_307 = arith.constant 64 : index
          %get3A_308 = tpu.vector_load %arg15[%get3A_306, %get3A_307] {strides = array<i32>} : memref<128x128xf32, #tpu.memory_space<vmem>>, vector<16xf32>,
          %mul3A_309 = vector.broadcast %squeeze3A_305 : f32 to vector<16xf32>
          %mul3A_310 = arith.mulf %get3A_308, %mul3A_309 : vector<16xf32>
          %swap3A_311 = arith.index_cast %add3A_303 : i32 to index
          %swap3A_312 = arith.constant 0 : index
          %swap3A_313 = tpu.vector_load %arg17[%swap3A_311, %swap3A_312] {strides = array<i32>} : memref<128x64xf32, #tpu.memory_space<vmem>>, vector<16xf32>,
          tpu.vector_store %arg17[%swap3A_311, %swap3A_312], %mul3A_310 {strides = array<i32>} : memref<128x64xf32, #tpu.memory_space<vmem>>, vector<16xf32>,
          %get3A_314 = arith.index_cast %add3A_303 : i32 to index
          %get3A_315 = arith.constant 80 : index
          %get3A_316 = tpu.vector_load %arg15[%get3A_314, %get3A_315] {strides = array<i32>} : memref<128x128xf32, #tpu.memory_space<vmem>>, vector<16xf32>,
          %mul3A_317 = vector.broadcast %squeeze3A_305 : f32 to vector<16xf32>
          %mul3A_318 = arith.mulf %get3A_316, %mul3A_317 : vector<16xf32>
          %swap3A_319 = arith.index_cast %add3A_303 : i32 to index
          %swap3A_320 = arith.constant 16 : index
          %swap3A_321 = tpu.vector_load %arg17[%swap3A_319, %swap3A_320] {strides = array<i32>} : memref<128x64xf32, #tpu.memory_space<vmem>>, vector<16xf32>,
          tpu.vector_store %arg17[%swap3A_319, %swap3A_320], %mul3A_318 {strides = array<i32>} : memref<128x64xf32, #tpu.memory_space<vmem>>, vector<16xf32>,
          %slice3A_322 = vector.extract_strided_slice %get3A_222 {offsets = [11], sizes = [1], strides = [1]} : vector<16xf32> to vector<1xf32>
          %squeeze3A_323 = vector.extract %slice3A_322[0] : f32 from vector<1xf32>
          %get3A_324 = arith.index_cast %add3A_303 : i32 to index
          %get3A_325 = arith.constant 96 : index
          %get3A_326 = tpu.vector_load %arg15[%get3A_324, %get3A_325] {strides = array<i32>} : memref<128x128xf32, #tpu.memory_space<vmem>>, vector<16xf32>,
          %mul3A_327 = vector.broadcast %squeeze3A_323 : f32 to vector<16xf32>
          %mul3A_328 = arith.mulf %get3A_326, %mul3A_327 : vector<16xf32>
          %swap3A_329 = arith.index_cast %add3A_303 : i32 to index
          %swap3A_330 = arith.constant 32 : index
          %swap3A_331 = tpu.vector_load %arg17[%swap3A_329, %swap3A_330] {strides = array<i32>} : memref<128x64xf32, #tpu.memory_space<vmem>>, vector<16xf32>,
          tpu.vector_store %arg17[%swap3A_329, %swap3A_330], %mul3A_328 {strides = array<i32>} : memref<128x64xf32, #tpu.memory_space<vmem>>, vector<16xf32>,
          %get3A_332 = arith.index_cast %add3A_303 : i32 to index
          %get3A_333 = arith.constant 112 : index
          %get3A_334 = tpu.vector_load %arg15[%get3A_332, %get3A_333] {strides = array<i32>} : memref<128x128xf32, #tpu.memory_space<vmem>>, vector<16xf32>,
          %mul3A_335 = vector.broadcast %squeeze3A_323 : f32 to vector<16xf32>
          %mul3A_336 = arith.mulf %get3A_334, %mul3A_335 : vector<16xf32>
          %swap3A_337 = arith.index_cast %add3A_303 : i32 to index
          %swap3A_338 = arith.constant 48 : index
          %swap3A_339 = tpu.vector_load %arg17[%swap3A_337, %swap3A_338] {strides = array<i32>} : memref<128x64xf32, #tpu.memory_space<vmem>>, vector<16xf32>,
          tpu.vector_store %arg17[%swap3A_337, %swap3A_338], %mul3A_336 {strides = array<i32>} : memref<128x64xf32, #tpu.memory_space<vmem>>, vector<16xf32>,
          %mul3A_340 = arith.constant 4 : i32
          %mul3A_341 = arith.muli %scan3A_219, %mul3A_340 : i32
          %add3A_342 = arith.constant 3 : i32
          %add3A_343 = arith.addi %mul3A_341, %add3A_342 : i32
          %slice3A_344 = vector.extract_strided_slice %get3A_222 {offsets = [14], sizes = [1], strides = [1]} : vector<16xf32> to vector<1xf32>
          %squeeze3A_345 = vector.extract %slice3A_344[0] : f32 from vector<1xf32>
          %get3A_346 = arith.index_cast %add3A_343 : i32 to index
          %get3A_347 = arith.constant 64 : index
          %get3A_348 = tpu.vector_load %arg15[%get3A_346, %get3A_347] {strides = array<i32>} : memref<128x128xf32, #tpu.memory_space<vmem>>, vector<16xf32>,
          %mul3A_349 = vector.broadcast %squeeze3A_345 : f32 to vector<16xf32>
          %mul3A_350 = arith.mulf %get3A_348, %mul3A_349 : vector<16xf32>
          %swap3A_351 = arith.index_cast %add3A_343 : i32 to index
          %swap3A_352 = arith.constant 0 : index
          %swap3A_353 = tpu.vector_load %arg17[%swap3A_351, %swap3A_352] {strides = array<i32>} : memref<128x64xf32, #tpu.memory_space<vmem>>, vector<16xf32>,
          tpu.vector_store %arg17[%swap3A_351, %swap3A_352], %mul3A_350 {strides = array<i32>} : memref<128x64xf32, #tpu.memory_space<vmem>>, vector<16xf32>,
          %get3A_354 = arith.index_cast %add3A_343 : i32 to index
          %get3A_355 = arith.constant 80 : index
          %get3A_356 = tpu.vector_load %arg15[%get3A_354, %get3A_355] {strides = array<i32>} : memref<128x128xf32, #tpu.memory_space<vmem>>, vector<16xf32>,
          %mul3A_357 = vector.broadcast %squeeze3A_345 : f32 to vector<16xf32>
          %mul3A_358 = arith.mulf %get3A_356, %mul3A_357 : vector<16xf32>
          %swap3A_359 = arith.index_cast %add3A_343 : i32 to index
          %swap3A_360 = arith.constant 16 : index
          %swap3A_361 = tpu.vector_load %arg17[%swap3A_359, %swap3A_360] {strides = array<i32>} : memref<128x64xf32, #tpu.memory_space<vmem>>, vector<16xf32>,
          tpu.vector_store %arg17[%swap3A_359, %swap3A_360], %mul3A_358 {strides = array<i32>} : memref<128x64xf32, #tpu.memory_space<vmem>>, vector<16xf32>,
          %slice3A_362 = vector.extract_strided_slice %get3A_222 {offsets = [15], sizes = [1], strides = [1]} : vector<16xf32> to vector<1xf32>
          %squeeze3A_363 = vector.extract %slice3A_362[0] : f32 from vector<1xf32>
          %get3A_364 = arith.index_cast %add3A_343 : i32 to index
          %get3A_365 = arith.constant 96 : index
          %get3A_366 = tpu.vector_load %arg15[%get3A_364, %get3A_365] {strides = array<i32>} : memref<128x128xf32, #tpu.memory_space<vmem>>, vector<16xf32>,
          %mul3A_367 = vector.broadcast %squeeze3A_363 : f32 to vector<16xf32>
          %mul3A_368 = arith.mulf %get3A_366, %mul3A_367 : vector<16xf32>
          %swap3A_369 = arith.index_cast %add3A_343 : i32 to index
          %swap3A_370 = arith.constant 32 : index
          %swap3A_371 = tpu.vector_load %arg17[%swap3A_369, %swap3A_370] {strides = array<i32>} : memref<128x64xf32, #tpu.memory_space<vmem>>, vector<16xf32>,
          tpu.vector_store %arg17[%swap3A_369, %swap3A_370], %mul3A_368 {strides = array<i32>} : memref<128x64xf32, #tpu.memory_space<vmem>>, vector<16xf32>,
          %get3A_372 = arith.index_cast %add3A_343 : i32 to index
          %get3A_373 = arith.constant 112 : index
          %get3A_374 = tpu.vector_load %arg15[%get3A_372, %get3A_373] {strides = array<i32>} : memref<128x128xf32, #tpu.memory_space<vmem>>, vector<16xf32>,
          %mul3A_375 = vector.broadcast %squeeze3A_363 : f32 to vector<16xf32>
          %mul3A_376 = arith.mulf %get3A_374, %mul3A_375 : vector<16xf32>
          %swap3A_377 = arith.index_cast %add3A_343 : i32 to index
          %swap3A_378 = arith.constant 48 : index
          %swap3A_379 = tpu.vector_load %arg17[%swap3A_377, %swap3A_378] {strides = array<i32>} : memref<128x64xf32, #tpu.memory_space<vmem>>, vector<16xf32>,
          tpu.vector_store %arg17[%swap3A_377, %swap3A_378], %mul3A_376 {strides = array<i32>} : memref<128x64xf32, #tpu.memory_space<vmem>>, vector<16xf32>,
        }
        %scan3A_182 = arith.constant 32 : i32
        %dma_start3A_183 = arith.constant 0 : i32
        %dma_start3A_184 = arith.constant 0 : i32
        %dma_start3A_185 = tpu.memref_slice %arg20[%dma_start3A_183, %dma_start3A_184] : memref<10240x64xf32, #tpu.memory_space<vmem_shared>> -> memref<10240x64xf32, #tpu.memory_space<vmem_shared>>
        tpu.enqueue_indirect_dma source(%arg17 : memref<128x64xf32, #tpu.memory_space<vmem>>) target(%dma_start3A_185 : memref<10240x64xf32, #tpu.memory_space<vmem_shared>>) offsets(%arg13 : memref<128xi32, #tpu.memory_space<vmem>>) semaphore(%arg26 : memref<!tpu.dma_semaphore, #tpu.memory_space<semaphore_mem>>) {add = true}
        %mul3A_186 = arith.constant 2 : i32
        %mul3A_187 = arith.muli %scan3A_77, %mul3A_186 : i32
        %add3A_188 = arith.constant 0 : i32
        %add3A_189 = arith.addi %mul3A_187, %add3A_188 : i32
        %dma_wait3A_190 = arith.constant 0 : i32
        %dma_wait3A_191 = arith.constant 0 : i32
        %dma_wait3A_192 = tpu.memref_slice %arg20[%dma_wait3A_190, %dma_wait3A_191] : memref<10240x64xf32, #tpu.memory_space<vmem_shared>> -> memref<128x64xf32, #tpu.memory_space<vmem_shared>>
        %dma_wait3A_193 = arith.constant 0 : i32
        %dma_wait3A_194 = arith.constant 0 : i32
        %dma_wait3A_195 = tpu.memref_slice %arg20[%dma_wait3A_193, %dma_wait3A_194] : memref<10240x64xf32, #tpu.memory_space<vmem_shared>> -> memref<128x64xf32, #tpu.memory_space<vmem_shared>>
        tpu.wait_dma2 semaphore(%arg25 : memref<!tpu.dma_semaphore, #tpu.memory_space<semaphore_mem>>) src(%arg16 : memref<128x64xf32, #tpu.memory_space<vmem>>) dst(%dma_wait3A_195 : memref<128x64xf32, #tpu.memory_space<vmem_shared>>)
        %add3A_196 = arith.constant 2 : i32
        %add3A_197 = arith.addi %add3A_189, %add3A_196 : i32
        %lt3A = arith.constant 160 : i32
        %lt3A_198 = arith.cmpi slt, %add3A_197, %lt3A : i32
        %convert_element_type3A_199 = arith.extui %lt3A_198 : i1 to i32
        %cond3A_200 = arith.constant 0 : i32
        %cond3A_201 = arith.cmpi ne, %convert_element_type3A_199, %cond3A_200 : i32
        scf.if %cond3A_201 {
          %add3A_219 = arith.constant 2 : i32
          %add3A_220 = arith.addi %add3A_189, %add3A_219 : i32
          %dma_start3A_221 = arith.constant 0 : i32
          %dma_start3A_222 = tpu.memref_slice %arg2[%arg1, %add3A_220, %dma_start3A_221] : memref<16x160x128xi32, #tpu.memory_space<hbm>> -> memref<1x1x128xi32, #tpu.memory_space<hbm>>
          %dma_start3A_223 = tpu.memref_squeeze %dma_start3A_222 : memref<1x1x128xi32, #tpu.memory_space<hbm>> -> memref<128xi32, #tpu.memory_space<hbm>>
          %dma_start3A_224 = arith.constant 0 : i32
          %dma_start3A_225 = tpu.memref_slice %arg2[%arg1, %add3A_220, %dma_start3A_224] : memref<16x160x128xi32, #tpu.memory_space<hbm>> -> memref<1x1x128xi32, #tpu.memory_space<hbm>>
          %dma_start3A_226 = tpu.memref_squeeze %dma_start3A_225 : memref<1x1x128xi32, #tpu.memory_space<hbm>> -> memref<128xi32, #tpu.memory_space<hbm>>
          tpu.enqueue_dma source(%dma_start3A_226 : memref<128xi32, #tpu.memory_space<hbm>>) target(%arg10 : memref<128xi32, #tpu.memory_space<vmem>>) target_semaphore(%arg21 : memref<!tpu.dma_semaphore, #tpu.memory_space<semaphore_mem>>)
          %dma_start3A_227 = arith.constant 0 : i32
          %dma_start3A_228 = tpu.memref_slice %arg3[%arg1, %add3A_220, %dma_start3A_227] : memref<16x160x128xi32, #tpu.memory_space<hbm>> -> memref<1x1x128xi32, #tpu.memory_space<hbm>>
          %dma_start3A_229 = tpu.memref_squeeze %dma_start3A_228 : memref<1x1x128xi32, #tpu.memory_space<hbm>> -> memref<128xi32, #tpu.memory_space<hbm>>
          %dma_start3A_230 = arith.constant 0 : i32
          %dma_start3A_231 = tpu.memref_slice %arg3[%arg1, %add3A_220, %dma_start3A_230] : memref<16x160x128xi32, #tpu.memory_space<hbm>> -> memref<1x1x128xi32, #tpu.memory_space<hbm>>
          %dma_start3A_232 = tpu.memref_squeeze %dma_start3A_231 : memref<1x1x128xi32, #tpu.memory_space<hbm>> -> memref<128xi32, #tpu.memory_space<hbm>>
          tpu.enqueue_dma source(%dma_start3A_232 : memref<128xi32, #tpu.memory_space<hbm>>) target(%arg12 : memref<128xi32, #tpu.memory_space<vmem>>) target_semaphore(%arg21 : memref<!tpu.dma_semaphore, #tpu.memory_space<semaphore_mem>>)
        } else {
        }
        %mul3A_202 = arith.constant 2 : i32
        %mul3A_203 = arith.muli %scan3A_77, %mul3A_202 : i32
        %add3A_204 = arith.constant 1 : i32
        %add3A_205 = arith.addi %mul3A_203, %add3A_204 : i32
        %dma_wait3A_206 = arith.constant 0 : i32
        %dma_wait3A_207 = arith.constant 0 : i32
        %dma_wait3A_208 = tpu.memref_slice %arg20[%dma_wait3A_206, %dma_wait3A_207] : memref<10240x64xf32, #tpu.memory_space<vmem_shared>> -> memref<128x64xf32, #tpu.memory_space<vmem_shared>>
        %dma_wait3A_209 = arith.constant 0 : i32
        %dma_wait3A_210 = arith.constant 0 : i32
        %dma_wait3A_211 = tpu.memref_slice %arg20[%dma_wait3A_209, %dma_wait3A_210] : memref<10240x64xf32, #tpu.memory_space<vmem_shared>> -> memref<128x64xf32, #tpu.memory_space<vmem_shared>>
        tpu.wait_dma2 semaphore(%arg26 : memref<!tpu.dma_semaphore, #tpu.memory_space<semaphore_mem>>) src(%arg17 : memref<128x64xf32, #tpu.memory_space<vmem>>) dst(%dma_wait3A_211 : memref<128x64xf32, #tpu.memory_space<vmem_shared>>)
        %add3A_212 = arith.constant 2 : i32
        %add3A_213 = arith.addi %add3A_205, %add3A_212 : i32
        %lt3A_214 = arith.constant 160 : i32
        %lt3A_215 = arith.cmpi slt, %add3A_213, %lt3A_214 : i32
        %convert_element_type3A_216 = arith.extui %lt3A_215 : i1 to i32
        %cond3A_217 = arith.constant 0 : i32
        %cond3A_218 = arith.cmpi ne, %convert_element_type3A_216, %cond3A_217 : i32
        scf.if %cond3A_218 {
          %add3A_219 = arith.constant 2 : i32
          %add3A_220 = arith.addi %add3A_205, %add3A_219 : i32
          %dma_start3A_221 = arith.constant 0 : i32
          %dma_start3A_222 = tpu.memref_slice %arg2[%arg1, %add3A_220, %dma_start3A_221] : memref<16x160x128xi32, #tpu.memory_space<hbm>> -> memref<1x1x128xi32, #tpu.memory_space<hbm>>
          %dma_start3A_223 = tpu.memref_squeeze %dma_start3A_222 : memref<1x1x128xi32, #tpu.memory_space<hbm>> -> memref<128xi32, #tpu.memory_space<hbm>>
          %dma_start3A_224 = arith.constant 0 : i32
          %dma_start3A_225 = tpu.memref_slice %arg2[%arg1, %add3A_220, %dma_start3A_224] : memref<16x160x128xi32, #tpu.memory_space<hbm>> -> memref<1x1x128xi32, #tpu.memory_space<hbm>>
          %dma_start3A_226 = tpu.memref_squeeze %dma_start3A_225 : memref<1x1x128xi32, #tpu.memory_space<hbm>> -> memref<128xi32, #tpu.memory_space<hbm>>
          tpu.enqueue_dma source(%dma_start3A_226 : memref<128xi32, #tpu.memory_space<hbm>>) target(%arg11 : memref<128xi32, #tpu.memory_space<vmem>>) target_semaphore(%arg22 : memref<!tpu.dma_semaphore, #tpu.memory_space<semaphore_mem>>)
          %dma_start3A_227 = arith.constant 0 : i32
          %dma_start3A_228 = tpu.memref_slice %arg3[%arg1, %add3A_220, %dma_start3A_227] : memref<16x160x128xi32, #tpu.memory_space<hbm>> -> memref<1x1x128xi32, #tpu.memory_space<hbm>>
          %dma_start3A_229 = tpu.memref_squeeze %dma_start3A_228 : memref<1x1x128xi32, #tpu.memory_space<hbm>> -> memref<128xi32, #tpu.memory_space<hbm>>
          %dma_start3A_230 = arith.constant 0 : i32
          %dma_start3A_231 = tpu.memref_slice %arg3[%arg1, %add3A_220, %dma_start3A_230] : memref<16x160x128xi32, #tpu.memory_space<hbm>> -> memref<1x1x128xi32, #tpu.memory_space<hbm>>
          %dma_start3A_232 = tpu.memref_squeeze %dma_start3A_231 : memref<1x1x128xi32, #tpu.memory_space<hbm>> -> memref<128xi32, #tpu.memory_space<hbm>>
          tpu.enqueue_dma source(%dma_start3A_232 : memref<128xi32, #tpu.memory_space<hbm>>) target(%arg13 : memref<128xi32, #tpu.memory_space<vmem>>) target_semaphore(%arg22 : memref<!tpu.dma_semaphore, #tpu.memory_space<semaphore_mem>>)
        } else {
        }
      }
      %scan3A_75 = arith.constant 80 : i32
      %barrier3A_76 = arith.constant 0 : index
      tpu.barrier barrier_id(%barrier3A_76)
      "tpu.region"() ({
        %run_scoped3A = tpu.sem_alloc : memref<!tpu.dma_semaphore, #tpu.memory_space<semaphore_mem>>
        %dma_start3A_77 = arith.constant 64 : i32
        %dma_start3A_78 = tpu.memref_slice %arg9[%mul3A_0, %dma_start3A_77] : memref<10240x128xf32, #tpu.memory_space<hbm>> -> memref<640x64xf32, #tpu.memory_space<hbm>>
        %dma_start3A_79 = arith.constant 0 : i32
        %dma_start3A_80 = tpu.memref_slice %arg20[%mul3A_0, %dma_start3A_79] : memref<10240x64xf32, #tpu.memory_space<vmem_shared>> -> memref<640x64xf32, #tpu.memory_space<vmem_shared>>
        tpu.enqueue_dma source(%dma_start3A_80 : memref<640x64xf32, #tpu.memory_space<vmem_shared>>) target(%dma_start3A_78 : memref<640x64xf32, #tpu.memory_space<hbm>>) target_semaphore(%run_scoped3A : memref<!tpu.dma_semaphore, #tpu.memory_space<semaphore_mem>>)
        %dma_wait3A = arith.constant 64 : i32
        %dma_wait3A_81 = tpu.memref_slice %arg9[%mul3A_0, %dma_wait3A] : memref<10240x128xf32, #tpu.memory_space<hbm>> -> memref<640x64xf32, #tpu.memory_space<hbm>>
        %dma_wait3A_82 = arith.constant 0 : i32
        %dma_wait3A_83 = tpu.memref_slice %arg20[%mul3A_0, %dma_wait3A_82] : memref<10240x64xf32, #tpu.memory_space<vmem_shared>> -> memref<640x64xf32, #tpu.memory_space<vmem_shared>>
        tpu.wait_dma2 semaphore(%run_scoped3A : memref<!tpu.dma_semaphore, #tpu.memory_space<semaphore_mem>>) src(%dma_wait3A_83 : memref<640x64xf32, #tpu.memory_space<vmem_shared>>) dst(%dma_wait3A_81 : memref<640x64xf32, #tpu.memory_space<hbm>>)
        tpu.yield
      }) : () -> ()
    } else {
    }
    return
  }
}

#map = affine_map<(d0, d1) -> (0, 0, 0)>
#map1 = affine_map<(d0, d1) -> (0)>
#map2 = affine_map<(d0, d1) -> (0, 0)>
module attributes {stable_mosaic.version = 14 : i64} {
  func.func @_ee_kernel(%arg0: i32, %arg1: i32, %arg2: memref<32x80x128xi32, #tpu.memory_space<hbm>>, %arg3: memref<32x80x128xi32, #tpu.memory_space<hbm>>, %arg4: memref<81920xf32, #tpu.memory_space<hbm>>, %arg5: memref<640x128xf32, #tpu.memory_space<hbm>>, %arg6: memref<1310720xf32, #tpu.memory_space<hbm>>, %arg7: memref<2x10240x128xf32, #tpu.memory_space<hbm>>, %arg8: memref<81920xf32, #tpu.memory_space<vmem>>, %arg9: memref<128xi32, #tpu.memory_space<vmem>>, %arg10: memref<128xi32, #tpu.memory_space<vmem>>, %arg11: memref<128x8xf32, #tpu.memory_space<vmem>>, %arg12: memref<512xf32, #tpu.memory_space<vmem>>, %arg13: memref<10240x8xf32, #tpu.memory_space<vmem_shared>>, %arg14: memref<!tpu.dma_semaphore, #tpu.memory_space<semaphore_mem>>) attributes {dimension_semantics = [#tpu.dimension_semantics<core_parallel>, #tpu.dimension_semantics<subcore_parallel>], iteration_bounds = array<i64: 2, 16>, scalar_prefetch = 0 : i64, scratch_operands = 7 : i64, tpu.core_type = #tpu.core_type<sc_vector_subcore>, window_params = [{transform_indices = #map}, {transform_indices = #map}, {transform_indices = #map1}, {transform_indices = #map2}, {transform_indices = #map1}, {transform_indices = #map}]} {
    %mul3A = arith.constant 16 : i32
    %mul3A_0 = arith.muli %arg0, %mul3A : i32
    %add3A = arith.addi %mul3A_0, %arg1 : i32
    %mul3A_1 = arith.constant 640 : i32
    %mul3A_2 = arith.muli %arg1, %mul3A_1 : i32
    "tpu.region"() ({
      %run_scoped3A = tpu.sem_alloc : memref<!tpu.dma_semaphore, #tpu.memory_space<semaphore_mem>>
      tpu.enqueue_dma source(%arg4 : memref<81920xf32, #tpu.memory_space<hbm>>) target(%arg8 : memref<81920xf32, #tpu.memory_space<vmem>>) target_semaphore(%run_scoped3A : memref<!tpu.dma_semaphore, #tpu.memory_space<semaphore_mem>>)
      tpu.wait_dma2 semaphore(%run_scoped3A : memref<!tpu.dma_semaphore, #tpu.memory_space<semaphore_mem>>) src(%arg4 : memref<81920xf32, #tpu.memory_space<hbm>>) dst(%arg8 : memref<81920xf32, #tpu.memory_space<vmem>>)
      tpu.yield
    }) : () -> ()
    "tpu.region"() ({
      %run_scoped3A = tpu.sem_alloc : memref<!tpu.dma_semaphore, #tpu.memory_space<semaphore_mem>>
      %dma_start3A = arith.constant 0 : i32
      %dma_start3A_9 = arith.constant 0 : i32
      %dma_start3A_10 = tpu.memref_slice %arg5[%dma_start3A, %dma_start3A_9] : memref<640x128xf32, #tpu.memory_space<hbm>> -> memref<128x8xf32, #tpu.memory_space<hbm>>
      %dma_start3A_11 = arith.constant 0 : i32
      %dma_start3A_12 = arith.constant 0 : i32
      %dma_start3A_13 = tpu.memref_slice %arg5[%dma_start3A_11, %dma_start3A_12] : memref<640x128xf32, #tpu.memory_space<hbm>> -> memref<128x8xf32, #tpu.memory_space<hbm>>
      tpu.enqueue_dma source(%dma_start3A_13 : memref<128x8xf32, #tpu.memory_space<hbm>>) target(%arg11 : memref<128x8xf32, #tpu.memory_space<vmem>>) target_semaphore(%run_scoped3A : memref<!tpu.dma_semaphore, #tpu.memory_space<semaphore_mem>>)
      %dma_wait3A = arith.constant 0 : i32
      %dma_wait3A_14 = arith.constant 0 : i32
      %dma_wait3A_15 = tpu.memref_slice %arg5[%dma_wait3A, %dma_wait3A_14] : memref<640x128xf32, #tpu.memory_space<hbm>> -> memref<128x8xf32, #tpu.memory_space<hbm>>
      %dma_wait3A_16 = arith.constant 0 : i32
      %dma_wait3A_17 = arith.constant 0 : i32
      %dma_wait3A_18 = tpu.memref_slice %arg5[%dma_wait3A_16, %dma_wait3A_17] : memref<640x128xf32, #tpu.memory_space<hbm>> -> memref<128x8xf32, #tpu.memory_space<hbm>>
      tpu.wait_dma2 semaphore(%run_scoped3A : memref<!tpu.dma_semaphore, #tpu.memory_space<semaphore_mem>>) src(%dma_wait3A_18 : memref<128x8xf32, #tpu.memory_space<hbm>>) dst(%arg11 : memref<128x8xf32, #tpu.memory_space<vmem>>)
      tpu.yield
    }) : () -> ()
    "tpu.region"() ({
      %run_scoped3A = tpu.sem_alloc : memref<!tpu.dma_semaphore, #tpu.memory_space<semaphore_mem>>
      %dma_start3A = arith.constant 0 : i32
      %dma_start3A_9 = tpu.memref_slice %arg13[%mul3A_2, %dma_start3A] : memref<10240x8xf32, #tpu.memory_space<vmem_shared>> -> memref<640x8xf32, #tpu.memory_space<vmem_shared>>
      %dma_start3A_10 = arith.constant 0 : i32
      %dma_start3A_11 = arith.constant 0 : i32
      %dma_start3A_12 = tpu.memref_slice %arg5[%dma_start3A_10, %dma_start3A_11] : memref<640x128xf32, #tpu.memory_space<hbm>> -> memref<640x8xf32, #tpu.memory_space<hbm>>
      tpu.enqueue_dma source(%dma_start3A_12 : memref<640x8xf32, #tpu.memory_space<hbm>>) target(%dma_start3A_9 : memref<640x8xf32, #tpu.memory_space<vmem_shared>>) target_semaphore(%run_scoped3A : memref<!tpu.dma_semaphore, #tpu.memory_space<semaphore_mem>>)
      %dma_wait3A = arith.constant 0 : i32
      %dma_wait3A_13 = tpu.memref_slice %arg13[%mul3A_2, %dma_wait3A] : memref<10240x8xf32, #tpu.memory_space<vmem_shared>> -> memref<640x8xf32, #tpu.memory_space<vmem_shared>>
      %dma_wait3A_14 = arith.constant 0 : i32
      %dma_wait3A_15 = arith.constant 0 : i32
      %dma_wait3A_16 = tpu.memref_slice %arg5[%dma_wait3A_14, %dma_wait3A_15] : memref<640x128xf32, #tpu.memory_space<hbm>> -> memref<640x8xf32, #tpu.memory_space<hbm>>
      tpu.wait_dma2 semaphore(%run_scoped3A : memref<!tpu.dma_semaphore, #tpu.memory_space<semaphore_mem>>) src(%dma_wait3A_16 : memref<640x8xf32, #tpu.memory_space<hbm>>) dst(%dma_wait3A_13 : memref<640x8xf32, #tpu.memory_space<vmem_shared>>)
      tpu.yield
    }) : () -> ()
    %barrier3A = arith.constant 0 : index
    tpu.barrier barrier_id(%barrier3A)
    %iota3A = tpu.iota {dimensions = array<i32: 0>} : vector<16xi32>
    %scan3A = arith.constant 0 : i32
    %scan3A_3 = arith.constant 0 : i32
    %scan3A_4 = arith.constant 80 : i32
    %scan3A_5 = arith.addi %scan3A_3, %scan3A_4 : i32
    %scan3A_6 = arith.constant 1 : i32
    scf.for %scan3A_9 = %scan3A_3 to %scan3A_5 step %scan3A_6  : i32 {
      "tpu.region"() ({
        %run_scoped3A = tpu.sem_alloc : memref<!tpu.dma_semaphore, #tpu.memory_space<semaphore_mem>>
        %dma_start3A = arith.constant 0 : i32
        %dma_start3A_844 = tpu.memref_slice %arg2[%add3A, %scan3A_9, %dma_start3A] : memref<32x80x128xi32, #tpu.memory_space<hbm>> -> memref<1x1x128xi32, #tpu.memory_space<hbm>>
        %dma_start3A_845 = tpu.memref_squeeze %dma_start3A_844 : memref<1x1x128xi32, #tpu.memory_space<hbm>> -> memref<128xi32, #tpu.memory_space<hbm>>
        %dma_start3A_846 = arith.constant 0 : i32
        %dma_start3A_847 = tpu.memref_slice %arg2[%add3A, %scan3A_9, %dma_start3A_846] : memref<32x80x128xi32, #tpu.memory_space<hbm>> -> memref<1x1x128xi32, #tpu.memory_space<hbm>>
        %dma_start3A_848 = tpu.memref_squeeze %dma_start3A_847 : memref<1x1x128xi32, #tpu.memory_space<hbm>> -> memref<128xi32, #tpu.memory_space<hbm>>
        tpu.enqueue_dma source(%dma_start3A_848 : memref<128xi32, #tpu.memory_space<hbm>>) target(%arg9 : memref<128xi32, #tpu.memory_space<vmem>>) target_semaphore(%run_scoped3A : memref<!tpu.dma_semaphore, #tpu.memory_space<semaphore_mem>>)
        %dma_wait3A = arith.constant 0 : i32
        %dma_wait3A_849 = tpu.memref_slice %arg2[%add3A, %scan3A_9, %dma_wait3A] : memref<32x80x128xi32, #tpu.memory_space<hbm>> -> memref<1x1x128xi32, #tpu.memory_space<hbm>>
        %dma_wait3A_850 = tpu.memref_squeeze %dma_wait3A_849 : memref<1x1x128xi32, #tpu.memory_space<hbm>> -> memref<128xi32, #tpu.memory_space<hbm>>
        %dma_wait3A_851 = arith.constant 0 : i32
        %dma_wait3A_852 = tpu.memref_slice %arg2[%add3A, %scan3A_9, %dma_wait3A_851] : memref<32x80x128xi32, #tpu.memory_space<hbm>> -> memref<1x1x128xi32, #tpu.memory_space<hbm>>
        %dma_wait3A_853 = tpu.memref_squeeze %dma_wait3A_852 : memref<1x1x128xi32, #tpu.memory_space<hbm>> -> memref<128xi32, #tpu.memory_space<hbm>>
        tpu.wait_dma2 semaphore(%run_scoped3A : memref<!tpu.dma_semaphore, #tpu.memory_space<semaphore_mem>>) src(%dma_wait3A_853 : memref<128xi32, #tpu.memory_space<hbm>>) dst(%arg9 : memref<128xi32, #tpu.memory_space<vmem>>)
        tpu.yield
      }) : () -> ()
      "tpu.region"() ({
        %run_scoped3A = tpu.sem_alloc : memref<!tpu.dma_semaphore, #tpu.memory_space<semaphore_mem>>
        %dma_start3A = arith.constant 0 : i32
        %dma_start3A_844 = tpu.memref_slice %arg3[%add3A, %scan3A_9, %dma_start3A] : memref<32x80x128xi32, #tpu.memory_space<hbm>> -> memref<1x1x128xi32, #tpu.memory_space<hbm>>
        %dma_start3A_845 = tpu.memref_squeeze %dma_start3A_844 : memref<1x1x128xi32, #tpu.memory_space<hbm>> -> memref<128xi32, #tpu.memory_space<hbm>>
        %dma_start3A_846 = arith.constant 0 : i32
        %dma_start3A_847 = tpu.memref_slice %arg3[%add3A, %scan3A_9, %dma_start3A_846] : memref<32x80x128xi32, #tpu.memory_space<hbm>> -> memref<1x1x128xi32, #tpu.memory_space<hbm>>
        %dma_start3A_848 = tpu.memref_squeeze %dma_start3A_847 : memref<1x1x128xi32, #tpu.memory_space<hbm>> -> memref<128xi32, #tpu.memory_space<hbm>>
        tpu.enqueue_dma source(%dma_start3A_848 : memref<128xi32, #tpu.memory_space<hbm>>) target(%arg10 : memref<128xi32, #tpu.memory_space<vmem>>) target_semaphore(%run_scoped3A : memref<!tpu.dma_semaphore, #tpu.memory_space<semaphore_mem>>)
        %dma_wait3A = arith.constant 0 : i32
        %dma_wait3A_849 = tpu.memref_slice %arg3[%add3A, %scan3A_9, %dma_wait3A] : memref<32x80x128xi32, #tpu.memory_space<hbm>> -> memref<1x1x128xi32, #tpu.memory_space<hbm>>
        %dma_wait3A_850 = tpu.memref_squeeze %dma_wait3A_849 : memref<1x1x128xi32, #tpu.memory_space<hbm>> -> memref<128xi32, #tpu.memory_space<hbm>>
        %dma_wait3A_851 = arith.constant 0 : i32
        %dma_wait3A_852 = tpu.memref_slice %arg3[%add3A, %scan3A_9, %dma_wait3A_851] : memref<32x80x128xi32, #tpu.memory_space<hbm>> -> memref<1x1x128xi32, #tpu.memory_space<hbm>>
        %dma_wait3A_853 = tpu.memref_squeeze %dma_wait3A_852 : memref<1x1x128xi32, #tpu.memory_space<hbm>> -> memref<128xi32, #tpu.memory_space<hbm>>
        tpu.wait_dma2 semaphore(%run_scoped3A : memref<!tpu.dma_semaphore, #tpu.memory_space<semaphore_mem>>) src(%dma_wait3A_853 : memref<128xi32, #tpu.memory_space<hbm>>) dst(%arg10 : memref<128xi32, #tpu.memory_space<vmem>>)
        tpu.yield
      }) : () -> ()
      %get3A = arith.constant 0 : index
      %get3A_10 = tpu.vector_load %arg9[%get3A] {strides = array<i32>} : memref<128xi32, #tpu.memory_space<vmem>>, vector<16xi32>,
      %mul3A_11 = arith.constant 8 : i32
      %mul3A_12 = vector.broadcast %mul3A_11 : i32 to vector<16xi32>
      %mul3A_13 = arith.muli %get3A_10, %mul3A_12 : vector<16xi32>
      %get3A_14 = arith.constant 0 : index
      %get3A_15 = tpu.vector_load %arg10[%get3A_14] {strides = array<i32>} : memref<128xi32, #tpu.memory_space<vmem>>, vector<16xi32>,
      %mul3A_16 = arith.constant 8 : i32
      %mul3A_17 = vector.broadcast %mul3A_16 : i32 to vector<16xi32>
      %mul3A_18 = arith.muli %get3A_15, %mul3A_17 : vector<16xi32>
      %add3A_19 = arith.constant 4 : i32
      %add3A_20 = vector.broadcast %add3A_19 : i32 to vector<16xi32>
      %add3A_21 = arith.addi %mul3A_18, %add3A_20 : vector<16xi32>
      %add3A_22 = arith.constant 0 : i32
      %add3A_23 = vector.broadcast %add3A_22 : i32 to vector<16xi32>
      %add3A_24 = arith.addi %iota3A, %add3A_23 : vector<16xi32>
      %add3A_25 = arith.constant 0 : i32
      %add3A_26 = vector.broadcast %add3A_25 : i32 to vector<16xi32>
      %add3A_27 = arith.addi %mul3A_13, %add3A_26 : vector<16xi32>
      %gather3A = tpu.vector_load_idx %arg8[%add3A_27] : memref<81920xf32, #tpu.memory_space<vmem>>[vector<16xi32>], vector<16xf32>,
      %add3A_28 = arith.constant 0 : i32
      %add3A_29 = vector.broadcast %add3A_28 : i32 to vector<16xi32>
      %add3A_30 = arith.addi %add3A_21, %add3A_29 : vector<16xi32>
      %gather3A_31 = tpu.vector_load_idx %arg8[%add3A_30] : memref<81920xf32, #tpu.memory_space<vmem>>[vector<16xi32>], vector<16xf32>,
      %add3A_32 = arith.addf %gather3A, %gather3A_31 : vector<16xf32>
      %mul3A_33 = arith.constant 2.000000e-01 : f32
      %mul3A_34 = vector.broadcast %mul3A_33 : f32 to vector<16xf32>
      %mul3A_35 = arith.mulf %mul3A_34, %add3A_32 : vector<16xf32>
      %max3A = arith.maximumf %add3A_32, %mul3A_35 : vector<16xf32>
      %exp3A = math.exp %max3A : vector<16xf32>
      %broadcast_in_dim3A = arith.constant 0 : i32
      %broadcast_in_dim3A_36 = vector.broadcast %broadcast_in_dim3A : i32 to vector<16xi32>
      tpu.vector_store_idx %arg11[%add3A_24, %broadcast_in_dim3A_36], %exp3A : memref<128x8xf32, #tpu.memory_space<vmem>>[vector<16xi32>, vector<16xi32>], vector<16xf32>,
      %mul3A_37 = arith.constant 4 : i32
      %mul3A_38 = vector.broadcast %mul3A_37 : i32 to vector<16xi32>
      %mul3A_39 = arith.muli %add3A_24, %mul3A_38 : vector<16xi32>
      %add3A_40 = arith.constant 0 : i32
      %add3A_41 = vector.broadcast %add3A_40 : i32 to vector<16xi32>
      %add3A_42 = arith.addi %mul3A_39, %add3A_41 : vector<16xi32>
      tpu.vector_store_idx %arg12[%add3A_42], %exp3A : memref<512xf32, #tpu.memory_space<vmem>>[vector<16xi32>], vector<16xf32>,
      %add3A_43 = arith.constant 1 : i32
      %add3A_44 = vector.broadcast %add3A_43 : i32 to vector<16xi32>
      %add3A_45 = arith.addi %mul3A_13, %add3A_44 : vector<16xi32>
      %gather3A_46 = tpu.vector_load_idx %arg8[%add3A_45] : memref<81920xf32, #tpu.memory_space<vmem>>[vector<16xi32>], vector<16xf32>,
      %add3A_47 = arith.constant 1 : i32
      %add3A_48 = vector.broadcast %add3A_47 : i32 to vector<16xi32>
      %add3A_49 = arith.addi %add3A_21, %add3A_48 : vector<16xi32>
      %gather3A_50 = tpu.vector_load_idx %arg8[%add3A_49] : memref<81920xf32, #tpu.memory_space<vmem>>[vector<16xi32>], vector<16xf32>,
      %add3A_51 = arith.addf %gather3A_46, %gather3A_50 : vector<16xf32>
      %mul3A_52 = arith.constant 2.000000e-01 : f32
      %mul3A_53 = vector.broadcast %mul3A_52 : f32 to vector<16xf32>
      %mul3A_54 = arith.mulf %mul3A_53, %add3A_51 : vector<16xf32>
      %max3A_55 = arith.maximumf %add3A_51, %mul3A_54 : vector<16xf32>
      %exp3A_56 = math.exp %max3A_55 : vector<16xf32>
      %broadcast_in_dim3A_57 = arith.constant 1 : i32
      %broadcast_in_dim3A_58 = vector.broadcast %broadcast_in_dim3A_57 : i32 to vector<16xi32>
      tpu.vector_store_idx %arg11[%add3A_24, %broadcast_in_dim3A_58], %exp3A_56 : memref<128x8xf32, #tpu.memory_space<vmem>>[vector<16xi32>, vector<16xi32>], vector<16xf32>,
      %mul3A_59 = arith.constant 4 : i32
      %mul3A_60 = vector.broadcast %mul3A_59 : i32 to vector<16xi32>
      %mul3A_61 = arith.muli %add3A_24, %mul3A_60 : vector<16xi32>
      %add3A_62 = arith.constant 1 : i32
      %add3A_63 = vector.broadcast %add3A_62 : i32 to vector<16xi32>
      %add3A_64 = arith.addi %mul3A_61, %add3A_63 : vector<16xi32>
      tpu.vector_store_idx %arg12[%add3A_64], %exp3A_56 : memref<512xf32, #tpu.memory_space<vmem>>[vector<16xi32>], vector<16xf32>,
      %add3A_65 = arith.constant 2 : i32
      %add3A_66 = vector.broadcast %add3A_65 : i32 to vector<16xi32>
      %add3A_67 = arith.addi %mul3A_13, %add3A_66 : vector<16xi32>
      %gather3A_68 = tpu.vector_load_idx %arg8[%add3A_67] : memref<81920xf32, #tpu.memory_space<vmem>>[vector<16xi32>], vector<16xf32>,
      %add3A_69 = arith.constant 2 : i32
      %add3A_70 = vector.broadcast %add3A_69 : i32 to vector<16xi32>
      %add3A_71 = arith.addi %add3A_21, %add3A_70 : vector<16xi32>
      %gather3A_72 = tpu.vector_load_idx %arg8[%add3A_71] : memref<81920xf32, #tpu.memory_space<vmem>>[vector<16xi32>], vector<16xf32>,
      %add3A_73 = arith.addf %gather3A_68, %gather3A_72 : vector<16xf32>
      %mul3A_74 = arith.constant 2.000000e-01 : f32
      %mul3A_75 = vector.broadcast %mul3A_74 : f32 to vector<16xf32>
      %mul3A_76 = arith.mulf %mul3A_75, %add3A_73 : vector<16xf32>
      %max3A_77 = arith.maximumf %add3A_73, %mul3A_76 : vector<16xf32>
      %exp3A_78 = math.exp %max3A_77 : vector<16xf32>
      %broadcast_in_dim3A_79 = arith.constant 2 : i32
      %broadcast_in_dim3A_80 = vector.broadcast %broadcast_in_dim3A_79 : i32 to vector<16xi32>
      tpu.vector_store_idx %arg11[%add3A_24, %broadcast_in_dim3A_80], %exp3A_78 : memref<128x8xf32, #tpu.memory_space<vmem>>[vector<16xi32>, vector<16xi32>], vector<16xf32>,
      %mul3A_81 = arith.constant 4 : i32
      %mul3A_82 = vector.broadcast %mul3A_81 : i32 to vector<16xi32>
      %mul3A_83 = arith.muli %add3A_24, %mul3A_82 : vector<16xi32>
      %add3A_84 = arith.constant 2 : i32
      %add3A_85 = vector.broadcast %add3A_84 : i32 to vector<16xi32>
      %add3A_86 = arith.addi %mul3A_83, %add3A_85 : vector<16xi32>
      tpu.vector_store_idx %arg12[%add3A_86], %exp3A_78 : memref<512xf32, #tpu.memory_space<vmem>>[vector<16xi32>], vector<16xf32>,
      %add3A_87 = arith.constant 3 : i32
      %add3A_88 = vector.broadcast %add3A_87 : i32 to vector<16xi32>
      %add3A_89 = arith.addi %mul3A_13, %add3A_88 : vector<16xi32>
      %gather3A_90 = tpu.vector_load_idx %arg8[%add3A_89] : memref<81920xf32, #tpu.memory_space<vmem>>[vector<16xi32>], vector<16xf32>,
      %add3A_91 = arith.constant 3 : i32
      %add3A_92 = vector.broadcast %add3A_91 : i32 to vector<16xi32>
      %add3A_93 = arith.addi %add3A_21, %add3A_92 : vector<16xi32>
      %gather3A_94 = tpu.vector_load_idx %arg8[%add3A_93] : memref<81920xf32, #tpu.memory_space<vmem>>[vector<16xi32>], vector<16xf32>,
      %add3A_95 = arith.addf %gather3A_90, %gather3A_94 : vector<16xf32>
      %mul3A_96 = arith.constant 2.000000e-01 : f32
      %mul3A_97 = vector.broadcast %mul3A_96 : f32 to vector<16xf32>
      %mul3A_98 = arith.mulf %mul3A_97, %add3A_95 : vector<16xf32>
      %max3A_99 = arith.maximumf %add3A_95, %mul3A_98 : vector<16xf32>
      %exp3A_100 = math.exp %max3A_99 : vector<16xf32>
      %broadcast_in_dim3A_101 = arith.constant 3 : i32
      %broadcast_in_dim3A_102 = vector.broadcast %broadcast_in_dim3A_101 : i32 to vector<16xi32>
      tpu.vector_store_idx %arg11[%add3A_24, %broadcast_in_dim3A_102], %exp3A_100 : memref<128x8xf32, #tpu.memory_space<vmem>>[vector<16xi32>, vector<16xi32>], vector<16xf32>,
      %mul3A_103 = arith.constant 4 : i32
      %mul3A_104 = vector.broadcast %mul3A_103 : i32 to vector<16xi32>
      %mul3A_105 = arith.muli %add3A_24, %mul3A_104 : vector<16xi32>
      %add3A_106 = arith.constant 3 : i32
      %add3A_107 = vector.broadcast %add3A_106 : i32 to vector<16xi32>
      %add3A_108 = arith.addi %mul3A_105, %add3A_107 : vector<16xi32>
      tpu.vector_store_idx %arg12[%add3A_108], %exp3A_100 : memref<512xf32, #tpu.memory_space<vmem>>[vector<16xi32>], vector<16xf32>,
      %get3A_109 = arith.constant 16 : index
      %get3A_110 = tpu.vector_load %arg9[%get3A_109] {strides = array<i32>} : memref<128xi32, #tpu.memory_space<vmem>>, vector<16xi32>,
      %mul3A_111 = arith.constant 8 : i32
      %mul3A_112 = vector.broadcast %mul3A_111 : i32 to vector<16xi32>
      %mul3A_113 = arith.muli %get3A_110, %mul3A_112 : vector<16xi32>
      %get3A_114 = arith.constant 16 : index
      %get3A_115 = tpu.vector_load %arg10[%get3A_114] {strides = array<i32>} : memref<128xi32, #tpu.memory_space<vmem>>, vector<16xi32>,
      %mul3A_116 = arith.constant 8 : i32
      %mul3A_117 = vector.broadcast %mul3A_116 : i32 to vector<16xi32>
      %mul3A_118 = arith.muli %get3A_115, %mul3A_117 : vector<16xi32>
      %add3A_119 = arith.constant 4 : i32
      %add3A_120 = vector.broadcast %add3A_119 : i32 to vector<16xi32>
      %add3A_121 = arith.addi %mul3A_118, %add3A_120 : vector<16xi32>
      %add3A_122 = arith.constant 16 : i32
      %add3A_123 = vector.broadcast %add3A_122 : i32 to vector<16xi32>
      %add3A_124 = arith.addi %iota3A, %add3A_123 : vector<16xi32>
      %add3A_125 = arith.constant 0 : i32
      %add3A_126 = vector.broadcast %add3A_125 : i32 to vector<16xi32>
      %add3A_127 = arith.addi %mul3A_113, %add3A_126 : vector<16xi32>
      %gather3A_128 = tpu.vector_load_idx %arg8[%add3A_127] : memref<81920xf32, #tpu.memory_space<vmem>>[vector<16xi32>], vector<16xf32>,
      %add3A_129 = arith.constant 0 : i32
      %add3A_130 = vector.broadcast %add3A_129 : i32 to vector<16xi32>
      %add3A_131 = arith.addi %add3A_121, %add3A_130 : vector<16xi32>
      %gather3A_132 = tpu.vector_load_idx %arg8[%add3A_131] : memref<81920xf32, #tpu.memory_space<vmem>>[vector<16xi32>], vector<16xf32>,
      %add3A_133 = arith.addf %gather3A_128, %gather3A_132 : vector<16xf32>
      %mul3A_134 = arith.constant 2.000000e-01 : f32
      %mul3A_135 = vector.broadcast %mul3A_134 : f32 to vector<16xf32>
      %mul3A_136 = arith.mulf %mul3A_135, %add3A_133 : vector<16xf32>
      %max3A_137 = arith.maximumf %add3A_133, %mul3A_136 : vector<16xf32>
      %exp3A_138 = math.exp %max3A_137 : vector<16xf32>
      %broadcast_in_dim3A_139 = arith.constant 0 : i32
      %broadcast_in_dim3A_140 = vector.broadcast %broadcast_in_dim3A_139 : i32 to vector<16xi32>
      tpu.vector_store_idx %arg11[%add3A_124, %broadcast_in_dim3A_140], %exp3A_138 : memref<128x8xf32, #tpu.memory_space<vmem>>[vector<16xi32>, vector<16xi32>], vector<16xf32>,
      %mul3A_141 = arith.constant 4 : i32
      %mul3A_142 = vector.broadcast %mul3A_141 : i32 to vector<16xi32>
      %mul3A_143 = arith.muli %add3A_124, %mul3A_142 : vector<16xi32>
      %add3A_144 = arith.constant 0 : i32
      %add3A_145 = vector.broadcast %add3A_144 : i32 to vector<16xi32>
      %add3A_146 = arith.addi %mul3A_143, %add3A_145 : vector<16xi32>
      tpu.vector_store_idx %arg12[%add3A_146], %exp3A_138 : memref<512xf32, #tpu.memory_space<vmem>>[vector<16xi32>], vector<16xf32>,
      %add3A_147 = arith.constant 1 : i32
      %add3A_148 = vector.broadcast %add3A_147 : i32 to vector<16xi32>
      %add3A_149 = arith.addi %mul3A_113, %add3A_148 : vector<16xi32>
      %gather3A_150 = tpu.vector_load_idx %arg8[%add3A_149] : memref<81920xf32, #tpu.memory_space<vmem>>[vector<16xi32>], vector<16xf32>,
      %add3A_151 = arith.constant 1 : i32
      %add3A_152 = vector.broadcast %add3A_151 : i32 to vector<16xi32>
      %add3A_153 = arith.addi %add3A_121, %add3A_152 : vector<16xi32>
      %gather3A_154 = tpu.vector_load_idx %arg8[%add3A_153] : memref<81920xf32, #tpu.memory_space<vmem>>[vector<16xi32>], vector<16xf32>,
      %add3A_155 = arith.addf %gather3A_150, %gather3A_154 : vector<16xf32>
      %mul3A_156 = arith.constant 2.000000e-01 : f32
      %mul3A_157 = vector.broadcast %mul3A_156 : f32 to vector<16xf32>
      %mul3A_158 = arith.mulf %mul3A_157, %add3A_155 : vector<16xf32>
      %max3A_159 = arith.maximumf %add3A_155, %mul3A_158 : vector<16xf32>
      %exp3A_160 = math.exp %max3A_159 : vector<16xf32>
      %broadcast_in_dim3A_161 = arith.constant 1 : i32
      %broadcast_in_dim3A_162 = vector.broadcast %broadcast_in_dim3A_161 : i32 to vector<16xi32>
      tpu.vector_store_idx %arg11[%add3A_124, %broadcast_in_dim3A_162], %exp3A_160 : memref<128x8xf32, #tpu.memory_space<vmem>>[vector<16xi32>, vector<16xi32>], vector<16xf32>,
      %mul3A_163 = arith.constant 4 : i32
      %mul3A_164 = vector.broadcast %mul3A_163 : i32 to vector<16xi32>
      %mul3A_165 = arith.muli %add3A_124, %mul3A_164 : vector<16xi32>
      %add3A_166 = arith.constant 1 : i32
      %add3A_167 = vector.broadcast %add3A_166 : i32 to vector<16xi32>
      %add3A_168 = arith.addi %mul3A_165, %add3A_167 : vector<16xi32>
      tpu.vector_store_idx %arg12[%add3A_168], %exp3A_160 : memref<512xf32, #tpu.memory_space<vmem>>[vector<16xi32>], vector<16xf32>,
      %add3A_169 = arith.constant 2 : i32
      %add3A_170 = vector.broadcast %add3A_169 : i32 to vector<16xi32>
      %add3A_171 = arith.addi %mul3A_113, %add3A_170 : vector<16xi32>
      %gather3A_172 = tpu.vector_load_idx %arg8[%add3A_171] : memref<81920xf32, #tpu.memory_space<vmem>>[vector<16xi32>], vector<16xf32>,
      %add3A_173 = arith.constant 2 : i32
      %add3A_174 = vector.broadcast %add3A_173 : i32 to vector<16xi32>
      %add3A_175 = arith.addi %add3A_121, %add3A_174 : vector<16xi32>
      %gather3A_176 = tpu.vector_load_idx %arg8[%add3A_175] : memref<81920xf32, #tpu.memory_space<vmem>>[vector<16xi32>], vector<16xf32>,
      %add3A_177 = arith.addf %gather3A_172, %gather3A_176 : vector<16xf32>
      %mul3A_178 = arith.constant 2.000000e-01 : f32
      %mul3A_179 = vector.broadcast %mul3A_178 : f32 to vector<16xf32>
      %mul3A_180 = arith.mulf %mul3A_179, %add3A_177 : vector<16xf32>
      %max3A_181 = arith.maximumf %add3A_177, %mul3A_180 : vector<16xf32>
      %exp3A_182 = math.exp %max3A_181 : vector<16xf32>
      %broadcast_in_dim3A_183 = arith.constant 2 : i32
      %broadcast_in_dim3A_184 = vector.broadcast %broadcast_in_dim3A_183 : i32 to vector<16xi32>
      tpu.vector_store_idx %arg11[%add3A_124, %broadcast_in_dim3A_184], %exp3A_182 : memref<128x8xf32, #tpu.memory_space<vmem>>[vector<16xi32>, vector<16xi32>], vector<16xf32>,
      %mul3A_185 = arith.constant 4 : i32
      %mul3A_186 = vector.broadcast %mul3A_185 : i32 to vector<16xi32>
      %mul3A_187 = arith.muli %add3A_124, %mul3A_186 : vector<16xi32>
      %add3A_188 = arith.constant 2 : i32
      %add3A_189 = vector.broadcast %add3A_188 : i32 to vector<16xi32>
      %add3A_190 = arith.addi %mul3A_187, %add3A_189 : vector<16xi32>
      tpu.vector_store_idx %arg12[%add3A_190], %exp3A_182 : memref<512xf32, #tpu.memory_space<vmem>>[vector<16xi32>], vector<16xf32>,
      %add3A_191 = arith.constant 3 : i32
      %add3A_192 = vector.broadcast %add3A_191 : i32 to vector<16xi32>
      %add3A_193 = arith.addi %mul3A_113, %add3A_192 : vector<16xi32>
      %gather3A_194 = tpu.vector_load_idx %arg8[%add3A_193] : memref<81920xf32, #tpu.memory_space<vmem>>[vector<16xi32>], vector<16xf32>,
      %add3A_195 = arith.constant 3 : i32
      %add3A_196 = vector.broadcast %add3A_195 : i32 to vector<16xi32>
      %add3A_197 = arith.addi %add3A_121, %add3A_196 : vector<16xi32>
      %gather3A_198 = tpu.vector_load_idx %arg8[%add3A_197] : memref<81920xf32, #tpu.memory_space<vmem>>[vector<16xi32>], vector<16xf32>,
      %add3A_199 = arith.addf %gather3A_194, %gather3A_198 : vector<16xf32>
      %mul3A_200 = arith.constant 2.000000e-01 : f32
      %mul3A_201 = vector.broadcast %mul3A_200 : f32 to vector<16xf32>
      %mul3A_202 = arith.mulf %mul3A_201, %add3A_199 : vector<16xf32>
      %max3A_203 = arith.maximumf %add3A_199, %mul3A_202 : vector<16xf32>
      %exp3A_204 = math.exp %max3A_203 : vector<16xf32>
      %broadcast_in_dim3A_205 = arith.constant 3 : i32
      %broadcast_in_dim3A_206 = vector.broadcast %broadcast_in_dim3A_205 : i32 to vector<16xi32>
      tpu.vector_store_idx %arg11[%add3A_124, %broadcast_in_dim3A_206], %exp3A_204 : memref<128x8xf32, #tpu.memory_space<vmem>>[vector<16xi32>, vector<16xi32>], vector<16xf32>,
      %mul3A_207 = arith.constant 4 : i32
      %mul3A_208 = vector.broadcast %mul3A_207 : i32 to vector<16xi32>
      %mul3A_209 = arith.muli %add3A_124, %mul3A_208 : vector<16xi32>
      %add3A_210 = arith.constant 3 : i32
      %add3A_211 = vector.broadcast %add3A_210 : i32 to vector<16xi32>
      %add3A_212 = arith.addi %mul3A_209, %add3A_211 : vector<16xi32>
      tpu.vector_store_idx %arg12[%add3A_212], %exp3A_204 : memref<512xf32, #tpu.memory_space<vmem>>[vector<16xi32>], vector<16xf32>,
      %get3A_213 = arith.constant 32 : index
      %get3A_214 = tpu.vector_load %arg9[%get3A_213] {strides = array<i32>} : memref<128xi32, #tpu.memory_space<vmem>>, vector<16xi32>,
      %mul3A_215 = arith.constant 8 : i32
      %mul3A_216 = vector.broadcast %mul3A_215 : i32 to vector<16xi32>
      %mul3A_217 = arith.muli %get3A_214, %mul3A_216 : vector<16xi32>
      %get3A_218 = arith.constant 32 : index
      %get3A_219 = tpu.vector_load %arg10[%get3A_218] {strides = array<i32>} : memref<128xi32, #tpu.memory_space<vmem>>, vector<16xi32>,
      %mul3A_220 = arith.constant 8 : i32
      %mul3A_221 = vector.broadcast %mul3A_220 : i32 to vector<16xi32>
      %mul3A_222 = arith.muli %get3A_219, %mul3A_221 : vector<16xi32>
      %add3A_223 = arith.constant 4 : i32
      %add3A_224 = vector.broadcast %add3A_223 : i32 to vector<16xi32>
      %add3A_225 = arith.addi %mul3A_222, %add3A_224 : vector<16xi32>
      %add3A_226 = arith.constant 32 : i32
      %add3A_227 = vector.broadcast %add3A_226 : i32 to vector<16xi32>
      %add3A_228 = arith.addi %iota3A, %add3A_227 : vector<16xi32>
      %add3A_229 = arith.constant 0 : i32
      %add3A_230 = vector.broadcast %add3A_229 : i32 to vector<16xi32>
      %add3A_231 = arith.addi %mul3A_217, %add3A_230 : vector<16xi32>
      %gather3A_232 = tpu.vector_load_idx %arg8[%add3A_231] : memref<81920xf32, #tpu.memory_space<vmem>>[vector<16xi32>], vector<16xf32>,
      %add3A_233 = arith.constant 0 : i32
      %add3A_234 = vector.broadcast %add3A_233 : i32 to vector<16xi32>
      %add3A_235 = arith.addi %add3A_225, %add3A_234 : vector<16xi32>
      %gather3A_236 = tpu.vector_load_idx %arg8[%add3A_235] : memref<81920xf32, #tpu.memory_space<vmem>>[vector<16xi32>], vector<16xf32>,
      %add3A_237 = arith.addf %gather3A_232, %gather3A_236 : vector<16xf32>
      %mul3A_238 = arith.constant 2.000000e-01 : f32
      %mul3A_239 = vector.broadcast %mul3A_238 : f32 to vector<16xf32>
      %mul3A_240 = arith.mulf %mul3A_239, %add3A_237 : vector<16xf32>
      %max3A_241 = arith.maximumf %add3A_237, %mul3A_240 : vector<16xf32>
      %exp3A_242 = math.exp %max3A_241 : vector<16xf32>
      %broadcast_in_dim3A_243 = arith.constant 0 : i32
      %broadcast_in_dim3A_244 = vector.broadcast %broadcast_in_dim3A_243 : i32 to vector<16xi32>
      tpu.vector_store_idx %arg11[%add3A_228, %broadcast_in_dim3A_244], %exp3A_242 : memref<128x8xf32, #tpu.memory_space<vmem>>[vector<16xi32>, vector<16xi32>], vector<16xf32>,
      %mul3A_245 = arith.constant 4 : i32
      %mul3A_246 = vector.broadcast %mul3A_245 : i32 to vector<16xi32>
      %mul3A_247 = arith.muli %add3A_228, %mul3A_246 : vector<16xi32>
      %add3A_248 = arith.constant 0 : i32
      %add3A_249 = vector.broadcast %add3A_248 : i32 to vector<16xi32>
      %add3A_250 = arith.addi %mul3A_247, %add3A_249 : vector<16xi32>
      tpu.vector_store_idx %arg12[%add3A_250], %exp3A_242 : memref<512xf32, #tpu.memory_space<vmem>>[vector<16xi32>], vector<16xf32>,
      %add3A_251 = arith.constant 1 : i32
      %add3A_252 = vector.broadcast %add3A_251 : i32 to vector<16xi32>
      %add3A_253 = arith.addi %mul3A_217, %add3A_252 : vector<16xi32>
      %gather3A_254 = tpu.vector_load_idx %arg8[%add3A_253] : memref<81920xf32, #tpu.memory_space<vmem>>[vector<16xi32>], vector<16xf32>,
      %add3A_255 = arith.constant 1 : i32
      %add3A_256 = vector.broadcast %add3A_255 : i32 to vector<16xi32>
      %add3A_257 = arith.addi %add3A_225, %add3A_256 : vector<16xi32>
      %gather3A_258 = tpu.vector_load_idx %arg8[%add3A_257] : memref<81920xf32, #tpu.memory_space<vmem>>[vector<16xi32>], vector<16xf32>,
      %add3A_259 = arith.addf %gather3A_254, %gather3A_258 : vector<16xf32>
      %mul3A_260 = arith.constant 2.000000e-01 : f32
      %mul3A_261 = vector.broadcast %mul3A_260 : f32 to vector<16xf32>
      %mul3A_262 = arith.mulf %mul3A_261, %add3A_259 : vector<16xf32>
      %max3A_263 = arith.maximumf %add3A_259, %mul3A_262 : vector<16xf32>
      %exp3A_264 = math.exp %max3A_263 : vector<16xf32>
      %broadcast_in_dim3A_265 = arith.constant 1 : i32
      %broadcast_in_dim3A_266 = vector.broadcast %broadcast_in_dim3A_265 : i32 to vector<16xi32>
      tpu.vector_store_idx %arg11[%add3A_228, %broadcast_in_dim3A_266], %exp3A_264 : memref<128x8xf32, #tpu.memory_space<vmem>>[vector<16xi32>, vector<16xi32>], vector<16xf32>,
      %mul3A_267 = arith.constant 4 : i32
      %mul3A_268 = vector.broadcast %mul3A_267 : i32 to vector<16xi32>
      %mul3A_269 = arith.muli %add3A_228, %mul3A_268 : vector<16xi32>
      %add3A_270 = arith.constant 1 : i32
      %add3A_271 = vector.broadcast %add3A_270 : i32 to vector<16xi32>
      %add3A_272 = arith.addi %mul3A_269, %add3A_271 : vector<16xi32>
      tpu.vector_store_idx %arg12[%add3A_272], %exp3A_264 : memref<512xf32, #tpu.memory_space<vmem>>[vector<16xi32>], vector<16xf32>,
      %add3A_273 = arith.constant 2 : i32
      %add3A_274 = vector.broadcast %add3A_273 : i32 to vector<16xi32>
      %add3A_275 = arith.addi %mul3A_217, %add3A_274 : vector<16xi32>
      %gather3A_276 = tpu.vector_load_idx %arg8[%add3A_275] : memref<81920xf32, #tpu.memory_space<vmem>>[vector<16xi32>], vector<16xf32>,
      %add3A_277 = arith.constant 2 : i32
      %add3A_278 = vector.broadcast %add3A_277 : i32 to vector<16xi32>
      %add3A_279 = arith.addi %add3A_225, %add3A_278 : vector<16xi32>
      %gather3A_280 = tpu.vector_load_idx %arg8[%add3A_279] : memref<81920xf32, #tpu.memory_space<vmem>>[vector<16xi32>], vector<16xf32>,
      %add3A_281 = arith.addf %gather3A_276, %gather3A_280 : vector<16xf32>
      %mul3A_282 = arith.constant 2.000000e-01 : f32
      %mul3A_283 = vector.broadcast %mul3A_282 : f32 to vector<16xf32>
      %mul3A_284 = arith.mulf %mul3A_283, %add3A_281 : vector<16xf32>
      %max3A_285 = arith.maximumf %add3A_281, %mul3A_284 : vector<16xf32>
      %exp3A_286 = math.exp %max3A_285 : vector<16xf32>
      %broadcast_in_dim3A_287 = arith.constant 2 : i32
      %broadcast_in_dim3A_288 = vector.broadcast %broadcast_in_dim3A_287 : i32 to vector<16xi32>
      tpu.vector_store_idx %arg11[%add3A_228, %broadcast_in_dim3A_288], %exp3A_286 : memref<128x8xf32, #tpu.memory_space<vmem>>[vector<16xi32>, vector<16xi32>], vector<16xf32>,
      %mul3A_289 = arith.constant 4 : i32
      %mul3A_290 = vector.broadcast %mul3A_289 : i32 to vector<16xi32>
      %mul3A_291 = arith.muli %add3A_228, %mul3A_290 : vector<16xi32>
      %add3A_292 = arith.constant 2 : i32
      %add3A_293 = vector.broadcast %add3A_292 : i32 to vector<16xi32>
      %add3A_294 = arith.addi %mul3A_291, %add3A_293 : vector<16xi32>
      tpu.vector_store_idx %arg12[%add3A_294], %exp3A_286 : memref<512xf32, #tpu.memory_space<vmem>>[vector<16xi32>], vector<16xf32>,
      %add3A_295 = arith.constant 3 : i32
      %add3A_296 = vector.broadcast %add3A_295 : i32 to vector<16xi32>
      %add3A_297 = arith.addi %mul3A_217, %add3A_296 : vector<16xi32>
      %gather3A_298 = tpu.vector_load_idx %arg8[%add3A_297] : memref<81920xf32, #tpu.memory_space<vmem>>[vector<16xi32>], vector<16xf32>,
      %add3A_299 = arith.constant 3 : i32
      %add3A_300 = vector.broadcast %add3A_299 : i32 to vector<16xi32>
      %add3A_301 = arith.addi %add3A_225, %add3A_300 : vector<16xi32>
      %gather3A_302 = tpu.vector_load_idx %arg8[%add3A_301] : memref<81920xf32, #tpu.memory_space<vmem>>[vector<16xi32>], vector<16xf32>,
      %add3A_303 = arith.addf %gather3A_298, %gather3A_302 : vector<16xf32>
      %mul3A_304 = arith.constant 2.000000e-01 : f32
      %mul3A_305 = vector.broadcast %mul3A_304 : f32 to vector<16xf32>
      %mul3A_306 = arith.mulf %mul3A_305, %add3A_303 : vector<16xf32>
      %max3A_307 = arith.maximumf %add3A_303, %mul3A_306 : vector<16xf32>
      %exp3A_308 = math.exp %max3A_307 : vector<16xf32>
      %broadcast_in_dim3A_309 = arith.constant 3 : i32
      %broadcast_in_dim3A_310 = vector.broadcast %broadcast_in_dim3A_309 : i32 to vector<16xi32>
      tpu.vector_store_idx %arg11[%add3A_228, %broadcast_in_dim3A_310], %exp3A_308 : memref<128x8xf32, #tpu.memory_space<vmem>>[vector<16xi32>, vector<16xi32>], vector<16xf32>,
      %mul3A_311 = arith.constant 4 : i32
      %mul3A_312 = vector.broadcast %mul3A_311 : i32 to vector<16xi32>
      %mul3A_313 = arith.muli %add3A_228, %mul3A_312 : vector<16xi32>
      %add3A_314 = arith.constant 3 : i32
      %add3A_315 = vector.broadcast %add3A_314 : i32 to vector<16xi32>
      %add3A_316 = arith.addi %mul3A_313, %add3A_315 : vector<16xi32>
      tpu.vector_store_idx %arg12[%add3A_316], %exp3A_308 : memref<512xf32, #tpu.memory_space<vmem>>[vector<16xi32>], vector<16xf32>,
      %get3A_317 = arith.constant 48 : index
      %get3A_318 = tpu.vector_load %arg9[%get3A_317] {strides = array<i32>} : memref<128xi32, #tpu.memory_space<vmem>>, vector<16xi32>,
      %mul3A_319 = arith.constant 8 : i32
      %mul3A_320 = vector.broadcast %mul3A_319 : i32 to vector<16xi32>
      %mul3A_321 = arith.muli %get3A_318, %mul3A_320 : vector<16xi32>
      %get3A_322 = arith.constant 48 : index
      %get3A_323 = tpu.vector_load %arg10[%get3A_322] {strides = array<i32>} : memref<128xi32, #tpu.memory_space<vmem>>, vector<16xi32>,
      %mul3A_324 = arith.constant 8 : i32
      %mul3A_325 = vector.broadcast %mul3A_324 : i32 to vector<16xi32>
      %mul3A_326 = arith.muli %get3A_323, %mul3A_325 : vector<16xi32>
      %add3A_327 = arith.constant 4 : i32
      %add3A_328 = vector.broadcast %add3A_327 : i32 to vector<16xi32>
      %add3A_329 = arith.addi %mul3A_326, %add3A_328 : vector<16xi32>
      %add3A_330 = arith.constant 48 : i32
      %add3A_331 = vector.broadcast %add3A_330 : i32 to vector<16xi32>
      %add3A_332 = arith.addi %iota3A, %add3A_331 : vector<16xi32>
      %add3A_333 = arith.constant 0 : i32
      %add3A_334 = vector.broadcast %add3A_333 : i32 to vector<16xi32>
      %add3A_335 = arith.addi %mul3A_321, %add3A_334 : vector<16xi32>
      %gather3A_336 = tpu.vector_load_idx %arg8[%add3A_335] : memref<81920xf32, #tpu.memory_space<vmem>>[vector<16xi32>], vector<16xf32>,
      %add3A_337 = arith.constant 0 : i32
      %add3A_338 = vector.broadcast %add3A_337 : i32 to vector<16xi32>
      %add3A_339 = arith.addi %add3A_329, %add3A_338 : vector<16xi32>
      %gather3A_340 = tpu.vector_load_idx %arg8[%add3A_339] : memref<81920xf32, #tpu.memory_space<vmem>>[vector<16xi32>], vector<16xf32>,
      %add3A_341 = arith.addf %gather3A_336, %gather3A_340 : vector<16xf32>
      %mul3A_342 = arith.constant 2.000000e-01 : f32
      %mul3A_343 = vector.broadcast %mul3A_342 : f32 to vector<16xf32>
      %mul3A_344 = arith.mulf %mul3A_343, %add3A_341 : vector<16xf32>
      %max3A_345 = arith.maximumf %add3A_341, %mul3A_344 : vector<16xf32>
      %exp3A_346 = math.exp %max3A_345 : vector<16xf32>
      %broadcast_in_dim3A_347 = arith.constant 0 : i32
      %broadcast_in_dim3A_348 = vector.broadcast %broadcast_in_dim3A_347 : i32 to vector<16xi32>
      tpu.vector_store_idx %arg11[%add3A_332, %broadcast_in_dim3A_348], %exp3A_346 : memref<128x8xf32, #tpu.memory_space<vmem>>[vector<16xi32>, vector<16xi32>], vector<16xf32>,
      %mul3A_349 = arith.constant 4 : i32
      %mul3A_350 = vector.broadcast %mul3A_349 : i32 to vector<16xi32>
      %mul3A_351 = arith.muli %add3A_332, %mul3A_350 : vector<16xi32>
      %add3A_352 = arith.constant 0 : i32
      %add3A_353 = vector.broadcast %add3A_352 : i32 to vector<16xi32>
      %add3A_354 = arith.addi %mul3A_351, %add3A_353 : vector<16xi32>
      tpu.vector_store_idx %arg12[%add3A_354], %exp3A_346 : memref<512xf32, #tpu.memory_space<vmem>>[vector<16xi32>], vector<16xf32>,
      %add3A_355 = arith.constant 1 : i32
      %add3A_356 = vector.broadcast %add3A_355 : i32 to vector<16xi32>
      %add3A_357 = arith.addi %mul3A_321, %add3A_356 : vector<16xi32>
      %gather3A_358 = tpu.vector_load_idx %arg8[%add3A_357] : memref<81920xf32, #tpu.memory_space<vmem>>[vector<16xi32>], vector<16xf32>,
      %add3A_359 = arith.constant 1 : i32
      %add3A_360 = vector.broadcast %add3A_359 : i32 to vector<16xi32>
      %add3A_361 = arith.addi %add3A_329, %add3A_360 : vector<16xi32>
      %gather3A_362 = tpu.vector_load_idx %arg8[%add3A_361] : memref<81920xf32, #tpu.memory_space<vmem>>[vector<16xi32>], vector<16xf32>,
      %add3A_363 = arith.addf %gather3A_358, %gather3A_362 : vector<16xf32>
      %mul3A_364 = arith.constant 2.000000e-01 : f32
      %mul3A_365 = vector.broadcast %mul3A_364 : f32 to vector<16xf32>
      %mul3A_366 = arith.mulf %mul3A_365, %add3A_363 : vector<16xf32>
      %max3A_367 = arith.maximumf %add3A_363, %mul3A_366 : vector<16xf32>
      %exp3A_368 = math.exp %max3A_367 : vector<16xf32>
      %broadcast_in_dim3A_369 = arith.constant 1 : i32
      %broadcast_in_dim3A_370 = vector.broadcast %broadcast_in_dim3A_369 : i32 to vector<16xi32>
      tpu.vector_store_idx %arg11[%add3A_332, %broadcast_in_dim3A_370], %exp3A_368 : memref<128x8xf32, #tpu.memory_space<vmem>>[vector<16xi32>, vector<16xi32>], vector<16xf32>,
      %mul3A_371 = arith.constant 4 : i32
      %mul3A_372 = vector.broadcast %mul3A_371 : i32 to vector<16xi32>
      %mul3A_373 = arith.muli %add3A_332, %mul3A_372 : vector<16xi32>
      %add3A_374 = arith.constant 1 : i32
      %add3A_375 = vector.broadcast %add3A_374 : i32 to vector<16xi32>
      %add3A_376 = arith.addi %mul3A_373, %add3A_375 : vector<16xi32>
      tpu.vector_store_idx %arg12[%add3A_376], %exp3A_368 : memref<512xf32, #tpu.memory_space<vmem>>[vector<16xi32>], vector<16xf32>,
      %add3A_377 = arith.constant 2 : i32
      %add3A_378 = vector.broadcast %add3A_377 : i32 to vector<16xi32>
      %add3A_379 = arith.addi %mul3A_321, %add3A_378 : vector<16xi32>
      %gather3A_380 = tpu.vector_load_idx %arg8[%add3A_379] : memref<81920xf32, #tpu.memory_space<vmem>>[vector<16xi32>], vector<16xf32>,
      %add3A_381 = arith.constant 2 : i32
      %add3A_382 = vector.broadcast %add3A_381 : i32 to vector<16xi32>
      %add3A_383 = arith.addi %add3A_329, %add3A_382 : vector<16xi32>
      %gather3A_384 = tpu.vector_load_idx %arg8[%add3A_383] : memref<81920xf32, #tpu.memory_space<vmem>>[vector<16xi32>], vector<16xf32>,
      %add3A_385 = arith.addf %gather3A_380, %gather3A_384 : vector<16xf32>
      %mul3A_386 = arith.constant 2.000000e-01 : f32
      %mul3A_387 = vector.broadcast %mul3A_386 : f32 to vector<16xf32>
      %mul3A_388 = arith.mulf %mul3A_387, %add3A_385 : vector<16xf32>
      %max3A_389 = arith.maximumf %add3A_385, %mul3A_388 : vector<16xf32>
      %exp3A_390 = math.exp %max3A_389 : vector<16xf32>
      %broadcast_in_dim3A_391 = arith.constant 2 : i32
      %broadcast_in_dim3A_392 = vector.broadcast %broadcast_in_dim3A_391 : i32 to vector<16xi32>
      tpu.vector_store_idx %arg11[%add3A_332, %broadcast_in_dim3A_392], %exp3A_390 : memref<128x8xf32, #tpu.memory_space<vmem>>[vector<16xi32>, vector<16xi32>], vector<16xf32>,
      %mul3A_393 = arith.constant 4 : i32
      %mul3A_394 = vector.broadcast %mul3A_393 : i32 to vector<16xi32>
      %mul3A_395 = arith.muli %add3A_332, %mul3A_394 : vector<16xi32>
      %add3A_396 = arith.constant 2 : i32
      %add3A_397 = vector.broadcast %add3A_396 : i32 to vector<16xi32>
      %add3A_398 = arith.addi %mul3A_395, %add3A_397 : vector<16xi32>
      tpu.vector_store_idx %arg12[%add3A_398], %exp3A_390 : memref<512xf32, #tpu.memory_space<vmem>>[vector<16xi32>], vector<16xf32>,
      %add3A_399 = arith.constant 3 : i32
      %add3A_400 = vector.broadcast %add3A_399 : i32 to vector<16xi32>
      %add3A_401 = arith.addi %mul3A_321, %add3A_400 : vector<16xi32>
      %gather3A_402 = tpu.vector_load_idx %arg8[%add3A_401] : memref<81920xf32, #tpu.memory_space<vmem>>[vector<16xi32>], vector<16xf32>,
      %add3A_403 = arith.constant 3 : i32
      %add3A_404 = vector.broadcast %add3A_403 : i32 to vector<16xi32>
      %add3A_405 = arith.addi %add3A_329, %add3A_404 : vector<16xi32>
      %gather3A_406 = tpu.vector_load_idx %arg8[%add3A_405] : memref<81920xf32, #tpu.memory_space<vmem>>[vector<16xi32>], vector<16xf32>,
      %add3A_407 = arith.addf %gather3A_402, %gather3A_406 : vector<16xf32>
      %mul3A_408 = arith.constant 2.000000e-01 : f32
      %mul3A_409 = vector.broadcast %mul3A_408 : f32 to vector<16xf32>
      %mul3A_410 = arith.mulf %mul3A_409, %add3A_407 : vector<16xf32>
      %max3A_411 = arith.maximumf %add3A_407, %mul3A_410 : vector<16xf32>
      %exp3A_412 = math.exp %max3A_411 : vector<16xf32>
      %broadcast_in_dim3A_413 = arith.constant 3 : i32
      %broadcast_in_dim3A_414 = vector.broadcast %broadcast_in_dim3A_413 : i32 to vector<16xi32>
      tpu.vector_store_idx %arg11[%add3A_332, %broadcast_in_dim3A_414], %exp3A_412 : memref<128x8xf32, #tpu.memory_space<vmem>>[vector<16xi32>, vector<16xi32>], vector<16xf32>,
      %mul3A_415 = arith.constant 4 : i32
      %mul3A_416 = vector.broadcast %mul3A_415 : i32 to vector<16xi32>
      %mul3A_417 = arith.muli %add3A_332, %mul3A_416 : vector<16xi32>
      %add3A_418 = arith.constant 3 : i32
      %add3A_419 = vector.broadcast %add3A_418 : i32 to vector<16xi32>
      %add3A_420 = arith.addi %mul3A_417, %add3A_419 : vector<16xi32>
      tpu.vector_store_idx %arg12[%add3A_420], %exp3A_412 : memref<512xf32, #tpu.memory_space<vmem>>[vector<16xi32>], vector<16xf32>,
      %get3A_421 = arith.constant 64 : index
      %get3A_422 = tpu.vector_load %arg9[%get3A_421] {strides = array<i32>} : memref<128xi32, #tpu.memory_space<vmem>>, vector<16xi32>,
      %mul3A_423 = arith.constant 8 : i32
      %mul3A_424 = vector.broadcast %mul3A_423 : i32 to vector<16xi32>
      %mul3A_425 = arith.muli %get3A_422, %mul3A_424 : vector<16xi32>
      %get3A_426 = arith.constant 64 : index
      %get3A_427 = tpu.vector_load %arg10[%get3A_426] {strides = array<i32>} : memref<128xi32, #tpu.memory_space<vmem>>, vector<16xi32>,
      %mul3A_428 = arith.constant 8 : i32
      %mul3A_429 = vector.broadcast %mul3A_428 : i32 to vector<16xi32>
      %mul3A_430 = arith.muli %get3A_427, %mul3A_429 : vector<16xi32>
      %add3A_431 = arith.constant 4 : i32
      %add3A_432 = vector.broadcast %add3A_431 : i32 to vector<16xi32>
      %add3A_433 = arith.addi %mul3A_430, %add3A_432 : vector<16xi32>
      %add3A_434 = arith.constant 64 : i32
      %add3A_435 = vector.broadcast %add3A_434 : i32 to vector<16xi32>
      %add3A_436 = arith.addi %iota3A, %add3A_435 : vector<16xi32>
      %add3A_437 = arith.constant 0 : i32
      %add3A_438 = vector.broadcast %add3A_437 : i32 to vector<16xi32>
      %add3A_439 = arith.addi %mul3A_425, %add3A_438 : vector<16xi32>
      %gather3A_440 = tpu.vector_load_idx %arg8[%add3A_439] : memref<81920xf32, #tpu.memory_space<vmem>>[vector<16xi32>], vector<16xf32>,
      %add3A_441 = arith.constant 0 : i32
      %add3A_442 = vector.broadcast %add3A_441 : i32 to vector<16xi32>
      %add3A_443 = arith.addi %add3A_433, %add3A_442 : vector<16xi32>
      %gather3A_444 = tpu.vector_load_idx %arg8[%add3A_443] : memref<81920xf32, #tpu.memory_space<vmem>>[vector<16xi32>], vector<16xf32>,
      %add3A_445 = arith.addf %gather3A_440, %gather3A_444 : vector<16xf32>
      %mul3A_446 = arith.constant 2.000000e-01 : f32
      %mul3A_447 = vector.broadcast %mul3A_446 : f32 to vector<16xf32>
      %mul3A_448 = arith.mulf %mul3A_447, %add3A_445 : vector<16xf32>
      %max3A_449 = arith.maximumf %add3A_445, %mul3A_448 : vector<16xf32>
      %exp3A_450 = math.exp %max3A_449 : vector<16xf32>
      %broadcast_in_dim3A_451 = arith.constant 0 : i32
      %broadcast_in_dim3A_452 = vector.broadcast %broadcast_in_dim3A_451 : i32 to vector<16xi32>
      tpu.vector_store_idx %arg11[%add3A_436, %broadcast_in_dim3A_452], %exp3A_450 : memref<128x8xf32, #tpu.memory_space<vmem>>[vector<16xi32>, vector<16xi32>], vector<16xf32>,
      %mul3A_453 = arith.constant 4 : i32
      %mul3A_454 = vector.broadcast %mul3A_453 : i32 to vector<16xi32>
      %mul3A_455 = arith.muli %add3A_436, %mul3A_454 : vector<16xi32>
      %add3A_456 = arith.constant 0 : i32
      %add3A_457 = vector.broadcast %add3A_456 : i32 to vector<16xi32>
      %add3A_458 = arith.addi %mul3A_455, %add3A_457 : vector<16xi32>
      tpu.vector_store_idx %arg12[%add3A_458], %exp3A_450 : memref<512xf32, #tpu.memory_space<vmem>>[vector<16xi32>], vector<16xf32>,
      %add3A_459 = arith.constant 1 : i32
      %add3A_460 = vector.broadcast %add3A_459 : i32 to vector<16xi32>
      %add3A_461 = arith.addi %mul3A_425, %add3A_460 : vector<16xi32>
      %gather3A_462 = tpu.vector_load_idx %arg8[%add3A_461] : memref<81920xf32, #tpu.memory_space<vmem>>[vector<16xi32>], vector<16xf32>,
      %add3A_463 = arith.constant 1 : i32
      %add3A_464 = vector.broadcast %add3A_463 : i32 to vector<16xi32>
      %add3A_465 = arith.addi %add3A_433, %add3A_464 : vector<16xi32>
      %gather3A_466 = tpu.vector_load_idx %arg8[%add3A_465] : memref<81920xf32, #tpu.memory_space<vmem>>[vector<16xi32>], vector<16xf32>,
      %add3A_467 = arith.addf %gather3A_462, %gather3A_466 : vector<16xf32>
      %mul3A_468 = arith.constant 2.000000e-01 : f32
      %mul3A_469 = vector.broadcast %mul3A_468 : f32 to vector<16xf32>
      %mul3A_470 = arith.mulf %mul3A_469, %add3A_467 : vector<16xf32>
      %max3A_471 = arith.maximumf %add3A_467, %mul3A_470 : vector<16xf32>
      %exp3A_472 = math.exp %max3A_471 : vector<16xf32>
      %broadcast_in_dim3A_473 = arith.constant 1 : i32
      %broadcast_in_dim3A_474 = vector.broadcast %broadcast_in_dim3A_473 : i32 to vector<16xi32>
      tpu.vector_store_idx %arg11[%add3A_436, %broadcast_in_dim3A_474], %exp3A_472 : memref<128x8xf32, #tpu.memory_space<vmem>>[vector<16xi32>, vector<16xi32>], vector<16xf32>,
      %mul3A_475 = arith.constant 4 : i32
      %mul3A_476 = vector.broadcast %mul3A_475 : i32 to vector<16xi32>
      %mul3A_477 = arith.muli %add3A_436, %mul3A_476 : vector<16xi32>
      %add3A_478 = arith.constant 1 : i32
      %add3A_479 = vector.broadcast %add3A_478 : i32 to vector<16xi32>
      %add3A_480 = arith.addi %mul3A_477, %add3A_479 : vector<16xi32>
      tpu.vector_store_idx %arg12[%add3A_480], %exp3A_472 : memref<512xf32, #tpu.memory_space<vmem>>[vector<16xi32>], vector<16xf32>,
      %add3A_481 = arith.constant 2 : i32
      %add3A_482 = vector.broadcast %add3A_481 : i32 to vector<16xi32>
      %add3A_483 = arith.addi %mul3A_425, %add3A_482 : vector<16xi32>
      %gather3A_484 = tpu.vector_load_idx %arg8[%add3A_483] : memref<81920xf32, #tpu.memory_space<vmem>>[vector<16xi32>], vector<16xf32>,
      %add3A_485 = arith.constant 2 : i32
      %add3A_486 = vector.broadcast %add3A_485 : i32 to vector<16xi32>
      %add3A_487 = arith.addi %add3A_433, %add3A_486 : vector<16xi32>
      %gather3A_488 = tpu.vector_load_idx %arg8[%add3A_487] : memref<81920xf32, #tpu.memory_space<vmem>>[vector<16xi32>], vector<16xf32>,
      %add3A_489 = arith.addf %gather3A_484, %gather3A_488 : vector<16xf32>
      %mul3A_490 = arith.constant 2.000000e-01 : f32
      %mul3A_491 = vector.broadcast %mul3A_490 : f32 to vector<16xf32>
      %mul3A_492 = arith.mulf %mul3A_491, %add3A_489 : vector<16xf32>
      %max3A_493 = arith.maximumf %add3A_489, %mul3A_492 : vector<16xf32>
      %exp3A_494 = math.exp %max3A_493 : vector<16xf32>
      %broadcast_in_dim3A_495 = arith.constant 2 : i32
      %broadcast_in_dim3A_496 = vector.broadcast %broadcast_in_dim3A_495 : i32 to vector<16xi32>
      tpu.vector_store_idx %arg11[%add3A_436, %broadcast_in_dim3A_496], %exp3A_494 : memref<128x8xf32, #tpu.memory_space<vmem>>[vector<16xi32>, vector<16xi32>], vector<16xf32>,
      %mul3A_497 = arith.constant 4 : i32
      %mul3A_498 = vector.broadcast %mul3A_497 : i32 to vector<16xi32>
      %mul3A_499 = arith.muli %add3A_436, %mul3A_498 : vector<16xi32>
      %add3A_500 = arith.constant 2 : i32
      %add3A_501 = vector.broadcast %add3A_500 : i32 to vector<16xi32>
      %add3A_502 = arith.addi %mul3A_499, %add3A_501 : vector<16xi32>
      tpu.vector_store_idx %arg12[%add3A_502], %exp3A_494 : memref<512xf32, #tpu.memory_space<vmem>>[vector<16xi32>], vector<16xf32>,
      %add3A_503 = arith.constant 3 : i32
      %add3A_504 = vector.broadcast %add3A_503 : i32 to vector<16xi32>
      %add3A_505 = arith.addi %mul3A_425, %add3A_504 : vector<16xi32>
      %gather3A_506 = tpu.vector_load_idx %arg8[%add3A_505] : memref<81920xf32, #tpu.memory_space<vmem>>[vector<16xi32>], vector<16xf32>,
      %add3A_507 = arith.constant 3 : i32
      %add3A_508 = vector.broadcast %add3A_507 : i32 to vector<16xi32>
      %add3A_509 = arith.addi %add3A_433, %add3A_508 : vector<16xi32>
      %gather3A_510 = tpu.vector_load_idx %arg8[%add3A_509] : memref<81920xf32, #tpu.memory_space<vmem>>[vector<16xi32>], vector<16xf32>,
      %add3A_511 = arith.addf %gather3A_506, %gather3A_510 : vector<16xf32>
      %mul3A_512 = arith.constant 2.000000e-01 : f32
      %mul3A_513 = vector.broadcast %mul3A_512 : f32 to vector<16xf32>
      %mul3A_514 = arith.mulf %mul3A_513, %add3A_511 : vector<16xf32>
      %max3A_515 = arith.maximumf %add3A_511, %mul3A_514 : vector<16xf32>
      %exp3A_516 = math.exp %max3A_515 : vector<16xf32>
      %broadcast_in_dim3A_517 = arith.constant 3 : i32
      %broadcast_in_dim3A_518 = vector.broadcast %broadcast_in_dim3A_517 : i32 to vector<16xi32>
      tpu.vector_store_idx %arg11[%add3A_436, %broadcast_in_dim3A_518], %exp3A_516 : memref<128x8xf32, #tpu.memory_space<vmem>>[vector<16xi32>, vector<16xi32>], vector<16xf32>,
      %mul3A_519 = arith.constant 4 : i32
      %mul3A_520 = vector.broadcast %mul3A_519 : i32 to vector<16xi32>
      %mul3A_521 = arith.muli %add3A_436, %mul3A_520 : vector<16xi32>
      %add3A_522 = arith.constant 3 : i32
      %add3A_523 = vector.broadcast %add3A_522 : i32 to vector<16xi32>
      %add3A_524 = arith.addi %mul3A_521, %add3A_523 : vector<16xi32>
      tpu.vector_store_idx %arg12[%add3A_524], %exp3A_516 : memref<512xf32, #tpu.memory_space<vmem>>[vector<16xi32>], vector<16xf32>,
      %get3A_525 = arith.constant 80 : index
      %get3A_526 = tpu.vector_load %arg9[%get3A_525] {strides = array<i32>} : memref<128xi32, #tpu.memory_space<vmem>>, vector<16xi32>,
      %mul3A_527 = arith.constant 8 : i32
      %mul3A_528 = vector.broadcast %mul3A_527 : i32 to vector<16xi32>
      %mul3A_529 = arith.muli %get3A_526, %mul3A_528 : vector<16xi32>
      %get3A_530 = arith.constant 80 : index
      %get3A_531 = tpu.vector_load %arg10[%get3A_530] {strides = array<i32>} : memref<128xi32, #tpu.memory_space<vmem>>, vector<16xi32>,
      %mul3A_532 = arith.constant 8 : i32
      %mul3A_533 = vector.broadcast %mul3A_532 : i32 to vector<16xi32>
      %mul3A_534 = arith.muli %get3A_531, %mul3A_533 : vector<16xi32>
      %add3A_535 = arith.constant 4 : i32
      %add3A_536 = vector.broadcast %add3A_535 : i32 to vector<16xi32>
      %add3A_537 = arith.addi %mul3A_534, %add3A_536 : vector<16xi32>
      %add3A_538 = arith.constant 80 : i32
      %add3A_539 = vector.broadcast %add3A_538 : i32 to vector<16xi32>
      %add3A_540 = arith.addi %iota3A, %add3A_539 : vector<16xi32>
      %add3A_541 = arith.constant 0 : i32
      %add3A_542 = vector.broadcast %add3A_541 : i32 to vector<16xi32>
      %add3A_543 = arith.addi %mul3A_529, %add3A_542 : vector<16xi32>
      %gather3A_544 = tpu.vector_load_idx %arg8[%add3A_543] : memref<81920xf32, #tpu.memory_space<vmem>>[vector<16xi32>], vector<16xf32>,
      %add3A_545 = arith.constant 0 : i32
      %add3A_546 = vector.broadcast %add3A_545 : i32 to vector<16xi32>
      %add3A_547 = arith.addi %add3A_537, %add3A_546 : vector<16xi32>
      %gather3A_548 = tpu.vector_load_idx %arg8[%add3A_547] : memref<81920xf32, #tpu.memory_space<vmem>>[vector<16xi32>], vector<16xf32>,
      %add3A_549 = arith.addf %gather3A_544, %gather3A_548 : vector<16xf32>
      %mul3A_550 = arith.constant 2.000000e-01 : f32
      %mul3A_551 = vector.broadcast %mul3A_550 : f32 to vector<16xf32>
      %mul3A_552 = arith.mulf %mul3A_551, %add3A_549 : vector<16xf32>
      %max3A_553 = arith.maximumf %add3A_549, %mul3A_552 : vector<16xf32>
      %exp3A_554 = math.exp %max3A_553 : vector<16xf32>
      %broadcast_in_dim3A_555 = arith.constant 0 : i32
      %broadcast_in_dim3A_556 = vector.broadcast %broadcast_in_dim3A_555 : i32 to vector<16xi32>
      tpu.vector_store_idx %arg11[%add3A_540, %broadcast_in_dim3A_556], %exp3A_554 : memref<128x8xf32, #tpu.memory_space<vmem>>[vector<16xi32>, vector<16xi32>], vector<16xf32>,
      %mul3A_557 = arith.constant 4 : i32
      %mul3A_558 = vector.broadcast %mul3A_557 : i32 to vector<16xi32>
      %mul3A_559 = arith.muli %add3A_540, %mul3A_558 : vector<16xi32>
      %add3A_560 = arith.constant 0 : i32
      %add3A_561 = vector.broadcast %add3A_560 : i32 to vector<16xi32>
      %add3A_562 = arith.addi %mul3A_559, %add3A_561 : vector<16xi32>
      tpu.vector_store_idx %arg12[%add3A_562], %exp3A_554 : memref<512xf32, #tpu.memory_space<vmem>>[vector<16xi32>], vector<16xf32>,
      %add3A_563 = arith.constant 1 : i32
      %add3A_564 = vector.broadcast %add3A_563 : i32 to vector<16xi32>
      %add3A_565 = arith.addi %mul3A_529, %add3A_564 : vector<16xi32>
      %gather3A_566 = tpu.vector_load_idx %arg8[%add3A_565] : memref<81920xf32, #tpu.memory_space<vmem>>[vector<16xi32>], vector<16xf32>,
      %add3A_567 = arith.constant 1 : i32
      %add3A_568 = vector.broadcast %add3A_567 : i32 to vector<16xi32>
      %add3A_569 = arith.addi %add3A_537, %add3A_568 : vector<16xi32>
      %gather3A_570 = tpu.vector_load_idx %arg8[%add3A_569] : memref<81920xf32, #tpu.memory_space<vmem>>[vector<16xi32>], vector<16xf32>,
      %add3A_571 = arith.addf %gather3A_566, %gather3A_570 : vector<16xf32>
      %mul3A_572 = arith.constant 2.000000e-01 : f32
      %mul3A_573 = vector.broadcast %mul3A_572 : f32 to vector<16xf32>
      %mul3A_574 = arith.mulf %mul3A_573, %add3A_571 : vector<16xf32>
      %max3A_575 = arith.maximumf %add3A_571, %mul3A_574 : vector<16xf32>
      %exp3A_576 = math.exp %max3A_575 : vector<16xf32>
      %broadcast_in_dim3A_577 = arith.constant 1 : i32
      %broadcast_in_dim3A_578 = vector.broadcast %broadcast_in_dim3A_577 : i32 to vector<16xi32>
      tpu.vector_store_idx %arg11[%add3A_540, %broadcast_in_dim3A_578], %exp3A_576 : memref<128x8xf32, #tpu.memory_space<vmem>>[vector<16xi32>, vector<16xi32>], vector<16xf32>,
      %mul3A_579 = arith.constant 4 : i32
      %mul3A_580 = vector.broadcast %mul3A_579 : i32 to vector<16xi32>
      %mul3A_581 = arith.muli %add3A_540, %mul3A_580 : vector<16xi32>
      %add3A_582 = arith.constant 1 : i32
      %add3A_583 = vector.broadcast %add3A_582 : i32 to vector<16xi32>
      %add3A_584 = arith.addi %mul3A_581, %add3A_583 : vector<16xi32>
      tpu.vector_store_idx %arg12[%add3A_584], %exp3A_576 : memref<512xf32, #tpu.memory_space<vmem>>[vector<16xi32>], vector<16xf32>,
      %add3A_585 = arith.constant 2 : i32
      %add3A_586 = vector.broadcast %add3A_585 : i32 to vector<16xi32>
      %add3A_587 = arith.addi %mul3A_529, %add3A_586 : vector<16xi32>
      %gather3A_588 = tpu.vector_load_idx %arg8[%add3A_587] : memref<81920xf32, #tpu.memory_space<vmem>>[vector<16xi32>], vector<16xf32>,
      %add3A_589 = arith.constant 2 : i32
      %add3A_590 = vector.broadcast %add3A_589 : i32 to vector<16xi32>
      %add3A_591 = arith.addi %add3A_537, %add3A_590 : vector<16xi32>
      %gather3A_592 = tpu.vector_load_idx %arg8[%add3A_591] : memref<81920xf32, #tpu.memory_space<vmem>>[vector<16xi32>], vector<16xf32>,
      %add3A_593 = arith.addf %gather3A_588, %gather3A_592 : vector<16xf32>
      %mul3A_594 = arith.constant 2.000000e-01 : f32
      %mul3A_595 = vector.broadcast %mul3A_594 : f32 to vector<16xf32>
      %mul3A_596 = arith.mulf %mul3A_595, %add3A_593 : vector<16xf32>
      %max3A_597 = arith.maximumf %add3A_593, %mul3A_596 : vector<16xf32>
      %exp3A_598 = math.exp %max3A_597 : vector<16xf32>
      %broadcast_in_dim3A_599 = arith.constant 2 : i32
      %broadcast_in_dim3A_600 = vector.broadcast %broadcast_in_dim3A_599 : i32 to vector<16xi32>
      tpu.vector_store_idx %arg11[%add3A_540, %broadcast_in_dim3A_600], %exp3A_598 : memref<128x8xf32, #tpu.memory_space<vmem>>[vector<16xi32>, vector<16xi32>], vector<16xf32>,
      %mul3A_601 = arith.constant 4 : i32
      %mul3A_602 = vector.broadcast %mul3A_601 : i32 to vector<16xi32>
      %mul3A_603 = arith.muli %add3A_540, %mul3A_602 : vector<16xi32>
      %add3A_604 = arith.constant 2 : i32
      %add3A_605 = vector.broadcast %add3A_604 : i32 to vector<16xi32>
      %add3A_606 = arith.addi %mul3A_603, %add3A_605 : vector<16xi32>
      tpu.vector_store_idx %arg12[%add3A_606], %exp3A_598 : memref<512xf32, #tpu.memory_space<vmem>>[vector<16xi32>], vector<16xf32>,
      %add3A_607 = arith.constant 3 : i32
      %add3A_608 = vector.broadcast %add3A_607 : i32 to vector<16xi32>
      %add3A_609 = arith.addi %mul3A_529, %add3A_608 : vector<16xi32>
      %gather3A_610 = tpu.vector_load_idx %arg8[%add3A_609] : memref<81920xf32, #tpu.memory_space<vmem>>[vector<16xi32>], vector<16xf32>,
      %add3A_611 = arith.constant 3 : i32
      %add3A_612 = vector.broadcast %add3A_611 : i32 to vector<16xi32>
      %add3A_613 = arith.addi %add3A_537, %add3A_612 : vector<16xi32>
      %gather3A_614 = tpu.vector_load_idx %arg8[%add3A_613] : memref<81920xf32, #tpu.memory_space<vmem>>[vector<16xi32>], vector<16xf32>,
      %add3A_615 = arith.addf %gather3A_610, %gather3A_614 : vector<16xf32>
      %mul3A_616 = arith.constant 2.000000e-01 : f32
      %mul3A_617 = vector.broadcast %mul3A_616 : f32 to vector<16xf32>
      %mul3A_618 = arith.mulf %mul3A_617, %add3A_615 : vector<16xf32>
      %max3A_619 = arith.maximumf %add3A_615, %mul3A_618 : vector<16xf32>
      %exp3A_620 = math.exp %max3A_619 : vector<16xf32>
      %broadcast_in_dim3A_621 = arith.constant 3 : i32
      %broadcast_in_dim3A_622 = vector.broadcast %broadcast_in_dim3A_621 : i32 to vector<16xi32>
      tpu.vector_store_idx %arg11[%add3A_540, %broadcast_in_dim3A_622], %exp3A_620 : memref<128x8xf32, #tpu.memory_space<vmem>>[vector<16xi32>, vector<16xi32>], vector<16xf32>,
      %mul3A_623 = arith.constant 4 : i32
      %mul3A_624 = vector.broadcast %mul3A_623 : i32 to vector<16xi32>
      %mul3A_625 = arith.muli %add3A_540, %mul3A_624 : vector<16xi32>
      %add3A_626 = arith.constant 3 : i32
      %add3A_627 = vector.broadcast %add3A_626 : i32 to vector<16xi32>
      %add3A_628 = arith.addi %mul3A_625, %add3A_627 : vector<16xi32>
      tpu.vector_store_idx %arg12[%add3A_628], %exp3A_620 : memref<512xf32, #tpu.memory_space<vmem>>[vector<16xi32>], vector<16xf32>,
      %get3A_629 = arith.constant 96 : index
      %get3A_630 = tpu.vector_load %arg9[%get3A_629] {strides = array<i32>} : memref<128xi32, #tpu.memory_space<vmem>>, vector<16xi32>,
      %mul3A_631 = arith.constant 8 : i32
      %mul3A_632 = vector.broadcast %mul3A_631 : i32 to vector<16xi32>
      %mul3A_633 = arith.muli %get3A_630, %mul3A_632 : vector<16xi32>
      %get3A_634 = arith.constant 96 : index
      %get3A_635 = tpu.vector_load %arg10[%get3A_634] {strides = array<i32>} : memref<128xi32, #tpu.memory_space<vmem>>, vector<16xi32>,
      %mul3A_636 = arith.constant 8 : i32
      %mul3A_637 = vector.broadcast %mul3A_636 : i32 to vector<16xi32>
      %mul3A_638 = arith.muli %get3A_635, %mul3A_637 : vector<16xi32>
      %add3A_639 = arith.constant 4 : i32
      %add3A_640 = vector.broadcast %add3A_639 : i32 to vector<16xi32>
      %add3A_641 = arith.addi %mul3A_638, %add3A_640 : vector<16xi32>
      %add3A_642 = arith.constant 96 : i32
      %add3A_643 = vector.broadcast %add3A_642 : i32 to vector<16xi32>
      %add3A_644 = arith.addi %iota3A, %add3A_643 : vector<16xi32>
      %add3A_645 = arith.constant 0 : i32
      %add3A_646 = vector.broadcast %add3A_645 : i32 to vector<16xi32>
      %add3A_647 = arith.addi %mul3A_633, %add3A_646 : vector<16xi32>
      %gather3A_648 = tpu.vector_load_idx %arg8[%add3A_647] : memref<81920xf32, #tpu.memory_space<vmem>>[vector<16xi32>], vector<16xf32>,
      %add3A_649 = arith.constant 0 : i32
      %add3A_650 = vector.broadcast %add3A_649 : i32 to vector<16xi32>
      %add3A_651 = arith.addi %add3A_641, %add3A_650 : vector<16xi32>
      %gather3A_652 = tpu.vector_load_idx %arg8[%add3A_651] : memref<81920xf32, #tpu.memory_space<vmem>>[vector<16xi32>], vector<16xf32>,
      %add3A_653 = arith.addf %gather3A_648, %gather3A_652 : vector<16xf32>
      %mul3A_654 = arith.constant 2.000000e-01 : f32
      %mul3A_655 = vector.broadcast %mul3A_654 : f32 to vector<16xf32>
      %mul3A_656 = arith.mulf %mul3A_655, %add3A_653 : vector<16xf32>
      %max3A_657 = arith.maximumf %add3A_653, %mul3A_656 : vector<16xf32>
      %exp3A_658 = math.exp %max3A_657 : vector<16xf32>
      %broadcast_in_dim3A_659 = arith.constant 0 : i32
      %broadcast_in_dim3A_660 = vector.broadcast %broadcast_in_dim3A_659 : i32 to vector<16xi32>
      tpu.vector_store_idx %arg11[%add3A_644, %broadcast_in_dim3A_660], %exp3A_658 : memref<128x8xf32, #tpu.memory_space<vmem>>[vector<16xi32>, vector<16xi32>], vector<16xf32>,
      %mul3A_661 = arith.constant 4 : i32
      %mul3A_662 = vector.broadcast %mul3A_661 : i32 to vector<16xi32>
      %mul3A_663 = arith.muli %add3A_644, %mul3A_662 : vector<16xi32>
      %add3A_664 = arith.constant 0 : i32
      %add3A_665 = vector.broadcast %add3A_664 : i32 to vector<16xi32>
      %add3A_666 = arith.addi %mul3A_663, %add3A_665 : vector<16xi32>
      tpu.vector_store_idx %arg12[%add3A_666], %exp3A_658 : memref<512xf32, #tpu.memory_space<vmem>>[vector<16xi32>], vector<16xf32>,
      %add3A_667 = arith.constant 1 : i32
      %add3A_668 = vector.broadcast %add3A_667 : i32 to vector<16xi32>
      %add3A_669 = arith.addi %mul3A_633, %add3A_668 : vector<16xi32>
      %gather3A_670 = tpu.vector_load_idx %arg8[%add3A_669] : memref<81920xf32, #tpu.memory_space<vmem>>[vector<16xi32>], vector<16xf32>,
      %add3A_671 = arith.constant 1 : i32
      %add3A_672 = vector.broadcast %add3A_671 : i32 to vector<16xi32>
      %add3A_673 = arith.addi %add3A_641, %add3A_672 : vector<16xi32>
      %gather3A_674 = tpu.vector_load_idx %arg8[%add3A_673] : memref<81920xf32, #tpu.memory_space<vmem>>[vector<16xi32>], vector<16xf32>,
      %add3A_675 = arith.addf %gather3A_670, %gather3A_674 : vector<16xf32>
      %mul3A_676 = arith.constant 2.000000e-01 : f32
      %mul3A_677 = vector.broadcast %mul3A_676 : f32 to vector<16xf32>
      %mul3A_678 = arith.mulf %mul3A_677, %add3A_675 : vector<16xf32>
      %max3A_679 = arith.maximumf %add3A_675, %mul3A_678 : vector<16xf32>
      %exp3A_680 = math.exp %max3A_679 : vector<16xf32>
      %broadcast_in_dim3A_681 = arith.constant 1 : i32
      %broadcast_in_dim3A_682 = vector.broadcast %broadcast_in_dim3A_681 : i32 to vector<16xi32>
      tpu.vector_store_idx %arg11[%add3A_644, %broadcast_in_dim3A_682], %exp3A_680 : memref<128x8xf32, #tpu.memory_space<vmem>>[vector<16xi32>, vector<16xi32>], vector<16xf32>,
      %mul3A_683 = arith.constant 4 : i32
      %mul3A_684 = vector.broadcast %mul3A_683 : i32 to vector<16xi32>
      %mul3A_685 = arith.muli %add3A_644, %mul3A_684 : vector<16xi32>
      %add3A_686 = arith.constant 1 : i32
      %add3A_687 = vector.broadcast %add3A_686 : i32 to vector<16xi32>
      %add3A_688 = arith.addi %mul3A_685, %add3A_687 : vector<16xi32>
      tpu.vector_store_idx %arg12[%add3A_688], %exp3A_680 : memref<512xf32, #tpu.memory_space<vmem>>[vector<16xi32>], vector<16xf32>,
      %add3A_689 = arith.constant 2 : i32
      %add3A_690 = vector.broadcast %add3A_689 : i32 to vector<16xi32>
      %add3A_691 = arith.addi %mul3A_633, %add3A_690 : vector<16xi32>
      %gather3A_692 = tpu.vector_load_idx %arg8[%add3A_691] : memref<81920xf32, #tpu.memory_space<vmem>>[vector<16xi32>], vector<16xf32>,
      %add3A_693 = arith.constant 2 : i32
      %add3A_694 = vector.broadcast %add3A_693 : i32 to vector<16xi32>
      %add3A_695 = arith.addi %add3A_641, %add3A_694 : vector<16xi32>
      %gather3A_696 = tpu.vector_load_idx %arg8[%add3A_695] : memref<81920xf32, #tpu.memory_space<vmem>>[vector<16xi32>], vector<16xf32>,
      %add3A_697 = arith.addf %gather3A_692, %gather3A_696 : vector<16xf32>
      %mul3A_698 = arith.constant 2.000000e-01 : f32
      %mul3A_699 = vector.broadcast %mul3A_698 : f32 to vector<16xf32>
      %mul3A_700 = arith.mulf %mul3A_699, %add3A_697 : vector<16xf32>
      %max3A_701 = arith.maximumf %add3A_697, %mul3A_700 : vector<16xf32>
      %exp3A_702 = math.exp %max3A_701 : vector<16xf32>
      %broadcast_in_dim3A_703 = arith.constant 2 : i32
      %broadcast_in_dim3A_704 = vector.broadcast %broadcast_in_dim3A_703 : i32 to vector<16xi32>
      tpu.vector_store_idx %arg11[%add3A_644, %broadcast_in_dim3A_704], %exp3A_702 : memref<128x8xf32, #tpu.memory_space<vmem>>[vector<16xi32>, vector<16xi32>], vector<16xf32>,
      %mul3A_705 = arith.constant 4 : i32
      %mul3A_706 = vector.broadcast %mul3A_705 : i32 to vector<16xi32>
      %mul3A_707 = arith.muli %add3A_644, %mul3A_706 : vector<16xi32>
      %add3A_708 = arith.constant 2 : i32
      %add3A_709 = vector.broadcast %add3A_708 : i32 to vector<16xi32>
      %add3A_710 = arith.addi %mul3A_707, %add3A_709 : vector<16xi32>
      tpu.vector_store_idx %arg12[%add3A_710], %exp3A_702 : memref<512xf32, #tpu.memory_space<vmem>>[vector<16xi32>], vector<16xf32>,
      %add3A_711 = arith.constant 3 : i32
      %add3A_712 = vector.broadcast %add3A_711 : i32 to vector<16xi32>
      %add3A_713 = arith.addi %mul3A_633, %add3A_712 : vector<16xi32>
      %gather3A_714 = tpu.vector_load_idx %arg8[%add3A_713] : memref<81920xf32, #tpu.memory_space<vmem>>[vector<16xi32>], vector<16xf32>,
      %add3A_715 = arith.constant 3 : i32
      %add3A_716 = vector.broadcast %add3A_715 : i32 to vector<16xi32>
      %add3A_717 = arith.addi %add3A_641, %add3A_716 : vector<16xi32>
      %gather3A_718 = tpu.vector_load_idx %arg8[%add3A_717] : memref<81920xf32, #tpu.memory_space<vmem>>[vector<16xi32>], vector<16xf32>,
      %add3A_719 = arith.addf %gather3A_714, %gather3A_718 : vector<16xf32>
      %mul3A_720 = arith.constant 2.000000e-01 : f32
      %mul3A_721 = vector.broadcast %mul3A_720 : f32 to vector<16xf32>
      %mul3A_722 = arith.mulf %mul3A_721, %add3A_719 : vector<16xf32>
      %max3A_723 = arith.maximumf %add3A_719, %mul3A_722 : vector<16xf32>
      %exp3A_724 = math.exp %max3A_723 : vector<16xf32>
      %broadcast_in_dim3A_725 = arith.constant 3 : i32
      %broadcast_in_dim3A_726 = vector.broadcast %broadcast_in_dim3A_725 : i32 to vector<16xi32>
      tpu.vector_store_idx %arg11[%add3A_644, %broadcast_in_dim3A_726], %exp3A_724 : memref<128x8xf32, #tpu.memory_space<vmem>>[vector<16xi32>, vector<16xi32>], vector<16xf32>,
      %mul3A_727 = arith.constant 4 : i32
      %mul3A_728 = vector.broadcast %mul3A_727 : i32 to vector<16xi32>
      %mul3A_729 = arith.muli %add3A_644, %mul3A_728 : vector<16xi32>
      %add3A_730 = arith.constant 3 : i32
      %add3A_731 = vector.broadcast %add3A_730 : i32 to vector<16xi32>
      %add3A_732 = arith.addi %mul3A_729, %add3A_731 : vector<16xi32>
      tpu.vector_store_idx %arg12[%add3A_732], %exp3A_724 : memref<512xf32, #tpu.memory_space<vmem>>[vector<16xi32>], vector<16xf32>,
      %get3A_733 = arith.constant 112 : index
      %get3A_734 = tpu.vector_load %arg9[%get3A_733] {strides = array<i32>} : memref<128xi32, #tpu.memory_space<vmem>>, vector<16xi32>,
      %mul3A_735 = arith.constant 8 : i32
      %mul3A_736 = vector.broadcast %mul3A_735 : i32 to vector<16xi32>
      %mul3A_737 = arith.muli %get3A_734, %mul3A_736 : vector<16xi32>
      %get3A_738 = arith.constant 112 : index
      %get3A_739 = tpu.vector_load %arg10[%get3A_738] {strides = array<i32>} : memref<128xi32, #tpu.memory_space<vmem>>, vector<16xi32>,
      %mul3A_740 = arith.constant 8 : i32
      %mul3A_741 = vector.broadcast %mul3A_740 : i32 to vector<16xi32>
      %mul3A_742 = arith.muli %get3A_739, %mul3A_741 : vector<16xi32>
      %add3A_743 = arith.constant 4 : i32
      %add3A_744 = vector.broadcast %add3A_743 : i32 to vector<16xi32>
      %add3A_745 = arith.addi %mul3A_742, %add3A_744 : vector<16xi32>
      %add3A_746 = arith.constant 112 : i32
      %add3A_747 = vector.broadcast %add3A_746 : i32 to vector<16xi32>
      %add3A_748 = arith.addi %iota3A, %add3A_747 : vector<16xi32>
      %add3A_749 = arith.constant 0 : i32
      %add3A_750 = vector.broadcast %add3A_749 : i32 to vector<16xi32>
      %add3A_751 = arith.addi %mul3A_737, %add3A_750 : vector<16xi32>
      %gather3A_752 = tpu.vector_load_idx %arg8[%add3A_751] : memref<81920xf32, #tpu.memory_space<vmem>>[vector<16xi32>], vector<16xf32>,
      %add3A_753 = arith.constant 0 : i32
      %add3A_754 = vector.broadcast %add3A_753 : i32 to vector<16xi32>
      %add3A_755 = arith.addi %add3A_745, %add3A_754 : vector<16xi32>
      %gather3A_756 = tpu.vector_load_idx %arg8[%add3A_755] : memref<81920xf32, #tpu.memory_space<vmem>>[vector<16xi32>], vector<16xf32>,
      %add3A_757 = arith.addf %gather3A_752, %gather3A_756 : vector<16xf32>
      %mul3A_758 = arith.constant 2.000000e-01 : f32
      %mul3A_759 = vector.broadcast %mul3A_758 : f32 to vector<16xf32>
      %mul3A_760 = arith.mulf %mul3A_759, %add3A_757 : vector<16xf32>
      %max3A_761 = arith.maximumf %add3A_757, %mul3A_760 : vector<16xf32>
      %exp3A_762 = math.exp %max3A_761 : vector<16xf32>
      %broadcast_in_dim3A_763 = arith.constant 0 : i32
      %broadcast_in_dim3A_764 = vector.broadcast %broadcast_in_dim3A_763 : i32 to vector<16xi32>
      tpu.vector_store_idx %arg11[%add3A_748, %broadcast_in_dim3A_764], %exp3A_762 : memref<128x8xf32, #tpu.memory_space<vmem>>[vector<16xi32>, vector<16xi32>], vector<16xf32>,
      %mul3A_765 = arith.constant 4 : i32
      %mul3A_766 = vector.broadcast %mul3A_765 : i32 to vector<16xi32>
      %mul3A_767 = arith.muli %add3A_748, %mul3A_766 : vector<16xi32>
      %add3A_768 = arith.constant 0 : i32
      %add3A_769 = vector.broadcast %add3A_768 : i32 to vector<16xi32>
      %add3A_770 = arith.addi %mul3A_767, %add3A_769 : vector<16xi32>
      tpu.vector_store_idx %arg12[%add3A_770], %exp3A_762 : memref<512xf32, #tpu.memory_space<vmem>>[vector<16xi32>], vector<16xf32>,
      %add3A_771 = arith.constant 1 : i32
      %add3A_772 = vector.broadcast %add3A_771 : i32 to vector<16xi32>
      %add3A_773 = arith.addi %mul3A_737, %add3A_772 : vector<16xi32>
      %gather3A_774 = tpu.vector_load_idx %arg8[%add3A_773] : memref<81920xf32, #tpu.memory_space<vmem>>[vector<16xi32>], vector<16xf32>,
      %add3A_775 = arith.constant 1 : i32
      %add3A_776 = vector.broadcast %add3A_775 : i32 to vector<16xi32>
      %add3A_777 = arith.addi %add3A_745, %add3A_776 : vector<16xi32>
      %gather3A_778 = tpu.vector_load_idx %arg8[%add3A_777] : memref<81920xf32, #tpu.memory_space<vmem>>[vector<16xi32>], vector<16xf32>,
      %add3A_779 = arith.addf %gather3A_774, %gather3A_778 : vector<16xf32>
      %mul3A_780 = arith.constant 2.000000e-01 : f32
      %mul3A_781 = vector.broadcast %mul3A_780 : f32 to vector<16xf32>
      %mul3A_782 = arith.mulf %mul3A_781, %add3A_779 : vector<16xf32>
      %max3A_783 = arith.maximumf %add3A_779, %mul3A_782 : vector<16xf32>
      %exp3A_784 = math.exp %max3A_783 : vector<16xf32>
      %broadcast_in_dim3A_785 = arith.constant 1 : i32
      %broadcast_in_dim3A_786 = vector.broadcast %broadcast_in_dim3A_785 : i32 to vector<16xi32>
      tpu.vector_store_idx %arg11[%add3A_748, %broadcast_in_dim3A_786], %exp3A_784 : memref<128x8xf32, #tpu.memory_space<vmem>>[vector<16xi32>, vector<16xi32>], vector<16xf32>,
      %mul3A_787 = arith.constant 4 : i32
      %mul3A_788 = vector.broadcast %mul3A_787 : i32 to vector<16xi32>
      %mul3A_789 = arith.muli %add3A_748, %mul3A_788 : vector<16xi32>
      %add3A_790 = arith.constant 1 : i32
      %add3A_791 = vector.broadcast %add3A_790 : i32 to vector<16xi32>
      %add3A_792 = arith.addi %mul3A_789, %add3A_791 : vector<16xi32>
      tpu.vector_store_idx %arg12[%add3A_792], %exp3A_784 : memref<512xf32, #tpu.memory_space<vmem>>[vector<16xi32>], vector<16xf32>,
      %add3A_793 = arith.constant 2 : i32
      %add3A_794 = vector.broadcast %add3A_793 : i32 to vector<16xi32>
      %add3A_795 = arith.addi %mul3A_737, %add3A_794 : vector<16xi32>
      %gather3A_796 = tpu.vector_load_idx %arg8[%add3A_795] : memref<81920xf32, #tpu.memory_space<vmem>>[vector<16xi32>], vector<16xf32>,
      %add3A_797 = arith.constant 2 : i32
      %add3A_798 = vector.broadcast %add3A_797 : i32 to vector<16xi32>
      %add3A_799 = arith.addi %add3A_745, %add3A_798 : vector<16xi32>
      %gather3A_800 = tpu.vector_load_idx %arg8[%add3A_799] : memref<81920xf32, #tpu.memory_space<vmem>>[vector<16xi32>], vector<16xf32>,
      %add3A_801 = arith.addf %gather3A_796, %gather3A_800 : vector<16xf32>
      %mul3A_802 = arith.constant 2.000000e-01 : f32
      %mul3A_803 = vector.broadcast %mul3A_802 : f32 to vector<16xf32>
      %mul3A_804 = arith.mulf %mul3A_803, %add3A_801 : vector<16xf32>
      %max3A_805 = arith.maximumf %add3A_801, %mul3A_804 : vector<16xf32>
      %exp3A_806 = math.exp %max3A_805 : vector<16xf32>
      %broadcast_in_dim3A_807 = arith.constant 2 : i32
      %broadcast_in_dim3A_808 = vector.broadcast %broadcast_in_dim3A_807 : i32 to vector<16xi32>
      tpu.vector_store_idx %arg11[%add3A_748, %broadcast_in_dim3A_808], %exp3A_806 : memref<128x8xf32, #tpu.memory_space<vmem>>[vector<16xi32>, vector<16xi32>], vector<16xf32>,
      %mul3A_809 = arith.constant 4 : i32
      %mul3A_810 = vector.broadcast %mul3A_809 : i32 to vector<16xi32>
      %mul3A_811 = arith.muli %add3A_748, %mul3A_810 : vector<16xi32>
      %add3A_812 = arith.constant 2 : i32
      %add3A_813 = vector.broadcast %add3A_812 : i32 to vector<16xi32>
      %add3A_814 = arith.addi %mul3A_811, %add3A_813 : vector<16xi32>
      tpu.vector_store_idx %arg12[%add3A_814], %exp3A_806 : memref<512xf32, #tpu.memory_space<vmem>>[vector<16xi32>], vector<16xf32>,
      %add3A_815 = arith.constant 3 : i32
      %add3A_816 = vector.broadcast %add3A_815 : i32 to vector<16xi32>
      %add3A_817 = arith.addi %mul3A_737, %add3A_816 : vector<16xi32>
      %gather3A_818 = tpu.vector_load_idx %arg8[%add3A_817] : memref<81920xf32, #tpu.memory_space<vmem>>[vector<16xi32>], vector<16xf32>,
      %add3A_819 = arith.constant 3 : i32
      %add3A_820 = vector.broadcast %add3A_819 : i32 to vector<16xi32>
      %add3A_821 = arith.addi %add3A_745, %add3A_820 : vector<16xi32>
      %gather3A_822 = tpu.vector_load_idx %arg8[%add3A_821] : memref<81920xf32, #tpu.memory_space<vmem>>[vector<16xi32>], vector<16xf32>,
      %add3A_823 = arith.addf %gather3A_818, %gather3A_822 : vector<16xf32>
      %mul3A_824 = arith.constant 2.000000e-01 : f32
      %mul3A_825 = vector.broadcast %mul3A_824 : f32 to vector<16xf32>
      %mul3A_826 = arith.mulf %mul3A_825, %add3A_823 : vector<16xf32>
      %max3A_827 = arith.maximumf %add3A_823, %mul3A_826 : vector<16xf32>
      %exp3A_828 = math.exp %max3A_827 : vector<16xf32>
      %broadcast_in_dim3A_829 = arith.constant 3 : i32
      %broadcast_in_dim3A_830 = vector.broadcast %broadcast_in_dim3A_829 : i32 to vector<16xi32>
      tpu.vector_store_idx %arg11[%add3A_748, %broadcast_in_dim3A_830], %exp3A_828 : memref<128x8xf32, #tpu.memory_space<vmem>>[vector<16xi32>, vector<16xi32>], vector<16xf32>,
      %mul3A_831 = arith.constant 4 : i32
      %mul3A_832 = vector.broadcast %mul3A_831 : i32 to vector<16xi32>
      %mul3A_833 = arith.muli %add3A_748, %mul3A_832 : vector<16xi32>
      %add3A_834 = arith.constant 3 : i32
      %add3A_835 = vector.broadcast %add3A_834 : i32 to vector<16xi32>
      %add3A_836 = arith.addi %mul3A_833, %add3A_835 : vector<16xi32>
      tpu.vector_store_idx %arg12[%add3A_836], %exp3A_828 : memref<512xf32, #tpu.memory_space<vmem>>[vector<16xi32>], vector<16xf32>,
      "tpu.region"() ({
        %run_scoped3A = tpu.sem_alloc : memref<!tpu.dma_semaphore, #tpu.memory_space<semaphore_mem>>
        %dma_start3A = arith.constant 0 : i32
        %dma_start3A_844 = arith.constant 0 : i32
        %dma_start3A_845 = tpu.memref_slice %arg13[%dma_start3A, %dma_start3A_844] : memref<10240x8xf32, #tpu.memory_space<vmem_shared>> -> memref<10240x8xf32, #tpu.memory_space<vmem_shared>>
        tpu.enqueue_indirect_dma source(%arg11 : memref<128x8xf32, #tpu.memory_space<vmem>>) target(%dma_start3A_845 : memref<10240x8xf32, #tpu.memory_space<vmem_shared>>) offsets(%arg10 : memref<128xi32, #tpu.memory_space<vmem>>) semaphore(%run_scoped3A : memref<!tpu.dma_semaphore, #tpu.memory_space<semaphore_mem>>) {add = true}
        %dma_wait3A = arith.constant 0 : i32
        %dma_wait3A_846 = arith.constant 0 : i32
        %dma_wait3A_847 = tpu.memref_slice %arg13[%dma_wait3A, %dma_wait3A_846] : memref<10240x8xf32, #tpu.memory_space<vmem_shared>> -> memref<10240x8xf32, #tpu.memory_space<vmem_shared>>
        tpu.wait_indirect_dma semaphore(%run_scoped3A : memref<!tpu.dma_semaphore, #tpu.memory_space<semaphore_mem>>) src(%arg11 : memref<128x8xf32, #tpu.memory_space<vmem>>) dst(%dma_wait3A_847 : memref<10240x8xf32, #tpu.memory_space<vmem_shared>>)
        tpu.yield
      }) : () -> ()
      %mul3A_837 = arith.constant 80 : i32
      %mul3A_838 = arith.muli %add3A, %mul3A_837 : i32
      %add3A_839 = arith.addi %mul3A_838, %scan3A_9 : i32
      %mul3A_840 = arith.constant 128 : i32
      %mul3A_841 = arith.muli %add3A_839, %mul3A_840 : i32
      %mul3A_842 = arith.constant 4 : i32
      %mul3A_843 = arith.muli %mul3A_841, %mul3A_842 : i32
      "tpu.region"() ({
        %run_scoped3A = tpu.sem_alloc : memref<!tpu.dma_semaphore, #tpu.memory_space<semaphore_mem>>
        %dma_start3A = tpu.memref_slice %arg6[%mul3A_843] : memref<1310720xf32, #tpu.memory_space<hbm>> -> memref<512xf32, #tpu.memory_space<hbm>>
        %dma_start3A_844 = tpu.memref_slice %arg6[%mul3A_843] : memref<1310720xf32, #tpu.memory_space<hbm>> -> memref<512xf32, #tpu.memory_space<hbm>>
        tpu.enqueue_dma source(%arg12 : memref<512xf32, #tpu.memory_space<vmem>>) target(%dma_start3A_844 : memref<512xf32, #tpu.memory_space<hbm>>) target_semaphore(%run_scoped3A : memref<!tpu.dma_semaphore, #tpu.memory_space<semaphore_mem>>)
        %dma_wait3A = tpu.memref_slice %arg6[%mul3A_843] : memref<1310720xf32, #tpu.memory_space<hbm>> -> memref<512xf32, #tpu.memory_space<hbm>>
        %dma_wait3A_845 = tpu.memref_slice %arg6[%mul3A_843] : memref<1310720xf32, #tpu.memory_space<hbm>> -> memref<512xf32, #tpu.memory_space<hbm>>
        tpu.wait_dma2 semaphore(%run_scoped3A : memref<!tpu.dma_semaphore, #tpu.memory_space<semaphore_mem>>) src(%arg12 : memref<512xf32, #tpu.memory_space<vmem>>) dst(%dma_wait3A_845 : memref<512xf32, #tpu.memory_space<hbm>>)
        tpu.yield
      }) : () -> ()
    }
    %scan3A_7 = arith.constant 80 : i32
    %barrier3A_8 = arith.constant 0 : index
    tpu.barrier barrier_id(%barrier3A_8)
    "tpu.region"() ({
      %run_scoped3A = tpu.sem_alloc : memref<!tpu.dma_semaphore, #tpu.memory_space<semaphore_mem>>
      %dma_start3A = arith.constant 0 : i32
      %dma_start3A_9 = tpu.memref_slice %arg7[%arg0, %mul3A_2, %dma_start3A] : memref<2x10240x128xf32, #tpu.memory_space<hbm>> -> memref<1x640x8xf32, #tpu.memory_space<hbm>>
      %dma_start3A_10 = tpu.memref_squeeze %dma_start3A_9 : memref<1x640x8xf32, #tpu.memory_space<hbm>> -> memref<640x8xf32, #tpu.memory_space<hbm>>
      %dma_start3A_11 = arith.constant 0 : i32
      %dma_start3A_12 = tpu.memref_slice %arg13[%mul3A_2, %dma_start3A_11] : memref<10240x8xf32, #tpu.memory_space<vmem_shared>> -> memref<640x8xf32, #tpu.memory_space<vmem_shared>>
      tpu.enqueue_dma source(%dma_start3A_12 : memref<640x8xf32, #tpu.memory_space<vmem_shared>>) target(%dma_start3A_10 : memref<640x8xf32, #tpu.memory_space<hbm>>) target_semaphore(%run_scoped3A : memref<!tpu.dma_semaphore, #tpu.memory_space<semaphore_mem>>)
      %dma_wait3A = arith.constant 0 : i32
      %dma_wait3A_13 = tpu.memref_slice %arg7[%arg0, %mul3A_2, %dma_wait3A] : memref<2x10240x128xf32, #tpu.memory_space<hbm>> -> memref<1x640x8xf32, #tpu.memory_space<hbm>>
      %dma_wait3A_14 = tpu.memref_squeeze %dma_wait3A_13 : memref<1x640x8xf32, #tpu.memory_space<hbm>> -> memref<640x8xf32, #tpu.memory_space<hbm>>
      %dma_wait3A_15 = arith.constant 0 : i32
      %dma_wait3A_16 = tpu.memref_slice %arg13[%mul3A_2, %dma_wait3A_15] : memref<10240x8xf32, #tpu.memory_space<vmem_shared>> -> memref<640x8xf32, #tpu.memory_space<vmem_shared>>
      tpu.wait_dma2 semaphore(%run_scoped3A : memref<!tpu.dma_semaphore, #tpu.memory_space<semaphore_mem>>) src(%dma_wait3A_16 : memref<640x8xf32, #tpu.memory_space<vmem_shared>>) dst(%dma_wait3A_14 : memref<640x8xf32, #tpu.memory_space<hbm>>)
      tpu.yield
    }) : () -> ()
    return
  }
}

module attributes {stable_mosaic.version = 14 : i64} {
  func.func @_tc_pre_body(%arg0: i32, %arg1: memref<400x128xf32, #tpu.memory_space<vmem>>, %arg2: memref<2x400x128xf32, #tpu.memory_space<vmem>>, %arg3: memref<128x128xf32, #tpu.memory_space<vmem>>, %arg4: memref<1x128xf32, #tpu.memory_space<vmem>>, %arg5: memref<128x128xf32, #tpu.memory_space<vmem>>, %arg6: memref<128x8xf32, #tpu.memory_space<vmem>>, %arg7: memref<400x128xf32, #tpu.memory_space<vmem>>, %arg8: memref<400x128xf32, #tpu.memory_space<vmem>>, %arg9: memref<400x128xf32, #tpu.memory_space<vmem>>, %arg10: memref<400x128xf32, #tpu.memory_space<vmem>>, %arg11: memref<400x8xf32, #tpu.memory_space<vmem>>, %arg12: memref<400x8xf32, #tpu.memory_space<vmem>>) attributes {dimension_semantics = [#tpu.dimension_semantics<arbitrary>], iteration_bounds = array<i64: 25>, scalar_prefetch = 0 : i64, scratch_operands = 0 : i64, tpu.core_type = #tpu.core_type<tc>, window_params = [{transform_indices = @transform_0, window_bounds = array<i64: 400, 128>}, {transform_indices = @transform_1, window_bounds = array<i64: 2, 400, 128>}, {pipeline_mode = #tpu.pipeline_mode<synchronous>, transform_indices = @transform_2, window_bounds = array<i64: 128, 128>}, {pipeline_mode = #tpu.pipeline_mode<synchronous>, transform_indices = @transform_3, window_bounds = array<i64: 1, 128>}, {pipeline_mode = #tpu.pipeline_mode<synchronous>, transform_indices = @transform_4, window_bounds = array<i64: 128, 128>}, {pipeline_mode = #tpu.pipeline_mode<synchronous>, transform_indices = @transform_5, window_bounds = array<i64: 128, 8>}, {transform_indices = @transform_6, window_bounds = array<i64: 400, 128>}, {transform_indices = @transform_7, window_bounds = array<i64: 400, 128>}, {transform_indices = @transform_8, window_bounds = array<i64: 400, 128>}, {transform_indices = @transform_9, window_bounds = array<i64: 400, 128>}, {transform_indices = @transform_10, window_bounds = array<i64: 400, 8>}, {transform_indices = @transform_11, window_bounds = array<i64: 400, 8>}]} {
    %get3A = arith.constant 0 : index
    %get3A_0 = arith.constant 0 : index
    %get3A_1 = vector.load %arg1[%get3A, %get3A_0] : memref<400x128xf32, #tpu.memory_space<vmem>>, vector<400x128xf32>
    %get3A_2 = arith.constant 0 : index
    %get3A_3 = arith.constant 0 : index
    %get3A_4 = vector.load %arg3[%get3A_2, %get3A_3] : memref<128x128xf32, #tpu.memory_space<vmem>>, vector<128x128xf32>
    %dot_general3A = arith.constant dense<0.000000e+00> : vector<400x128xf32>
    %dot_general3A_5 = tpu.matmul %get3A_1, %get3A_4, %dot_general3A {dimension_numbers = #tpu.dot_dimension_numbers<[1], [0], [0], [1], [0, 0, 1, 1], [], []>, transpose_lhs_hint = false} : vector<400x128xf32>, vector<128x128xf32>, vector<400x128xf32> -> vector<400x128xf32>
    %get3A_6 = arith.constant 0 : index
    %get3A_7 = arith.constant 0 : index
    %get3A_8 = vector.load %arg4[%get3A_6, %get3A_7] : memref<1x128xf32, #tpu.memory_space<vmem>>, vector<1x128xf32>
    %add3A = vector.broadcast %get3A_8 : vector<1x128xf32> to vector<400x128xf32>
    %add3A_9 = arith.addf %dot_general3A_5, %add3A : vector<400x128xf32>
    %tanh3A = math.tanh %add3A_9 : vector<400x128xf32>
    %get3A_10 = arith.constant 0 : index
    %get3A_11 = arith.constant 0 : index
    %get3A_12 = vector.load %arg5[%get3A_10, %get3A_11] : memref<128x128xf32, #tpu.memory_space<vmem>>, vector<128x128xf32>
    %dot_general3A_13 = arith.constant dense<0.000000e+00> : vector<400x128xf32>
    %dot_general3A_14 = tpu.matmul %tanh3A, %get3A_12, %dot_general3A_13 {dimension_numbers = #tpu.dot_dimension_numbers<[1], [0], [0], [1], [0, 0, 1, 1], [], []>, transpose_lhs_hint = false} : vector<400x128xf32>, vector<128x128xf32>, vector<400x128xf32> -> vector<400x128xf32>
    %get3A_15 = arith.constant 0 : index
    %get3A_16 = arith.constant 0 : index
    %get3A_17 = vector.load %arg6[%get3A_15, %get3A_16] : memref<128x8xf32, #tpu.memory_space<vmem>>, vector<128x8xf32>
    %dot_general3A_18 = arith.constant dense<0.000000e+00> : vector<400x8xf32>
    %dot_general3A_19 = tpu.matmul %dot_general3A_14, %get3A_17, %dot_general3A_18 {dimension_numbers = #tpu.dot_dimension_numbers<[1], [0], [0], [1], [0, 0, 1, 1], [], []>, transpose_lhs_hint = false} : vector<400x128xf32>, vector<128x8xf32>, vector<400x8xf32> -> vector<400x8xf32>
    %get3A_20 = arith.constant 0 : index
    %get3A_21 = arith.constant 0 : index
    %get3A_22 = arith.constant 0 : index
    %get3A_23 = vector.load %arg2[%get3A_20, %get3A_21, %get3A_22] : memref<2x400x128xf32, #tpu.memory_space<vmem>>, vector<1x400x8xf32>
    %get3A_24 = vector.shape_cast %get3A_23 : vector<1x400x8xf32> to vector<400x8xf32>
    %get3A_25 = arith.constant 1 : index
    %get3A_26 = arith.constant 0 : index
    %get3A_27 = arith.constant 0 : index
    %get3A_28 = vector.load %arg2[%get3A_25, %get3A_26, %get3A_27] : memref<2x400x128xf32, #tpu.memory_space<vmem>>, vector<1x400x8xf32>
    %get3A_29 = vector.shape_cast %get3A_28 : vector<1x400x8xf32> to vector<400x8xf32>
    %add3A_30 = arith.addf %get3A_24, %get3A_29 : vector<400x8xf32>
    %gt3A = arith.constant 0.000000e+00 : f32
    %gt3A_31 = vector.broadcast %gt3A : f32 to vector<400x8xf32>
    %gt3A_32 = arith.cmpf ogt, %add3A_30, %gt3A_31 : vector<400x8xf32>
    %rsqrt3A = math.rsqrt %add3A_30 : vector<400x8xf32>
    %jit3A = arith.constant 0.000000e+00 : f32
    %broadcast_in_dim3A = vector.broadcast %jit3A : f32 to vector<400x8xf32>
    %select_n3A = arith.select %gt3A_32, %rsqrt3A, %broadcast_in_dim3A : vector<400x8xi1>, vector<400x8xf32>
    %swap3A = arith.constant 0 : index
    %swap3A_33 = arith.constant 0 : index
    %swap3A_34 = vector.load %arg7[%swap3A, %swap3A_33] : memref<400x128xf32, #tpu.memory_space<vmem>>, vector<400x128xf32>
    tpu.vector_store %arg7[%swap3A, %swap3A_33], %add3A_9 {strides = array<i32>} : memref<400x128xf32, #tpu.memory_space<vmem>>, vector<400x128xf32>,
    %swap3A_35 = arith.constant 0 : index
    %swap3A_36 = arith.constant 0 : index
    %swap3A_37 = vector.load %arg8[%swap3A_35, %swap3A_36] : memref<400x128xf32, #tpu.memory_space<vmem>>, vector<400x128xf32>
    tpu.vector_store %arg8[%swap3A_35, %swap3A_36], %tanh3A {strides = array<i32>} : memref<400x128xf32, #tpu.memory_space<vmem>>, vector<400x128xf32>,
    %swap3A_38 = arith.constant 0 : index
    %swap3A_39 = arith.constant 0 : index
    %swap3A_40 = vector.load %arg9[%swap3A_38, %swap3A_39] : memref<400x128xf32, #tpu.memory_space<vmem>>, vector<400x128xf32>
    tpu.vector_store %arg9[%swap3A_38, %swap3A_39], %dot_general3A_14 {strides = array<i32>} : memref<400x128xf32, #tpu.memory_space<vmem>>, vector<400x128xf32>,
    %slice3A = vector.extract_strided_slice %select_n3A {offsets = [0, 0], sizes = [400, 1], strides = [1, 1]} : vector<400x8xf32> to vector<400x1xf32>
    %mul3A = vector.broadcast %slice3A : vector<400x1xf32> to vector<400x128xf32>
    %mul3A_41 = arith.mulf %mul3A, %tanh3A : vector<400x128xf32>
    %swap3A_42 = arith.constant 0 : index
    %swap3A_43 = arith.constant 0 : index
    %swap3A_44 = vector.load %arg10[%swap3A_42, %swap3A_43] : memref<400x128xf32, #tpu.memory_space<vmem>>, vector<400x128xf32>
    tpu.vector_store %arg10[%swap3A_42, %swap3A_43], %mul3A_41 {strides = array<i32>} : memref<400x128xf32, #tpu.memory_space<vmem>>, vector<400x128xf32>,
    %swap3A_45 = arith.constant 0 : index
    %swap3A_46 = arith.constant 0 : index
    %swap3A_47 = vector.load %arg11[%swap3A_45, %swap3A_46] : memref<400x8xf32, #tpu.memory_space<vmem>>, vector<400x8xf32>
    tpu.vector_store %arg11[%swap3A_45, %swap3A_46], %dot_general3A_19 {strides = array<i32>} : memref<400x8xf32, #tpu.memory_space<vmem>>, vector<400x8xf32>,
    %swap3A_48 = arith.constant 0 : index
    %swap3A_49 = arith.constant 0 : index
    %swap3A_50 = vector.load %arg12[%swap3A_48, %swap3A_49] : memref<400x8xf32, #tpu.memory_space<vmem>>, vector<400x8xf32>
    tpu.vector_store %arg12[%swap3A_48, %swap3A_49], %select_n3A {strides = array<i32>} : memref<400x8xf32, #tpu.memory_space<vmem>>, vector<400x8xf32>,
    return
  }
  func.func @transform_0(%arg0: i32) -> (i32, i32) {
    %c0_i32 = arith.constant 0 : i32
    %c0_i32_0 = arith.constant 0 : i32
    return %arg0, %c0_i32 : i32, i32
  }
  func.func @transform_1(%arg0: i32) -> (i32, i32, i32) {
    %c0_i32 = arith.constant 0 : i32
    %c0_i32_0 = arith.constant 0 : i32
    %c0_i32_1 = arith.constant 0 : i32
    return %c0_i32, %arg0, %c0_i32_0 : i32, i32, i32
  }
  func.func @transform_2(%arg0: i32) -> (i32, i32) {
    %c0_i32 = arith.constant 0 : i32
    %c0_i32_0 = arith.constant 0 : i32
    %c0_i32_1 = arith.constant 0 : i32
    return %c0_i32, %c0_i32_0 : i32, i32
  }
  func.func @transform_3(%arg0: i32) -> (i32, i32) {
    %c0_i32 = arith.constant 0 : i32
    %c0_i32_0 = arith.constant 0 : i32
    %c0_i32_1 = arith.constant 0 : i32
    return %c0_i32, %c0_i32_0 : i32, i32
  }
  func.func @transform_4(%arg0: i32) -> (i32, i32) {
    %c0_i32 = arith.constant 0 : i32
    %c0_i32_0 = arith.constant 0 : i32
    %c0_i32_1 = arith.constant 0 : i32
    return %c0_i32, %c0_i32_0 : i32, i32
  }
  func.func @transform_5(%arg0: i32) -> (i32, i32) {
    %c0_i32 = arith.constant 0 : i32
    %c0_i32_0 = arith.constant 0 : i32
    %c0_i32_1 = arith.constant 0 : i32
    return %c0_i32, %c0_i32_0 : i32, i32
  }
  func.func @transform_6(%arg0: i32) -> (i32, i32) {
    %c0_i32 = arith.constant 0 : i32
    %c0_i32_0 = arith.constant 0 : i32
    return %arg0, %c0_i32 : i32, i32
  }
  func.func @transform_7(%arg0: i32) -> (i32, i32) {
    %c0_i32 = arith.constant 0 : i32
    %c0_i32_0 = arith.constant 0 : i32
    return %arg0, %c0_i32 : i32, i32
  }
  func.func @transform_8(%arg0: i32) -> (i32, i32) {
    %c0_i32 = arith.constant 0 : i32
    %c0_i32_0 = arith.constant 0 : i32
    return %arg0, %c0_i32 : i32, i32
  }
  func.func @transform_9(%arg0: i32) -> (i32, i32) {
    %c0_i32 = arith.constant 0 : i32
    %c0_i32_0 = arith.constant 0 : i32
    return %arg0, %c0_i32 : i32, i32
  }
  func.func @transform_10(%arg0: i32) -> (i32, i32) {
    %c0_i32 = arith.constant 0 : i32
    %c0_i32_0 = arith.constant 0 : i32
    return %arg0, %c0_i32 : i32, i32
  }
  func.func @transform_11(%arg0: i32) -> (i32, i32) {
    %c0_i32 = arith.constant 0 : i32
    %c0_i32_0 = arith.constant 0 : i32
    return %arg0, %c0_i32 : i32, i32
  }
}

module attributes {stable_mosaic.version = 14 : i64} {
  func.func @_tc_post_body(%arg0: i32, %arg1: memref<400x128xf32, #tpu.memory_space<vmem>>, %arg2: memref<400x128xf32, #tpu.memory_space<vmem>>, %arg3: memref<400x8xf32, #tpu.memory_space<vmem>>, %arg4: memref<400x128xf32, #tpu.memory_space<vmem>>, %arg5: memref<400x128xf32, #tpu.memory_space<vmem>>, %arg6: memref<2x400x128xf32, #tpu.memory_space<vmem>>, %arg7: memref<400x8xf32, #tpu.memory_space<vmem>>, %arg8: memref<128x128xf32, #tpu.memory_space<vmem>>, %arg9: memref<128x128xf32, #tpu.memory_space<vmem>>, %arg10: memref<128x128xf32, #tpu.memory_space<vmem>>, %arg11: memref<1x128xf32, #tpu.memory_space<vmem>>, %arg12: memref<1x128xf32, #tpu.memory_space<vmem>>, %arg13: memref<1x128xf32, #tpu.memory_space<vmem>>, %arg14: memref<1x128xf32, #tpu.memory_space<vmem>>, %arg15: memref<4x128xf32, #tpu.memory_space<vmem>>, %arg16: memref<128x512xf32, #tpu.memory_space<vmem>>, %arg17: memref<1x512xf32, #tpu.memory_space<vmem>>, %arg18: memref<128x64xf32, #tpu.memory_space<vmem>>, %arg19: memref<1x64xf32, #tpu.memory_space<vmem>>, %arg20: memref<64x8xf32, #tpu.memory_space<vmem>>, %arg21: memref<1x8xf32, #tpu.memory_space<vmem>>, %arg22: memref<400x8xf32, #tpu.memory_space<vmem>>, %arg23: memref<400x128xf32, #tpu.memory_space<vmem>>, %arg24: memref<400x512xf32, #tpu.memory_space<vmem>>, %arg25: memref<400x128xf32, #tpu.memory_space<vmem>>, %arg26: memref<400x128xf32, #tpu.memory_space<vmem>>) attributes {dimension_semantics = [#tpu.dimension_semantics<arbitrary>], iteration_bounds = array<i64: 25>, scalar_prefetch = 0 : i64, scratch_operands = 0 : i64, tpu.core_type = #tpu.core_type<tc>, window_params = [{transform_indices = @transform_0, window_bounds = array<i64: 400, 128>}, {transform_indices = @transform_1, window_bounds = array<i64: 400, 128>}, {transform_indices = @transform_2, window_bounds = array<i64: 400, 8>}, {transform_indices = @transform_3, window_bounds = array<i64: 400, 128>}, {transform_indices = @transform_4, window_bounds = array<i64: 400, 128>}, {transform_indices = @transform_5, window_bounds = array<i64: 2, 400, 128>}, {transform_indices = @transform_6, window_bounds = array<i64: 400, 8>}, {pipeline_mode = #tpu.pipeline_mode<synchronous>, transform_indices = @transform_7, window_bounds = array<i64: 128, 128>}, {pipeline_mode = #tpu.pipeline_mode<synchronous>, transform_indices = @transform_8, window_bounds = array<i64: 128, 128>}, {pipeline_mode = #tpu.pipeline_mode<synchronous>, transform_indices = @transform_9, window_bounds = array<i64: 128, 128>}, {pipeline_mode = #tpu.pipeline_mode<synchronous>, transform_indices = @transform_10, window_bounds = array<i64: 1, 128>}, {pipeline_mode = #tpu.pipeline_mode<synchronous>, transform_indices = @transform_11, window_bounds = array<i64: 1, 128>}, {pipeline_mode = #tpu.pipeline_mode<synchronous>, transform_indices = @transform_12, window_bounds = array<i64: 1, 128>}, {pipeline_mode = #tpu.pipeline_mode<synchronous>, transform_indices = @transform_13, window_bounds = array<i64: 1, 128>}, {pipeline_mode = #tpu.pipeline_mode<synchronous>, transform_indices = @transform_14, window_bounds = array<i64: 4, 128>}, {pipeline_mode = #tpu.pipeline_mode<synchronous>, transform_indices = @transform_15, window_bounds = array<i64: 128, 512>}, {pipeline_mode = #tpu.pipeline_mode<synchronous>, transform_indices = @transform_16, window_bounds = array<i64: 1, 512>}, {pipeline_mode = #tpu.pipeline_mode<synchronous>, transform_indices = @transform_17, window_bounds = array<i64: 128, 64>}, {pipeline_mode = #tpu.pipeline_mode<synchronous>, transform_indices = @transform_18, window_bounds = array<i64: 1, 64>}, {pipeline_mode = #tpu.pipeline_mode<synchronous>, transform_indices = @transform_19, window_bounds = array<i64: 64, 8>}, {pipeline_mode = #tpu.pipeline_mode<synchronous>, transform_indices = @transform_20, window_bounds = array<i64: 1, 8>}, {transform_indices = @transform_21, window_bounds = array<i64: 400, 8>}, {transform_indices = @transform_22, window_bounds = array<i64: 400, 128>}, {transform_indices = @transform_23, window_bounds = array<i64: 400, 512>}, {transform_indices = @transform_24, window_bounds = array<i64: 400, 128>}, {transform_indices = @transform_25, window_bounds = array<i64: 400, 128>}]} {
    %get3A = arith.constant 0 : index
    %get3A_0 = arith.constant 0 : index
    %get3A_1 = vector.load %arg1[%get3A, %get3A_0] : memref<400x128xf32, #tpu.memory_space<vmem>>, vector<400x128xf32>
    %get3A_2 = arith.constant 0 : index
    %get3A_3 = arith.constant 0 : index
    %get3A_4 = vector.load %arg2[%get3A_2, %get3A_3] : memref<400x128xf32, #tpu.memory_space<vmem>>, vector<400x128xf32>
    %get3A_5 = arith.constant 0 : index
    %get3A_6 = arith.constant 0 : index
    %get3A_7 = vector.load %arg3[%get3A_5, %get3A_6] : memref<400x8xf32, #tpu.memory_space<vmem>>, vector<400x8xf32>
    %get3A_8 = arith.constant 0 : index
    %get3A_9 = arith.constant 0 : index
    %get3A_10 = vector.load %arg15[%get3A_8, %get3A_9] : memref<4x128xf32, #tpu.memory_space<vmem>>, vector<4x128xf32>
    %get3A_11 = arith.constant 0 : index
    %get3A_12 = arith.constant 0 : index
    %get3A_13 = vector.load %arg7[%get3A_11, %get3A_12] : memref<400x8xf32, #tpu.memory_space<vmem>>, vector<400x8xf32>
    %slice3A = vector.extract_strided_slice %get3A_13 {offsets = [0, 0], sizes = [400, 1], strides = [1, 1]} : vector<400x8xf32> to vector<400x1xf32>
    %get3A_14 = arith.constant 0 : index
    %get3A_15 = arith.constant 0 : index
    %get3A_16 = vector.load %arg4[%get3A_14, %get3A_15] : memref<400x128xf32, #tpu.memory_space<vmem>>, vector<400x128xf32>
    %mul3A = vector.broadcast %slice3A : vector<400x1xf32> to vector<400x128xf32>
    %mul3A_17 = arith.mulf %mul3A, %get3A_16 : vector<400x128xf32>
    %get3A_18 = arith.constant 0 : index
    %get3A_19 = arith.constant 0 : index
    %get3A_20 = vector.load %arg8[%get3A_18, %get3A_19] : memref<128x128xf32, #tpu.memory_space<vmem>>, vector<128x128xf32>
    %dot_general3A = arith.constant dense<0.000000e+00> : vector<400x128xf32>
    %dot_general3A_21 = tpu.matmul %mul3A_17, %get3A_20, %dot_general3A {dimension_numbers = #tpu.dot_dimension_numbers<[1], [0], [0], [1], [0, 0, 1, 1], [], []>, transpose_lhs_hint = false} : vector<400x128xf32>, vector<128x128xf32>, vector<400x128xf32> -> vector<400x128xf32>
    %slice3A_22 = vector.extract_strided_slice %get3A_7 {offsets = [0, 0], sizes = [400, 4], strides = [1, 1]} : vector<400x8xf32> to vector<400x4xf32>
    %slice3A_23 = vector.extract_strided_slice %get3A_7 {offsets = [0, 4], sizes = [400, 4], strides = [1, 1]} : vector<400x8xf32> to vector<400x4xf32>
    %add3A = arith.addf %slice3A_22, %slice3A_23 : vector<400x4xf32>
    %mul3A_24 = arith.constant 2.000000e-01 : f32
    %mul3A_25 = vector.broadcast %mul3A_24 : f32 to vector<400x4xf32>
    %mul3A_26 = arith.mulf %mul3A_25, %add3A : vector<400x4xf32>
    %max3A = arith.maximumf %add3A, %mul3A_26 : vector<400x4xf32>
    %exp3A = math.exp %max3A : vector<400x4xf32>
    %get3A_27 = arith.constant 0 : index
    %get3A_28 = arith.constant 0 : index
    %get3A_29 = arith.constant 0 : index
    %get3A_30 = vector.load %arg6[%get3A_27, %get3A_28, %get3A_29] : memref<2x400x128xf32, #tpu.memory_space<vmem>>, vector<1x400x4xf32>
    %get3A_31 = vector.shape_cast %get3A_30 : vector<1x400x4xf32> to vector<400x4xf32>
    %get3A_32 = arith.constant 1 : index
    %get3A_33 = arith.constant 0 : index
    %get3A_34 = arith.constant 0 : index
    %get3A_35 = vector.load %arg6[%get3A_32, %get3A_33, %get3A_34] : memref<2x400x128xf32, #tpu.memory_space<vmem>>, vector<1x400x4xf32>
    %get3A_36 = vector.shape_cast %get3A_35 : vector<1x400x4xf32> to vector<400x4xf32>
    %add3A_37 = arith.addf %get3A_31, %get3A_36 : vector<400x4xf32>
    %add3A_38 = arith.addf %add3A_37, %exp3A : vector<400x4xf32>
    %add3A_39 = arith.constant 1.000000e-16 : f32
    %add3A_40 = vector.broadcast %add3A_39 : f32 to vector<400x4xf32>
    %add3A_41 = arith.addf %add3A_38, %add3A_40 : vector<400x4xf32>
    %get3A_42 = arith.constant 0 : index
    %get3A_43 = arith.constant 0 : index
    %get3A_44 = vector.load %arg5[%get3A_42, %get3A_43] : memref<400x128xf32, #tpu.memory_space<vmem>>, vector<400x128xf32>
    %dot_general3A_45 = arith.constant dense<0.000000e+00> : vector<400x128xf32>
    %dot_general3A_46 = tpu.matmul %exp3A, %get3A_10, %dot_general3A_45 {dimension_numbers = #tpu.dot_dimension_numbers<[1], [0], [0], [1], [0, 0, 1, 1], [], []>, transpose_lhs_hint = false} : vector<400x4xf32>, vector<4x128xf32>, vector<400x128xf32> -> vector<400x128xf32>
    %mul3A_47 = arith.mulf %dot_general3A_46, %get3A_4 : vector<400x128xf32>
    %add3A_48 = arith.addf %get3A_44, %mul3A_47 : vector<400x128xf32>
    %dot_general3A_49 = arith.constant dense<0.000000e+00> : vector<400x128xf32>
    %dot_general3A_50 = tpu.matmul %add3A_41, %get3A_10, %dot_general3A_49 {dimension_numbers = #tpu.dot_dimension_numbers<[1], [0], [0], [1], [0, 0, 1, 1], [], []>, transpose_lhs_hint = false} : vector<400x4xf32>, vector<4x128xf32>, vector<400x128xf32> -> vector<400x128xf32>
    %div3A = arith.divf %add3A_48, %dot_general3A_50 : vector<400x128xf32>
    %get3A_51 = arith.constant 0 : index
    %get3A_52 = arith.constant 0 : index
    %get3A_53 = vector.load %arg12[%get3A_51, %get3A_52] : memref<1x128xf32, #tpu.memory_space<vmem>>, vector<1x128xf32>
    %add3A_54 = vector.broadcast %get3A_53 : vector<1x128xf32> to vector<400x128xf32>
    %add3A_55 = arith.addf %div3A, %add3A_54 : vector<400x128xf32>
    %get3A_56 = arith.constant 0 : index
    %get3A_57 = arith.constant 0 : index
    %get3A_58 = vector.load %arg9[%get3A_56, %get3A_57] : memref<128x128xf32, #tpu.memory_space<vmem>>, vector<128x128xf32>
    %dot_general3A_59 = arith.constant dense<0.000000e+00> : vector<400x128xf32>
    %dot_general3A_60 = tpu.matmul %dot_general3A_21, %get3A_58, %dot_general3A_59 {dimension_numbers = #tpu.dot_dimension_numbers<[1], [0], [0], [1], [0, 0, 1, 1], [], []>, transpose_lhs_hint = false} : vector<400x128xf32>, vector<128x128xf32>, vector<400x128xf32> -> vector<400x128xf32>
    %get3A_61 = arith.constant 0 : index
    %get3A_62 = arith.constant 0 : index
    %get3A_63 = vector.load %arg10[%get3A_61, %get3A_62] : memref<128x128xf32, #tpu.memory_space<vmem>>, vector<128x128xf32>
    %dot_general3A_64 = arith.constant dense<0.000000e+00> : vector<400x128xf32>
    %dot_general3A_65 = tpu.matmul %add3A_55, %get3A_63, %dot_general3A_64 {dimension_numbers = #tpu.dot_dimension_numbers<[1], [0], [0], [1], [0, 0, 1, 1], [], []>, transpose_lhs_hint = false} : vector<400x128xf32>, vector<128x128xf32>, vector<400x128xf32> -> vector<400x128xf32>
    %add3A_66 = arith.addf %dot_general3A_60, %dot_general3A_65 : vector<400x128xf32>
    %get3A_67 = arith.constant 0 : index
    %get3A_68 = arith.constant 0 : index
    %get3A_69 = vector.load %arg11[%get3A_67, %get3A_68] : memref<1x128xf32, #tpu.memory_space<vmem>>, vector<1x128xf32>
    %add3A_70 = vector.broadcast %get3A_69 : vector<1x128xf32> to vector<400x128xf32>
    %add3A_71 = arith.addf %add3A_66, %add3A_70 : vector<400x128xf32>
    %add3A_72 = arith.addf %add3A_71, %get3A_1 : vector<400x128xf32>
    %reduce_sum3A = arith.constant dense<0.000000e+00> : vector<400xf32>
    %reduce_sum3A_73 = vector.multi_reduction <add>, %add3A_72, %reduce_sum3A [1] : vector<400x128xf32> to vector<400xf32>
    %broadcast_in_dim3A = vector.shape_cast %reduce_sum3A_73 : vector<400xf32> to vector<400x1xf32>
    %div3A_74 = arith.constant 1.280000e+02 : f32
    %div3A_75 = vector.broadcast %div3A_74 : f32 to vector<400x1xf32>
    %div3A_76 = arith.divf %broadcast_in_dim3A, %div3A_75 : vector<400x1xf32>
    %sub3A = vector.broadcast %div3A_76 : vector<400x1xf32> to vector<400x128xf32>
    %sub3A_77 = arith.subf %add3A_72, %sub3A : vector<400x128xf32>
    %integer_pow3A = arith.mulf %sub3A_77, %sub3A_77 : vector<400x128xf32>
    %reduce_sum3A_78 = arith.constant dense<0.000000e+00> : vector<400xf32>
    %reduce_sum3A_79 = vector.multi_reduction <add>, %integer_pow3A, %reduce_sum3A_78 [1] : vector<400x128xf32> to vector<400xf32>
    %broadcast_in_dim3A_80 = vector.shape_cast %reduce_sum3A_79 : vector<400xf32> to vector<400x1xf32>
    %div3A_81 = arith.constant 1.280000e+02 : f32
    %div3A_82 = vector.broadcast %div3A_81 : f32 to vector<400x1xf32>
    %div3A_83 = arith.divf %broadcast_in_dim3A_80, %div3A_82 : vector<400x1xf32>
    %sub3A_84 = vector.broadcast %div3A_76 : vector<400x1xf32> to vector<400x128xf32>
    %sub3A_85 = arith.subf %add3A_72, %sub3A_84 : vector<400x128xf32>
    %add3A_86 = arith.constant 9.99999974E-6 : f32
    %add3A_87 = vector.broadcast %add3A_86 : f32 to vector<400x1xf32>
    %add3A_88 = arith.addf %div3A_83, %add3A_87 : vector<400x1xf32>
    %sqrt3A = math.sqrt %add3A_88 : vector<400x1xf32>
    %div3A_89 = vector.broadcast %sqrt3A : vector<400x1xf32> to vector<400x128xf32>
    %div3A_90 = arith.divf %sub3A_85, %div3A_89 : vector<400x128xf32>
    %get3A_91 = arith.constant 0 : index
    %get3A_92 = arith.constant 0 : index
    %get3A_93 = vector.load %arg13[%get3A_91, %get3A_92] : memref<1x128xf32, #tpu.memory_space<vmem>>, vector<1x128xf32>
    %mul3A_94 = vector.broadcast %get3A_93 : vector<1x128xf32> to vector<400x128xf32>
    %mul3A_95 = arith.mulf %div3A_90, %mul3A_94 : vector<400x128xf32>
    %get3A_96 = arith.constant 0 : index
    %get3A_97 = arith.constant 0 : index
    %get3A_98 = vector.load %arg14[%get3A_96, %get3A_97] : memref<1x128xf32, #tpu.memory_space<vmem>>, vector<1x128xf32>
    %add3A_99 = vector.broadcast %get3A_98 : vector<1x128xf32> to vector<400x128xf32>
    %add3A_100 = arith.addf %mul3A_95, %add3A_99 : vector<400x128xf32>
    %max3A_101 = arith.constant 0.000000e+00 : f32
    %max3A_102 = vector.broadcast %max3A_101 : f32 to vector<400x128xf32>
    %max3A_103 = arith.maximumf %add3A_100, %max3A_102 : vector<400x128xf32>
    %get3A_104 = arith.constant 0 : index
    %get3A_105 = arith.constant 0 : index
    %get3A_106 = vector.load %arg16[%get3A_104, %get3A_105] : memref<128x512xf32, #tpu.memory_space<vmem>>, vector<128x512xf32>
    %dot_general3A_107 = arith.constant dense<0.000000e+00> : vector<400x512xf32>
    %dot_general3A_108 = tpu.matmul %max3A_103, %get3A_106, %dot_general3A_107 {dimension_numbers = #tpu.dot_dimension_numbers<[1], [0], [0], [1], [0, 0, 1, 1], [], []>, transpose_lhs_hint = false} : vector<400x128xf32>, vector<128x512xf32>, vector<400x512xf32> -> vector<400x512xf32>
    %get3A_109 = arith.constant 0 : index
    %get3A_110 = arith.constant 0 : index
    %get3A_111 = vector.load %arg17[%get3A_109, %get3A_110] : memref<1x512xf32, #tpu.memory_space<vmem>>, vector<1x512xf32>
    %add3A_112 = vector.broadcast %get3A_111 : vector<1x512xf32> to vector<400x512xf32>
    %add3A_113 = arith.addf %dot_general3A_108, %add3A_112 : vector<400x512xf32>
    %max3A_114 = arith.constant 0.000000e+00 : f32
    %max3A_115 = vector.broadcast %max3A_114 : f32 to vector<400x512xf32>
    %max3A_116 = arith.maximumf %add3A_113, %max3A_115 : vector<400x512xf32>
    %get3A_117 = arith.constant 0 : index
    %get3A_118 = arith.constant 0 : index
    %get3A_119 = vector.load %arg16[%get3A_117, %get3A_118] : memref<128x512xf32, #tpu.memory_space<vmem>>, vector<128x512xf32>
    %dot_general3A_120 = arith.constant dense<0.000000e+00> : vector<400x128xf32>
    %dot_general3A_121 = tpu.matmul %max3A_116, %get3A_119, %dot_general3A_120 {dimension_numbers = #tpu.dot_dimension_numbers<[1], [1], [0], [0], [0, 0, 1, 0], [], []>, transpose_lhs_hint = false} : vector<400x512xf32>, vector<128x512xf32>, vector<400x128xf32> -> vector<400x128xf32>
    %get3A_122 = arith.constant 0 : index
    %get3A_123 = arith.constant 0 : index
    %get3A_124 = vector.load %arg18[%get3A_122, %get3A_123] : memref<128x64xf32, #tpu.memory_space<vmem>>, vector<128x64xf32>
    %dot_general3A_125 = arith.constant dense<0.000000e+00> : vector<400x64xf32>
    %dot_general3A_126 = tpu.matmul %max3A_103, %get3A_124, %dot_general3A_125 {dimension_numbers = #tpu.dot_dimension_numbers<[1], [0], [0], [1], [0, 0, 1, 1], [], []>, transpose_lhs_hint = false} : vector<400x128xf32>, vector<128x64xf32>, vector<400x64xf32> -> vector<400x64xf32>
    %get3A_127 = arith.constant 0 : index
    %get3A_128 = arith.constant 0 : index
    %get3A_129 = vector.load %arg19[%get3A_127, %get3A_128] : memref<1x64xf32, #tpu.memory_space<vmem>>, vector<1x64xf32>
    %add3A_130 = vector.broadcast %get3A_129 : vector<1x64xf32> to vector<400x64xf32>
    %add3A_131 = arith.addf %dot_general3A_126, %add3A_130 : vector<400x64xf32>
    %max3A_132 = arith.constant 0.000000e+00 : f32
    %max3A_133 = vector.broadcast %max3A_132 : f32 to vector<400x64xf32>
    %max3A_134 = arith.maximumf %add3A_131, %max3A_133 : vector<400x64xf32>
    %get3A_135 = arith.constant 0 : index
    %get3A_136 = arith.constant 0 : index
    %get3A_137 = vector.load %arg20[%get3A_135, %get3A_136] : memref<64x8xf32, #tpu.memory_space<vmem>>, vector<64x8xf32>
    %dot_general3A_138 = arith.constant dense<0.000000e+00> : vector<400x8xf32>
    %dot_general3A_139 = tpu.matmul %max3A_134, %get3A_137, %dot_general3A_138 {dimension_numbers = #tpu.dot_dimension_numbers<[1], [0], [0], [1], [0, 0, 1, 1], [], []>, transpose_lhs_hint = false} : vector<400x64xf32>, vector<64x8xf32>, vector<400x8xf32> -> vector<400x8xf32>
    %get3A_140 = arith.constant 0 : index
    %get3A_141 = arith.constant 0 : index
    %get3A_142 = vector.load %arg21[%get3A_140, %get3A_141] : memref<1x8xf32, #tpu.memory_space<vmem>>, vector<1x8xf32>
    %add3A_143 = vector.broadcast %get3A_142 : vector<1x8xf32> to vector<400x8xf32>
    %add3A_144 = arith.addf %dot_general3A_139, %add3A_143 : vector<400x8xf32>
    %logistic3A = arith.negf %add3A_144 : vector<400x8xf32>
    %logistic3A_145 = math.exp %logistic3A : vector<400x8xf32>
    %logistic3A_146 = arith.constant 1.000000e+00 : f32
    %logistic3A_147 = vector.broadcast %logistic3A_146 : f32 to vector<400x8xf32>
    %logistic3A_148 = arith.addf %logistic3A_147, %logistic3A_145 : vector<400x8xf32>
    %logistic3A_149 = arith.divf %logistic3A_147, %logistic3A_148 : vector<400x8xf32>
    %swap3A = arith.constant 0 : index
    %swap3A_150 = arith.constant 0 : index
    %swap3A_151 = vector.load %arg22[%swap3A, %swap3A_150] : memref<400x8xf32, #tpu.memory_space<vmem>>, vector<400x8xf32>
    tpu.vector_store %arg22[%swap3A, %swap3A_150], %logistic3A_149 {strides = array<i32>} : memref<400x8xf32, #tpu.memory_space<vmem>>, vector<400x8xf32>,
    %swap3A_152 = arith.constant 0 : index
    %swap3A_153 = arith.constant 0 : index
    %swap3A_154 = vector.load %arg23[%swap3A_152, %swap3A_153] : memref<400x128xf32, #tpu.memory_space<vmem>>, vector<400x128xf32>
    tpu.vector_store %arg23[%swap3A_152, %swap3A_153], %dot_general3A_121 {strides = array<i32>} : memref<400x128xf32, #tpu.memory_space<vmem>>, vector<400x128xf32>,
    %swap3A_155 = arith.constant 0 : index
    %swap3A_156 = arith.constant 0 : index
    %swap3A_157 = vector.load %arg24[%swap3A_155, %swap3A_156] : memref<400x512xf32, #tpu.memory_space<vmem>>, vector<400x512xf32>
    tpu.vector_store %arg24[%swap3A_155, %swap3A_156], %max3A_116 {strides = array<i32>} : memref<400x512xf32, #tpu.memory_space<vmem>>, vector<400x512xf32>,
    %swap3A_158 = arith.constant 0 : index
    %swap3A_159 = arith.constant 0 : index
    %swap3A_160 = vector.load %arg25[%swap3A_158, %swap3A_159] : memref<400x128xf32, #tpu.memory_space<vmem>>, vector<400x128xf32>
    tpu.vector_store %arg25[%swap3A_158, %swap3A_159], %add3A_71 {strides = array<i32>} : memref<400x128xf32, #tpu.memory_space<vmem>>, vector<400x128xf32>,
    %swap3A_161 = arith.constant 0 : index
    %swap3A_162 = arith.constant 0 : index
    %swap3A_163 = vector.load %arg26[%swap3A_161, %swap3A_162] : memref<400x128xf32, #tpu.memory_space<vmem>>, vector<400x128xf32>
    tpu.vector_store %arg26[%swap3A_161, %swap3A_162], %max3A_103 {strides = array<i32>} : memref<400x128xf32, #tpu.memory_space<vmem>>, vector<400x128xf32>,
    return
  }
  func.func @transform_0(%arg0: i32) -> (i32, i32) {
    %c0_i32 = arith.constant 0 : i32
    %c0_i32_0 = arith.constant 0 : i32
    return %arg0, %c0_i32 : i32, i32
  }
  func.func @transform_1(%arg0: i32) -> (i32, i32) {
    %c0_i32 = arith.constant 0 : i32
    %c0_i32_0 = arith.constant 0 : i32
    return %arg0, %c0_i32 : i32, i32
  }
  func.func @transform_2(%arg0: i32) -> (i32, i32) {
    %c0_i32 = arith.constant 0 : i32
    %c0_i32_0 = arith.constant 0 : i32
    return %arg0, %c0_i32 : i32, i32
  }
  func.func @transform_3(%arg0: i32) -> (i32, i32) {
    %c0_i32 = arith.constant 0 : i32
    %c0_i32_0 = arith.constant 0 : i32
    return %arg0, %c0_i32 : i32, i32
  }
  func.func @transform_4(%arg0: i32) -> (i32, i32) {
    %c0_i32 = arith.constant 0 : i32
    %c0_i32_0 = arith.constant 0 : i32
    return %arg0, %c0_i32 : i32, i32
  }
  func.func @transform_5(%arg0: i32) -> (i32, i32, i32) {
    %c0_i32 = arith.constant 0 : i32
    %c0_i32_0 = arith.constant 0 : i32
    %c0_i32_1 = arith.constant 0 : i32
    return %c0_i32, %arg0, %c0_i32_0 : i32, i32, i32
  }
  func.func @transform_6(%arg0: i32) -> (i32, i32) {
    %c0_i32 = arith.constant 0 : i32
    %c0_i32_0 = arith.constant 0 : i32
    return %arg0, %c0_i32 : i32, i32
  }
  func.func @transform_7(%arg0: i32) -> (i32, i32) {
    %c0_i32 = arith.constant 0 : i32
    %c0_i32_0 = arith.constant 0 : i32
    %c0_i32_1 = arith.constant 0 : i32
    return %c0_i32, %c0_i32_0 : i32, i32
  }
  func.func @transform_8(%arg0: i32) -> (i32, i32) {
    %c0_i32 = arith.constant 0 : i32
    %c0_i32_0 = arith.constant 0 : i32
    %c0_i32_1 = arith.constant 0 : i32
    return %c0_i32, %c0_i32_0 : i32, i32
  }
  func.func @transform_9(%arg0: i32) -> (i32, i32) {
    %c0_i32 = arith.constant 0 : i32
    %c0_i32_0 = arith.constant 0 : i32
    %c0_i32_1 = arith.constant 0 : i32
    return %c0_i32, %c0_i32_0 : i32, i32
  }
  func.func @transform_10(%arg0: i32) -> (i32, i32) {
    %c0_i32 = arith.constant 0 : i32
    %c0_i32_0 = arith.constant 0 : i32
    %c0_i32_1 = arith.constant 0 : i32
    return %c0_i32, %c0_i32_0 : i32, i32
  }
  func.func @transform_11(%arg0: i32) -> (i32, i32) {
    %c0_i32 = arith.constant 0 : i32
    %c0_i32_0 = arith.constant 0 : i32
    %c0_i32_1 = arith.constant 0 : i32
    return %c0_i32, %c0_i32_0 : i32, i32
  }
  func.func @transform_12(%arg0: i32) -> (i32, i32) {
    %c0_i32 = arith.constant 0 : i32
    %c0_i32_0 = arith.constant 0 : i32
    %c0_i32_1 = arith.constant 0 : i32
    return %c0_i32, %c0_i32_0 : i32, i32
  }
  func.func @transform_13(%arg0: i32) -> (i32, i32) {
    %c0_i32 = arith.constant 0 : i32
    %c0_i32_0 = arith.constant 0 : i32
    %c0_i32_1 = arith.constant 0 : i32
    return %c0_i32, %c0_i32_0 : i32, i32
  }
  func.func @transform_14(%arg0: i32) -> (i32, i32) {
    %c0_i32 = arith.constant 0 : i32
    %c0_i32_0 = arith.constant 0 : i32
    %c0_i32_1 = arith.constant 0 : i32
    return %c0_i32, %c0_i32_0 : i32, i32
  }
  func.func @transform_15(%arg0: i32) -> (i32, i32) {
    %c0_i32 = arith.constant 0 : i32
    %c0_i32_0 = arith.constant 0 : i32
    %c0_i32_1 = arith.constant 0 : i32
    return %c0_i32, %c0_i32_0 : i32, i32
  }
  func.func @transform_16(%arg0: i32) -> (i32, i32) {
    %c0_i32 = arith.constant 0 : i32
    %c0_i32_0 = arith.constant 0 : i32
    %c0_i32_1 = arith.constant 0 : i32
    return %c0_i32, %c0_i32_0 : i32, i32
  }
  func.func @transform_17(%arg0: i32) -> (i32, i32) {
    %c0_i32 = arith.constant 0 : i32
    %c0_i32_0 = arith.constant 0 : i32
    %c0_i32_1 = arith.constant 0 : i32
    return %c0_i32, %c0_i32_0 : i32, i32
  }
  func.func @transform_18(%arg0: i32) -> (i32, i32) {
    %c0_i32 = arith.constant 0 : i32
    %c0_i32_0 = arith.constant 0 : i32
    %c0_i32_1 = arith.constant 0 : i32
    return %c0_i32, %c0_i32_0 : i32, i32
  }
  func.func @transform_19(%arg0: i32) -> (i32, i32) {
    %c0_i32 = arith.constant 0 : i32
    %c0_i32_0 = arith.constant 0 : i32
    %c0_i32_1 = arith.constant 0 : i32
    return %c0_i32, %c0_i32_0 : i32, i32
  }
  func.func @transform_20(%arg0: i32) -> (i32, i32) {
    %c0_i32 = arith.constant 0 : i32
    %c0_i32_0 = arith.constant 0 : i32
    %c0_i32_1 = arith.constant 0 : i32
    return %c0_i32, %c0_i32_0 : i32, i32
  }
  func.func @transform_21(%arg0: i32) -> (i32, i32) {
    %c0_i32 = arith.constant 0 : i32
    %c0_i32_0 = arith.constant 0 : i32
    return %arg0, %c0_i32 : i32, i32
  }
  func.func @transform_22(%arg0: i32) -> (i32, i32) {
    %c0_i32 = arith.constant 0 : i32
    %c0_i32_0 = arith.constant 0 : i32
    return %arg0, %c0_i32 : i32, i32
  }
  func.func @transform_23(%arg0: i32) -> (i32, i32) {
    %c0_i32 = arith.constant 0 : i32
    %c0_i32_0 = arith.constant 0 : i32
    return %arg0, %c0_i32 : i32, i32
  }
  func.func @transform_24(%arg0: i32) -> (i32, i32) {
    %c0_i32 = arith.constant 0 : i32
    %c0_i32_0 = arith.constant 0 : i32
    return %arg0, %c0_i32 : i32, i32
  }
  func.func @transform_25(%arg0: i32) -> (i32, i32) {
    %c0_i32 = arith.constant 0 : i32
    %c0_i32_0 = arith.constant 0 : i32
    return %arg0, %c0_i32 : i32, i32
  }
}

</mosaic_0001>

<sc_bundles>
// kernel: kernel.10.cloned.1.call-start
scs
__scs_entry_jumppad:
0x0: {  	(pc) =	sbr.rel $0x88, $3  }
0x1: {  	(tag) =	ssettag $0x0;
	lr =	simm.s32 $0x1  }
0x2: {  	[smem:$0x3F8E] =	sst lr;
	_ =	strace $0xD0000000  }
0x3: {  	_ = 	snop  }
0x4: {  	_ = 	snop  }
0x5: {  	_ = 	snop  }
0x6: {  	_ = 	snop  }
0x7: {  	_ = 	snop  }
__scs_overlays_trampoline_lowered:
0x8: {  	[smem:$0x3F9D] =	sst s0  }
0x9: {  	[smem:$0x3F9E] =	sst s1  }
0xa: {  	[smem:$0x3F9F] =	sst s2  }
0xb: {  	[smem:$0x3FA0] =	sst s3  }
0xc: {  	[smem:$0x3FA1] =	sst s4  }
0xd: {  	[smem:$0x3FA2] =	sst s5  }
0xe: {  	[smem:$0x3FA3] =	sst s6  }
0xf: {  	[smem:$0x3FA4] =	sst s7  }
0x10: {  	[smem:$0x3FA5] =	sst s8  }
0x11: {  	[smem:$0x3FA6] =	sst s9;
	s0 =	simm.s32 @!p0 $0x0  }
0x12: {  	s1 =	sld [smem:$0x3F8C];
	s0 =	simm.s32 @p0 $0x1  }
0x13: {  	[smem:$0x3FA7] =	sst s0;
	s0 =	simm.s32 @!p1 $0x0  }
0x14: {  	s2 =	sld [smem:$0x3F8B];
	s0 =	simm.s32 @p1 $0x1  }
0x15: {  	[smem:$0x3FA8] =	sst s0;
	s0 =	simm.s32 @!p2 $0x0  }
0x16: {  	s3 =	sld [smem:$0x3FDB];
	s0 =	simm.s32 @p2 $0x1  }
0x17: {  	s4 =	simm.s32 $0x1BF5;
	[smem:$0x3FAA] =	sst s0  }
0x18: {  	s0 =	sld [smem:$0x3F8D];
	_ =	swait.ge [sflag:s4], $0x0  }
0x19: {  	s7 =	sld [smem:$0x3F8E]  }
0x1a: {  	s8 =	sadd.s32 $0xFFFFE003, lr  }
0x1b: {  	s9 =	sadd.s32 $0xFFFFFEF7, lr;
	s5 =	simm.s32 $0xFFFFFFFF;
	p2 =	slt.u32 s8, $0xFFFFF086  }
0x1c: {  	p1 =	slt.u32 s9, $0xF7A;
	s5 =	simm.s32 @!p2 $0x0  }
0x1d: {  	s5 =	simm.s32 @p1 $0x1;
	p0 =	seq.s32 s7, s2  }
0x1e: {  	s7 =	smul.u32 @!p0 $0xF7A, s2;
	p2 =	seq.s32 @!p0 s5, $0x0  }
0x1f: {  	s9 =	smul.u32 $0xF7A, s1;
	s8 =	simm.s32 @!p0 $0x1BF5;
	p2 =	por !p2, p0  }
0x20: {  	[sflag:s8] =	ssyncset.s32 @!p0 $0xFFFFF086;
	s6 =	sadd.s32 @!p0 s3, s7;
	s7 =	simm.s32 @!p0 $0x108  }
0x21: {  	s3 =	sadd.s32 s3, s9;
	s6 =	sadd.s32 @!p0 $0x88, s6;
	s7 =	simm.s32 @p2 $0x1082  }
0x22: {  	[simem:s7], [sflag:s8] =	dma.local @!p0 [hbm:s6], $0xF7A  }
0x23: {  	s9 =	sor.u32 $0xD0000000, s2;
	s6 =	simm.s32 $0x108;
	_ =	swait.ge @!p0 [sflag:s8], $0x0  }
0x24: {  	s3 =	sadd.s32 $0x88, s3;
	s6 =	simm.s32 @!p1 $0x1082;
	[sflag:s4] =	ssyncset.s32 $0xFFFFF086  }
0x25: {  	[simem:s6], [sflag:s4] =	dma.local [hbm:s3], $0xF7A  }
0x26: {  	[smem:$0x3F8E] =	sst s1;
	(tag) =	ssettag s2;
	_ =	strace s9  }
0x27: {  	s1 =	sld [smem:$0x3F9E]  }
0x28: {  	s2 =	sld [smem:$0x3F9F]  }
0x29: {  	s4 =	sld [smem:$0x3FA1]  }
0x2a: {  	p0 =	seq.s32 s5, $0x0;
	s5 =	sld [smem:$0x3FA2]  }
0x2b: {  	s6 =	sld [smem:$0x3FA3]  }
0x2c: {  	s7 =	sld [smem:$0x3FA4]  }
0x2d: {  	s3 =	simm.s32 $0x108;
	s8 =	sld [smem:$0x3FA5]  }
0x2e: {  	s3 =	simm.s32 @!p0 $0x1082;
	s9 =	sld [smem:$0x3FA6]  }
0x2f: {  	lr =	sadd.s32 s0, s3;
	s0 =	sld [smem:$0x3F9D]  }
0x30: {  	s3 =	sld [smem:$0x3FA0]  }
0x31: {  	[smem:$0x3FA9] =	sst s10  }
0x32: {  	s10 =	sld [smem:$0x3FA7];
	_ =	sdelay $0x3  }
0x33: {  	p0 =	seq.s32 s10, $0x1;
	s10 =	sld [smem:$0x3FA9];
	_ =	sdelay $0x3  }
0x34: {  	[smem:$0x3FA9] =	sst s10  }
0x35: {  	s10 =	sld [smem:$0x3FA8];
	_ =	sdelay $0x3  }
0x36: {  	p1 =	seq.s32 s10, $0x1;
	s10 =	sld [smem:$0x3FA9];
	_ =	sdelay $0x3  }
0x37: {  	[smem:$0x3FA9] =	sst s10  }
0x38: {  	s10 =	sld [smem:$0x3FAA]  }
0x39: {  	_ = 	snop;
	(pc) =	sbr.ind lr, $3  }
0x3a: {  	_ = 	snop  }
0x3b: {  	_ = 	snop  }
0x3c: {  	p2 =	seq.s32 s10, $0x1;
	s10 =	sld [smem:$0x3FA9]  }
0x3d: {  	_ =	shalt  }
0x3e: {  	_ =	shalt  }
0x3f: {  	_ =	shalt  }
0x40: {  	_ =	shalt  }
0x41: {  	_ =	shalt  }
0x42: {  	_ =	shalt  }
0x43: {  	_ =	shalt  }
0x44: {  	_ =	shalt  }
0x45: {  	_ =	shalt  }
0x46: {  	_ =	shalt  }
0x47: {  	_ =	shalt  }
0x48: {  	_ =	shalt  }
0x49: {  	_ =	shalt  }
0x4a: {  	_ =	shalt  }
0x4b: {  	_ =	shalt  }
0x4c: {  	_ =	shalt  }
0x4d: {  	_ =	shalt  }
0x4e: {  	_ =	shalt  }
0x4f: {  	_ =	shalt  }
0x50: {  	_ =	shalt  }
0x51: {  	_ =	shalt  }
0x52: {  	_ =	shalt  }
0x53: {  	_ =	shalt  }
0x54: {  	_ =	shalt  }
0x55: {  	_ =	shalt  }
0x56: {  	_ =	shalt  }
0x57: {  	_ =	shalt  }
0x58: {  	_ =	shalt  }
0x59: {  	_ =	shalt  }
0x5a: {  	_ =	shalt  }
0x5b: {  	_ =	shalt  }
0x5c: {  	_ =	shalt  }
0x5d: {  	_ =	shalt  }
0x5e: {  	_ =	shalt  }
0x5f: {  	_ =	shalt  }
0x60: {  	_ =	shalt  }
0x61: {  	_ =	shalt  }
0x62: {  	_ =	shalt  }
0x63: {  	_ =	shalt  }
0x64: {  	_ =	shalt  }
0x65: {  	_ =	shalt  }
0x66: {  	_ =	shalt  }
0x67: {  	_ =	shalt  }
0x68: {  	_ =	shalt  }
0x69: {  	_ =	shalt  }
0x6a: {  	_ =	shalt  }
0x6b: {  	_ =	shalt  }
0x6c: {  	_ =	shalt  }
0x6d: {  	_ =	shalt  }
0x6e: {  	_ =	shalt  }
0x6f: {  	_ =	shalt  }
0x70: {  	_ =	shalt  }
0x71: {  	_ =	shalt  }
0x72: {  	_ =	shalt  }
0x73: {  	_ =	shalt  }
0x74: {  	_ =	shalt  }
0x75: {  	_ =	shalt  }
0x76: {  	_ =	shalt  }
0x77: {  	_ =	shalt  }
0x78: {  	_ =	shalt  }
0x79: {  	_ =	shalt  }
0x7a: {  	_ =	shalt  }
0x7b: {  	_ =	shalt  }
0x7c: {  	_ =	shalt  }
0x7d: {  	_ =	shalt  }
0x7e: {  	_ =	shalt  }
0x7f: {  	_ =	shalt  }
0x80: {  	_ =	shalt  }
0x81: {  	_ =	shalt  }
0x82: {  	_ =	shalt  }
0x83: {  	_ =	shalt  }
0x84: {  	_ =	shalt  }
0x85: {  	_ =	shalt  }
0x86: {  	_ =	shalt  }
0x87: {  	_ =	shalt  }
.Lfunc_end0:
.L_simem_size_0:
called_computation.1_lowered:
.L_overlay_start_0:
0x88: {  	s2 =	sld [smem:$0x3FD9]  }
0x89: {  	s3 =	sld [smem:$0x3FFE];
	_ =	sdelay $0x1  }
0x8a: {  	s1 =	srdreg.scid  }
0x8b: {  	s0 =	sand.u32 $0x1, s1  }
0x8c: {  	s14 =	sshll.u32 s0, $0xA;
	s2 =	sadd.s32 s3, s2  }
0x8d: {  	s2 =	sadd.s32 s2, s14  }
0x8e: {  	[smem:$0x3FB5] =	sst s2  }
0x8f: {  	_ = 	snop  }
0x90: {  	s2 =	sld [smem:$0x3FD0];
	_ =	sdelay $0x2  }
0x91: {  	s15 =	simm.s32 $0xA;
	s4 =	simm.s32 $0x10  }
0x92: {  	[smem:s4], [sflag:s15] =	dma.local [hbm:s2], $0x1  }
0x93: {  	_ =	swait.eq [sflag:s15], $0x1  }
0x94: {  	s16 =	sld [smem:$0x11]  }
0x95: {  	s17 =	sld [smem:$0x12];
	[sflag:s15] =	ssyncset.done $0x0  }
0x96: {  	s5 =	sld [smem:$0x14];
	[sflag:s15] =	ssyncadd.s32 $0xFFFFFFFF  }
0x97: {  	s18 =	sld [smem:$0x15];
	(tm) =	ssettm $0x1  }
0x98: {  	s6 =	sld [smem:$0x3FFB];
	_ =	sdelay $0x3  }
0x99: {  	_ =	strace s6  }
0x9a: {  	s6 =	sld [smem:$0x3FFC];
	_ =	sdelay $0x3  }
0x9b: {  	_ =	strace s6  }
0x9c: {  	s6 =	sld [smem:$0x3FFD];
	_ =	sdelay $0x3  }
0x9d: {  	_ =	strace s6  }
0x9e: {  	_ =	strace $0x8FFFFFFF  }
0x9f: {  	s19 =	sld [smem:$0x3FDB];
	_ =	sdelay $0x1  }
0xa0: {  	s7 =	simm.s32 $_scs_section_size  }
0xa1: {  	s8 =	simm.s32 $_size__tile_overlayer_lowered;
	s9 =	simm.s32 $_tile_overlayer_lowered  }
0xa2: {  	s22 =	simm.s32 $0x1BFF;
	s21 =	sshll.u32 s9, $0x1;
	s6 =	sadd.s32 s7, s19  }
0xa3: {  	s10 =	simm.s32 $0x0;
	s20 =	sshll.u32 s8, $0x1;
	s8 =	sadd.s32 s21, s6  }
0xa4: {  	[timem:s10], [sflag:s22] =	dma.local [hbm:s8], s20  }
0xa5: {  	_ =	swait.ge [sflag:s22], s20  }
0xa6: {  	s7 =	ssub.s32 $0x0, s20;
	[sflag:s22] =	ssyncset.done $0x0  }
0xa7: {  	[sflag:s22] =	ssyncadd.s32 s7;
	_ =	sdelay $0x1  }
0xa8: {  	s23 =	simm.s32 $0x1B8B  }
0xa9: {  	_ =	swait.ge [sflag:s23], $0x1  }
0xaa: {  	[sflag:s23] =	ssyncset.done $0x0  }
0xab: {  	s25 =	simm.s32 $0x1B8E;
	s24 =	sld [smem:$0x3FFE];
	[sflag:s23] =	ssyncadd.s32 $0xFFFFFFFF  }
0xac: {  	s26 =	simm.s32 $execute0_lowered;
	[smem:$0x3FD2] =	sst s25  }
0xad: {  	s8 =	sshll.u32 s26, $0x1;
	_ =	strace $0x80000049;
	[dreg:$0x1] =	wrdreg $0xFFFFFFFF  }
0xae: {  	s28 =	simm.s32 $_size_execute0_lowered;
	s6 =	sadd.s32 s6, s8;
	[dreg:$0x0] =	wrdreg $0x0  }
0xaf: {  	s8 =	sshll.u32 s28, $0x1;
	[dreg:$0x2] =	wrdreg s6  }
0xb0: {  	[dreg:$0x3] =	wrdreg s8  }
0xb1: {  	[dreg:$0x4] =	wrdreg $0xC0  }
0xb2: {  	_ =	task [dreg:s10], $0x5FFFF  }
0xb3: {  	[dreg:$0x1] =	wrdreg $0xFFFFFFFF  }
0xb4: {  	[dreg:$0x0] =	wrdreg $0x60  }
0xb5: {  	[dreg:$0x2] =	wrdreg s18  }
0xb6: {  	[dreg:$0x3] =	wrdreg s5  }
0xb7: {  	[dreg:$0x4] =	wrdreg s24  }
0xb8: {  	[dreg:$0x5] =	wrdreg s16  }
0xb9: {  	[dreg:$0x6] =	wrdreg s17  }
0xba: {  	[dreg:$0x7] =	wrdreg $0x147000  }
0xbb: {  	[dreg:$0x8] =	wrdreg $0x9  }
0xbc: {  	_ =	task.clear_ibuf [dreg:s10], $0x9FFFF;
	_ =	strace $0x90000049  }
0xbd: {  	s29 =	simm.s32 $0x9;
	_ =	strace $0x8000004B  }
0xbe: {  	_ =	swait.ge [sflag:s29], $0x1  }
0xbf: {  	[sflag:s29] =	ssyncadd.s32 $0xFFFFFFFF  }
0xc0: {  	_ =	strace $0x9000004B  }
0xc1: {  	_ =	sfence  }
0xc2: {  	s30 =	sld [smem:$0x0];
	_ =	sdelay $0x2  }
0xc3: {  	s31 =	sshll.u32 s1, $0xD;
	s1 =	sshrl.u32 s1, $0x2  }
0xc4: {  	s3 =	sand.u32 $0x4000, s31;
	s1 =	sadd.s32 s1, s30  }
0xc5: {  	s0 =	sor.u32 s3, s0;
	s1 =	sshll.u32 s1, $0x11  }
0xc6: {  	s0 =	sor.u32 s1, s0  }
0xc7: {  	s0 =	sadd.s32 $0x8F2B, s0  }
0xc8: {  	[sflag:s0] =	ssyncadd.remote.s32 $0x1  }
0xc9: {  	_ =	sfence.sel $0xFFFF  }
0xca: {  	[dreg:$0x0] =	wrdreg $0xFFFFFFFF;
	(pc) =	sbr.abs _section_cstart, $3  }
0xcb: {  	[dreg:$0x1] =	wrdreg $0xFFFFFFFF  }
0xcc: {  	_ =	task.clear_ibuf [dreg:s10], $0x2FFFF;
	_ =	strace $0x9FFFFFFF  }
0xcd: {  	(tm) =	ssettm $0x7FFFFFFF  }
tec
execute0_lowered:
.L_overlay_start_1:
0x0: {  	(tag) =	ssettag $0x1  }
0x1: {  	v1 =	vlaneseq.u32  }
0x2: {  	v3 =	vmul.u32 $0x8, v1  }
0x3: {  	v1 =	vmul.u32 $0x4, v1  }
0x4: {  	v2 =	vor.u32 $0x1, v3  }
0x5: {  	v0 =	vor.u32 $0x40, v1;
	[tilespmem:$0x1FC60] =	vst v2  }
0x6: {  	v2 =	vor.u32 $0x1, v1;
	[tilespmem:$0x1FCD0] =	vst v0  }
0x7: {  	v0 =	vor.u32 $0x81, v3;
	[tilespmem:$0x1FC70] =	vst v2  }
0x8: {  	v2 =	vor.u32 $0x2, v3;
	[tilespmem:$0x1FCE0] =	vst v0  }
0x9: {  	v0 =	vor.u32 $0x41, v1;
	[tilespmem:$0x1FC80] =	vst v2  }
0xa: {  	v2 =	vor.u32 $0x2, v1;
	[tilespmem:$0x1FCF0] =	vst v0  }
0xb: {  	v0 =	vor.u32 $0x82, v3;
	[tilespmem:$0x1FC90] =	vst v2  }
0xc: {  	v2 =	vor.u32 $0x3, v3;
	[tilespmem:$0x1FD00] =	vst v0  }
0xd: {  	v0 =	vor.u32 $0x42, v1;
	[tilespmem:$0x1FCA0] =	vst v2  }
0xe: {  	v2 =	vor.u32 $0x3, v1;
	[tilespmem:$0x1FD10] =	vst v0  }
0xf: {  	v0 =	vor.u32 $0x83, v3;
	[tilespmem:$0x1FCB0] =	vst v2  }
0x10: {  	v2 =	vor.u32 $0x80, v3;
	[tilespmem:$0x1FD20] =	vst v0  }
0x11: {  	v0 =	vor.u32 $0x43, v1;
	[tilespmem:$0x1FCC0] =	vst v2  }
0x12: {  	[tilespmem:$0x1FD30] =	vst v0;
	v0 =	vor.u32 $0x100, v3  }
0x13: {  	[tilespmem:$0x1FD40] =	vst v0;
	v0 =	vor.u32 $0x80, v1  }
0x14: {  	[tilespmem:$0x1FD50] =	vst v0;
	v0 =	vor.u32 $0x101, v3  }
0x15: {  	[tilespmem:$0x1FD60] =	vst v0;
	v0 =	vor.u32 $0x81, v1  }
0x16: {  	[tilespmem:$0x1FD70] =	vst v0;
	v0 =	vor.u32 $0x102, v3  }
0x17: {  	s9 =	rddreg [dreg:$0x0];
	[tilespmem:$0x1FD80] =	vst v0;
	v0 =	vor.u32 $0x82, v1  }
0x18: {  	s8 =	rddreg [dreg:$0x1];
	[tilespmem:$0x1FD90] =	vst v0;
	v0 =	vor.u32 $0x103, v3  }
0x19: {  	s6 =	rddreg [dreg:$0x2];
	[tilespmem:$0x1FDA0] =	vst v0;
	v0 =	vor.u32 $0x83, v1  }
0x1a: {  	s0 =	rddreg [dreg:$0x3];
	[tilespmem:$0x1FDB0] =	vst v0;
	v0 =	vor.u32 $0x180, v3  }
0x1b: {  	s7 =	rddreg [dreg:$0x4];
	[tilespmem:$0x1FDC0] =	vst v0;
	v0 =	vor.u32 $0xC0, v1  }
0x1c: {  	s2 =	rddreg [dreg:$0x5];
	s4 =	simm.s32 $0x0;
	[tilespmem:$0x1FDD0] =	vst v0;
	v0 =	vor.u32 $0x181, v3  }
0x1d: {  	[smem:$0x7FF] =	sst s4;
	[tilespmem:$0x1FDE0] =	vst v0;
	v0 =	vor.u32 $0xC1, v1  }
0x1e: {  	s1 =	rddreg [dreg:$0x6];
	_ =	strace $0x8000004A;
	[tilespmem:$0x1FDF0] =	vst v0  }
0x1f: {  	v0 =	vor.u32 $0x182, v3;
	[tilespmem:$0x1FFF0] =	vst v3  }
0x20: {  	[tilespmem:$0x1FE00] =	vst v0;
	v0 =	vor.u32 $0xC2, v1  }
0x21: {  	[tilespmem:$0x1FE10] =	vst v0;
	v0 =	vor.u32 $0x183, v3  }
0x22: {  	[tilespmem:$0x1FE20] =	vst v0;
	v0 =	vor.u32 $0xC3, v1  }
0x23: {  	[tilespmem:$0x1FE30] =	vst v0;
	v0 =	vor.u32 $0x200, v3  }
0x24: {  	[tilespmem:$0x1FE40] =	vst v0;
	v0 =	vor.u32 $0x100, v1  }
0x25: {  	[tilespmem:$0x1FE50] =	vst v0;
	v0 =	vor.u32 $0x201, v3  }
0x26: {  	[tilespmem:$0x1FE60] =	vst v0;
	v0 =	vor.u32 $0x101, v1  }
0x27: {  	[tilespmem:$0x1FE70] =	vst v0;
	v0 =	vor.u32 $0x202, v3  }
0x28: {  	[tilespmem:$0x1FE80] =	vst v0;
	v0 =	vor.u32 $0x102, v1  }
0x29: {  	[tilespmem:$0x1FE90] =	vst v0;
	v0 =	vor.u32 $0x203, v3  }
0x2a: {  	[tilespmem:$0x1FEA0] =	vst v0;
	v0 =	vor.u32 $0x103, v1  }
0x2b: {  	[tilespmem:$0x1FEB0] =	vst v0;
	v0 =	vor.u32 $0x280, v3  }
0x2c: {  	[tilespmem:$0x1FEC0] =	vst v0;
	v0 =	vor.u32 $0x140, v1  }
0x2d: {  	[tilespmem:$0x1FED0] =	vst v0;
	v0 =	vor.u32 $0x281, v3  }
0x2e: {  	[tilespmem:$0x1FEE0] =	vst v0;
	v0 =	vor.u32 $0x141, v1  }
0x2f: {  	s3 =	srdreg.scid;
	[tilespmem:$0x1FEF0] =	vst v0;
	v0 =	vor.u32 $0x282, v3  }
0x30: {  	s10 =	sand.u32 $0x1, s3;
	[tilespmem:$0x1FF00] =	vst v0;
	v0 =	vor.u32 $0x142, v1  }
0x31: {  	s3 =	stileid.u32;
	s11 =	smul.u32 $0x14000, s10;
	[tilespmem:$0x1FF10] =	vst v0;
	v0 =	vor.u32 $0x283, v3  }
0x32: {  	s12 =	smul.u32 $0x5000, s3;
	[tilespmem:$0x1FF20] =	vst v0;
	v0 =	vor.u32 $0x143, v1  }
0x33: {  	s13 =	smul.u32 $0x140000, s10;
	[tilespmem:$0x1FF30] =	vst v0;
	v0 =	vor.u32 $0x300, v3  }
0x34: {  	s17 =	simm.s32 $0x10;
	s18 =	simm.s32 $0x14000;
	s15 =	smul.u32 $0x14000, s3;
	[tilespmem:$0x1FF40] =	vst v0;
	v0 =	vor.u32 $0x180, v1  }
0x35: {  	s19 =	simm.s32 $0x14080;
	s14 =	ssub.s32 $0x2, s10;
	s10 =	smul.u32 $0x28000, s10;
	[tilespmem:$0x1FF50] =	vst v0;
	v0 =	vor.u32 $0x301, v3  }
0x36: {  	s20 =	simm.s32 $0x14500;
	s21 =	simm.s32 $0x0;
	s29 =	smul.u32 $0x2800, s3;
	[tilespmem:$0x1FF60] =	vst v0;
	v0 =	vor.u32 $0x181, v1  }
0x37: {  	s5 =	sadd.s32 $0x2A600, s6;
	s30 =	smul.u32 $0x1400, s3;
	s26 =	sshrl.u32 s14, $0x1;
	[tilespmem:$0x1FF70] =	vst v0;
	v0 =	vor.u32 $0x302, v3  }
0x38: {  	s31 =	sshll.u32 s3, $0x6;
	s11 =	sadd.s32 s11, s6;
	s14 =	ssub.s32 s14, s26;
	[tilespmem:$0x1FF80] =	vst v0;
	v0 =	vor.u32 $0x182, v1  }
0x39: {  	s28 =	sadd.s32 s15, s13;
	s12 =	sshrl.u32 s12, $0x2;
	s10 =	sadd.s32 s29, s10;
	[tilespmem:$0x1FF90] =	vst v0;
	v0 =	vor.u32 $0x303, v3  }
0x3a: {  	s13 =	simm.s32 $0x80;
	s15 =	sor.u32 $0x1C01, s31;
	s6 =	sshrl.u32 s28, $0x3;
	[tilespmem:$0x1FFA0] =	vst v0;
	v0 =	vor.u32 $0x183, v1  }
0x3b: {  	s16 =	sadd.s32 s12, s2;
	s10 =	sshrl.u32 s10, $0x3;
	s11 =	sadd.s32 s30, s11;
	[tilespmem:$0x1FFB0] =	vst v0;
	v0 =	vor.u32 $0x380, v3  }
0x3c: {  	s12 =	simm.s32 $0x8;
	s6 =	sadd.s32 s7, s6;
	s7 =	smax.u32 s14, $0x1;
	[tilespmem:$0x1FFC0] =	vst v0;
	v0 =	vor.u32 $0x1C0, v1  }
0x3d: {  	v6 =	vor.u32 $0x1C1, v1;
	s8 =	sadd.s32 s10, s8;
	s9 =	sadd.s32 s10, s9;
	s10 =	sadd.s32 $0x2CE00, s11;
	[tilespmem:$0x1FFD0] =	vst v0;
	v0 =	vor.u32 $0x381, v3  }
0x3e: {  	v7 =	vor.u32 $0x382, v3;
	v8 =	vor.u32 $0x1C2, v1;
	v9 =	vor.u32 $0x383, v3;
	s11 =	simm.s32 $0x1;
	s14 =	simm.s32 $0x14100;
	s16 =	sshrl.u32 s16, $0x3;
	[tilespmem:$0x1FFE0] =	vst v0  }
.LBB2_1:
0x3f: {  	[tilespmem:s4], [sflag:$0x1] =	stream.linear.gather [hbm4b:s5+s4], $0x14000, $0x38;
	[tilespmem:$0x15B00] =	vst v63  }
0x40: {  	_ =	swait.ge [sflag:s11], $0x14000  }
0x41: {  	[sflag:s11] =	ssyncset.done $0x0  }
0x42: {  	[sflag:s11] =	ssyncadd.s32 $0xFFFEC000  }
0x43: {  	[tilespmem:s14], [sflag:$0x1] =	stream.strided.gather [hbm4b:s0+s12], $0x400, s13, s12, $0x38;
	[tilespmem:$0x15B00] =	vst v63  }
0x44: {  	_ =	swait.ge [sflag:s11], $0x400  }
0x45: {  	[sflag:s11] =	ssyncset.done $0x0  }
0x46: {  	[sflag:s11] =	ssyncadd.s32 $0xFFFFFC00  }
0x47: {  	[spmem:s16@s11], [sflag:s15] =	dma.strided [hbm:s0@s17], $0x280, s11, $0x1   }
0x48: {  	_ =	swait.ge [sflag:s11], $0x280  }
0x49: {  	[sflag:s11] =	ssyncset.done $0x0  }
0x4a: {  	[sflag:s11] =	ssyncadd.s32 $0xFFFFFD80  }
0x4b: {  	[bflag:$0x0] =	sbarrier.arrive $0xFFFF  }
0x4c: {  	v11 =	vld [tilespmem:$0x1FCB0]  }
0x4d: {  	v12 =	vld [tilespmem:$0x1FCC0]  }
0x4e: {  	v0 =	vld [tilespmem:$0x1FCD0]  }
0x4f: {  	v13 =	vld [tilespmem:$0x1FFF0]  }
0x50: {  	v14 =	vld [tilespmem:$0x1FCE0]  }
0x51: {  	v15 =	vld [tilespmem:$0x1FCF0]  }
0x52: {  	v16 =	vld [tilespmem:$0x1FD00]  }
0x53: {  	v17 =	vld [tilespmem:$0x1FD10]  }
0x54: {  	v18 =	vld [tilespmem:$0x1FD20]  }
0x55: {  	v19 =	vld [tilespmem:$0x1FD30]  }
0x56: {  	v20 =	vld [tilespmem:$0x1FD40]  }
0x57: {  	v21 =	vld [tilespmem:$0x1FD50]  }
0x58: {  	v22 =	vld [tilespmem:$0x1FD60]  }
0x59: {  	v23 =	vld [tilespmem:$0x1FD70]  }
0x5a: {  	v24 =	vld [tilespmem:$0x1FD80]  }
0x5b: {  	v25 =	vld [tilespmem:$0x1FD90]  }
0x5c: {  	v26 =	vld [tilespmem:$0x1FDA0]  }
0x5d: {  	v27 =	vld [tilespmem:$0x1FDB0]  }
0x5e: {  	v28 =	vld [tilespmem:$0x1FDC0]  }
0x5f: {  	v29 =	vld [tilespmem:$0x1FDD0]  }
0x60: {  	v30 =	vld [tilespmem:$0x1FDE0]  }
0x61: {  	v31 =	vld [tilespmem:$0x1FDF0]  }
0x62: {  	v32 =	vld [tilespmem:$0x1FE00]  }
0x63: {  	v33 =	vld [tilespmem:$0x1FE10]  }
0x64: {  	v34 =	vld [tilespmem:$0x1FE20]  }
0x65: {  	v35 =	vld [tilespmem:$0x1FE30]  }
0x66: {  	v36 =	vld [tilespmem:$0x1FE40]  }
0x67: {  	v37 =	vld [tilespmem:$0x1FE50]  }
0x68: {  	v38 =	vld [tilespmem:$0x1FE60]  }
0x69: {  	v39 =	vld [tilespmem:$0x1FE70]  }
0x6a: {  	v40 =	vld [tilespmem:$0x1FE80]  }
0x6b: {  	v41 =	vld [tilespmem:$0x1FE90]  }
0x6c: {  	v42 =	vld [tilespmem:$0x1FEA0]  }
0x6d: {  	v43 =	vld [tilespmem:$0x1FEB0]  }
0x6e: {  	v44 =	vld [tilespmem:$0x1FEC0]  }
0x6f: {  	v45 =	vld [tilespmem:$0x1FED0]  }
0x70: {  	v46 =	vld [tilespmem:$0x1FEE0]  }
0x71: {  	v47 =	vld [tilespmem:$0x1FEF0]  }
0x72: {  	v48 =	vld [tilespmem:$0x1FF00]  }
0x73: {  	v49 =	vld [tilespmem:$0x1FF10]  }
0x74: {  	v50 =	vld [tilespmem:$0x1FF20]  }
0x75: {  	v51 =	vld [tilespmem:$0x1FF30]  }
0x76: {  	v52 =	vld [tilespmem:$0x1FF40]  }
0x77: {  	v53 =	vld [tilespmem:$0x1FF50]  }
0x78: {  	v54 =	vld [tilespmem:$0x1FF60]  }
0x79: {  	v55 =	vld [tilespmem:$0x1FF70]  }
0x7a: {  	v56 =	vld [tilespmem:$0x1FF80]  }
0x7b: {  	v57 =	vld [tilespmem:$0x1FF90]  }
0x7c: {  	v58 =	vld [tilespmem:$0x1FFA0]  }
0x7d: {  	v59 =	vld [tilespmem:$0x1FFB0]  }
0x7e: {  	v60 =	vld [tilespmem:$0x1FFC0]  }
0x7f: {  	v61 =	vld [tilespmem:$0x1FFD0]  }
0x80: {  	s22 =	smov.u32 s10;
	s23 =	simm.s32 $0x0;
	v62 =	vld [tilespmem:$0x1FFE0]  }
.LBB2_2:
0x81: {  	s24 =	sadd.s32 s23, s9  }
0x82: {  	[tilespmem:s18], [sflag:$0x1] =	stream.linear.gather [hbm4b:s24+s4], $0x80, $0x38;
	[tilespmem:$0x15B00] =	vst v63  }
0x83: {  	_ =	swait.ge [sflag:s11], $0x80  }
0x84: {  	[sflag:s11] =	ssyncset.done $0x0  }
0x85: {  	s31 =	sadd.s32 s23, s8;
	[sflag:s11] =	ssyncadd.s32 $0xFFFFFF80  }
0x86: {  	[tilespmem:s19], [sflag:$0x1] =	stream.linear.gather [hbm4b:s31+s4], $0x80, $0x38;
	[tilespmem:$0x15B00] =	vst v63  }
0x87: {  	_ =	swait.ge [sflag:s11], $0x80  }
0x88: {  	[sflag:s11] =	ssyncset.done $0x0  }
0x89: {  	[sflag:s11] =	ssyncadd.s32 $0xFFFFFF80  }
0x8a: {  	v63 =	vld [tilespmem:$0x14000]  }
0x8b: {  	v2 =	vld [tilespmem:$0x14080];
	_ =	sdelay $0x4  }
0x8c: {  	v63 =	vshll.u32 v63, $0x3;
	v2 =	vshll.u32 v2, $0x3  }
0x8d: {  	v3 =	vor.u32 $0x4, v2;
	_ =	sdelay $0x3  }
0x8e: {  	v4 =	vld.idx.msk [tilespmem:v63+s4+$0x0], $0xffff  }
0x8f: {  	v3 =	vld.idx.msk [tilespmem:v3+s4+$0x0], $0xffff;
	_ =	sdelay $0x4  }
0x90: {  	v3 =	vadd.f32 v3, v4;
	_ =	sdelay $0x1  }
0x91: {  	v4 =	vmul.f32 $2.000000030e-01, v3;
	_ =	sdelay $0x1  }
0x92: {  	v3 =	vmax.f32 v3, v4  }
0x93: {  	v3 =	vmul.f32 $1.442695020e+00, v3;
	_ =	sdelay $0x1  }
0x94: {  	(erf) = vpow2.f32 v3;
	_ =	sdelay $0x6  }
0x95: {  	v3 =	vor.u32 $0x1, v63  }
0x96: {  	v4 =	vor.u32 $0x5, v2  }
0x97: {  	v5 =	vpop (erf)  }
0x98: {  	[tilespmem:v13+s14+$0x0] =	vst.idx.msk $0xffff, v5  }
0x99: {  	[tilespmem:v1+s20+$0x0] =	vst.idx.msk $0xffff, v5  }
0x9a: {  	v3 =	vld.idx.msk [tilespmem:v3+s4+$0x0], $0xffff  }
0x9b: {  	v4 =	vld.idx.msk [tilespmem:v4+s4+$0x0], $0xffff;
	_ =	sdelay $0x4  }
0x9c: {  	v3 =	vadd.f32 v4, v3;
	_ =	sdelay $0x1  }
0x9d: {  	v4 =	vmul.f32 $2.000000030e-01, v3;
	_ =	sdelay $0x1  }
0x9e: {  	v3 =	vmax.f32 v3, v4  }
0x9f: {  	v3 =	vmul.f32 $1.442695020e+00, v3;
	_ =	sdelay $0x1  }
0xa0: {  	(erf) = vpow2.f32 v3;
	_ =	sdelay $0x1  }
0xa1: {  	v10 =	vld [tilespmem:$0x1FC60];
	_ =	sdelay $0x6  }
0xa2: {  	v5 =	vpop (erf)  }
0xa3: {  	[tilespmem:v10+s14+$0x0] =	vst.idx.msk $0xffff, v5;
	v10 =	vld [tilespmem:$0x1FC70];
	_ =	sdelay $0x3  }
0xa4: {  	v3 =	vor.u32 $0x2, v63  }
0xa5: {  	v4 =	vor.u32 $0x6, v2;
	_ =	sdelay $0x2  }
0xa6: {  	[tilespmem:v10+s20+$0x0] =	vst.idx.msk $0xffff, v5  }
0xa7: {  	v3 =	vld.idx.msk [tilespmem:v3+s4+$0x0], $0xffff  }
0xa8: {  	v4 =	vld.idx.msk [tilespmem:v4+s4+$0x0], $0xffff;
	_ =	sdelay $0x4  }
0xa9: {  	v3 =	vadd.f32 v4, v3;
	_ =	sdelay $0x1  }
0xaa: {  	v4 =	vmul.f32 $2.000000030e-01, v3;
	_ =	sdelay $0x1  }
0xab: {  	v3 =	vmax.f32 v3, v4  }
0xac: {  	v3 =	vmul.f32 $1.442695020e+00, v3;
	_ =	sdelay $0x1  }
0xad: {  	(erf) = vpow2.f32 v3;
	_ =	sdelay $0x1  }
0xae: {  	v5 =	vld [tilespmem:$0x1FC80];
	_ =	sdelay $0x6  }
0xaf: {  	v4 =	vpop (erf)  }
0xb0: {  	[tilespmem:v5+s14+$0x0] =	vst.idx.msk $0xffff, v4;
	v5 =	vld [tilespmem:$0x1FC90];
	_ =	sdelay $0x3  }
0xb1: {  	v3 =	vor.u32 $0x3, v63  }
0xb2: {  	v2 =	vor.u32 $0x7, v2;
	_ =	sdelay $0x2  }
0xb3: {  	[tilespmem:v5+s20+$0x0] =	vst.idx.msk $0xffff, v4  }
0xb4: {  	v3 =	vld.idx.msk [tilespmem:v3+s4+$0x0], $0xffff  }
0xb5: {  	v2 =	vld.idx.msk [tilespmem:v2+s4+$0x0], $0xffff;
	_ =	sdelay $0x4  }
0xb6: {  	v2 =	vadd.f32 v2, v3;
	_ =	sdelay $0x1  }
0xb7: {  	v3 =	vmul.f32 $2.000000030e-01, v2;
	_ =	sdelay $0x1  }
0xb8: {  	v2 =	vmax.f32 v2, v3  }
0xb9: {  	v2 =	vmul.f32 $1.442695020e+00, v2;
	_ =	sdelay $0x1  }
0xba: {  	(erf) = vpow2.f32 v2;
	_ =	sdelay $0x1  }
0xbb: {  	v3 =	vld [tilespmem:$0x1FCA0];
	_ =	sdelay $0x6  }
0xbc: {  	v2 =	vpop (erf)  }
0xbd: {  	[tilespmem:v3+s14+$0x0] =	vst.idx.msk $0xffff, v2  }
0xbe: {  	[tilespmem:v11+s20+$0x0] =	vst.idx.msk $0xffff, v2  }
0xbf: {  	v2 =	vld [tilespmem:$0x14010]  }
0xc0: {  	v3 =	vld [tilespmem:$0x14090];
	_ =	sdelay $0x4  }
0xc1: {  	v2 =	vshll.u32 v2, $0x3;
	v3 =	vshll.u32 v3, $0x3  }
0xc2: {  	v4 =	vor.u32 $0x4, v3;
	_ =	sdelay $0x3  }
0xc3: {  	v5 =	vld.idx.msk [tilespmem:v2+s4+$0x0], $0xffff  }
0xc4: {  	v4 =	vld.idx.msk [tilespmem:v4+s4+$0x0], $0xffff;
	_ =	sdelay $0x4  }
0xc5: {  	v4 =	vadd.f32 v4, v5;
	_ =	sdelay $0x1  }
0xc6: {  	v5 =	vmul.f32 $2.000000030e-01, v4;
	_ =	sdelay $0x1  }
0xc7: {  	v4 =	vmax.f32 v4, v5  }
0xc8: {  	v4 =	vmul.f32 $1.442695020e+00, v4;
	_ =	sdelay $0x1  }
0xc9: {  	(erf) = vpow2.f32 v4;
	_ =	sdelay $0x6  }
0xca: {  	v4 =	vor.u32 $0x1, v2  }
0xcb: {  	v5 =	vor.u32 $0x5, v3  }
0xcc: {  	v63 =	vpop (erf)  }
0xcd: {  	[tilespmem:v12+s14+$0x0] =	vst.idx.msk $0xffff, v63  }
0xce: {  	[tilespmem:v0+s20+$0x0] =	vst.idx.msk $0xffff, v63  }
0xcf: {  	v4 =	vld.idx.msk [tilespmem:v4+s4+$0x0], $0xffff  }
0xd0: {  	v5 =	vld.idx.msk [tilespmem:v5+s4+$0x0], $0xffff;
	_ =	sdelay $0x4  }
0xd1: {  	v4 =	vadd.f32 v5, v4;
	_ =	sdelay $0x1  }
0xd2: {  	v5 =	vmul.f32 $2.000000030e-01, v4;
	_ =	sdelay $0x1  }
0xd3: {  	v4 =	vmax.f32 v4, v5  }
0xd4: {  	v4 =	vmul.f32 $1.442695020e+00, v4;
	_ =	sdelay $0x1  }
0xd5: {  	(erf) = vpow2.f32 v4;
	_ =	sdelay $0x6  }
0xd6: {  	v4 =	vor.u32 $0x2, v2  }
0xd7: {  	v5 =	vor.u32 $0x6, v3  }
0xd8: {  	v63 =	vpop (erf)  }
0xd9: {  	[tilespmem:v14+s14+$0x0] =	vst.idx.msk $0xffff, v63  }
0xda: {  	[tilespmem:v15+s20+$0x0] =	vst.idx.msk $0xffff, v63  }
0xdb: {  	v4 =	vld.idx.msk [tilespmem:v4+s4+$0x0], $0xffff  }
0xdc: {  	v5 =	vld.idx.msk [tilespmem:v5+s4+$0x0], $0xffff;
	_ =	sdelay $0x4  }
0xdd: {  	v4 =	vadd.f32 v5, v4;
	_ =	sdelay $0x1  }
0xde: {  	v5 =	vmul.f32 $2.000000030e-01, v4;
	_ =	sdelay $0x1  }
0xdf: {  	v4 =	vmax.f32 v4, v5  }
0xe0: {  	v4 =	vmul.f32 $1.442695020e+00, v4;
	_ =	sdelay $0x1  }
0xe1: {  	(erf) = vpow2.f32 v4;
	_ =	sdelay $0x6  }
0xe2: {  	v2 =	vor.u32 $0x3, v2  }
0xe3: {  	v3 =	vor.u32 $0x7, v3  }
0xe4: {  	v4 =	vpop (erf)  }
0xe5: {  	[tilespmem:v16+s14+$0x0] =	vst.idx.msk $0xffff, v4  }
0xe6: {  	[tilespmem:v17+s20+$0x0] =	vst.idx.msk $0xffff, v4  }
0xe7: {  	v2 =	vld.idx.msk [tilespmem:v2+s4+$0x0], $0xffff  }
0xe8: {  	v3 =	vld.idx.msk [tilespmem:v3+s4+$0x0], $0xffff;
	_ =	sdelay $0x4  }
0xe9: {  	v2 =	vadd.f32 v3, v2;
	_ =	sdelay $0x1  }
0xea: {  	v3 =	vmul.f32 $2.000000030e-01, v2;
	_ =	sdelay $0x1  }
0xeb: {  	v2 =	vmax.f32 v2, v3  }
0xec: {  	v2 =	vmul.f32 $1.442695020e+00, v2;
	_ =	sdelay $0x1  }
0xed: {  	(erf) = vpow2.f32 v2;
	_ =	sdelay $0x8  }
0xee: {  	v2 =	vpop (erf)  }
0xef: {  	[tilespmem:v18+s14+$0x0] =	vst.idx.msk $0xffff, v2  }
0xf0: {  	[tilespmem:v19+s20+$0x0] =	vst.idx.msk $0xffff, v2  }
0xf1: {  	v2 =	vld [tilespmem:$0x14020]  }
0xf2: {  	v3 =	vld [tilespmem:$0x140A0];
	_ =	sdelay $0x4  }
0xf3: {  	v2 =	vshll.u32 v2, $0x3;
	v3 =	vshll.u32 v3, $0x3  }
0xf4: {  	v4 =	vor.u32 $0x4, v3;
	_ =	sdelay $0x3  }
0xf5: {  	v5 =	vld.idx.msk [tilespmem:v2+s4+$0x0], $0xffff  }
0xf6: {  	v4 =	vld.idx.msk [tilespmem:v4+s4+$0x0], $0xffff;
	_ =	sdelay $0x4  }
0xf7: {  	v4 =	vadd.f32 v4, v5;
	_ =	sdelay $0x1  }
0xf8: {  	v5 =	vmul.f32 $2.000000030e-01, v4;
	_ =	sdelay $0x1  }
0xf9: {  	v4 =	vmax.f32 v4, v5  }
0xfa: {  	v4 =	vmul.f32 $1.442695020e+00, v4;
	_ =	sdelay $0x1  }
0xfb: {  	(erf) = vpow2.f32 v4;
	_ =	sdelay $0x6  }
0xfc: {  	v4 =	vor.u32 $0x1, v2  }
0xfd: {  	v5 =	vor.u32 $0x5, v3  }
0xfe: {  	v63 =	vpop (erf)  }
0xff: {  	[tilespmem:v20+s14+$0x0] =	vst.idx.msk $0xffff, v63  }
0x100: {  	[tilespmem:v21+s20+$0x0] =	vst.idx.msk $0xffff, v63  }
0x101: {  	v4 =	vld.idx.msk [tilespmem:v4+s4+$0x0], $0xffff  }
0x102: {  	v5 =	vld.idx.msk [tilespmem:v5+s4+$0x0], $0xffff;
	_ =	sdelay $0x4  }
0x103: {  	v4 =	vadd.f32 v5, v4;
	_ =	sdelay $0x1  }
0x104: {  	v5 =	vmul.f32 $2.000000030e-01, v4;
	_ =	sdelay $0x1  }
0x105: {  	v4 =	vmax.f32 v4, v5  }
0x106: {  	v4 =	vmul.f32 $1.442695020e+00, v4;
	_ =	sdelay $0x1  }
0x107: {  	(erf) = vpow2.f32 v4;
	_ =	sdelay $0x6  }
0x108: {  	v4 =	vor.u32 $0x2, v2  }
0x109: {  	v5 =	vor.u32 $0x6, v3  }
0x10a: {  	v63 =	vpop (erf)  }
0x10b: {  	[tilespmem:v22+s14+$0x0] =	vst.idx.msk $0xffff, v63  }
0x10c: {  	[tilespmem:v23+s20+$0x0] =	vst.idx.msk $0xffff, v63  }
0x10d: {  	v4 =	vld.idx.msk [tilespmem:v4+s4+$0x0], $0xffff  }
0x10e: {  	v5 =	vld.idx.msk [tilespmem:v5+s4+$0x0], $0xffff;
	_ =	sdelay $0x4  }
0x10f: {  	v4 =	vadd.f32 v5, v4;
	_ =	sdelay $0x1  }
0x110: {  	v5 =	vmul.f32 $2.000000030e-01, v4;
	_ =	sdelay $0x1  }
0x111: {  	v4 =	vmax.f32 v4, v5  }
0x112: {  	v4 =	vmul.f32 $1.442695020e+00, v4;
	_ =	sdelay $0x1  }
0x113: {  	(erf) = vpow2.f32 v4;
	_ =	sdelay $0x6  }
0x114: {  	v2 =	vor.u32 $0x3, v2  }
0x115: {  	v3 =	vor.u32 $0x7, v3  }
0x116: {  	v4 =	vpop (erf)  }
0x117: {  	[tilespmem:v24+s14+$0x0] =	vst.idx.msk $0xffff, v4  }
0x118: {  	[tilespmem:v25+s20+$0x0] =	vst.idx.msk $0xffff, v4  }
0x119: {  	v2 =	vld.idx.msk [tilespmem:v2+s4+$0x0], $0xffff  }
0x11a: {  	v3 =	vld.idx.msk [tilespmem:v3+s4+$0x0], $0xffff;
	_ =	sdelay $0x4  }
0x11b: {  	v2 =	vadd.f32 v3, v2;
	_ =	sdelay $0x1  }
0x11c: {  	v3 =	vmul.f32 $2.000000030e-01, v2;
	_ =	sdelay $0x1  }
0x11d: {  	v2 =	vmax.f32 v2, v3  }
0x11e: {  	v2 =	vmul.f32 $1.442695020e+00, v2;
	_ =	sdelay $0x1  }
0x11f: {  	(erf) = vpow2.f32 v2;
	_ =	sdelay $0x8  }
0x120: {  	v2 =	vpop (erf)  }
0x121: {  	[tilespmem:v26+s14+$0x0] =	vst.idx.msk $0xffff, v2  }
0x122: {  	[tilespmem:v27+s20+$0x0] =	vst.idx.msk $0xffff, v2  }
0x123: {  	v2 =	vld [tilespmem:$0x14030]  }
0x124: {  	v3 =	vld [tilespmem:$0x140B0];
	_ =	sdelay $0x4  }
0x125: {  	v2 =	vshll.u32 v2, $0x3;
	v3 =	vshll.u32 v3, $0x3  }
0x126: {  	v4 =	vor.u32 $0x4, v3;
	_ =	sdelay $0x3  }
0x127: {  	v5 =	vld.idx.msk [tilespmem:v2+s4+$0x0], $0xffff  }
0x128: {  	v4 =	vld.idx.msk [tilespmem:v4+s4+$0x0], $0xffff;
	_ =	sdelay $0x4  }
0x129: {  	v4 =	vadd.f32 v4, v5;
	_ =	sdelay $0x1  }
0x12a: {  	v5 =	vmul.f32 $2.000000030e-01, v4;
	_ =	sdelay $0x1  }
0x12b: {  	v4 =	vmax.f32 v4, v5  }
0x12c: {  	v4 =	vmul.f32 $1.442695020e+00, v4;
	_ =	sdelay $0x1  }
0x12d: {  	(erf) = vpow2.f32 v4;
	_ =	sdelay $0x6  }
0x12e: {  	v4 =	vor.u32 $0x1, v2  }
0x12f: {  	v5 =	vor.u32 $0x5, v3  }
0x130: {  	v63 =	vpop (erf)  }
0x131: {  	[tilespmem:v28+s14+$0x0] =	vst.idx.msk $0xffff, v63  }
0x132: {  	[tilespmem:v29+s20+$0x0] =	vst.idx.msk $0xffff, v63  }
0x133: {  	v4 =	vld.idx.msk [tilespmem:v4+s4+$0x0], $0xffff  }
0x134: {  	v5 =	vld.idx.msk [tilespmem:v5+s4+$0x0], $0xffff;
	_ =	sdelay $0x4  }
0x135: {  	v4 =	vadd.f32 v5, v4;
	_ =	sdelay $0x1  }
0x136: {  	v5 =	vmul.f32 $2.000000030e-01, v4;
	_ =	sdelay $0x1  }
0x137: {  	v4 =	vmax.f32 v4, v5  }
0x138: {  	v4 =	vmul.f32 $1.442695020e+00, v4;
	_ =	sdelay $0x1  }
0x139: {  	(erf) = vpow2.f32 v4;
	_ =	sdelay $0x6  }
0x13a: {  	v4 =	vor.u32 $0x2, v2  }
0x13b: {  	v5 =	vor.u32 $0x6, v3  }
0x13c: {  	v63 =	vpop (erf)  }
0x13d: {  	[tilespmem:v30+s14+$0x0] =	vst.idx.msk $0xffff, v63  }
0x13e: {  	[tilespmem:v31+s20+$0x0] =	vst.idx.msk $0xffff, v63  }
0x13f: {  	v4 =	vld.idx.msk [tilespmem:v4+s4+$0x0], $0xffff  }
0x140: {  	v5 =	vld.idx.msk [tilespmem:v5+s4+$0x0], $0xffff;
	_ =	sdelay $0x4  }
0x141: {  	v4 =	vadd.f32 v5, v4;
	_ =	sdelay $0x1  }
0x142: {  	v5 =	vmul.f32 $2.000000030e-01, v4;
	_ =	sdelay $0x1  }
0x143: {  	v4 =	vmax.f32 v4, v5  }
0x144: {  	v4 =	vmul.f32 $1.442695020e+00, v4;
	_ =	sdelay $0x1  }
0x145: {  	(erf) = vpow2.f32 v4;
	_ =	sdelay $0x6  }
0x146: {  	v2 =	vor.u32 $0x3, v2  }
0x147: {  	v3 =	vor.u32 $0x7, v3  }
0x148: {  	v4 =	vpop (erf)  }
0x149: {  	[tilespmem:v32+s14+$0x0] =	vst.idx.msk $0xffff, v4  }
0x14a: {  	[tilespmem:v33+s20+$0x0] =	vst.idx.msk $0xffff, v4  }
0x14b: {  	v2 =	vld.idx.msk [tilespmem:v2+s4+$0x0], $0xffff  }
0x14c: {  	v3 =	vld.idx.msk [tilespmem:v3+s4+$0x0], $0xffff;
	_ =	sdelay $0x4  }
0x14d: {  	v2 =	vadd.f32 v3, v2;
	_ =	sdelay $0x1  }
0x14e: {  	v3 =	vmul.f32 $2.000000030e-01, v2;
	_ =	sdelay $0x1  }
0x14f: {  	v2 =	vmax.f32 v2, v3  }
0x150: {  	v2 =	vmul.f32 $1.442695020e+00, v2;
	_ =	sdelay $0x1  }
0x151: {  	(erf) = vpow2.f32 v2;
	_ =	sdelay $0x8  }
0x152: {  	v2 =	vpop (erf)  }
0x153: {  	[tilespmem:v34+s14+$0x0] =	vst.idx.msk $0xffff, v2  }
0x154: {  	[tilespmem:v35+s20+$0x0] =	vst.idx.msk $0xffff, v2  }
0x155: {  	v2 =	vld [tilespmem:$0x14040]  }
0x156: {  	v3 =	vld [tilespmem:$0x140C0];
	_ =	sdelay $0x4  }
0x157: {  	v2 =	vshll.u32 v2, $0x3;
	v3 =	vshll.u32 v3, $0x3  }
0x158: {  	v4 =	vor.u32 $0x4, v3;
	_ =	sdelay $0x3  }
0x159: {  	v5 =	vld.idx.msk [tilespmem:v2+s4+$0x0], $0xffff  }
0x15a: {  	v4 =	vld.idx.msk [tilespmem:v4+s4+$0x0], $0xffff;
	_ =	sdelay $0x4  }
0x15b: {  	v4 =	vadd.f32 v4, v5;
	_ =	sdelay $0x1  }
0x15c: {  	v5 =	vmul.f32 $2.000000030e-01, v4;
	_ =	sdelay $0x1  }
0x15d: {  	v4 =	vmax.f32 v4, v5  }
0x15e: {  	v4 =	vmul.f32 $1.442695020e+00, v4;
	_ =	sdelay $0x1  }
0x15f: {  	(erf) = vpow2.f32 v4;
	_ =	sdelay $0x6  }
0x160: {  	v4 =	vor.u32 $0x1, v2  }
0x161: {  	v5 =	vor.u32 $0x5, v3  }
0x162: {  	v63 =	vpop (erf)  }
0x163: {  	[tilespmem:v36+s14+$0x0] =	vst.idx.msk $0xffff, v63  }
0x164: {  	[tilespmem:v37+s20+$0x0] =	vst.idx.msk $0xffff, v63  }
0x165: {  	v4 =	vld.idx.msk [tilespmem:v4+s4+$0x0], $0xffff  }
0x166: {  	v5 =	vld.idx.msk [tilespmem:v5+s4+$0x0], $0xffff;
	_ =	sdelay $0x4  }
0x167: {  	v4 =	vadd.f32 v5, v4;
	_ =	sdelay $0x1  }
0x168: {  	v5 =	vmul.f32 $2.000000030e-01, v4;
	_ =	sdelay $0x1  }
0x169: {  	v4 =	vmax.f32 v4, v5  }
0x16a: {  	v4 =	vmul.f32 $1.442695020e+00, v4;
	_ =	sdelay $0x1  }
0x16b: {  	(erf) = vpow2.f32 v4;
	_ =	sdelay $0x6  }
0x16c: {  	v4 =	vor.u32 $0x2, v2  }
0x16d: {  	v5 =	vor.u32 $0x6, v3  }
0x16e: {  	v63 =	vpop (erf)  }
0x16f: {  	[tilespmem:v38+s14+$0x0] =	vst.idx.msk $0xffff, v63  }
0x170: {  	[tilespmem:v39+s20+$0x0] =	vst.idx.msk $0xffff, v63  }
0x171: {  	v4 =	vld.idx.msk [tilespmem:v4+s4+$0x0], $0xffff  }
0x172: {  	v5 =	vld.idx.msk [tilespmem:v5+s4+$0x0], $0xffff;
	_ =	sdelay $0x4  }
0x173: {  	v4 =	vadd.f32 v5, v4;
	_ =	sdelay $0x1  }
0x174: {  	v5 =	vmul.f32 $2.000000030e-01, v4;
	_ =	sdelay $0x1  }
0x175: {  	v4 =	vmax.f32 v4, v5  }
0x176: {  	v4 =	vmul.f32 $1.442695020e+00, v4;
	_ =	sdelay $0x1  }
0x177: {  	(erf) = vpow2.f32 v4;
	_ =	sdelay $0x6  }
0x178: {  	v2 =	vor.u32 $0x3, v2  }
0x179: {  	v3 =	vor.u32 $0x7, v3  }
0x17a: {  	v4 =	vpop (erf)  }
0x17b: {  	[tilespmem:v40+s14+$0x0] =	vst.idx.msk $0xffff, v4  }
0x17c: {  	[tilespmem:v41+s20+$0x0] =	vst.idx.msk $0xffff, v4  }
0x17d: {  	v2 =	vld.idx.msk [tilespmem:v2+s4+$0x0], $0xffff  }
0x17e: {  	v3 =	vld.idx.msk [tilespmem:v3+s4+$0x0], $0xffff;
	_ =	sdelay $0x4  }
0x17f: {  	v2 =	vadd.f32 v3, v2;
	_ =	sdelay $0x1  }
0x180: {  	v3 =	vmul.f32 $2.000000030e-01, v2;
	_ =	sdelay $0x1  }
0x181: {  	v2 =	vmax.f32 v2, v3  }
0x182: {  	v2 =	vmul.f32 $1.442695020e+00, v2;
	_ =	sdelay $0x1  }
0x183: {  	(erf) = vpow2.f32 v2;
	_ =	sdelay $0x8  }
0x184: {  	v2 =	vpop (erf)  }
0x185: {  	[tilespmem:v42+s14+$0x0] =	vst.idx.msk $0xffff, v2  }
0x186: {  	[tilespmem:v43+s20+$0x0] =	vst.idx.msk $0xffff, v2  }
0x187: {  	v2 =	vld [tilespmem:$0x14050]  }
0x188: {  	v3 =	vld [tilespmem:$0x140D0];
	_ =	sdelay $0x4  }
0x189: {  	v2 =	vshll.u32 v2, $0x3;
	v3 =	vshll.u32 v3, $0x3  }
0x18a: {  	v4 =	vor.u32 $0x4, v3;
	_ =	sdelay $0x3  }
0x18b: {  	v5 =	vld.idx.msk [tilespmem:v2+s4+$0x0], $0xffff  }
0x18c: {  	v4 =	vld.idx.msk [tilespmem:v4+s4+$0x0], $0xffff;
	_ =	sdelay $0x4  }
0x18d: {  	v4 =	vadd.f32 v4, v5;
	_ =	sdelay $0x1  }
0x18e: {  	v5 =	vmul.f32 $2.000000030e-01, v4;
	_ =	sdelay $0x1  }
0x18f: {  	v4 =	vmax.f32 v4, v5  }
0x190: {  	v4 =	vmul.f32 $1.442695020e+00, v4;
	_ =	sdelay $0x1  }
0x191: {  	(erf) = vpow2.f32 v4;
	_ =	sdelay $0x6  }
0x192: {  	v4 =	vor.u32 $0x1, v2  }
0x193: {  	v5 =	vor.u32 $0x5, v3  }
0x194: {  	v63 =	vpop (erf)  }
0x195: {  	[tilespmem:v44+s14+$0x0] =	vst.idx.msk $0xffff, v63  }
0x196: {  	[tilespmem:v45+s20+$0x0] =	vst.idx.msk $0xffff, v63  }
0x197: {  	v4 =	vld.idx.msk [tilespmem:v4+s4+$0x0], $0xffff  }
0x198: {  	v5 =	vld.idx.msk [tilespmem:v5+s4+$0x0], $0xffff;
	_ =	sdelay $0x4  }
0x199: {  	v4 =	vadd.f32 v5, v4;
	_ =	sdelay $0x1  }
0x19a: {  	v5 =	vmul.f32 $2.000000030e-01, v4;
	_ =	sdelay $0x1  }
0x19b: {  	v4 =	vmax.f32 v4, v5  }
0x19c: {  	v4 =	vmul.f32 $1.442695020e+00, v4;
	_ =	sdelay $0x1  }
0x19d: {  	(erf) = vpow2.f32 v4;
	_ =	sdelay $0x6  }
0x19e: {  	v4 =	vor.u32 $0x2, v2  }
0x19f: {  	v5 =	vor.u32 $0x6, v3  }
0x1a0: {  	v63 =	vpop (erf)  }
0x1a1: {  	[tilespmem:v46+s14+$0x0] =	vst.idx.msk $0xffff, v63  }
0x1a2: {  	[tilespmem:v47+s20+$0x0] =	vst.idx.msk $0xffff, v63  }
0x1a3: {  	v4 =	vld.idx.msk [tilespmem:v4+s4+$0x0], $0xffff  }
0x1a4: {  	v5 =	vld.idx.msk [tilespmem:v5+s4+$0x0], $0xffff;
	_ =	sdelay $0x4  }
0x1a5: {  	v4 =	vadd.f32 v5, v4;
	_ =	sdelay $0x1  }
0x1a6: {  	v5 =	vmul.f32 $2.000000030e-01, v4;
	_ =	sdelay $0x1  }
0x1a7: {  	v4 =	vmax.f32 v4, v5  }
0x1a8: {  	v4 =	vmul.f32 $1.442695020e+00, v4;
	_ =	sdelay $0x1  }
0x1a9: {  	(erf) = vpow2.f32 v4;
	_ =	sdelay $0x6  }
0x1aa: {  	v2 =	vor.u32 $0x3, v2  }
0x1ab: {  	v3 =	vor.u32 $0x7, v3  }
0x1ac: {  	v4 =	vpop (erf)  }
0x1ad: {  	[tilespmem:v48+s14+$0x0] =	vst.idx.msk $0xffff, v4  }
0x1ae: {  	[tilespmem:v49+s20+$0x0] =	vst.idx.msk $0xffff, v4  }
0x1af: {  	v2 =	vld.idx.msk [tilespmem:v2+s4+$0x0], $0xffff  }
0x1b0: {  	v3 =	vld.idx.msk [tilespmem:v3+s4+$0x0], $0xffff;
	_ =	sdelay $0x4  }
0x1b1: {  	v2 =	vadd.f32 v3, v2;
	_ =	sdelay $0x1  }
0x1b2: {  	v3 =	vmul.f32 $2.000000030e-01, v2;
	_ =	sdelay $0x1  }
0x1b3: {  	v2 =	vmax.f32 v2, v3  }
0x1b4: {  	v2 =	vmul.f32 $1.442695020e+00, v2;
	_ =	sdelay $0x1  }
0x1b5: {  	(erf) = vpow2.f32 v2;
	_ =	sdelay $0x8  }
0x1b6: {  	v2 =	vpop (erf)  }
0x1b7: {  	[tilespmem:v50+s14+$0x0] =	vst.idx.msk $0xffff, v2  }
0x1b8: {  	[tilespmem:v51+s20+$0x0] =	vst.idx.msk $0xffff, v2  }
0x1b9: {  	v2 =	vld [tilespmem:$0x14060]  }
0x1ba: {  	v3 =	vld [tilespmem:$0x140E0];
	_ =	sdelay $0x4  }
0x1bb: {  	v2 =	vshll.u32 v2, $0x3;
	v3 =	vshll.u32 v3, $0x3  }
0x1bc: {  	v4 =	vor.u32 $0x4, v3;
	_ =	sdelay $0x3  }
0x1bd: {  	v5 =	vld.idx.msk [tilespmem:v2+s4+$0x0], $0xffff  }
0x1be: {  	v4 =	vld.idx.msk [tilespmem:v4+s4+$0x0], $0xffff;
	_ =	sdelay $0x4  }
0x1bf: {  	v4 =	vadd.f32 v4, v5;
	_ =	sdelay $0x1  }
0x1c0: {  	v5 =	vmul.f32 $2.000000030e-01, v4;
	_ =	sdelay $0x1  }
0x1c1: {  	v4 =	vmax.f32 v4, v5  }
0x1c2: {  	v4 =	vmul.f32 $1.442695020e+00, v4;
	_ =	sdelay $0x1  }
0x1c3: {  	(erf) = vpow2.f32 v4;
	_ =	sdelay $0x6  }
0x1c4: {  	v4 =	vor.u32 $0x1, v2  }
0x1c5: {  	v5 =	vor.u32 $0x5, v3  }
0x1c6: {  	v63 =	vpop (erf)  }
0x1c7: {  	[tilespmem:v52+s14+$0x0] =	vst.idx.msk $0xffff, v63  }
0x1c8: {  	[tilespmem:v53+s20+$0x0] =	vst.idx.msk $0xffff, v63  }
0x1c9: {  	v4 =	vld.idx.msk [tilespmem:v4+s4+$0x0], $0xffff  }
0x1ca: {  	v5 =	vld.idx.msk [tilespmem:v5+s4+$0x0], $0xffff;
	_ =	sdelay $0x4  }
0x1cb: {  	v4 =	vadd.f32 v5, v4;
	_ =	sdelay $0x1  }
0x1cc: {  	v5 =	vmul.f32 $2.000000030e-01, v4;
	_ =	sdelay $0x1  }
0x1cd: {  	v4 =	vmax.f32 v4, v5  }
0x1ce: {  	v4 =	vmul.f32 $1.442695020e+00, v4;
	_ =	sdelay $0x1  }
0x1cf: {  	(erf) = vpow2.f32 v4;
	_ =	sdelay $0x6  }
0x1d0: {  	v4 =	vor.u32 $0x2, v2  }
0x1d1: {  	v5 =	vor.u32 $0x6, v3  }
0x1d2: {  	v63 =	vpop (erf)  }
0x1d3: {  	[tilespmem:v54+s14+$0x0] =	vst.idx.msk $0xffff, v63  }
0x1d4: {  	[tilespmem:v55+s20+$0x0] =	vst.idx.msk $0xffff, v63  }
0x1d5: {  	v4 =	vld.idx.msk [tilespmem:v4+s4+$0x0], $0xffff  }
0x1d6: {  	v5 =	vld.idx.msk [tilespmem:v5+s4+$0x0], $0xffff;
	_ =	sdelay $0x4  }
0x1d7: {  	v4 =	vadd.f32 v5, v4;
	_ =	sdelay $0x1  }
0x1d8: {  	v5 =	vmul.f32 $2.000000030e-01, v4;
	_ =	sdelay $0x1  }
0x1d9: {  	v4 =	vmax.f32 v4, v5  }
0x1da: {  	v4 =	vmul.f32 $1.442695020e+00, v4;
	_ =	sdelay $0x1  }
0x1db: {  	(erf) = vpow2.f32 v4;
	_ =	sdelay $0x6  }
0x1dc: {  	v2 =	vor.u32 $0x3, v2  }
0x1dd: {  	v3 =	vor.u32 $0x7, v3  }
0x1de: {  	v4 =	vpop (erf)  }
0x1df: {  	[tilespmem:v56+s14+$0x0] =	vst.idx.msk $0xffff, v4  }
0x1e0: {  	[tilespmem:v57+s20+$0x0] =	vst.idx.msk $0xffff, v4  }
0x1e1: {  	v2 =	vld.idx.msk [tilespmem:v2+s4+$0x0], $0xffff  }
0x1e2: {  	v3 =	vld.idx.msk [tilespmem:v3+s4+$0x0], $0xffff;
	_ =	sdelay $0x4  }
0x1e3: {  	v2 =	vadd.f32 v3, v2;
	_ =	sdelay $0x1  }
0x1e4: {  	v3 =	vmul.f32 $2.000000030e-01, v2;
	_ =	sdelay $0x1  }
0x1e5: {  	v2 =	vmax.f32 v2, v3  }
0x1e6: {  	v2 =	vmul.f32 $1.442695020e+00, v2;
	_ =	sdelay $0x1  }
0x1e7: {  	(erf) = vpow2.f32 v2;
	_ =	sdelay $0x8  }
0x1e8: {  	v2 =	vpop (erf)  }
0x1e9: {  	[tilespmem:v58+s14+$0x0] =	vst.idx.msk $0xffff, v2  }
0x1ea: {  	[tilespmem:v59+s20+$0x0] =	vst.idx.msk $0xffff, v2  }
0x1eb: {  	v2 =	vld [tilespmem:$0x14070]  }
0x1ec: {  	v3 =	vld [tilespmem:$0x140F0];
	_ =	sdelay $0x4  }
0x1ed: {  	v2 =	vshll.u32 v2, $0x3;
	v3 =	vshll.u32 v3, $0x3  }
0x1ee: {  	v4 =	vor.u32 $0x4, v3;
	_ =	sdelay $0x3  }
0x1ef: {  	v5 =	vld.idx.msk [tilespmem:v2+s4+$0x0], $0xffff  }
0x1f0: {  	v4 =	vld.idx.msk [tilespmem:v4+s4+$0x0], $0xffff;
	_ =	sdelay $0x4  }
0x1f1: {  	v4 =	vadd.f32 v4, v5;
	_ =	sdelay $0x1  }
0x1f2: {  	v5 =	vmul.f32 $2.000000030e-01, v4;
	_ =	sdelay $0x1  }
0x1f3: {  	v4 =	vmax.f32 v4, v5  }
0x1f4: {  	v4 =	vmul.f32 $1.442695020e+00, v4;
	_ =	sdelay $0x1  }
0x1f5: {  	(erf) = vpow2.f32 v4;
	_ =	sdelay $0x6  }
0x1f6: {  	v4 =	vor.u32 $0x1, v2  }
0x1f7: {  	v5 =	vor.u32 $0x5, v3  }
0x1f8: {  	v63 =	vpop (erf)  }
0x1f9: {  	[tilespmem:v60+s14+$0x0] =	vst.idx.msk $0xffff, v63  }
0x1fa: {  	[tilespmem:v61+s20+$0x0] =	vst.idx.msk $0xffff, v63  }
0x1fb: {  	v4 =	vld.idx.msk [tilespmem:v4+s4+$0x0], $0xffff  }
0x1fc: {  	v5 =	vld.idx.msk [tilespmem:v5+s4+$0x0], $0xffff;
	_ =	sdelay $0x4  }
0x1fd: {  	v4 =	vadd.f32 v5, v4;
	_ =	sdelay $0x1  }
0x1fe: {  	v5 =	vmul.f32 $2.000000030e-01, v4;
	_ =	sdelay $0x1  }
0x1ff: {  	v4 =	vmax.f32 v4, v5  }
0x200: {  	v4 =	vmul.f32 $1.442695020e+00, v4;
	_ =	sdelay $0x1  }
0x201: {  	(erf) = vpow2.f32 v4;
	_ =	sdelay $0x6  }
0x202: {  	v4 =	vor.u32 $0x2, v2  }
0x203: {  	v5 =	vor.u32 $0x6, v3  }
0x204: {  	v63 =	vpop (erf)  }
0x205: {  	[tilespmem:v62+s14+$0x0] =	vst.idx.msk $0xffff, v63  }
0x206: {  	[tilespmem:v6+s20+$0x0] =	vst.idx.msk $0xffff, v63  }
0x207: {  	v4 =	vld.idx.msk [tilespmem:v4+s4+$0x0], $0xffff  }
0x208: {  	v5 =	vld.idx.msk [tilespmem:v5+s4+$0x0], $0xffff;
	_ =	sdelay $0x4  }
0x209: {  	v4 =	vadd.f32 v5, v4;
	_ =	sdelay $0x1  }
0x20a: {  	v5 =	vmul.f32 $2.000000030e-01, v4;
	_ =	sdelay $0x1  }
0x20b: {  	v4 =	vmax.f32 v4, v5  }
0x20c: {  	v4 =	vmul.f32 $1.442695020e+00, v4;
	_ =	sdelay $0x1  }
0x20d: {  	(erf) = vpow2.f32 v4;
	_ =	sdelay $0x6  }
0x20e: {  	v2 =	vor.u32 $0x3, v2  }
0x20f: {  	v3 =	vor.u32 $0x7, v3  }
0x210: {  	v4 =	vpop (erf)  }
0x211: {  	[tilespmem:v7+s14+$0x0] =	vst.idx.msk $0xffff, v4  }
0x212: {  	[tilespmem:v8+s20+$0x0] =	vst.idx.msk $0xffff, v4  }
0x213: {  	v2 =	vld.idx.msk [tilespmem:v2+s4+$0x0], $0xffff  }
0x214: {  	v3 =	vld.idx.msk [tilespmem:v3+s4+$0x0], $0xffff;
	_ =	sdelay $0x4  }
0x215: {  	v2 =	vadd.f32 v3, v2;
	_ =	sdelay $0x1  }
0x216: {  	v3 =	vmul.f32 $2.000000030e-01, v2;
	_ =	sdelay $0x1  }
0x217: {  	v2 =	vmax.f32 v2, v3  }
0x218: {  	v2 =	vmul.f32 $1.442695020e+00, v2;
	_ =	sdelay $0x1  }
0x219: {  	(erf) = vpow2.f32 v2;
	_ =	sdelay $0x5  }
0x21a: {  	v2 =	vor.u32 $0x1C3, v1;
	_ =	sdelay $0x2  }
0x21b: {  	v3 =	vpop (erf)  }
0x21c: {  	[tilespmem:v9+s14+$0x0] =	vst.idx.msk $0xffff, v3  }
0x21d: {  	[tilespmem:v2+s20+$0x0] =	vst.idx.msk $0xffff, v3  }
0x21e: {  	[spmem:s2] =	stream.indirect.scatter.add.f32 [tilespmem:s14], [sflag:$0x1], $0x8, s19, s13, $0xb8;
	[tilespmem:$0x15B00] =	vst v63  }
0x21f: {  	_ =	swait.ge [sflag:s11], $0x400  }
0x220: {  	p0 =	sne.s32 s23, $0x4F0;
	[sflag:s11] =	ssyncset.done $0x0  }
.Ltmp0:
0x221: {  	[sflag:s11] =	ssyncadd.s32 $0xFFFFFC00;
	(pc) =	sbr.rel @p0 .LBB2_2-.Ltmp0, $4  }
0x222: {  	[hbm4b:s22+s4] =	stream.linear.scatter [tilespmem:s20], [sflag:$0x1], $0x200, $0x38;
	[tilespmem:$0x15B00] =	vst v63  }
0x223: {  	_ =	swait.ge [sflag:s11], $0x200  }
0x224: {  	[sflag:s11] =	ssyncset.done $0x0  }
0x225: {  	s23 =	sadd.s32 $0x10, s23;
	s22 =	sadd.s32 $0x40, s22;
	[sflag:s11] =	ssyncadd.s32 $0xFFFFFE00  }
0x226: {  	s21 =	sadd.s32 $0x1, s21  }
0x227: {  	p0 =	sne.s32 s21, s7  }
.Ltmp1:
0x228: {  	[bflag:$0x0] =	sbarrier.arrive $0xFFFF;
	(pc) =	sbr.rel @p0 .LBB2_1-.Ltmp1, $4  }
0x229: {  	[hbm:s6@s17], [sflag:s15] =	dma.strided [spmem:s16@s11], $0x280, s11, $0x1   }
0x22a: {  	_ =	swait.ge [sflag:s11], $0x280  }
0x22b: {  	[sflag:s11] =	ssyncset.done $0x0  }
0x22c: {  	[sflag:s11] =	ssyncadd.s32 $0xFFFFFD80  }
0x22d: {  	_ =	sfence.sel $0x180000  }
0x22e: {  	[bflag:$0x0] =	sbarrier.arrive $0xFFFF  }
0x22f: {  	p0 =	sne.s32 s3, $0x0;
	_ =	strace $0x9000004A  }
0x230: {  	s0 =	sadd.s32 @!p0 $0x100000, s1;
	[bflag:$0x2] =	sbarrier.arrive $0xFFFF  }
0x231: {  	[sflag:s0] =	ssyncadd.tile.s32 @!p0 $0x1;
	_ =	shalt  }
.Lfunc_end2:
_tile_overlayer_lowered:
.L_overlay_start_2:
0x232: {  	(tag) =	ssettag $0x2  }
0x233: {  	s0 =	rddreg [dreg:$0x0];
	s2 =	stileid.u32  }
0x234: {  	s1 =	rddreg [dreg:$0x1];
	p0 =	sne.s32 s2, $0x0  }
0x235: {  	s3 =	rddreg [dreg:$0x2];
	[bflag:$0x3] =	sbarrier.arrive $0xFFFF;
	s2 =	simm.s32 @!p0 $0x1C01  }
0x236: {  	[timem:s3], [sflag:s2] =	dma.local @!p0 [hbm:s0], s1  }
0x237: {  	s0 =	simm.s32 @!p0 $0x1  }
0x238: {  	_ =	swait.ge @!p0 [sflag:s0], s1  }
0x239: {  	s1 =	ssub.s32 @!p0 $0x0, s1;
	[sflag:s0] =	ssyncset.done @!p0 $0x0  }
0x23a: {  	[sflag:s0] =	ssyncadd.s32 @!p0 s1  }
0x23b: {  	[bflag:$0x3] =	sbarrier.arrive $0xFFFF  }
0x23c: {  	_ =	shalt  }

// kernel: kernel.13.cloned.1.call-start
scs
__scs_entry_jumppad:
0x0: {  	(pc) =	sbr.rel $0x88, $3  }
0x1: {  	(tag) =	ssettag $0x0;
	lr =	simm.s32 $0x1  }
0x2: {  	[smem:$0x3F8E] =	sst lr;
	_ =	strace $0xD0000000  }
0x3: {  	_ = 	snop  }
0x4: {  	_ = 	snop  }
0x5: {  	_ = 	snop  }
0x6: {  	_ = 	snop  }
0x7: {  	_ = 	snop  }
__scs_overlays_trampoline_lowered:
0x8: {  	[smem:$0x3F9D] =	sst s0  }
0x9: {  	[smem:$0x3F9E] =	sst s1  }
0xa: {  	[smem:$0x3F9F] =	sst s2  }
0xb: {  	[smem:$0x3FA0] =	sst s3  }
0xc: {  	[smem:$0x3FA1] =	sst s4  }
0xd: {  	[smem:$0x3FA2] =	sst s5  }
0xe: {  	[smem:$0x3FA3] =	sst s6  }
0xf: {  	[smem:$0x3FA4] =	sst s7  }
0x10: {  	[smem:$0x3FA5] =	sst s8  }
0x11: {  	[smem:$0x3FA6] =	sst s9;
	s0 =	simm.s32 @!p0 $0x0  }
0x12: {  	s1 =	sld [smem:$0x3F8C];
	s0 =	simm.s32 @p0 $0x1  }
0x13: {  	[smem:$0x3FA7] =	sst s0;
	s0 =	simm.s32 @!p1 $0x0  }
0x14: {  	s2 =	sld [smem:$0x3F8B];
	s0 =	simm.s32 @p1 $0x1  }
0x15: {  	[smem:$0x3FA8] =	sst s0;
	s0 =	simm.s32 @!p2 $0x0  }
0x16: {  	s3 =	sld [smem:$0x3FDB];
	s0 =	simm.s32 @p2 $0x1  }
0x17: {  	s4 =	simm.s32 $0x1BF5;
	[smem:$0x3FAA] =	sst s0  }
0x18: {  	s0 =	sld [smem:$0x3F8D];
	_ =	swait.ge [sflag:s4], $0x0  }
0x19: {  	s7 =	sld [smem:$0x3F8E]  }
0x1a: {  	s8 =	sadd.s32 $0xFFFFE003, lr  }
0x1b: {  	s9 =	sadd.s32 $0xFFFFFEF7, lr;
	s5 =	simm.s32 $0xFFFFFFFF;
	p2 =	slt.u32 s8, $0xFFFFF086  }
0x1c: {  	p1 =	slt.u32 s9, $0xF7A;
	s5 =	simm.s32 @!p2 $0x0  }
0x1d: {  	s5 =	simm.s32 @p1 $0x1;
	p0 =	seq.s32 s7, s2  }
0x1e: {  	s7 =	smul.u32 @!p0 $0xF7A, s2;
	p2 =	seq.s32 @!p0 s5, $0x0  }
0x1f: {  	s9 =	smul.u32 $0xF7A, s1;
	s8 =	simm.s32 @!p0 $0x1BF5;
	p2 =	por !p2, p0  }
0x20: {  	[sflag:s8] =	ssyncset.s32 @!p0 $0xFFFFF086;
	s6 =	sadd.s32 @!p0 s3, s7;
	s7 =	simm.s32 @!p0 $0x108  }
0x21: {  	s3 =	sadd.s32 s3, s9;
	s6 =	sadd.s32 @!p0 $0x88, s6;
	s7 =	simm.s32 @p2 $0x1082  }
0x22: {  	[simem:s7], [sflag:s8] =	dma.local @!p0 [hbm:s6], $0xF7A  }
0x23: {  	s9 =	sor.u32 $0xD0000000, s2;
	s6 =	simm.s32 $0x108;
	_ =	swait.ge @!p0 [sflag:s8], $0x0  }
0x24: {  	s3 =	sadd.s32 $0x88, s3;
	s6 =	simm.s32 @!p1 $0x1082;
	[sflag:s4] =	ssyncset.s32 $0xFFFFF086  }
0x25: {  	[simem:s6], [sflag:s4] =	dma.local [hbm:s3], $0xF7A  }
0x26: {  	[smem:$0x3F8E] =	sst s1;
	(tag) =	ssettag s2;
	_ =	strace s9  }
0x27: {  	s1 =	sld [smem:$0x3F9E]  }
0x28: {  	s2 =	sld [smem:$0x3F9F]  }
0x29: {  	s4 =	sld [smem:$0x3FA1]  }
0x2a: {  	p0 =	seq.s32 s5, $0x0;
	s5 =	sld [smem:$0x3FA2]  }
0x2b: {  	s6 =	sld [smem:$0x3FA3]  }
0x2c: {  	s7 =	sld [smem:$0x3FA4]  }
0x2d: {  	s3 =	simm.s32 $0x108;
	s8 =	sld [smem:$0x3FA5]  }
0x2e: {  	s3 =	simm.s32 @!p0 $0x1082;
	s9 =	sld [smem:$0x3FA6]  }
0x2f: {  	lr =	sadd.s32 s0, s3;
	s0 =	sld [smem:$0x3F9D]  }
0x30: {  	s3 =	sld [smem:$0x3FA0]  }
0x31: {  	[smem:$0x3FA9] =	sst s10  }
0x32: {  	s10 =	sld [smem:$0x3FA7];
	_ =	sdelay $0x3  }
0x33: {  	p0 =	seq.s32 s10, $0x1;
	s10 =	sld [smem:$0x3FA9];
	_ =	sdelay $0x3  }
0x34: {  	[smem:$0x3FA9] =	sst s10  }
0x35: {  	s10 =	sld [smem:$0x3FA8];
	_ =	sdelay $0x3  }
0x36: {  	p1 =	seq.s32 s10, $0x1;
	s10 =	sld [smem:$0x3FA9];
	_ =	sdelay $0x3  }
0x37: {  	[smem:$0x3FA9] =	sst s10  }
0x38: {  	s10 =	sld [smem:$0x3FAA]  }
0x39: {  	_ = 	snop;
	(pc) =	sbr.ind lr, $3  }
0x3a: {  	_ = 	snop  }
0x3b: {  	_ = 	snop  }
0x3c: {  	p2 =	seq.s32 s10, $0x1;
	s10 =	sld [smem:$0x3FA9]  }
0x3d: {  	_ =	shalt  }
0x3e: {  	_ =	shalt  }
0x3f: {  	_ =	shalt  }
0x40: {  	_ =	shalt  }
0x41: {  	_ =	shalt  }
0x42: {  	_ =	shalt  }
0x43: {  	_ =	shalt  }
0x44: {  	_ =	shalt  }
0x45: {  	_ =	shalt  }
0x46: {  	_ =	shalt  }
0x47: {  	_ =	shalt  }
0x48: {  	_ =	shalt  }
0x49: {  	_ =	shalt  }
0x4a: {  	_ =	shalt  }
0x4b: {  	_ =	shalt  }
0x4c: {  	_ =	shalt  }
0x4d: {  	_ =	shalt  }
0x4e: {  	_ =	shalt  }
0x4f: {  	_ =	shalt  }
0x50: {  	_ =	shalt  }
0x51: {  	_ =	shalt  }
0x52: {  	_ =	shalt  }
0x53: {  	_ =	shalt  }
0x54: {  	_ =	shalt  }
0x55: {  	_ =	shalt  }
0x56: {  	_ =	shalt  }
0x57: {  	_ =	shalt  }
0x58: {  	_ =	shalt  }
0x59: {  	_ =	shalt  }
0x5a: {  	_ =	shalt  }
0x5b: {  	_ =	shalt  }
0x5c: {  	_ =	shalt  }
0x5d: {  	_ =	shalt  }
0x5e: {  	_ =	shalt  }
0x5f: {  	_ =	shalt  }
0x60: {  	_ =	shalt  }
0x61: {  	_ =	shalt  }
0x62: {  	_ =	shalt  }
0x63: {  	_ =	shalt  }
0x64: {  	_ =	shalt  }
0x65: {  	_ =	shalt  }
0x66: {  	_ =	shalt  }
0x67: {  	_ =	shalt  }
0x68: {  	_ =	shalt  }
0x69: {  	_ =	shalt  }
0x6a: {  	_ =	shalt  }
0x6b: {  	_ =	shalt  }
0x6c: {  	_ =	shalt  }
0x6d: {  	_ =	shalt  }
0x6e: {  	_ =	shalt  }
0x6f: {  	_ =	shalt  }
0x70: {  	_ =	shalt  }
0x71: {  	_ =	shalt  }
0x72: {  	_ =	shalt  }
0x73: {  	_ =	shalt  }
0x74: {  	_ =	shalt  }
0x75: {  	_ =	shalt  }
0x76: {  	_ =	shalt  }
0x77: {  	_ =	shalt  }
0x78: {  	_ =	shalt  }
0x79: {  	_ =	shalt  }
0x7a: {  	_ =	shalt  }
0x7b: {  	_ =	shalt  }
0x7c: {  	_ =	shalt  }
0x7d: {  	_ =	shalt  }
0x7e: {  	_ =	shalt  }
0x7f: {  	_ =	shalt  }
0x80: {  	_ =	shalt  }
0x81: {  	_ =	shalt  }
0x82: {  	_ =	shalt  }
0x83: {  	_ =	shalt  }
0x84: {  	_ =	shalt  }
0x85: {  	_ =	shalt  }
0x86: {  	_ =	shalt  }
0x87: {  	_ =	shalt  }
.Lfunc_end0:
.L_simem_size_0:
called_computation.2_lowered:
.L_overlay_start_0:
0x88: {  	s2 =	sld [smem:$0x3FD9]  }
0x89: {  	s3 =	sld [smem:$0x3FFE];
	_ =	sdelay $0x1  }
0x8a: {  	s1 =	srdreg.scid  }
0x8b: {  	s0 =	sand.u32 $0x1, s1  }
0x8c: {  	s14 =	sshll.u32 s0, $0xA;
	s2 =	sadd.s32 s3, s2  }
0x8d: {  	s2 =	sadd.s32 s2, s14  }
0x8e: {  	[smem:$0x3FB5] =	sst s2  }
0x8f: {  	_ = 	snop  }
0x90: {  	s2 =	sld [smem:$0x3FD0];
	_ =	sdelay $0x2  }
0x91: {  	s15 =	simm.s32 $0xA;
	s4 =	simm.s32 $0x10  }
0x92: {  	[smem:s4], [sflag:s15] =	dma.local [hbm:s2], $0x1  }
0x93: {  	_ =	swait.eq [sflag:s15], $0x1  }
0x94: {  	s16 =	sld [smem:$0x11];
	[sflag:s15] =	ssyncset.done $0x0  }
0x95: {  	s17 =	sld [smem:$0x14];
	[sflag:s15] =	ssyncadd.s32 $0xFFFFFFFF  }
0x96: {  	s18 =	sld [smem:$0x15];
	(tm) =	ssettm $0x1  }
0x97: {  	s5 =	sld [smem:$0x3FFB];
	_ =	sdelay $0x3  }
0x98: {  	_ =	strace s5  }
0x99: {  	s5 =	sld [smem:$0x3FFC];
	_ =	sdelay $0x3  }
0x9a: {  	_ =	strace s5  }
0x9b: {  	s5 =	sld [smem:$0x3FFD];
	_ =	sdelay $0x3  }
0x9c: {  	_ =	strace s5  }
0x9d: {  	_ =	strace $0x8FFFFFFF  }
0x9e: {  	s19 =	sld [smem:$0x3FDB];
	_ =	sdelay $0x1  }
0x9f: {  	s6 =	simm.s32 $_scs_section_size  }
0xa0: {  	s7 =	simm.s32 $_size__tile_overlayer_lowered;
	s8 =	simm.s32 $_tile_overlayer_lowered  }
0xa1: {  	s22 =	simm.s32 $0x1BFF;
	s21 =	sshll.u32 s8, $0x1;
	s5 =	sadd.s32 s6, s19  }
0xa2: {  	s9 =	simm.s32 $0x0;
	s20 =	sshll.u32 s7, $0x1;
	s7 =	sadd.s32 s21, s5  }
0xa3: {  	[timem:s9], [sflag:s22] =	dma.local [hbm:s7], s20  }
0xa4: {  	_ =	swait.ge [sflag:s22], s20  }
0xa5: {  	s6 =	ssub.s32 $0x0, s20;
	[sflag:s22] =	ssyncset.done $0x0  }
0xa6: {  	[sflag:s22] =	ssyncadd.s32 s6;
	_ =	sdelay $0x1  }
0xa7: {  	s23 =	simm.s32 $0x1B8B  }
0xa8: {  	_ =	swait.ge [sflag:s23], $0x1  }
0xa9: {  	[sflag:s23] =	ssyncset.done $0x0  }
0xaa: {  	s25 =	simm.s32 $0x1B8E;
	s24 =	sld [smem:$0x3FFE];
	[sflag:s23] =	ssyncadd.s32 $0xFFFFFFFF  }
0xab: {  	s26 =	simm.s32 $execute0_lowered;
	[smem:$0x3FD2] =	sst s25  }
0xac: {  	s7 =	sshll.u32 s26, $0x1;
	_ =	strace $0x8000004C;
	[dreg:$0x1] =	wrdreg $0xFFFFFFFF  }
0xad: {  	s28 =	simm.s32 $_size_execute0_lowered;
	s5 =	sadd.s32 s5, s7;
	[dreg:$0x0] =	wrdreg $0x0  }
0xae: {  	s7 =	sshll.u32 s28, $0x1;
	[dreg:$0x2] =	wrdreg s5  }
0xaf: {  	[dreg:$0x3] =	wrdreg s7  }
0xb0: {  	[dreg:$0x4] =	wrdreg $0xC0  }
0xb1: {  	_ =	task [dreg:s9], $0x5FFFF  }
0xb2: {  	[dreg:$0x1] =	wrdreg $0xFFFFFFFF  }
0xb3: {  	[dreg:$0x0] =	wrdreg $0x60  }
0xb4: {  	[dreg:$0x2] =	wrdreg s18  }
0xb5: {  	[dreg:$0x3] =	wrdreg s17  }
0xb6: {  	[dreg:$0x4] =	wrdreg s24  }
0xb7: {  	[dreg:$0x5] =	wrdreg s16  }
0xb8: {  	[dreg:$0x6] =	wrdreg $0xC6000  }
0xb9: {  	[dreg:$0x7] =	wrdreg $0x9  }
0xba: {  	_ =	task.clear_ibuf [dreg:s9], $0x8FFFF;
	_ =	strace $0x9000004C  }
0xbb: {  	s29 =	simm.s32 $0x9;
	_ =	strace $0x8000004E  }
0xbc: {  	_ =	swait.ge [sflag:s29], $0x1  }
0xbd: {  	[sflag:s29] =	ssyncadd.s32 $0xFFFFFFFF  }
0xbe: {  	_ =	strace $0x9000004E  }
0xbf: {  	_ =	sfence  }
0xc0: {  	s30 =	sld [smem:$0x0];
	_ =	sdelay $0x2  }
0xc1: {  	s31 =	sshll.u32 s1, $0xD;
	s1 =	sshrl.u32 s1, $0x2  }
0xc2: {  	s3 =	sand.u32 $0x4000, s31;
	s1 =	sadd.s32 s1, s30  }
0xc3: {  	s0 =	sor.u32 s3, s0;
	s1 =	sshll.u32 s1, $0x11  }
0xc4: {  	s0 =	sor.u32 s1, s0  }
0xc5: {  	s0 =	sadd.s32 $0x8F2B, s0  }
0xc6: {  	[sflag:s0] =	ssyncadd.remote.s32 $0x1  }
0xc7: {  	_ =	sfence.sel $0xFFFF  }
0xc8: {  	[dreg:$0x0] =	wrdreg $0xFFFFFFFF;
	(pc) =	sbr.abs _section_cstart, $3  }
0xc9: {  	[dreg:$0x1] =	wrdreg $0xFFFFFFFF  }
0xca: {  	_ =	task.clear_ibuf [dreg:s9], $0x2FFFF;
	_ =	strace $0x9FFFFFFF  }
0xcb: {  	(tm) =	ssettm $0x7FFFFFFF  }
tec
execute0_lowered:
.L_overlay_start_1:
0x0: {  	(tag) =	ssettag $0x1  }
0x1: {  	s1 =	rddreg [dreg:$0x0]  }
0x2: {  	s2 =	rddreg [dreg:$0x1]  }
0x3: {  	s0 =	rddreg [dreg:$0x2]  }
0x4: {  	s22 =	rddreg [dreg:$0x3]  }
0x5: {  	s4 =	rddreg [dreg:$0x4];
	s5 =	simm.s32 $0x0  }
0x6: {  	s3 =	srdreg.scid;
	s12 =	stileid.u32;
	s31 =	simm.s32 $0x100  }
0x7: {  	s28 =	simm.s32 $0x5;
	s29 =	simm.s32 $0x6;
	[smem:$0x7FF] =	sst s5  }
0x8: {  	s7 =	sadd.s32 $0x54E00, s0;
	s8 =	sadd.s32 $0x7CE00, s0;
	s6 =	smul.u32 $0x28000, s12  }
0x9: {  	s9 =	sadd.s32 $0x2CE00, s0;
	s3 =	sand.u32 $0x1, s3;
	s11 =	smul.u32 $0x5000, s12  }
0xa: {  	s13 =	sadd.s32 $0xA4E00, s0;
	s14 =	sadd.s32 $0xCCE00, s0;
	s16 =	smul.u32 $0x2800, s12  }
0xb: {  	s25 =	sshll.u32 s12, $0x6;
	s18 =	smul.u32 $0xA0, s12;
	s12 =	simm.s32 $0x3  }
0xc: {  	_ =	strace $0x8000004D;
	s24 =	ssub.s32 $0x2, s3;
	[dreg:$0x6] =	wrdreg s13  }
0xd: {  	s30 =	sor.u32 $0x1C07, s25;
	p0 =	seq.s32 s3, $0x1;
	[dreg:$0x7] =	wrdreg s14  }
0xe: {  	s10 =	sshrl.u32 s24, $0x1;
	s6 =	sshrl.u32 s6, $0x2;
	s26 =	sshrl.u32 s11, $0x3  }
0xf: {  	s19 =	sor.u32 $0x100, s11;
	s20 =	sor.u32 $0x180, s11;
	s21 =	smov.u32 s18  }
0x10: {  	s25 =	sadd.s32 s14, s16;
	s11 =	simm.s32 $0x4200;
	[dreg:$0x9] =	wrdreg s30  }
0x11: {  	s0 =	ssub.s32 s24, s10;
	s10 =	sadd.s32 s2, s26;
	[dreg:$0x10] =	wrdreg s25  }
0x12: {  	s14 =	simm.s32 $0xA200;
	s3 =	sadd.s32 s1, s26;
	[dreg:$0xa] =	wrdreg s10  }
0x13: {  	s23 =	sadd.s32 s6, s4;
	s24 =	sadd.s32 s13, s16;
	[dreg:$0xb] =	wrdreg s3  }
0x14: {  	s15 =	sor.u32 $0x10, s26;
	s26 =	sor.u32 $0x8, s16;
	[dreg:$0xe] =	wrdreg s24  }
0x15: {  	s13 =	simm.s32 $0x8;
	s16 =	simm.s32 $0x7;
	[dreg:$0x12] =	wrdreg s26  }
0x16: {  	s25 =	simm.s32 $0x4;
	s17 =	sadd.s32 s2, s15;
	[dreg:$0x8] =	wrdreg s23  }
.Ltmp0:
0x17: {  	s6 =	sadd.s32 s1, s15;
	[dreg:$0xc] =	wrdreg s17;
	(pc) =	sbr.rel .LBB2_1-.Ltmp0, $4  }
0x18: {  	s3 =	sor.u32 $0x1, s18;
	s0 =	smax.u32 s0, $0x1;
	[dreg:$0xd] =	wrdreg s6  }
0x19: {  	s26 =	simm.s32 $0x1;
	s15 =	simm.s32 $0x10;
	[dreg:$0xf] =	wrdreg s3  }
0x1a: {  	s10 =	simm.s32 $0x2;
	s24 =	simm.s32 $0x8200;
	[dreg:$0x11] =	wrdreg s0  }
0x1b: {  	s0 =	simm.s32 $0x80;
	s6 =	simm.s32 $0x180;
	s17 =	simm.s32 $0x0  }
.LBB2_30:
0x1c: {  	s3 =	rddreg [dreg:$0x7]  }
0x1d: {  	s22 =	rddreg [dreg:$0x3]  }
0x1e: {  	s23 =	rddreg [dreg:$0x8]  }
0x1f: {  	s30 =	rddreg [dreg:$0x9]  }
0x20: {  	s17 =	rddreg [dreg:$0x13]  }
.LBB2_31:
0x21: {  	_ =	swait.ge [sflag:s29], $0x2000  }
0x22: {  	[sflag:s29] =	ssyncset.done $0x0  }
0x23: {  	[sflag:s29] =	ssyncadd.s32 $0xFFFFE000  }
0x24: {  	s15 =	simm.s32 $0x10;
	s13 =	rddreg [dreg:$0x12];
	[bflag:$0x0] =	sbarrier.arrive $0xFFFF  }
0x25: {  	s3 =	sadd.s32 s13, s3;
	s13 =	simm.s32 $0x8;
	s16 =	rddreg [dreg:$0x14]  }
0x26: {  	[hbm:s3@s15], [sflag:s30] =	dma.strided [spmem:s16@s13], $0x1400, s26, $0x8   }
0x27: {  	s16 =	simm.s32 $0x7  }
0x28: {  	_ =	swait.ge [sflag:s16], $0x1400  }
0x29: {  	s17 =	sadd.s32 $0x1, s17;
	s18 =	rddreg [dreg:$0x11]  }
0x2a: {  	p1 =	sne.s32 s17, s18  }
.Ltmp1:
0x2b: {  	_ = 	snop;
	(pc) =	sbr.rel @!p1 .LBB2_32-.Ltmp1, $3  }
0x2c: {  	_ =	sdelay $0x1  }
0x2d: {  	[sflag:s16] =	ssyncset.done $0x0  }
0x2e: {  	[sflag:s16] =	ssyncadd.s32 $0xFFFFEC00  }
.LBB2_1:
0x2f: {  	[dreg:$0x13] =	wrdreg s17;
	s3 =	sshrl.u32 s23, $0x3  }
0x30: {  	[dreg:$0x14] =	wrdreg s3  }
0x31: {  	[spmem:s3@s13], [sflag:s30] =	dma.strided [hbm:s22@s15], $0x1400, s26, $0x8   }
.Ltmp2:
0x32: {  	_ =	swait.ge [sflag:s16], $0x1400;
	(pc) =	sbr.rel @!p0 .LBB2_2-.Ltmp2, $3  }
0x33: {  	[sflag:s16] =	ssyncset.done $0x0  }
0x34: {  	[sflag:s16] =	ssyncadd.s32 $0xFFFFEC00  }
0x35: {  	[bflag:$0x0] =	sbarrier.arrive $0xFFFF;
	_ =	sdelay $0x1  }
0x36: {  	s18 =	simm.s32 $0x0;
	s3 =	rddreg [dreg:$0xb]  }
0x37: {  	[tilespmem:s18], [sflag:$0x1] =	stream.linear.gather [hbm4b:s3+s18], $0x80, $0x38;
	[tilespmem:$0x16600] =	vst v63  }
0x38: {  	s22 =	rddreg [dreg:$0xa]  }
0x39: {  	[tilespmem:s31], [sflag:$0x1] =	stream.linear.gather [hbm4b:s22+s18], $0x80, $0x38;
	[tilespmem:$0x16600] =	vst v63  }
0x3a: {  	s23 =	rddreg [dreg:$0xd]  }
0x3b: {  	[tilespmem:s0], [sflag:$0x2] =	stream.linear.gather [hbm4b:s23+s18], $0x80, $0x38;
	[tilespmem:$0x16600] =	vst v63  }
0x3c: {  	s30 =	rddreg [dreg:$0xc];
	s13 =	simm.s32 $0x0  }
0x3d: {  	[tilespmem:s6], [sflag:$0x2] =	stream.linear.gather [hbm4b:s30+s18], $0x80, $0x38;
	[tilespmem:$0x16600] =	vst v63  }
.LBB2_18:
0x3e: {  	_ =	swait.ge [sflag:s26], $0x80  }
0x3f: {  	[sflag:s26] =	ssyncset.done $0x0  }
0x40: {  	[sflag:s26] =	ssyncadd.s32 $0xFFFFFF80  }
0x41: {  	_ =	swait.ge [sflag:s26], $0x80  }
0x42: {  	s3 =	sshll.u32 s13, $0x1;
	[sflag:s26] =	ssyncset.done $0x0  }
0x43: {  	s15 =	simm.s32 $0x200;
	s16 =	sadd.s32 s21, s3;
	[sflag:s26] =	ssyncadd.s32 $0xFFFFFF80  }
0x44: {  	[tilespmem:s15], [sflag:$0x3] =	stream.indirect.gather [hbm4b:s8+s0], $0x80, s18, s0, $0xb8;
	[tilespmem:$0x16600] =	vst v63  }
0x45: {  	s15 =	sshll.u32 s16, $0x6  }
0x46: {  	s16 =	simm.s32 $0xC200;
	s15 =	sadd.s32 s9, s15  }
0x47: {  	[tilespmem:s16], [sflag:$0x3] =	stream.linear.gather [hbm4b:s15+s18], $0x200, $0x38;
	[tilespmem:$0x16600] =	vst v63  }
0x48: {  	_ =	swait.ge [sflag:s10], $0x80  }
0x49: {  	[sflag:s10] =	ssyncset.done $0x0  }
0x4a: {  	[sflag:s10] =	ssyncadd.s32 $0xFFFFFF80  }
0x4b: {  	_ =	swait.ge [sflag:s10], $0x80  }
0x4c: {  	[sflag:s10] =	ssyncset.done $0x0;
	s17 =	rddreg [dreg:$0xf]  }
0x4d: {  	[sflag:s10] =	ssyncadd.s32 $0xFFFFFF80;
	s3 =	sadd.s32 s3, s17  }
0x4e: {  	[tilespmem:s11], [sflag:$0x4] =	stream.indirect.gather [hbm4b:s8+s0], $0x80, s0, s0, $0xb8;
	[tilespmem:$0x16600] =	vst v63  }
0x4f: {  	s3 =	sshll.u32 s3, $0x6  }
0x50: {  	s22 =	simm.s32 $0xC400;
	s3 =	sadd.s32 s9, s3  }
0x51: {  	[tilespmem:s22], [sflag:$0x4] =	stream.linear.gather [hbm4b:s3+s18], $0x200, $0x38;
	[tilespmem:$0x16600] =	vst v63  }
0x52: {  	_ =	swait.ge [sflag:s12], $0x4000  }
0x53: {  	[sflag:s12] =	ssyncset.done $0x0  }
0x54: {  	[sflag:s12] =	ssyncadd.s32 $0xFFFFC000  }
0x55: {  	_ =	swait.ge [sflag:s12], $0x200  }
0x56: {  	[sflag:s12] =	ssyncset.done $0x0  }
0x57: {  	s23 =	simm.s32 $0x0;
	[sflag:s12] =	ssyncadd.s32 $0xFFFFFE00  }
0x58: {  	v0 =	vld [tilespmem:s23+$0xC200]  }
0x59: {  	s16 =	simm.s32 $0x300  }
0x5a: {  	v1 =	vld [tilespmem:s16+$0xFFFFFF00];
	_ =	sdelay $0x2  }
0x5b: {  	v2 =	vbroadcast v0, $0x0;
	_ =	sdelay $0x1  }
0x5c: {  	v1 =	vmul.f32 v2, v1  }
0x5d: {  	s15 =	simm.s32 $0x8280  }
0x5e: {  	[tilespmem:s15+$0xFFFFFF80] =	vst v1  }
0x5f: {  	v1 =	vld [tilespmem:s16+$0xFFFFFF10];
	_ =	sdelay $0x4  }
0x60: {  	v1 =	vmul.f32 v1, v2;
	_ =	sdelay $0x1  }
0x61: {  	[tilespmem:s15+$0xFFFFFF90] =	vst v1  }
0x62: {  	v1 =	vld [tilespmem:s16+$0xFFFFFF20];
	_ =	sdelay $0x2  }
0x63: {  	v2 =	vbroadcast v0, $0x1;
	_ =	sdelay $0x1  }
0x64: {  	v1 =	vmul.f32 v1, v2;
	_ =	sdelay $0x1  }
0x65: {  	[tilespmem:s15+$0xFFFFFFA0] =	vst v1  }
0x66: {  	v1 =	vld [tilespmem:s16+$0xFFFFFF30];
	_ =	sdelay $0x4  }
0x67: {  	v1 =	vmul.f32 v1, v2;
	_ =	sdelay $0x1  }
0x68: {  	[tilespmem:s15+$0xFFFFFFB0] =	vst v1  }
0x69: {  	v1 =	vld [tilespmem:s16+$0xFFFFFF80];
	_ =	sdelay $0x2  }
0x6a: {  	v2 =	vbroadcast v0, $0x4;
	_ =	sdelay $0x1  }
0x6b: {  	v1 =	vmul.f32 v1, v2;
	_ =	sdelay $0x1  }
0x6c: {  	[tilespmem:s15+$0xFFFFFFC0] =	vst v1  }
0x6d: {  	v1 =	vld [tilespmem:s16+$0xFFFFFF90];
	_ =	sdelay $0x4  }
0x6e: {  	v1 =	vmul.f32 v1, v2;
	_ =	sdelay $0x1  }
0x6f: {  	[tilespmem:s15+$0xFFFFFFD0] =	vst v1  }
0x70: {  	v1 =	vld [tilespmem:s16+$0xFFFFFFA0];
	_ =	sdelay $0x2  }
0x71: {  	v2 =	vbroadcast v0, $0x5;
	_ =	sdelay $0x1  }
0x72: {  	v1 =	vmul.f32 v1, v2;
	_ =	sdelay $0x1  }
0x73: {  	[tilespmem:s15+$0xFFFFFFE0] =	vst v1  }
0x74: {  	v1 =	vld [tilespmem:s16+$0xFFFFFFB0];
	_ =	sdelay $0x4  }
0x75: {  	v1 =	vmul.f32 v1, v2;
	_ =	sdelay $0x1  }
0x76: {  	[tilespmem:s15+$0xFFFFFFF0] =	vst v1  }
0x77: {  	v1 =	vld [tilespmem:s16+$0x0];
	_ =	sdelay $0x2  }
0x78: {  	v2 =	vbroadcast v0, $0x8;
	_ =	sdelay $0x1  }
0x79: {  	v1 =	vmul.f32 v1, v2;
	_ =	sdelay $0x1  }
0x7a: {  	[tilespmem:s15+$0x0] =	vst v1  }
0x7b: {  	v1 =	vld [tilespmem:s16+$0x10];
	_ =	sdelay $0x4  }
0x7c: {  	v1 =	vmul.f32 v1, v2;
	_ =	sdelay $0x1  }
0x7d: {  	[tilespmem:s15+$0x10] =	vst v1  }
0x7e: {  	v1 =	vld [tilespmem:s16+$0x20];
	_ =	sdelay $0x2  }
0x7f: {  	v2 =	vbroadcast v0, $0x9;
	_ =	sdelay $0x1  }
0x80: {  	v1 =	vmul.f32 v1, v2;
	_ =	sdelay $0x1  }
0x81: {  	[tilespmem:s15+$0x20] =	vst v1  }
0x82: {  	v1 =	vld [tilespmem:s16+$0x30];
	_ =	sdelay $0x4  }
0x83: {  	v1 =	vmul.f32 v1, v2;
	_ =	sdelay $0x1  }
0x84: {  	[tilespmem:s15+$0x30] =	vst v1  }
0x85: {  	v1 =	vld [tilespmem:s16+$0x80];
	_ =	sdelay $0x2  }
0x86: {  	v2 =	vbroadcast v0, $0xC;
	_ =	sdelay $0x1  }
0x87: {  	v1 =	vmul.f32 v1, v2;
	_ =	sdelay $0x1  }
0x88: {  	[tilespmem:s15+$0x40] =	vst v1  }
0x89: {  	v1 =	vld [tilespmem:s16+$0x90];
	_ =	sdelay $0x4  }
0x8a: {  	v1 =	vmul.f32 v1, v2;
	_ =	sdelay $0x1  }
0x8b: {  	[tilespmem:s15+$0x50] =	vst v1  }
0x8c: {  	v1 =	vld [tilespmem:s16+$0xA0];
	_ =	sdelay $0x2  }
0x8d: {  	v0 =	vbroadcast v0, $0xD;
	_ =	sdelay $0x1  }
0x8e: {  	v1 =	vmul.f32 v1, v0;
	_ =	sdelay $0x1  }
0x8f: {  	[tilespmem:s15+$0x60] =	vst v1  }
0x90: {  	v1 =	vld [tilespmem:s16+$0xB0];
	_ =	sdelay $0x4  }
0x91: {  	s30 =	simm.s32 $0x8380;
	s3 =	simm.s32 $0x80;
	s23 =	simm.s32 $0x40;
	v0 =	vmul.f32 v1, v0  }
.LBB2_19:
0x92: {  	s22 =	sshra.s32 s23, $0x2;
	s16 =	sadd.s32 $0x200, s16  }
0x93: {  	[tilespmem:s15+$0x70] =	vst v0;
	s23 =	smov.u32 s3;
	s17 =	sadd.s32 $0x40, s3;
	s15 =	smov.u32 s30  }
0x94: {  	p1 =	sne.s32 s3, $0x7C0;
	v0 =	vld [tilespmem:s22+$0xC200];
	_ =	sdelay $0x1  }
0x95: {  	v1 =	vld [tilespmem:s16+$0xFFFFFF00];
	_ =	sdelay $0x2  }
0x96: {  	v2 =	vbroadcast v0, $0x0;
	_ =	sdelay $0x1  }
0x97: {  	v1 =	vmul.f32 v2, v1;
	_ =	sdelay $0x1  }
0x98: {  	[tilespmem:s30+$0xFFFFFF80] =	vst v1  }
0x99: {  	v1 =	vld [tilespmem:s16+$0xFFFFFF10];
	_ =	sdelay $0x4  }
0x9a: {  	v1 =	vmul.f32 v1, v2;
	_ =	sdelay $0x1  }
0x9b: {  	[tilespmem:s30+$0xFFFFFF90] =	vst v1  }
0x9c: {  	v1 =	vld [tilespmem:s16+$0xFFFFFF20];
	_ =	sdelay $0x2  }
0x9d: {  	v2 =	vbroadcast v0, $0x1;
	_ =	sdelay $0x1  }
0x9e: {  	v1 =	vmul.f32 v1, v2;
	_ =	sdelay $0x1  }
0x9f: {  	[tilespmem:s30+$0xFFFFFFA0] =	vst v1  }
0xa0: {  	v1 =	vld [tilespmem:s16+$0xFFFFFF30];
	_ =	sdelay $0x4  }
0xa1: {  	v1 =	vmul.f32 v1, v2;
	_ =	sdelay $0x1  }
0xa2: {  	[tilespmem:s30+$0xFFFFFFB0] =	vst v1  }
0xa3: {  	v1 =	vld [tilespmem:s16+$0xFFFFFF80];
	_ =	sdelay $0x2  }
0xa4: {  	v2 =	vbroadcast v0, $0x4;
	_ =	sdelay $0x1  }
0xa5: {  	v1 =	vmul.f32 v1, v2;
	_ =	sdelay $0x1  }
0xa6: {  	[tilespmem:s30+$0xFFFFFFC0] =	vst v1  }
0xa7: {  	v1 =	vld [tilespmem:s16+$0xFFFFFF90];
	_ =	sdelay $0x4  }
0xa8: {  	v1 =	vmul.f32 v1, v2;
	_ =	sdelay $0x1  }
0xa9: {  	[tilespmem:s30+$0xFFFFFFD0] =	vst v1  }
0xaa: {  	v1 =	vld [tilespmem:s16+$0xFFFFFFA0];
	_ =	sdelay $0x2  }
0xab: {  	v2 =	vbroadcast v0, $0x5;
	_ =	sdelay $0x1  }
0xac: {  	v1 =	vmul.f32 v1, v2;
	_ =	sdelay $0x1  }
0xad: {  	[tilespmem:s30+$0xFFFFFFE0] =	vst v1  }
0xae: {  	v1 =	vld [tilespmem:s16+$0xFFFFFFB0];
	_ =	sdelay $0x4  }
0xaf: {  	v1 =	vmul.f32 v1, v2;
	_ =	sdelay $0x1  }
0xb0: {  	[tilespmem:s30+$0xFFFFFFF0] =	vst v1  }
0xb1: {  	v1 =	vld [tilespmem:s16+$0x0];
	_ =	sdelay $0x2  }
0xb2: {  	v2 =	vbroadcast v0, $0x8;
	_ =	sdelay $0x1  }
0xb3: {  	v1 =	vmul.f32 v1, v2;
	_ =	sdelay $0x1  }
0xb4: {  	[tilespmem:s30+$0x0] =	vst v1  }
0xb5: {  	v1 =	vld [tilespmem:s16+$0x10];
	_ =	sdelay $0x4  }
0xb6: {  	v1 =	vmul.f32 v1, v2;
	_ =	sdelay $0x1  }
0xb7: {  	[tilespmem:s30+$0x10] =	vst v1  }
0xb8: {  	v1 =	vld [tilespmem:s16+$0x20];
	_ =	sdelay $0x2  }
0xb9: {  	v2 =	vbroadcast v0, $0x9;
	_ =	sdelay $0x1  }
0xba: {  	v1 =	vmul.f32 v1, v2;
	_ =	sdelay $0x1  }
0xbb: {  	[tilespmem:s30+$0x20] =	vst v1  }
0xbc: {  	v1 =	vld [tilespmem:s16+$0x30];
	_ =	sdelay $0x4  }
0xbd: {  	v1 =	vmul.f32 v1, v2;
	_ =	sdelay $0x1  }
0xbe: {  	[tilespmem:s30+$0x30] =	vst v1  }
0xbf: {  	v1 =	vld [tilespmem:s16+$0x80];
	_ =	sdelay $0x2  }
0xc0: {  	v2 =	vbroadcast v0, $0xC;
	_ =	sdelay $0x1  }
0xc1: {  	v1 =	vmul.f32 v1, v2;
	_ =	sdelay $0x1  }
0xc2: {  	[tilespmem:s30+$0x40] =	vst v1  }
0xc3: {  	v1 =	vld [tilespmem:s16+$0x90];
	_ =	sdelay $0x4  }
0xc4: {  	v1 =	vmul.f32 v1, v2;
	_ =	sdelay $0x1  }
0xc5: {  	[tilespmem:s30+$0x50] =	vst v1  }
0xc6: {  	v1 =	vld [tilespmem:s16+$0xA0];
	_ =	sdelay $0x2  }
0xc7: {  	v0 =	vbroadcast v0, $0xD;
	_ =	sdelay $0x1  }
0xc8: {  	v1 =	vmul.f32 v1, v0;
	_ =	sdelay $0x1  }
0xc9: {  	[tilespmem:s30+$0x60] =	vst v1  }
0xca: {  	v1 =	vld [tilespmem:s16+$0xB0];
	_ =	sdelay $0x1  }
.Ltmp3:
0xcb: {  	(pc) =	sbr.rel @p1 .LBB2_19-.Ltmp3, $3  }
0xcc: {  	_ =	sdelay $0x1  }
0xcd: {  	v0 =	vmul.f32 v1, v0  }
0xce: {  	s3 =	smov.u32 s17;
	s30 =	sadd.s32 $0x100, s30  }
0xcf: {  	s3 =	sshra.s32 s23, $0x2;
	[tilespmem:s15+$0x70] =	vst v0  }
0xd0: {  	v0 =	vld [tilespmem:s3+$0xC200]  }
0xd1: {  	s22 =	sadd.s32 $0x200, s16  }
0xd2: {  	v1 =	vld [tilespmem:s22+$0xFFFFFF00];
	_ =	sdelay $0x2  }
0xd3: {  	v2 =	vbroadcast v0, $0x0;
	_ =	sdelay $0x1  }
0xd4: {  	v1 =	vmul.f32 v2, v1;
	_ =	sdelay $0x1  }
0xd5: {  	[tilespmem:s30+$0xFFFFFF80] =	vst v1  }
0xd6: {  	v1 =	vld [tilespmem:s22+$0xFFFFFF10];
	_ =	sdelay $0x4  }
0xd7: {  	v1 =	vmul.f32 v1, v2;
	_ =	sdelay $0x1  }
0xd8: {  	[tilespmem:s30+$0xFFFFFF90] =	vst v1  }
0xd9: {  	v1 =	vld [tilespmem:s22+$0xFFFFFF20];
	_ =	sdelay $0x2  }
0xda: {  	v2 =	vbroadcast v0, $0x1;
	_ =	sdelay $0x1  }
0xdb: {  	v1 =	vmul.f32 v1, v2;
	_ =	sdelay $0x1  }
0xdc: {  	[tilespmem:s30+$0xFFFFFFA0] =	vst v1  }
0xdd: {  	v1 =	vld [tilespmem:s22+$0xFFFFFF30];
	_ =	sdelay $0x4  }
0xde: {  	v1 =	vmul.f32 v1, v2;
	_ =	sdelay $0x1  }
0xdf: {  	[tilespmem:s30+$0xFFFFFFB0] =	vst v1  }
0xe0: {  	v1 =	vld [tilespmem:s22+$0xFFFFFF80];
	_ =	sdelay $0x2  }
0xe1: {  	v2 =	vbroadcast v0, $0x4;
	_ =	sdelay $0x1  }
0xe2: {  	v1 =	vmul.f32 v1, v2;
	_ =	sdelay $0x1  }
0xe3: {  	[tilespmem:s30+$0xFFFFFFC0] =	vst v1  }
0xe4: {  	v1 =	vld [tilespmem:s22+$0xFFFFFF90];
	_ =	sdelay $0x4  }
0xe5: {  	v1 =	vmul.f32 v1, v2;
	_ =	sdelay $0x1  }
0xe6: {  	[tilespmem:s30+$0xFFFFFFD0] =	vst v1  }
0xe7: {  	v1 =	vld [tilespmem:s22+$0xFFFFFFA0];
	_ =	sdelay $0x2  }
0xe8: {  	v2 =	vbroadcast v0, $0x5;
	_ =	sdelay $0x1  }
0xe9: {  	v1 =	vmul.f32 v1, v2;
	_ =	sdelay $0x1  }
0xea: {  	[tilespmem:s30+$0xFFFFFFE0] =	vst v1  }
0xeb: {  	v1 =	vld [tilespmem:s22+$0xFFFFFFB0];
	_ =	sdelay $0x4  }
0xec: {  	v1 =	vmul.f32 v1, v2;
	_ =	sdelay $0x1  }
0xed: {  	[tilespmem:s30+$0xFFFFFFF0] =	vst v1  }
0xee: {  	v1 =	vld [tilespmem:s22+$0x0];
	_ =	sdelay $0x2  }
0xef: {  	v2 =	vbroadcast v0, $0x8;
	_ =	sdelay $0x1  }
0xf0: {  	v1 =	vmul.f32 v1, v2;
	_ =	sdelay $0x1  }
0xf1: {  	[tilespmem:s30+$0x0] =	vst v1  }
0xf2: {  	v1 =	vld [tilespmem:s22+$0x10];
	_ =	sdelay $0x4  }
0xf3: {  	v1 =	vmul.f32 v1, v2;
	_ =	sdelay $0x1  }
0xf4: {  	[tilespmem:s30+$0x10] =	vst v1  }
0xf5: {  	v1 =	vld [tilespmem:s22+$0x20];
	_ =	sdelay $0x2  }
0xf6: {  	v2 =	vbroadcast v0, $0x9;
	_ =	sdelay $0x1  }
0xf7: {  	v1 =	vmul.f32 v1, v2;
	_ =	sdelay $0x1  }
0xf8: {  	[tilespmem:s30+$0x20] =	vst v1  }
0xf9: {  	v1 =	vld [tilespmem:s22+$0x30];
	_ =	sdelay $0x4  }
0xfa: {  	v1 =	vmul.f32 v1, v2;
	_ =	sdelay $0x1  }
0xfb: {  	[tilespmem:s30+$0x30] =	vst v1  }
0xfc: {  	v1 =	vld [tilespmem:s22+$0x80];
	_ =	sdelay $0x2  }
0xfd: {  	v2 =	vbroadcast v0, $0xC;
	_ =	sdelay $0x1  }
0xfe: {  	v1 =	vmul.f32 v1, v2;
	_ =	sdelay $0x1  }
0xff: {  	[tilespmem:s30+$0x40] =	vst v1  }
0x100: {  	v1 =	vld [tilespmem:s22+$0x90];
	_ =	sdelay $0x4  }
0x101: {  	v1 =	vmul.f32 v1, v2;
	_ =	sdelay $0x1  }
0x102: {  	[tilespmem:s30+$0x50] =	vst v1  }
0x103: {  	v1 =	vld [tilespmem:s22+$0xA0];
	_ =	sdelay $0x2  }
0x104: {  	v0 =	vbroadcast v0, $0xD;
	_ =	sdelay $0x1  }
0x105: {  	v1 =	vmul.f32 v1, v0;
	_ =	sdelay $0x1  }
0x106: {  	[tilespmem:s30+$0x60] =	vst v1  }
0x107: {  	v1 =	vld [tilespmem:s22+$0xB0];
	_ =	sdelay $0x4  }
0x108: {  	v0 =	vmul.f32 v1, v0;
	_ =	sdelay $0x1  }
0x109: {  	[tilespmem:s30+$0x70] =	vst v0  }
0x10a: {  	[spmem:s4] =	stream.indirect.scatter.add.f32 [tilespmem:s24], [sflag:$0x5], $0x40, s31, s0, $0xb8;
	[tilespmem:$0x16600] =	vst v63  }
0x10b: {  	_ =	swait.ge [sflag:s25], $0x4000  }
0x10c: {  	[sflag:s25] =	ssyncset.done $0x0  }
0x10d: {  	[sflag:s25] =	ssyncadd.s32 $0xFFFFC000  }
0x10e: {  	_ =	swait.ge [sflag:s25], $0x200  }
0x10f: {  	[sflag:s25] =	ssyncset.done $0x0  }
0x110: {  	s23 =	simm.s32 $0x0;
	[sflag:s25] =	ssyncadd.s32 $0xFFFFFE00  }
0x111: {  	v0 =	vld [tilespmem:s23+$0xC400]  }
0x112: {  	s16 =	simm.s32 $0x4300  }
0x113: {  	v1 =	vld [tilespmem:s16+$0xFFFFFF00];
	_ =	sdelay $0x2  }
0x114: {  	v2 =	vbroadcast v0, $0x0;
	_ =	sdelay $0x1  }
0x115: {  	v1 =	vmul.f32 v2, v1  }
0x116: {  	s15 =	simm.s32 $0xA280  }
0x117: {  	[tilespmem:s15+$0xFFFFFF80] =	vst v1  }
0x118: {  	v1 =	vld [tilespmem:s16+$0xFFFFFF10];
	_ =	sdelay $0x4  }
0x119: {  	v1 =	vmul.f32 v1, v2;
	_ =	sdelay $0x1  }
0x11a: {  	[tilespmem:s15+$0xFFFFFF90] =	vst v1  }
0x11b: {  	v1 =	vld [tilespmem:s16+$0xFFFFFF20];
	_ =	sdelay $0x2  }
0x11c: {  	v2 =	vbroadcast v0, $0x1;
	_ =	sdelay $0x1  }
0x11d: {  	v1 =	vmul.f32 v1, v2;
	_ =	sdelay $0x1  }
0x11e: {  	[tilespmem:s15+$0xFFFFFFA0] =	vst v1  }
0x11f: {  	v1 =	vld [tilespmem:s16+$0xFFFFFF30];
	_ =	sdelay $0x4  }
0x120: {  	v1 =	vmul.f32 v1, v2;
	_ =	sdelay $0x1  }
0x121: {  	[tilespmem:s15+$0xFFFFFFB0] =	vst v1  }
0x122: {  	v1 =	vld [tilespmem:s16+$0xFFFFFF80];
	_ =	sdelay $0x2  }
0x123: {  	v2 =	vbroadcast v0, $0x4;
	_ =	sdelay $0x1  }
0x124: {  	v1 =	vmul.f32 v1, v2;
	_ =	sdelay $0x1  }
0x125: {  	[tilespmem:s15+$0xFFFFFFC0] =	vst v1  }
0x126: {  	v1 =	vld [tilespmem:s16+$0xFFFFFF90];
	_ =	sdelay $0x4  }
0x127: {  	v1 =	vmul.f32 v1, v2;
	_ =	sdelay $0x1  }
0x128: {  	[tilespmem:s15+$0xFFFFFFD0] =	vst v1  }
0x129: {  	v1 =	vld [tilespmem:s16+$0xFFFFFFA0];
	_ =	sdelay $0x2  }
0x12a: {  	v2 =	vbroadcast v0, $0x5;
	_ =	sdelay $0x1  }
0x12b: {  	v1 =	vmul.f32 v1, v2;
	_ =	sdelay $0x1  }
0x12c: {  	[tilespmem:s15+$0xFFFFFFE0] =	vst v1  }
0x12d: {  	v1 =	vld [tilespmem:s16+$0xFFFFFFB0];
	_ =	sdelay $0x4  }
0x12e: {  	v1 =	vmul.f32 v1, v2;
	_ =	sdelay $0x1  }
0x12f: {  	[tilespmem:s15+$0xFFFFFFF0] =	vst v1  }
0x130: {  	v1 =	vld [tilespmem:s16+$0x0];
	_ =	sdelay $0x2  }
0x131: {  	v2 =	vbroadcast v0, $0x8;
	_ =	sdelay $0x1  }
0x132: {  	v1 =	vmul.f32 v1, v2;
	_ =	sdelay $0x1  }
0x133: {  	[tilespmem:s15+$0x0] =	vst v1  }
0x134: {  	v1 =	vld [tilespmem:s16+$0x10];
	_ =	sdelay $0x4  }
0x135: {  	v1 =	vmul.f32 v1, v2;
	_ =	sdelay $0x1  }
0x136: {  	[tilespmem:s15+$0x10] =	vst v1  }
0x137: {  	v1 =	vld [tilespmem:s16+$0x20];
	_ =	sdelay $0x2  }
0x138: {  	v2 =	vbroadcast v0, $0x9;
	_ =	sdelay $0x1  }
0x139: {  	v1 =	vmul.f32 v1, v2;
	_ =	sdelay $0x1  }
0x13a: {  	[tilespmem:s15+$0x20] =	vst v1  }
0x13b: {  	v1 =	vld [tilespmem:s16+$0x30];
	_ =	sdelay $0x4  }
0x13c: {  	v1 =	vmul.f32 v1, v2;
	_ =	sdelay $0x1  }
0x13d: {  	[tilespmem:s15+$0x30] =	vst v1  }
0x13e: {  	v1 =	vld [tilespmem:s16+$0x80];
	_ =	sdelay $0x2  }
0x13f: {  	v2 =	vbroadcast v0, $0xC;
	_ =	sdelay $0x1  }
0x140: {  	v1 =	vmul.f32 v1, v2;
	_ =	sdelay $0x1  }
0x141: {  	[tilespmem:s15+$0x40] =	vst v1  }
0x142: {  	v1 =	vld [tilespmem:s16+$0x90];
	_ =	sdelay $0x4  }
0x143: {  	v1 =	vmul.f32 v1, v2;
	_ =	sdelay $0x1  }
0x144: {  	[tilespmem:s15+$0x50] =	vst v1  }
0x145: {  	v1 =	vld [tilespmem:s16+$0xA0];
	_ =	sdelay $0x2  }
0x146: {  	v0 =	vbroadcast v0, $0xD;
	_ =	sdelay $0x1  }
0x147: {  	v1 =	vmul.f32 v1, v0;
	_ =	sdelay $0x1  }
0x148: {  	[tilespmem:s15+$0x60] =	vst v1  }
0x149: {  	v1 =	vld [tilespmem:s16+$0xB0];
	_ =	sdelay $0x4  }
0x14a: {  	s17 =	simm.s32 $0x80;
	s30 =	simm.s32 $0xA380;
	s23 =	simm.s32 $0x40;
	v0 =	vmul.f32 v1, v0  }
.LBB2_21:
0x14b: {  	s22 =	sshra.s32 s23, $0x2;
	s16 =	sadd.s32 $0x200, s16  }
0x14c: {  	[tilespmem:s15+$0x70] =	vst v0;
	s23 =	smov.u32 s17;
	s3 =	sadd.s32 $0x40, s17;
	s15 =	smov.u32 s30  }
0x14d: {  	p1 =	sne.s32 s17, $0x7C0;
	v0 =	vld [tilespmem:s22+$0xC400];
	_ =	sdelay $0x1  }
0x14e: {  	v1 =	vld [tilespmem:s16+$0xFFFFFF00];
	_ =	sdelay $0x2  }
0x14f: {  	v2 =	vbroadcast v0, $0x0;
	_ =	sdelay $0x1  }
0x150: {  	v1 =	vmul.f32 v2, v1;
	_ =	sdelay $0x1  }
0x151: {  	[tilespmem:s30+$0xFFFFFF80] =	vst v1  }
0x152: {  	v1 =	vld [tilespmem:s16+$0xFFFFFF10];
	_ =	sdelay $0x4  }
0x153: {  	v1 =	vmul.f32 v1, v2;
	_ =	sdelay $0x1  }
0x154: {  	[tilespmem:s30+$0xFFFFFF90] =	vst v1  }
0x155: {  	v1 =	vld [tilespmem:s16+$0xFFFFFF20];
	_ =	sdelay $0x2  }
0x156: {  	v2 =	vbroadcast v0, $0x1;
	_ =	sdelay $0x1  }
0x157: {  	v1 =	vmul.f32 v1, v2;
	_ =	sdelay $0x1  }
0x158: {  	[tilespmem:s30+$0xFFFFFFA0] =	vst v1  }
0x159: {  	v1 =	vld [tilespmem:s16+$0xFFFFFF30];
	_ =	sdelay $0x4  }
0x15a: {  	v1 =	vmul.f32 v1, v2;
	_ =	sdelay $0x1  }
0x15b: {  	[tilespmem:s30+$0xFFFFFFB0] =	vst v1  }
0x15c: {  	v1 =	vld [tilespmem:s16+$0xFFFFFF80];
	_ =	sdelay $0x2  }
0x15d: {  	v2 =	vbroadcast v0, $0x4;
	_ =	sdelay $0x1  }
0x15e: {  	v1 =	vmul.f32 v1, v2;
	_ =	sdelay $0x1  }
0x15f: {  	[tilespmem:s30+$0xFFFFFFC0] =	vst v1  }
0x160: {  	v1 =	vld [tilespmem:s16+$0xFFFFFF90];
	_ =	sdelay $0x4  }
0x161: {  	v1 =	vmul.f32 v1, v2;
	_ =	sdelay $0x1  }
0x162: {  	[tilespmem:s30+$0xFFFFFFD0] =	vst v1  }
0x163: {  	v1 =	vld [tilespmem:s16+$0xFFFFFFA0];
	_ =	sdelay $0x2  }
0x164: {  	v2 =	vbroadcast v0, $0x5;
	_ =	sdelay $0x1  }
0x165: {  	v1 =	vmul.f32 v1, v2;
	_ =	sdelay $0x1  }
0x166: {  	[tilespmem:s30+$0xFFFFFFE0] =	vst v1  }
0x167: {  	v1 =	vld [tilespmem:s16+$0xFFFFFFB0];
	_ =	sdelay $0x4  }
0x168: {  	v1 =	vmul.f32 v1, v2;
	_ =	sdelay $0x1  }
0x169: {  	[tilespmem:s30+$0xFFFFFFF0] =	vst v1  }
0x16a: {  	v1 =	vld [tilespmem:s16+$0x0];
	_ =	sdelay $0x2  }
0x16b: {  	v2 =	vbroadcast v0, $0x8;
	_ =	sdelay $0x1  }
0x16c: {  	v1 =	vmul.f32 v1, v2;
	_ =	sdelay $0x1  }
0x16d: {  	[tilespmem:s30+$0x0] =	vst v1  }
0x16e: {  	v1 =	vld [tilespmem:s16+$0x10];
	_ =	sdelay $0x4  }
0x16f: {  	v1 =	vmul.f32 v1, v2;
	_ =	sdelay $0x1  }
0x170: {  	[tilespmem:s30+$0x10] =	vst v1  }
0x171: {  	v1 =	vld [tilespmem:s16+$0x20];
	_ =	sdelay $0x2  }
0x172: {  	v2 =	vbroadcast v0, $0x9;
	_ =	sdelay $0x1  }
0x173: {  	v1 =	vmul.f32 v1, v2;
	_ =	sdelay $0x1  }
0x174: {  	[tilespmem:s30+$0x20] =	vst v1  }
0x175: {  	v1 =	vld [tilespmem:s16+$0x30];
	_ =	sdelay $0x4  }
0x176: {  	v1 =	vmul.f32 v1, v2;
	_ =	sdelay $0x1  }
0x177: {  	[tilespmem:s30+$0x30] =	vst v1  }
0x178: {  	v1 =	vld [tilespmem:s16+$0x80];
	_ =	sdelay $0x2  }
0x179: {  	v2 =	vbroadcast v0, $0xC;
	_ =	sdelay $0x1  }
0x17a: {  	v1 =	vmul.f32 v1, v2;
	_ =	sdelay $0x1  }
0x17b: {  	[tilespmem:s30+$0x40] =	vst v1  }
0x17c: {  	v1 =	vld [tilespmem:s16+$0x90];
	_ =	sdelay $0x4  }
0x17d: {  	v1 =	vmul.f32 v1, v2;
	_ =	sdelay $0x1  }
0x17e: {  	[tilespmem:s30+$0x50] =	vst v1  }
0x17f: {  	v1 =	vld [tilespmem:s16+$0xA0];
	_ =	sdelay $0x2  }
0x180: {  	v0 =	vbroadcast v0, $0xD;
	_ =	sdelay $0x1  }
0x181: {  	v1 =	vmul.f32 v1, v0;
	_ =	sdelay $0x1  }
0x182: {  	[tilespmem:s30+$0x60] =	vst v1  }
0x183: {  	v1 =	vld [tilespmem:s16+$0xB0];
	_ =	sdelay $0x1  }
.Ltmp4:
0x184: {  	(pc) =	sbr.rel @p1 .LBB2_21-.Ltmp4, $3  }
0x185: {  	_ =	sdelay $0x1  }
0x186: {  	v0 =	vmul.f32 v1, v0  }
0x187: {  	s17 =	smov.u32 s3;
	s30 =	sadd.s32 $0x100, s30  }
0x188: {  	s3 =	sshra.s32 s23, $0x2;
	[tilespmem:s15+$0x70] =	vst v0  }
0x189: {  	v0 =	vld [tilespmem:s3+$0xC400]  }
0x18a: {  	s23 =	sadd.s32 $0x200, s16  }
0x18b: {  	v1 =	vld [tilespmem:s23+$0xFFFFFF00];
	_ =	sdelay $0x2  }
0x18c: {  	v2 =	vbroadcast v0, $0x0;
	_ =	sdelay $0x1  }
0x18d: {  	v1 =	vmul.f32 v2, v1;
	_ =	sdelay $0x1  }
0x18e: {  	[tilespmem:s30+$0xFFFFFF80] =	vst v1  }
0x18f: {  	v1 =	vld [tilespmem:s23+$0xFFFFFF10];
	_ =	sdelay $0x4  }
0x190: {  	v1 =	vmul.f32 v1, v2;
	_ =	sdelay $0x1  }
0x191: {  	[tilespmem:s30+$0xFFFFFF90] =	vst v1  }
0x192: {  	v1 =	vld [tilespmem:s23+$0xFFFFFF20];
	_ =	sdelay $0x2  }
0x193: {  	v58 =	vbroadcast v0, $0x1;
	_ =	sdelay $0x1  }
0x194: {  	v1 =	vmul.f32 v1, v58;
	_ =	sdelay $0x1  }
0x195: {  	[tilespmem:s30+$0xFFFFFFA0] =	vst v1  }
0x196: {  	v1 =	vld [tilespmem:s23+$0xFFFFFF30];
	_ =	sdelay $0x4  }
0x197: {  	v1 =	vmul.f32 v1, v58;
	_ =	sdelay $0x1  }
0x198: {  	[tilespmem:s30+$0xFFFFFFB0] =	vst v1  }
0x199: {  	v1 =	vld [tilespmem:s23+$0xFFFFFF80];
	_ =	sdelay $0x2  }
0x19a: {  	v59 =	vbroadcast v0, $0x4;
	_ =	sdelay $0x1  }
0x19b: {  	v1 =	vmul.f32 v1, v59;
	_ =	sdelay $0x1  }
0x19c: {  	[tilespmem:s30+$0xFFFFFFC0] =	vst v1  }
0x19d: {  	v1 =	vld [tilespmem:s23+$0xFFFFFF90];
	_ =	sdelay $0x4  }
0x19e: {  	v1 =	vmul.f32 v1, v59;
	_ =	sdelay $0x1  }
0x19f: {  	[tilespmem:s30+$0xFFFFFFD0] =	vst v1  }
0x1a0: {  	v1 =	vld [tilespmem:s23+$0xFFFFFFA0];
	_ =	sdelay $0x2  }
0x1a1: {  	v60 =	vbroadcast v0, $0x5;
	_ =	sdelay $0x1  }
0x1a2: {  	v1 =	vmul.f32 v1, v60;
	_ =	sdelay $0x1  }
0x1a3: {  	[tilespmem:s30+$0xFFFFFFE0] =	vst v1  }
0x1a4: {  	v1 =	vld [tilespmem:s23+$0xFFFFFFB0];
	_ =	sdelay $0x4  }
0x1a5: {  	v1 =	vmul.f32 v1, v60;
	_ =	sdelay $0x1  }
0x1a6: {  	[tilespmem:s30+$0xFFFFFFF0] =	vst v1  }
0x1a7: {  	v1 =	vld [tilespmem:s23+$0x0];
	_ =	sdelay $0x2  }
0x1a8: {  	v61 =	vbroadcast v0, $0x8;
	_ =	sdelay $0x1  }
0x1a9: {  	v1 =	vmul.f32 v1, v61;
	_ =	sdelay $0x1  }
0x1aa: {  	[tilespmem:s30+$0x0] =	vst v1  }
0x1ab: {  	v1 =	vld [tilespmem:s23+$0x10];
	_ =	sdelay $0x4  }
0x1ac: {  	v1 =	vmul.f32 v1, v61;
	_ =	sdelay $0x1  }
0x1ad: {  	[tilespmem:s30+$0x10] =	vst v1  }
0x1ae: {  	v1 =	vld [tilespmem:s23+$0x20];
	_ =	sdelay $0x2  }
0x1af: {  	v62 =	vbroadcast v0, $0x9;
	_ =	sdelay $0x1  }
0x1b0: {  	v1 =	vmul.f32 v1, v62;
	_ =	sdelay $0x1  }
0x1b1: {  	[tilespmem:s30+$0x20] =	vst v1  }
0x1b2: {  	v1 =	vld [tilespmem:s23+$0x30];
	_ =	sdelay $0x4  }
0x1b3: {  	v1 =	vmul.f32 v1, v62;
	_ =	sdelay $0x1  }
0x1b4: {  	[tilespmem:s30+$0x30] =	vst v1  }
0x1b5: {  	v1 =	vld [tilespmem:s23+$0x80];
	_ =	sdelay $0x2  }
0x1b6: {  	v63 =	vbroadcast v0, $0xC;
	_ =	sdelay $0x1  }
0x1b7: {  	v1 =	vmul.f32 v1, v63;
	_ =	sdelay $0x1  }
0x1b8: {  	[tilespmem:s30+$0x40] =	vst v1  }
0x1b9: {  	v1 =	vld [tilespmem:s23+$0x90];
	_ =	sdelay $0x4  }
0x1ba: {  	v1 =	vmul.f32 v1, v63;
	_ =	sdelay $0x1  }
0x1bb: {  	[tilespmem:s30+$0x50] =	vst v1  }
0x1bc: {  	v1 =	vld [tilespmem:s23+$0xA0];
	_ =	sdelay $0x2  }
0x1bd: {  	v0 =	vbroadcast v0, $0xD;
	_ =	sdelay $0x1  }
0x1be: {  	v1 =	vmul.f32 v1, v0;
	_ =	sdelay $0x1  }
0x1bf: {  	[tilespmem:s30+$0x60] =	vst v1  }
0x1c0: {  	v1 =	vld [tilespmem:s23+$0xB0];
	_ =	sdelay $0x4  }
0x1c1: {  	v0 =	vmul.f32 v1, v0  }
0x1c2: {  	p1 =	seq.s32 s13, $0x4F  }
.Ltmp5:
0x1c3: {  	[tilespmem:s30+$0x70] =	vst v0;
	(pc) =	sbr.rel @p1 .LBB2_24-.Ltmp5, $4  }
0x1c4: {  	[spmem:s4] =	stream.indirect.scatter.add.f32 [tilespmem:s14], [sflag:$0x6], $0x40, s6, s0, $0xb8;
	[tilespmem:$0x16600] =	vst v63  }
0x1c5: {  	_ =	swait.ge [sflag:s28], $0x2000  }
0x1c6: {  	[sflag:s28] =	ssyncset.done $0x0  }
0x1c7: {  	[sflag:s28] =	ssyncadd.s32 $0xFFFFE000  }
0x1c8: {  	s3 =	sshll.u32 s13, $0x8  }
0x1c9: {  	s15 =	sadd.s32 s3, s19  }
0x1ca: {  	s15 =	sshrl.u32 s15, $0x3  }
0x1cb: {  	s16 =	sadd.s32 s1, s15  }
0x1cc: {  	[tilespmem:s5], [sflag:$0x1] =	stream.linear.gather [hbm4b:s16+s5], $0x80, $0x38;
	[tilespmem:$0x16600] =	vst v63  }
0x1cd: {  	s15 =	sadd.s32 s2, s15  }
0x1ce: {  	[tilespmem:s31], [sflag:$0x1] =	stream.linear.gather [hbm4b:s15+s5], $0x80, $0x38;
	[tilespmem:$0x16600] =	vst v63  }
0x1cf: {  	s3 =	sadd.s32 s3, s20;
	_ =	swait.ge [sflag:s29], $0x2000  }
.Ltmp6:
0x1d0: {  	s3 =	sshrl.u32 s3, $0x3;
	[sflag:s29] =	ssyncset.done $0x0;
	(pc) =	sbr.rel .LBB2_18-.Ltmp6, $4  }
0x1d1: {  	s30 =	sadd.s32 s1, s3;
	[sflag:s29] =	ssyncadd.s32 $0xFFFFE000  }
0x1d2: {  	[tilespmem:s0], [sflag:$0x2] =	stream.linear.gather [hbm4b:s30+s5], $0x80, $0x38;
	[tilespmem:$0x16600] =	vst v63  }
0x1d3: {  	s13 =	sadd.s32 $0x1, s13;
	s3 =	sadd.s32 s2, s3  }
0x1d4: {  	[tilespmem:s6], [sflag:$0x2] =	stream.linear.gather [hbm4b:s3+s5], $0x80, $0x38;
	[tilespmem:$0x16600] =	vst v63  }
.LBB2_2:
0x1d5: {  	s3 =	simm.s32 $0x0;
	s13 =	rddreg [dreg:$0xa]  }
0x1d6: {  	[tilespmem:s3], [sflag:$0x1] =	stream.linear.gather [hbm4b:s13+s3], $0x80, $0x38;
	[tilespmem:$0x16600] =	vst v63  }
0x1d7: {  	s16 =	rddreg [dreg:$0xb]  }
0x1d8: {  	[tilespmem:s31], [sflag:$0x1] =	stream.linear.gather [hbm4b:s16+s3], $0x80, $0x38;
	[tilespmem:$0x16600] =	vst v63  }
0x1d9: {  	s17 =	rddreg [dreg:$0xc]  }
0x1da: {  	[tilespmem:s0], [sflag:$0x2] =	stream.linear.gather [hbm4b:s17+s3], $0x80, $0x38;
	[tilespmem:$0x16600] =	vst v63  }
0x1db: {  	s18 =	rddreg [dreg:$0xd];
	s13 =	simm.s32 $0x0  }
0x1dc: {  	[tilespmem:s6], [sflag:$0x2] =	stream.linear.gather [hbm4b:s18+s3], $0x80, $0x38;
	[tilespmem:$0x16600] =	vst v63  }
.LBB2_3:
0x1dd: {  	_ =	swait.ge [sflag:s26], $0x80  }
0x1de: {  	[sflag:s26] =	ssyncset.done $0x0  }
0x1df: {  	[sflag:s26] =	ssyncadd.s32 $0xFFFFFF80  }
0x1e0: {  	_ =	swait.ge [sflag:s26], $0x80  }
0x1e1: {  	[sflag:s26] =	ssyncset.done $0x0  }
0x1e2: {  	s15 =	simm.s32 $0x200;
	[sflag:s26] =	ssyncadd.s32 $0xFFFFFF80  }
0x1e3: {  	[tilespmem:s15], [sflag:$0x3] =	stream.indirect.gather [hbm4b:s7+s0], $0x80, s3, s0, $0xb8;
	[tilespmem:$0x16600] =	vst v63  }
0x1e4: {  	_ =	swait.ge [sflag:s10], $0x80  }
0x1e5: {  	[sflag:s10] =	ssyncset.done $0x0  }
0x1e6: {  	[sflag:s10] =	ssyncadd.s32 $0xFFFFFF80  }
0x1e7: {  	_ =	swait.ge [sflag:s10], $0x80  }
0x1e8: {  	[sflag:s10] =	ssyncset.done $0x0  }
0x1e9: {  	[sflag:s10] =	ssyncadd.s32 $0xFFFFFF80  }
0x1ea: {  	[tilespmem:s11], [sflag:$0x4] =	stream.indirect.gather [hbm4b:s7+s0], $0x80, s0, s0, $0xb8;
	[tilespmem:$0x16600] =	vst v63  }
0x1eb: {  	_ =	swait.ge [sflag:s12], $0x4000  }
0x1ec: {  	[sflag:s12] =	ssyncset.done $0x0  }
0x1ed: {  	s16 =	simm.s32 $0x0;
	[sflag:s12] =	ssyncadd.s32 $0xFFFFC000  }
0x1ee: {  	v0 =	vld [tilespmem:s16+$0x200];
	_ =	sdelay $0x3  }
0x1ef: {  	s15 =	simm.s32 $0x8220  }
0x1f0: {  	[tilespmem:s15+$0xFFFFFFE0] =	vst v0  }
0x1f1: {  	v0 =	vld [tilespmem:s16+$0x210];
	_ =	sdelay $0x4  }
0x1f2: {  	[tilespmem:s15+$0xFFFFFFF0] =	vst v0  }
0x1f3: {  	v0 =	vld [tilespmem:s16+$0x220];
	_ =	sdelay $0x4  }
0x1f4: {  	[tilespmem:s15+$0x0] =	vst v0  }
0x1f5: {  	v0 =	vld [tilespmem:s16+$0x230];
	_ =	sdelay $0x4  }
0x1f6: {  	s18 =	simm.s32 $0x400;
	s16 =	simm.s32 $0x80;
	[tilespmem:s15+$0x10] =	vst v0  }
.LBB2_4:
0x1f7: {  	p1 =	sne.s32 s18, $0xFE00;
	v0 =	vld [tilespmem:s16+$0x200];
	_ =	sdelay $0x3  }
0x1f8: {  	s15 =	sadd.s32 $0x40, s15  }
0x1f9: {  	[tilespmem:s15+$0xFFFFFFE0] =	vst v0  }
0x1fa: {  	v0 =	vld [tilespmem:s16+$0x210];
	_ =	sdelay $0x4  }
0x1fb: {  	[tilespmem:s15+$0xFFFFFFF0] =	vst v0  }
0x1fc: {  	v0 =	vld [tilespmem:s16+$0x220];
	_ =	sdelay $0x4  }
0x1fd: {  	[tilespmem:s15+$0x0] =	vst v0  }
0x1fe: {  	v0 =	vld [tilespmem:s16+$0x230]  }
.Ltmp7:
0x1ff: {  	(pc) =	sbr.rel @p1 .LBB2_4-.Ltmp7, $2  }
0x200: {  	_ =	sdelay $0x2  }
0x201: {  	s16 =	sshra.s32 s18, $0x2;
	s18 =	sadd.s32 $0x200, s18;
	[tilespmem:s15+$0x10] =	vst v0  }
0x202: {  	v0 =	vld [tilespmem:s16+$0x200];
	_ =	sdelay $0x3  }
0x203: {  	s15 =	sadd.s32 $0x40, s15  }
0x204: {  	[tilespmem:s15+$0xFFFFFFE0] =	vst v0  }
0x205: {  	v0 =	vld [tilespmem:s16+$0x210];
	_ =	sdelay $0x4  }
0x206: {  	[tilespmem:s15+$0xFFFFFFF0] =	vst v0  }
0x207: {  	v0 =	vld [tilespmem:s16+$0x220];
	_ =	sdelay $0x4  }
0x208: {  	[tilespmem:s15+$0x0] =	vst v0  }
0x209: {  	v0 =	vld [tilespmem:s16+$0x230];
	_ =	sdelay $0x4  }
0x20a: {  	[tilespmem:s15+$0x10] =	vst v0  }
0x20b: {  	[spmem:s4] =	stream.indirect.scatter.add.f32 [tilespmem:s24], [sflag:$0x5], $0x40, s31, s0, $0xb8;
	[tilespmem:$0x16600] =	vst v63  }
0x20c: {  	_ =	swait.ge [sflag:s25], $0x4000  }
0x20d: {  	[sflag:s25] =	ssyncset.done $0x0  }
0x20e: {  	s18 =	simm.s32 $0x0;
	[sflag:s25] =	ssyncadd.s32 $0xFFFFC000  }
0x20f: {  	v63 =	vld [tilespmem:s18+$0x4200];
	_ =	sdelay $0x3  }
0x210: {  	s15 =	simm.s32 $0xA220  }
0x211: {  	[tilespmem:s15+$0xFFFFFFE0] =	vst v63  }
0x212: {  	v0 =	vld [tilespmem:s18+$0x4210];
	_ =	sdelay $0x4  }
0x213: {  	[tilespmem:s15+$0xFFFFFFF0] =	vst v0  }
0x214: {  	v0 =	vld [tilespmem:s18+$0x4220];
	_ =	sdelay $0x4  }
0x215: {  	[tilespmem:s15+$0x0] =	vst v0  }
0x216: {  	v0 =	vld [tilespmem:s18+$0x4230];
	_ =	sdelay $0x4  }
0x217: {  	s16 =	simm.s32 $0x80;
	s18 =	simm.s32 $0x400;
	[tilespmem:s15+$0x10] =	vst v0  }
.LBB2_6:
0x218: {  	p1 =	sne.s32 s18, $0xFE00;
	v0 =	vld [tilespmem:s16+$0x4200];
	_ =	sdelay $0x3  }
0x219: {  	s15 =	sadd.s32 $0x40, s15  }
0x21a: {  	[tilespmem:s15+$0xFFFFFFE0] =	vst v0  }
0x21b: {  	v0 =	vld [tilespmem:s16+$0x4210];
	_ =	sdelay $0x4  }
0x21c: {  	[tilespmem:s15+$0xFFFFFFF0] =	vst v0  }
0x21d: {  	v0 =	vld [tilespmem:s16+$0x4220];
	_ =	sdelay $0x4  }
0x21e: {  	[tilespmem:s15+$0x0] =	vst v0  }
0x21f: {  	v0 =	vld [tilespmem:s16+$0x4230]  }
.Ltmp8:
0x220: {  	(pc) =	sbr.rel @p1 .LBB2_6-.Ltmp8, $2  }
0x221: {  	_ =	sdelay $0x2  }
0x222: {  	s16 =	sshra.s32 s18, $0x2;
	s18 =	sadd.s32 $0x200, s18;
	[tilespmem:s15+$0x10] =	vst v0  }
0x223: {  	v0 =	vld [tilespmem:s16+$0x4200];
	_ =	sdelay $0x3  }
0x224: {  	s15 =	sadd.s32 $0x40, s15  }
0x225: {  	[tilespmem:s15+$0xFFFFFFE0] =	vst v0  }
0x226: {  	v0 =	vld [tilespmem:s16+$0x4210];
	_ =	sdelay $0x4  }
0x227: {  	[tilespmem:s15+$0xFFFFFFF0] =	vst v0  }
0x228: {  	v0 =	vld [tilespmem:s16+$0x4220];
	_ =	sdelay $0x4  }
0x229: {  	[tilespmem:s15+$0x0] =	vst v0  }
0x22a: {  	v0 =	vld [tilespmem:s16+$0x4230];
	_ =	sdelay $0x3  }
0x22b: {  	p1 =	seq.s32 s13, $0x4F  }
.Ltmp9:
0x22c: {  	[tilespmem:s15+$0x10] =	vst v0;
	(pc) =	sbr.rel @p1 .LBB2_9-.Ltmp9, $4  }
0x22d: {  	[spmem:s4] =	stream.indirect.scatter.add.f32 [tilespmem:s14], [sflag:$0x6], $0x40, s6, s0, $0xb8;
	[tilespmem:$0x16600] =	vst v63  }
0x22e: {  	_ =	swait.ge [sflag:s28], $0x2000  }
0x22f: {  	[sflag:s28] =	ssyncset.done $0x0  }
0x230: {  	[sflag:s28] =	ssyncadd.s32 $0xFFFFE000  }
0x231: {  	s15 =	sshll.u32 s13, $0x8  }
0x232: {  	s16 =	sadd.s32 s15, s19  }
0x233: {  	s16 =	sshrl.u32 s16, $0x3  }
0x234: {  	s17 =	sadd.s32 s2, s16  }
0x235: {  	[tilespmem:s5], [sflag:$0x1] =	stream.linear.gather [hbm4b:s17+s5], $0x80, $0x38;
	[tilespmem:$0x16600] =	vst v63  }
0x236: {  	s16 =	sadd.s32 s1, s16  }
0x237: {  	[tilespmem:s31], [sflag:$0x1] =	stream.linear.gather [hbm4b:s16+s5], $0x80, $0x38;
	[tilespmem:$0x16600] =	vst v63  }
0x238: {  	s15 =	sadd.s32 s15, s20;
	_ =	swait.ge [sflag:s29], $0x2000  }
.Ltmp10:
0x239: {  	s15 =	sshrl.u32 s15, $0x3;
	[sflag:s29] =	ssyncset.done $0x0;
	(pc) =	sbr.rel .LBB2_3-.Ltmp10, $4  }
0x23a: {  	s18 =	sadd.s32 s2, s15;
	[sflag:s29] =	ssyncadd.s32 $0xFFFFE000  }
0x23b: {  	[tilespmem:s0], [sflag:$0x2] =	stream.linear.gather [hbm4b:s18+s5], $0x80, $0x38;
	[tilespmem:$0x16600] =	vst v63  }
0x23c: {  	s13 =	sadd.s32 $0x1, s13;
	s15 =	sadd.s32 s1, s15  }
0x23d: {  	[tilespmem:s6], [sflag:$0x2] =	stream.linear.gather [hbm4b:s15+s5], $0x80, $0x38;
	[tilespmem:$0x16600] =	vst v63  }
.LBB2_24:
0x23e: {  	_ =	swait.ge [sflag:s29], $0x2000  }
0x23f: {  	[sflag:s29] =	ssyncset.done $0x0  }
0x240: {  	[sflag:s29] =	ssyncadd.s32 $0xFFFFE000  }
0x241: {  	[bflag:$0x0] =	sbarrier.arrive $0xFFFF  }
0x242: {  	s13 =	rddreg [dreg:$0x9]  }
0x243: {  	s15 =	simm.s32 $0x8;
	s3 =	rddreg [dreg:$0x10]  }
0x244: {  	s16 =	simm.s32 $0x10;
	s17 =	simm.s32 $0x7;
	s18 =	rddreg [dreg:$0x14]  }
0x245: {  	[hbm:s3@s16], [sflag:s13] =	dma.strided [spmem:s18@s15], $0x1400, s26, $0x8   }
0x246: {  	_ =	swait.ge [sflag:s17], $0x1400  }
0x247: {  	[sflag:s17] =	ssyncset.done $0x0  }
0x248: {  	[sflag:s17] =	ssyncadd.s32 $0xFFFFEC00  }
0x249: {  	s30 =	rddreg [dreg:$0x3]  }
0x24a: {  	[spmem:s18@s15], [sflag:s13] =	dma.strided [hbm:s30@s16], $0x1400, s26, $0x8   }
0x24b: {  	_ =	swait.ge [sflag:s17], $0x1400  }
0x24c: {  	[sflag:s17] =	ssyncset.done $0x0  }
0x24d: {  	[sflag:s17] =	ssyncadd.s32 $0xFFFFEC00  }
0x24e: {  	[bflag:$0x0] =	sbarrier.arrive $0xFFFF  }
0x24f: {  	s18 =	simm.s32 $0x0;
	s17 =	rddreg [dreg:$0xb]  }
0x250: {  	[tilespmem:s18], [sflag:$0x1] =	stream.linear.gather [hbm4b:s17+s18], $0x80, $0x38;
	[tilespmem:$0x16600] =	vst v63  }
0x251: {  	s22 =	rddreg [dreg:$0xa]  }
0x252: {  	[tilespmem:s31], [sflag:$0x1] =	stream.linear.gather [hbm4b:s22+s18], $0x80, $0x38;
	[tilespmem:$0x16600] =	vst v63  }
0x253: {  	s23 =	rddreg [dreg:$0xd]  }
0x254: {  	[tilespmem:s0], [sflag:$0x2] =	stream.linear.gather [hbm4b:s23+s18], $0x80, $0x38;
	[tilespmem:$0x16600] =	vst v63  }
0x255: {  	s13 =	simm.s32 $0x0;
	s30 =	rddreg [dreg:$0xc]  }
0x256: {  	[tilespmem:s6], [sflag:$0x2] =	stream.linear.gather [hbm4b:s30+s18], $0x80, $0x38;
	[tilespmem:$0x16600] =	vst v63  }
.LBB2_25:
0x257: {  	_ =	swait.ge [sflag:s26], $0x80  }
0x258: {  	[sflag:s26] =	ssyncset.done $0x0  }
0x259: {  	[sflag:s26] =	ssyncadd.s32 $0xFFFFFF80  }
0x25a: {  	_ =	swait.ge [sflag:s26], $0x80  }
0x25b: {  	s3 =	sshll.u32 s13, $0x1;
	[sflag:s26] =	ssyncset.done $0x0  }
0x25c: {  	s15 =	simm.s32 $0x200;
	s16 =	sadd.s32 s21, s3;
	[sflag:s26] =	ssyncadd.s32 $0xFFFFFF80  }
0x25d: {  	[tilespmem:s15], [sflag:$0x3] =	stream.indirect.gather [hbm4b:s8+s0], $0x80, s18, s0, $0xb8;
	[tilespmem:$0x16600] =	vst v63  }
0x25e: {  	s15 =	sshll.u32 s16, $0x6  }
0x25f: {  	s16 =	simm.s32 $0xC200;
	s15 =	sadd.s32 s9, s15  }
0x260: {  	[tilespmem:s16], [sflag:$0x3] =	stream.linear.gather [hbm4b:s15+s18], $0x200, $0x38;
	[tilespmem:$0x16600] =	vst v63  }
0x261: {  	_ =	swait.ge [sflag:s10], $0x80  }
0x262: {  	[sflag:s10] =	ssyncset.done $0x0  }
0x263: {  	[sflag:s10] =	ssyncadd.s32 $0xFFFFFF80  }
0x264: {  	_ =	swait.ge [sflag:s10], $0x80  }
0x265: {  	[sflag:s10] =	ssyncset.done $0x0;
	s17 =	rddreg [dreg:$0xf]  }
0x266: {  	[sflag:s10] =	ssyncadd.s32 $0xFFFFFF80;
	s3 =	sadd.s32 s3, s17  }
0x267: {  	[tilespmem:s11], [sflag:$0x4] =	stream.indirect.gather [hbm4b:s8+s0], $0x80, s0, s0, $0xb8;
	[tilespmem:$0x16600] =	vst v63  }
0x268: {  	s3 =	sshll.u32 s3, $0x6  }
0x269: {  	s22 =	simm.s32 $0xC400;
	s3 =	sadd.s32 s9, s3  }
0x26a: {  	[tilespmem:s22], [sflag:$0x4] =	stream.linear.gather [hbm4b:s3+s18], $0x200, $0x38;
	[tilespmem:$0x16600] =	vst v63  }
0x26b: {  	_ =	swait.ge [sflag:s12], $0x4000  }
0x26c: {  	[sflag:s12] =	ssyncset.done $0x0  }
0x26d: {  	[sflag:s12] =	ssyncadd.s32 $0xFFFFC000  }
0x26e: {  	_ =	swait.ge [sflag:s12], $0x200  }
0x26f: {  	[sflag:s12] =	ssyncset.done $0x0  }
0x270: {  	s23 =	simm.s32 $0x0;
	[sflag:s12] =	ssyncadd.s32 $0xFFFFFE00  }
0x271: {  	v0 =	vld [tilespmem:s23+$0xC200]  }
0x272: {  	s16 =	simm.s32 $0x340  }
0x273: {  	v1 =	vld [tilespmem:s16+$0xFFFFFF00];
	_ =	sdelay $0x2  }
0x274: {  	v2 =	vbroadcast v0, $0x2;
	_ =	sdelay $0x1  }
0x275: {  	v1 =	vmul.f32 v2, v1  }
0x276: {  	s15 =	simm.s32 $0x8280  }
0x277: {  	[tilespmem:s15+$0xFFFFFF80] =	vst v1  }
0x278: {  	v1 =	vld [tilespmem:s16+$0xFFFFFF10];
	_ =	sdelay $0x4  }
0x279: {  	v1 =	vmul.f32 v1, v2;
	_ =	sdelay $0x1  }
0x27a: {  	[tilespmem:s15+$0xFFFFFF90] =	vst v1  }
0x27b: {  	v1 =	vld [tilespmem:s16+$0xFFFFFF20];
	_ =	sdelay $0x2  }
0x27c: {  	v2 =	vbroadcast v0, $0x3;
	_ =	sdelay $0x1  }
0x27d: {  	v1 =	vmul.f32 v1, v2;
	_ =	sdelay $0x1  }
0x27e: {  	[tilespmem:s15+$0xFFFFFFA0] =	vst v1  }
0x27f: {  	v1 =	vld [tilespmem:s16+$0xFFFFFF30];
	_ =	sdelay $0x4  }
0x280: {  	v1 =	vmul.f32 v1, v2;
	_ =	sdelay $0x1  }
0x281: {  	[tilespmem:s15+$0xFFFFFFB0] =	vst v1  }
0x282: {  	v1 =	vld [tilespmem:s16+$0xFFFFFF80];
	_ =	sdelay $0x2  }
0x283: {  	v2 =	vbroadcast v0, $0x6;
	_ =	sdelay $0x1  }
0x284: {  	v1 =	vmul.f32 v1, v2;
	_ =	sdelay $0x1  }
0x285: {  	[tilespmem:s15+$0xFFFFFFC0] =	vst v1  }
0x286: {  	v1 =	vld [tilespmem:s16+$0xFFFFFF90];
	_ =	sdelay $0x4  }
0x287: {  	v1 =	vmul.f32 v1, v2;
	_ =	sdelay $0x1  }
0x288: {  	[tilespmem:s15+$0xFFFFFFD0] =	vst v1  }
0x289: {  	v1 =	vld [tilespmem:s16+$0xFFFFFFA0];
	_ =	sdelay $0x2  }
0x28a: {  	v2 =	vbroadcast v0, $0x7;
	_ =	sdelay $0x1  }
0x28b: {  	v1 =	vmul.f32 v1, v2;
	_ =	sdelay $0x1  }
0x28c: {  	[tilespmem:s15+$0xFFFFFFE0] =	vst v1  }
0x28d: {  	v1 =	vld [tilespmem:s16+$0xFFFFFFB0];
	_ =	sdelay $0x4  }
0x28e: {  	v1 =	vmul.f32 v1, v2;
	_ =	sdelay $0x1  }
0x28f: {  	[tilespmem:s15+$0xFFFFFFF0] =	vst v1  }
0x290: {  	v1 =	vld [tilespmem:s16+$0x0];
	_ =	sdelay $0x2  }
0x291: {  	v2 =	vbroadcast v0, $0xA;
	_ =	sdelay $0x1  }
0x292: {  	v1 =	vmul.f32 v1, v2;
	_ =	sdelay $0x1  }
0x293: {  	[tilespmem:s15+$0x0] =	vst v1  }
0x294: {  	v1 =	vld [tilespmem:s16+$0x10];
	_ =	sdelay $0x4  }
0x295: {  	v1 =	vmul.f32 v1, v2;
	_ =	sdelay $0x1  }
0x296: {  	[tilespmem:s15+$0x10] =	vst v1  }
0x297: {  	v1 =	vld [tilespmem:s16+$0x20];
	_ =	sdelay $0x2  }
0x298: {  	v2 =	vbroadcast v0, $0xB;
	_ =	sdelay $0x1  }
0x299: {  	v1 =	vmul.f32 v1, v2;
	_ =	sdelay $0x1  }
0x29a: {  	[tilespmem:s15+$0x20] =	vst v1  }
0x29b: {  	v1 =	vld [tilespmem:s16+$0x30];
	_ =	sdelay $0x4  }
0x29c: {  	v1 =	vmul.f32 v1, v2;
	_ =	sdelay $0x1  }
0x29d: {  	[tilespmem:s15+$0x30] =	vst v1  }
0x29e: {  	v1 =	vld [tilespmem:s16+$0x80];
	_ =	sdelay $0x2  }
0x29f: {  	v2 =	vbroadcast v0, $0xE;
	_ =	sdelay $0x1  }
0x2a0: {  	v1 =	vmul.f32 v1, v2;
	_ =	sdelay $0x1  }
0x2a1: {  	[tilespmem:s15+$0x40] =	vst v1  }
0x2a2: {  	v1 =	vld [tilespmem:s16+$0x90];
	_ =	sdelay $0x4  }
0x2a3: {  	v1 =	vmul.f32 v1, v2;
	_ =	sdelay $0x1  }
0x2a4: {  	[tilespmem:s15+$0x50] =	vst v1  }
0x2a5: {  	v1 =	vld [tilespmem:s16+$0xA0];
	_ =	sdelay $0x2  }
0x2a6: {  	v0 =	vbroadcast v0, $0xF;
	_ =	sdelay $0x1  }
0x2a7: {  	v1 =	vmul.f32 v1, v0;
	_ =	sdelay $0x1  }
0x2a8: {  	[tilespmem:s15+$0x60] =	vst v1  }
0x2a9: {  	v1 =	vld [tilespmem:s16+$0xB0];
	_ =	sdelay $0x4  }
0x2aa: {  	s30 =	simm.s32 $0x8380;
	s17 =	simm.s32 $0x80;
	s23 =	simm.s32 $0x40;
	v0 =	vmul.f32 v1, v0  }
.LBB2_26:
0x2ab: {  	s22 =	sshra.s32 s23, $0x2;
	s16 =	sadd.s32 $0x200, s16  }
0x2ac: {  	[tilespmem:s15+$0x70] =	vst v0;
	s23 =	smov.u32 s17;
	s3 =	sadd.s32 $0x40, s17;
	s15 =	smov.u32 s30  }
0x2ad: {  	p1 =	sne.s32 s17, $0x7C0;
	v0 =	vld [tilespmem:s22+$0xC200];
	_ =	sdelay $0x1  }
0x2ae: {  	v1 =	vld [tilespmem:s16+$0xFFFFFF00];
	_ =	sdelay $0x2  }
0x2af: {  	v2 =	vbroadcast v0, $0x2;
	_ =	sdelay $0x1  }
0x2b0: {  	v1 =	vmul.f32 v2, v1;
	_ =	sdelay $0x1  }
0x2b1: {  	[tilespmem:s30+$0xFFFFFF80] =	vst v1  }
0x2b2: {  	v1 =	vld [tilespmem:s16+$0xFFFFFF10];
	_ =	sdelay $0x4  }
0x2b3: {  	v1 =	vmul.f32 v1, v2;
	_ =	sdelay $0x1  }
0x2b4: {  	[tilespmem:s30+$0xFFFFFF90] =	vst v1  }
0x2b5: {  	v1 =	vld [tilespmem:s16+$0xFFFFFF20];
	_ =	sdelay $0x2  }
0x2b6: {  	v2 =	vbroadcast v0, $0x3;
	_ =	sdelay $0x1  }
0x2b7: {  	v1 =	vmul.f32 v1, v2;
	_ =	sdelay $0x1  }
0x2b8: {  	[tilespmem:s30+$0xFFFFFFA0] =	vst v1  }
0x2b9: {  	v1 =	vld [tilespmem:s16+$0xFFFFFF30];
	_ =	sdelay $0x4  }
0x2ba: {  	v1 =	vmul.f32 v1, v2;
	_ =	sdelay $0x1  }
0x2bb: {  	[tilespmem:s30+$0xFFFFFFB0] =	vst v1  }
0x2bc: {  	v1 =	vld [tilespmem:s16+$0xFFFFFF80];
	_ =	sdelay $0x2  }
0x2bd: {  	v2 =	vbroadcast v0, $0x6;
	_ =	sdelay $0x1  }
0x2be: {  	v1 =	vmul.f32 v1, v2;
	_ =	sdelay $0x1  }
0x2bf: {  	[tilespmem:s30+$0xFFFFFFC0] =	vst v1  }
0x2c0: {  	v1 =	vld [tilespmem:s16+$0xFFFFFF90];
	_ =	sdelay $0x4  }
0x2c1: {  	v1 =	vmul.f32 v1, v2;
	_ =	sdelay $0x1  }
0x2c2: {  	[tilespmem:s30+$0xFFFFFFD0] =	vst v1  }
0x2c3: {  	v1 =	vld [tilespmem:s16+$0xFFFFFFA0];
	_ =	sdelay $0x2  }
0x2c4: {  	v2 =	vbroadcast v0, $0x7;
	_ =	sdelay $0x1  }
0x2c5: {  	v1 =	vmul.f32 v1, v2;
	_ =	sdelay $0x1  }
0x2c6: {  	[tilespmem:s30+$0xFFFFFFE0] =	vst v1  }
0x2c7: {  	v1 =	vld [tilespmem:s16+$0xFFFFFFB0];
	_ =	sdelay $0x4  }
0x2c8: {  	v1 =	vmul.f32 v1, v2;
	_ =	sdelay $0x1  }
0x2c9: {  	[tilespmem:s30+$0xFFFFFFF0] =	vst v1  }
0x2ca: {  	v1 =	vld [tilespmem:s16+$0x0];
	_ =	sdelay $0x2  }
0x2cb: {  	v2 =	vbroadcast v0, $0xA;
	_ =	sdelay $0x1  }
0x2cc: {  	v1 =	vmul.f32 v1, v2;
	_ =	sdelay $0x1  }
0x2cd: {  	[tilespmem:s30+$0x0] =	vst v1  }
0x2ce: {  	v1 =	vld [tilespmem:s16+$0x10];
	_ =	sdelay $0x4  }
0x2cf: {  	v1 =	vmul.f32 v1, v2;
	_ =	sdelay $0x1  }
0x2d0: {  	[tilespmem:s30+$0x10] =	vst v1  }
0x2d1: {  	v1 =	vld [tilespmem:s16+$0x20];
	_ =	sdelay $0x2  }
0x2d2: {  	v2 =	vbroadcast v0, $0xB;
	_ =	sdelay $0x1  }
0x2d3: {  	v1 =	vmul.f32 v1, v2;
	_ =	sdelay $0x1  }
0x2d4: {  	[tilespmem:s30+$0x20] =	vst v1  }
0x2d5: {  	v1 =	vld [tilespmem:s16+$0x30];
	_ =	sdelay $0x4  }
0x2d6: {  	v1 =	vmul.f32 v1, v2;
	_ =	sdelay $0x1  }
0x2d7: {  	[tilespmem:s30+$0x30] =	vst v1  }
0x2d8: {  	v1 =	vld [tilespmem:s16+$0x80];
	_ =	sdelay $0x2  }
0x2d9: {  	v2 =	vbroadcast v0, $0xE;
	_ =	sdelay $0x1  }
0x2da: {  	v1 =	vmul.f32 v1, v2;
	_ =	sdelay $0x1  }
0x2db: {  	[tilespmem:s30+$0x40] =	vst v1  }
0x2dc: {  	v1 =	vld [tilespmem:s16+$0x90];
	_ =	sdelay $0x4  }
0x2dd: {  	v1 =	vmul.f32 v1, v2;
	_ =	sdelay $0x1  }
0x2de: {  	[tilespmem:s30+$0x50] =	vst v1  }
0x2df: {  	v1 =	vld [tilespmem:s16+$0xA0];
	_ =	sdelay $0x2  }
0x2e0: {  	v0 =	vbroadcast v0, $0xF;
	_ =	sdelay $0x1  }
0x2e1: {  	v1 =	vmul.f32 v1, v0;
	_ =	sdelay $0x1  }
0x2e2: {  	[tilespmem:s30+$0x60] =	vst v1  }
0x2e3: {  	v1 =	vld [tilespmem:s16+$0xB0];
	_ =	sdelay $0x1  }
.Ltmp11:
0x2e4: {  	(pc) =	sbr.rel @p1 .LBB2_26-.Ltmp11, $3  }
0x2e5: {  	_ =	sdelay $0x1  }
0x2e6: {  	v0 =	vmul.f32 v1, v0  }
0x2e7: {  	s17 =	smov.u32 s3;
	s30 =	sadd.s32 $0x100, s30  }
0x2e8: {  	s3 =	sshra.s32 s23, $0x2;
	[tilespmem:s15+$0x70] =	vst v0  }
0x2e9: {  	v0 =	vld [tilespmem:s3+$0xC200]  }
0x2ea: {  	s22 =	sadd.s32 $0x200, s16  }
0x2eb: {  	v1 =	vld [tilespmem:s22+$0xFFFFFF00];
	_ =	sdelay $0x2  }
0x2ec: {  	v2 =	vbroadcast v0, $0x2;
	_ =	sdelay $0x1  }
0x2ed: {  	v1 =	vmul.f32 v2, v1;
	_ =	sdelay $0x1  }
0x2ee: {  	[tilespmem:s30+$0xFFFFFF80] =	vst v1  }
0x2ef: {  	v1 =	vld [tilespmem:s22+$0xFFFFFF10];
	_ =	sdelay $0x4  }
0x2f0: {  	v1 =	vmul.f32 v1, v2;
	_ =	sdelay $0x1  }
0x2f1: {  	[tilespmem:s30+$0xFFFFFF90] =	vst v1  }
0x2f2: {  	v1 =	vld [tilespmem:s22+$0xFFFFFF20];
	_ =	sdelay $0x2  }
0x2f3: {  	v2 =	vbroadcast v0, $0x3;
	_ =	sdelay $0x1  }
0x2f4: {  	v1 =	vmul.f32 v1, v2;
	_ =	sdelay $0x1  }
0x2f5: {  	[tilespmem:s30+$0xFFFFFFA0] =	vst v1  }
0x2f6: {  	v1 =	vld [tilespmem:s22+$0xFFFFFF30];
	_ =	sdelay $0x4  }
0x2f7: {  	v1 =	vmul.f32 v1, v2;
	_ =	sdelay $0x1  }
0x2f8: {  	[tilespmem:s30+$0xFFFFFFB0] =	vst v1  }
0x2f9: {  	v1 =	vld [tilespmem:s22+$0xFFFFFF80];
	_ =	sdelay $0x2  }
0x2fa: {  	v2 =	vbroadcast v0, $0x6;
	_ =	sdelay $0x1  }
0x2fb: {  	v1 =	vmul.f32 v1, v2;
	_ =	sdelay $0x1  }
0x2fc: {  	[tilespmem:s30+$0xFFFFFFC0] =	vst v1  }
0x2fd: {  	v1 =	vld [tilespmem:s22+$0xFFFFFF90];
	_ =	sdelay $0x4  }
0x2fe: {  	v1 =	vmul.f32 v1, v2;
	_ =	sdelay $0x1  }
0x2ff: {  	[tilespmem:s30+$0xFFFFFFD0] =	vst v1  }
0x300: {  	v1 =	vld [tilespmem:s22+$0xFFFFFFA0];
	_ =	sdelay $0x2  }
0x301: {  	v2 =	vbroadcast v0, $0x7;
	_ =	sdelay $0x1  }
0x302: {  	v1 =	vmul.f32 v1, v2;
	_ =	sdelay $0x1  }
0x303: {  	[tilespmem:s30+$0xFFFFFFE0] =	vst v1  }
0x304: {  	v1 =	vld [tilespmem:s22+$0xFFFFFFB0];
	_ =	sdelay $0x4  }
0x305: {  	v1 =	vmul.f32 v1, v2;
	_ =	sdelay $0x1  }
0x306: {  	[tilespmem:s30+$0xFFFFFFF0] =	vst v1  }
0x307: {  	v1 =	vld [tilespmem:s22+$0x0];
	_ =	sdelay $0x2  }
0x308: {  	v2 =	vbroadcast v0, $0xA;
	_ =	sdelay $0x1  }
0x309: {  	v1 =	vmul.f32 v1, v2;
	_ =	sdelay $0x1  }
0x30a: {  	[tilespmem:s30+$0x0] =	vst v1  }
0x30b: {  	v1 =	vld [tilespmem:s22+$0x10];
	_ =	sdelay $0x4  }
0x30c: {  	v1 =	vmul.f32 v1, v2;
	_ =	sdelay $0x1  }
0x30d: {  	[tilespmem:s30+$0x10] =	vst v1  }
0x30e: {  	v1 =	vld [tilespmem:s22+$0x20];
	_ =	sdelay $0x2  }
0x30f: {  	v2 =	vbroadcast v0, $0xB;
	_ =	sdelay $0x1  }
0x310: {  	v1 =	vmul.f32 v1, v2;
	_ =	sdelay $0x1  }
0x311: {  	[tilespmem:s30+$0x20] =	vst v1  }
0x312: {  	v1 =	vld [tilespmem:s22+$0x30];
	_ =	sdelay $0x4  }
0x313: {  	v1 =	vmul.f32 v1, v2;
	_ =	sdelay $0x1  }
0x314: {  	[tilespmem:s30+$0x30] =	vst v1  }
0x315: {  	v1 =	vld [tilespmem:s22+$0x80];
	_ =	sdelay $0x2  }
0x316: {  	v2 =	vbroadcast v0, $0xE;
	_ =	sdelay $0x1  }
0x317: {  	v1 =	vmul.f32 v1, v2;
	_ =	sdelay $0x1  }
0x318: {  	[tilespmem:s30+$0x40] =	vst v1  }
0x319: {  	v1 =	vld [tilespmem:s22+$0x90];
	_ =	sdelay $0x4  }
0x31a: {  	v1 =	vmul.f32 v1, v2;
	_ =	sdelay $0x1  }
0x31b: {  	[tilespmem:s30+$0x50] =	vst v1  }
0x31c: {  	v1 =	vld [tilespmem:s22+$0xA0];
	_ =	sdelay $0x2  }
0x31d: {  	v0 =	vbroadcast v0, $0xF;
	_ =	sdelay $0x1  }
0x31e: {  	v1 =	vmul.f32 v1, v0;
	_ =	sdelay $0x1  }
0x31f: {  	[tilespmem:s30+$0x60] =	vst v1  }
0x320: {  	v1 =	vld [tilespmem:s22+$0xB0];
	_ =	sdelay $0x4  }
0x321: {  	v0 =	vmul.f32 v1, v0;
	_ =	sdelay $0x1  }
0x322: {  	[tilespmem:s30+$0x70] =	vst v0  }
0x323: {  	[spmem:s4] =	stream.indirect.scatter.add.f32 [tilespmem:s24], [sflag:$0x5], $0x40, s31, s0, $0xb8;
	[tilespmem:$0x16600] =	vst v63  }
0x324: {  	_ =	swait.ge [sflag:s25], $0x4000  }
0x325: {  	[sflag:s25] =	ssyncset.done $0x0  }
0x326: {  	[sflag:s25] =	ssyncadd.s32 $0xFFFFC000  }
0x327: {  	_ =	swait.ge [sflag:s25], $0x200  }
0x328: {  	[sflag:s25] =	ssyncset.done $0x0  }
0x329: {  	s23 =	simm.s32 $0x0;
	[sflag:s25] =	ssyncadd.s32 $0xFFFFFE00  }
0x32a: {  	v0 =	vld [tilespmem:s23+$0xC400]  }
0x32b: {  	s16 =	simm.s32 $0x4340  }
0x32c: {  	v1 =	vld [tilespmem:s16+$0xFFFFFF00];
	_ =	sdelay $0x2  }
0x32d: {  	v2 =	vbroadcast v0, $0x2;
	_ =	sdelay $0x1  }
0x32e: {  	v1 =	vmul.f32 v2, v1  }
0x32f: {  	s15 =	simm.s32 $0xA280  }
0x330: {  	[tilespmem:s15+$0xFFFFFF80] =	vst v1  }
0x331: {  	v1 =	vld [tilespmem:s16+$0xFFFFFF10];
	_ =	sdelay $0x4  }
0x332: {  	v1 =	vmul.f32 v1, v2;
	_ =	sdelay $0x1  }
0x333: {  	[tilespmem:s15+$0xFFFFFF90] =	vst v1  }
0x334: {  	v1 =	vld [tilespmem:s16+$0xFFFFFF20];
	_ =	sdelay $0x2  }
0x335: {  	v2 =	vbroadcast v0, $0x3;
	_ =	sdelay $0x1  }
0x336: {  	v1 =	vmul.f32 v1, v2;
	_ =	sdelay $0x1  }
0x337: {  	[tilespmem:s15+$0xFFFFFFA0] =	vst v1  }
0x338: {  	v1 =	vld [tilespmem:s16+$0xFFFFFF30];
	_ =	sdelay $0x4  }
0x339: {  	v1 =	vmul.f32 v1, v2;
	_ =	sdelay $0x1  }
0x33a: {  	[tilespmem:s15+$0xFFFFFFB0] =	vst v1  }
0x33b: {  	v1 =	vld [tilespmem:s16+$0xFFFFFF80];
	_ =	sdelay $0x2  }
0x33c: {  	v2 =	vbroadcast v0, $0x6;
	_ =	sdelay $0x1  }
0x33d: {  	v1 =	vmul.f32 v1, v2;
	_ =	sdelay $0x1  }
0x33e: {  	[tilespmem:s15+$0xFFFFFFC0] =	vst v1  }
0x33f: {  	v1 =	vld [tilespmem:s16+$0xFFFFFF90];
	_ =	sdelay $0x4  }
0x340: {  	v1 =	vmul.f32 v1, v2;
	_ =	sdelay $0x1  }
0x341: {  	[tilespmem:s15+$0xFFFFFFD0] =	vst v1  }
0x342: {  	v1 =	vld [tilespmem:s16+$0xFFFFFFA0];
	_ =	sdelay $0x2  }
0x343: {  	v2 =	vbroadcast v0, $0x7;
	_ =	sdelay $0x1  }
0x344: {  	v1 =	vmul.f32 v1, v2;
	_ =	sdelay $0x1  }
0x345: {  	[tilespmem:s15+$0xFFFFFFE0] =	vst v1  }
0x346: {  	v1 =	vld [tilespmem:s16+$0xFFFFFFB0];
	_ =	sdelay $0x4  }
0x347: {  	v1 =	vmul.f32 v1, v2;
	_ =	sdelay $0x1  }
0x348: {  	[tilespmem:s15+$0xFFFFFFF0] =	vst v1  }
0x349: {  	v1 =	vld [tilespmem:s16+$0x0];
	_ =	sdelay $0x2  }
0x34a: {  	v2 =	vbroadcast v0, $0xA;
	_ =	sdelay $0x1  }
0x34b: {  	v1 =	vmul.f32 v1, v2;
	_ =	sdelay $0x1  }
0x34c: {  	[tilespmem:s15+$0x0] =	vst v1  }
0x34d: {  	v1 =	vld [tilespmem:s16+$0x10];
	_ =	sdelay $0x4  }
0x34e: {  	v1 =	vmul.f32 v1, v2;
	_ =	sdelay $0x1  }
0x34f: {  	[tilespmem:s15+$0x10] =	vst v1  }
0x350: {  	v1 =	vld [tilespmem:s16+$0x20];
	_ =	sdelay $0x2  }
0x351: {  	v2 =	vbroadcast v0, $0xB;
	_ =	sdelay $0x1  }
0x352: {  	v1 =	vmul.f32 v1, v2;
	_ =	sdelay $0x1  }
0x353: {  	[tilespmem:s15+$0x20] =	vst v1  }
0x354: {  	v1 =	vld [tilespmem:s16+$0x30];
	_ =	sdelay $0x4  }
0x355: {  	v1 =	vmul.f32 v1, v2;
	_ =	sdelay $0x1  }
0x356: {  	[tilespmem:s15+$0x30] =	vst v1  }
0x357: {  	v1 =	vld [tilespmem:s16+$0x80];
	_ =	sdelay $0x2  }
0x358: {  	v2 =	vbroadcast v0, $0xE;
	_ =	sdelay $0x1  }
0x359: {  	v1 =	vmul.f32 v1, v2;
	_ =	sdelay $0x1  }
0x35a: {  	[tilespmem:s15+$0x40] =	vst v1  }
0x35b: {  	v1 =	vld [tilespmem:s16+$0x90];
	_ =	sdelay $0x4  }
0x35c: {  	v1 =	vmul.f32 v1, v2;
	_ =	sdelay $0x1  }
0x35d: {  	[tilespmem:s15+$0x50] =	vst v1  }
0x35e: {  	v1 =	vld [tilespmem:s16+$0xA0];
	_ =	sdelay $0x2  }
0x35f: {  	v0 =	vbroadcast v0, $0xF;
	_ =	sdelay $0x1  }
0x360: {  	v1 =	vmul.f32 v1, v0;
	_ =	sdelay $0x1  }
0x361: {  	[tilespmem:s15+$0x60] =	vst v1  }
0x362: {  	v1 =	vld [tilespmem:s16+$0xB0];
	_ =	sdelay $0x4  }
0x363: {  	s17 =	simm.s32 $0x80;
	s30 =	simm.s32 $0xA380;
	s23 =	simm.s32 $0x40;
	v0 =	vmul.f32 v1, v0  }
.LBB2_28:
0x364: {  	s22 =	sshra.s32 s23, $0x2;
	s16 =	sadd.s32 $0x200, s16  }
0x365: {  	[tilespmem:s15+$0x70] =	vst v0;
	s23 =	smov.u32 s17;
	s3 =	sadd.s32 $0x40, s17;
	s15 =	smov.u32 s30  }
0x366: {  	p1 =	sne.s32 s17, $0x7C0;
	v0 =	vld [tilespmem:s22+$0xC400];
	_ =	sdelay $0x1  }
0x367: {  	v1 =	vld [tilespmem:s16+$0xFFFFFF00];
	_ =	sdelay $0x2  }
0x368: {  	v2 =	vbroadcast v0, $0x2;
	_ =	sdelay $0x1  }
0x369: {  	v1 =	vmul.f32 v2, v1;
	_ =	sdelay $0x1  }
0x36a: {  	[tilespmem:s30+$0xFFFFFF80] =	vst v1  }
0x36b: {  	v1 =	vld [tilespmem:s16+$0xFFFFFF10];
	_ =	sdelay $0x4  }
0x36c: {  	v1 =	vmul.f32 v1, v2;
	_ =	sdelay $0x1  }
0x36d: {  	[tilespmem:s30+$0xFFFFFF90] =	vst v1  }
0x36e: {  	v1 =	vld [tilespmem:s16+$0xFFFFFF20];
	_ =	sdelay $0x2  }
0x36f: {  	v2 =	vbroadcast v0, $0x3;
	_ =	sdelay $0x1  }
0x370: {  	v1 =	vmul.f32 v1, v2;
	_ =	sdelay $0x1  }
0x371: {  	[tilespmem:s30+$0xFFFFFFA0] =	vst v1  }
0x372: {  	v1 =	vld [tilespmem:s16+$0xFFFFFF30];
	_ =	sdelay $0x4  }
0x373: {  	v1 =	vmul.f32 v1, v2;
	_ =	sdelay $0x1  }
0x374: {  	[tilespmem:s30+$0xFFFFFFB0] =	vst v1  }
0x375: {  	v1 =	vld [tilespmem:s16+$0xFFFFFF80];
	_ =	sdelay $0x2  }
0x376: {  	v2 =	vbroadcast v0, $0x6;
	_ =	sdelay $0x1  }
0x377: {  	v1 =	vmul.f32 v1, v2;
	_ =	sdelay $0x1  }
0x378: {  	[tilespmem:s30+$0xFFFFFFC0] =	vst v1  }
0x379: {  	v1 =	vld [tilespmem:s16+$0xFFFFFF90];
	_ =	sdelay $0x4  }
0x37a: {  	v1 =	vmul.f32 v1, v2;
	_ =	sdelay $0x1  }
0x37b: {  	[tilespmem:s30+$0xFFFFFFD0] =	vst v1  }
0x37c: {  	v1 =	vld [tilespmem:s16+$0xFFFFFFA0];
	_ =	sdelay $0x2  }
0x37d: {  	v2 =	vbroadcast v0, $0x7;
	_ =	sdelay $0x1  }
0x37e: {  	v1 =	vmul.f32 v1, v2;
	_ =	sdelay $0x1  }
0x37f: {  	[tilespmem:s30+$0xFFFFFFE0] =	vst v1  }
0x380: {  	v1 =	vld [tilespmem:s16+$0xFFFFFFB0];
	_ =	sdelay $0x4  }
0x381: {  	v1 =	vmul.f32 v1, v2;
	_ =	sdelay $0x1  }
0x382: {  	[tilespmem:s30+$0xFFFFFFF0] =	vst v1  }
0x383: {  	v1 =	vld [tilespmem:s16+$0x0];
	_ =	sdelay $0x2  }
0x384: {  	v2 =	vbroadcast v0, $0xA;
	_ =	sdelay $0x1  }
0x385: {  	v1 =	vmul.f32 v1, v2;
	_ =	sdelay $0x1  }
0x386: {  	[tilespmem:s30+$0x0] =	vst v1  }
0x387: {  	v1 =	vld [tilespmem:s16+$0x10];
	_ =	sdelay $0x4  }
0x388: {  	v1 =	vmul.f32 v1, v2;
	_ =	sdelay $0x1  }
0x389: {  	[tilespmem:s30+$0x10] =	vst v1  }
0x38a: {  	v1 =	vld [tilespmem:s16+$0x20];
	_ =	sdelay $0x2  }
0x38b: {  	v2 =	vbroadcast v0, $0xB;
	_ =	sdelay $0x1  }
0x38c: {  	v1 =	vmul.f32 v1, v2;
	_ =	sdelay $0x1  }
0x38d: {  	[tilespmem:s30+$0x20] =	vst v1  }
0x38e: {  	v1 =	vld [tilespmem:s16+$0x30];
	_ =	sdelay $0x4  }
0x38f: {  	v1 =	vmul.f32 v1, v2;
	_ =	sdelay $0x1  }
0x390: {  	[tilespmem:s30+$0x30] =	vst v1  }
0x391: {  	v1 =	vld [tilespmem:s16+$0x80];
	_ =	sdelay $0x2  }
0x392: {  	v2 =	vbroadcast v0, $0xE;
	_ =	sdelay $0x1  }
0x393: {  	v1 =	vmul.f32 v1, v2;
	_ =	sdelay $0x1  }
0x394: {  	[tilespmem:s30+$0x40] =	vst v1  }
0x395: {  	v1 =	vld [tilespmem:s16+$0x90];
	_ =	sdelay $0x4  }
0x396: {  	v1 =	vmul.f32 v1, v2;
	_ =	sdelay $0x1  }
0x397: {  	[tilespmem:s30+$0x50] =	vst v1  }
0x398: {  	v1 =	vld [tilespmem:s16+$0xA0];
	_ =	sdelay $0x2  }
0x399: {  	v0 =	vbroadcast v0, $0xF;
	_ =	sdelay $0x1  }
0x39a: {  	v1 =	vmul.f32 v1, v0;
	_ =	sdelay $0x1  }
0x39b: {  	[tilespmem:s30+$0x60] =	vst v1  }
0x39c: {  	v1 =	vld [tilespmem:s16+$0xB0];
	_ =	sdelay $0x1  }
.Ltmp12:
0x39d: {  	(pc) =	sbr.rel @p1 .LBB2_28-.Ltmp12, $3  }
0x39e: {  	_ =	sdelay $0x1  }
0x39f: {  	v0 =	vmul.f32 v1, v0  }
0x3a0: {  	s17 =	smov.u32 s3;
	s30 =	sadd.s32 $0x100, s30  }
0x3a1: {  	s3 =	sshra.s32 s23, $0x2;
	[tilespmem:s15+$0x70] =	vst v0  }
0x3a2: {  	v0 =	vld [tilespmem:s3+$0xC400]  }
0x3a3: {  	s23 =	sadd.s32 $0x200, s16  }
0x3a4: {  	v1 =	vld [tilespmem:s23+$0xFFFFFF00];
	_ =	sdelay $0x2  }
0x3a5: {  	v2 =	vbroadcast v0, $0x2;
	_ =	sdelay $0x1  }
0x3a6: {  	v1 =	vmul.f32 v2, v1;
	_ =	sdelay $0x1  }
0x3a7: {  	[tilespmem:s30+$0xFFFFFF80] =	vst v1  }
0x3a8: {  	v1 =	vld [tilespmem:s23+$0xFFFFFF10];
	_ =	sdelay $0x4  }
0x3a9: {  	v1 =	vmul.f32 v1, v2;
	_ =	sdelay $0x1  }
0x3aa: {  	[tilespmem:s30+$0xFFFFFF90] =	vst v1  }
0x3ab: {  	v1 =	vld [tilespmem:s23+$0xFFFFFF20];
	_ =	sdelay $0x2  }
0x3ac: {  	v58 =	vbroadcast v0, $0x3;
	_ =	sdelay $0x1  }
0x3ad: {  	v1 =	vmul.f32 v1, v58;
	_ =	sdelay $0x1  }
0x3ae: {  	[tilespmem:s30+$0xFFFFFFA0] =	vst v1  }
0x3af: {  	v1 =	vld [tilespmem:s23+$0xFFFFFF30];
	_ =	sdelay $0x4  }
0x3b0: {  	v1 =	vmul.f32 v1, v58;
	_ =	sdelay $0x1  }
0x3b1: {  	[tilespmem:s30+$0xFFFFFFB0] =	vst v1  }
0x3b2: {  	v1 =	vld [tilespmem:s23+$0xFFFFFF80];
	_ =	sdelay $0x2  }
0x3b3: {  	v59 =	vbroadcast v0, $0x6;
	_ =	sdelay $0x1  }
0x3b4: {  	v1 =	vmul.f32 v1, v59;
	_ =	sdelay $0x1  }
0x3b5: {  	[tilespmem:s30+$0xFFFFFFC0] =	vst v1  }
0x3b6: {  	v1 =	vld [tilespmem:s23+$0xFFFFFF90];
	_ =	sdelay $0x4  }
0x3b7: {  	v1 =	vmul.f32 v1, v59;
	_ =	sdelay $0x1  }
0x3b8: {  	[tilespmem:s30+$0xFFFFFFD0] =	vst v1  }
0x3b9: {  	v1 =	vld [tilespmem:s23+$0xFFFFFFA0];
	_ =	sdelay $0x2  }
0x3ba: {  	v60 =	vbroadcast v0, $0x7;
	_ =	sdelay $0x1  }
0x3bb: {  	v1 =	vmul.f32 v1, v60;
	_ =	sdelay $0x1  }
0x3bc: {  	[tilespmem:s30+$0xFFFFFFE0] =	vst v1  }
0x3bd: {  	v1 =	vld [tilespmem:s23+$0xFFFFFFB0];
	_ =	sdelay $0x4  }
0x3be: {  	v1 =	vmul.f32 v1, v60;
	_ =	sdelay $0x1  }
0x3bf: {  	[tilespmem:s30+$0xFFFFFFF0] =	vst v1  }
0x3c0: {  	v1 =	vld [tilespmem:s23+$0x0];
	_ =	sdelay $0x2  }
0x3c1: {  	v61 =	vbroadcast v0, $0xA;
	_ =	sdelay $0x1  }
0x3c2: {  	v1 =	vmul.f32 v1, v61;
	_ =	sdelay $0x1  }
0x3c3: {  	[tilespmem:s30+$0x0] =	vst v1  }
0x3c4: {  	v1 =	vld [tilespmem:s23+$0x10];
	_ =	sdelay $0x4  }
0x3c5: {  	v1 =	vmul.f32 v1, v61;
	_ =	sdelay $0x1  }
0x3c6: {  	[tilespmem:s30+$0x10] =	vst v1  }
0x3c7: {  	v1 =	vld [tilespmem:s23+$0x20];
	_ =	sdelay $0x2  }
0x3c8: {  	v62 =	vbroadcast v0, $0xB;
	_ =	sdelay $0x1  }
0x3c9: {  	v1 =	vmul.f32 v1, v62;
	_ =	sdelay $0x1  }
0x3ca: {  	[tilespmem:s30+$0x20] =	vst v1  }
0x3cb: {  	v1 =	vld [tilespmem:s23+$0x30];
	_ =	sdelay $0x4  }
0x3cc: {  	v1 =	vmul.f32 v1, v62;
	_ =	sdelay $0x1  }
0x3cd: {  	[tilespmem:s30+$0x30] =	vst v1  }
0x3ce: {  	v1 =	vld [tilespmem:s23+$0x80];
	_ =	sdelay $0x2  }
0x3cf: {  	v63 =	vbroadcast v0, $0xE;
	_ =	sdelay $0x1  }
0x3d0: {  	v1 =	vmul.f32 v1, v63;
	_ =	sdelay $0x1  }
0x3d1: {  	[tilespmem:s30+$0x40] =	vst v1  }
0x3d2: {  	v1 =	vld [tilespmem:s23+$0x90];
	_ =	sdelay $0x4  }
0x3d3: {  	v1 =	vmul.f32 v1, v63;
	_ =	sdelay $0x1  }
0x3d4: {  	[tilespmem:s30+$0x50] =	vst v1  }
0x3d5: {  	v1 =	vld [tilespmem:s23+$0xA0];
	_ =	sdelay $0x2  }
0x3d6: {  	v0 =	vbroadcast v0, $0xF;
	_ =	sdelay $0x1  }
0x3d7: {  	v1 =	vmul.f32 v1, v0;
	_ =	sdelay $0x1  }
0x3d8: {  	[tilespmem:s30+$0x60] =	vst v1  }
0x3d9: {  	v1 =	vld [tilespmem:s23+$0xB0];
	_ =	sdelay $0x4  }
0x3da: {  	v0 =	vmul.f32 v1, v0  }
0x3db: {  	p1 =	seq.s32 s13, $0x4F  }
.Ltmp13:
0x3dc: {  	[tilespmem:s30+$0x70] =	vst v0;
	(pc) =	sbr.rel @p1 .LBB2_30-.Ltmp13, $4  }
0x3dd: {  	[spmem:s4] =	stream.indirect.scatter.add.f32 [tilespmem:s14], [sflag:$0x6], $0x40, s6, s0, $0xb8;
	[tilespmem:$0x16600] =	vst v63  }
0x3de: {  	_ =	swait.ge [sflag:s28], $0x2000  }
0x3df: {  	[sflag:s28] =	ssyncset.done $0x0  }
0x3e0: {  	[sflag:s28] =	ssyncadd.s32 $0xFFFFE000  }
0x3e1: {  	s3 =	sshll.u32 s13, $0x8  }
0x3e2: {  	s15 =	sadd.s32 s3, s19  }
0x3e3: {  	s15 =	sshrl.u32 s15, $0x3  }
0x3e4: {  	s16 =	sadd.s32 s1, s15  }
0x3e5: {  	[tilespmem:s5], [sflag:$0x1] =	stream.linear.gather [hbm4b:s16+s5], $0x80, $0x38;
	[tilespmem:$0x16600] =	vst v63  }
0x3e6: {  	s15 =	sadd.s32 s2, s15  }
0x3e7: {  	[tilespmem:s31], [sflag:$0x1] =	stream.linear.gather [hbm4b:s15+s5], $0x80, $0x38;
	[tilespmem:$0x16600] =	vst v63  }
0x3e8: {  	s3 =	sadd.s32 s3, s20;
	_ =	swait.ge [sflag:s29], $0x2000  }
.Ltmp14:
0x3e9: {  	s3 =	sshrl.u32 s3, $0x3;
	[sflag:s29] =	ssyncset.done $0x0;
	(pc) =	sbr.rel .LBB2_25-.Ltmp14, $4  }
0x3ea: {  	s30 =	sadd.s32 s1, s3;
	[sflag:s29] =	ssyncadd.s32 $0xFFFFE000  }
0x3eb: {  	[tilespmem:s0], [sflag:$0x2] =	stream.linear.gather [hbm4b:s30+s5], $0x80, $0x38;
	[tilespmem:$0x16600] =	vst v63  }
0x3ec: {  	s13 =	sadd.s32 $0x1, s13;
	s3 =	sadd.s32 s2, s3  }
0x3ed: {  	[tilespmem:s6], [sflag:$0x2] =	stream.linear.gather [hbm4b:s3+s5], $0x80, $0x38;
	[tilespmem:$0x16600] =	vst v63  }
.LBB2_9:
0x3ee: {  	_ =	swait.ge [sflag:s29], $0x2000  }
0x3ef: {  	[sflag:s29] =	ssyncset.done $0x0  }
0x3f0: {  	[sflag:s29] =	ssyncadd.s32 $0xFFFFE000  }
0x3f1: {  	[bflag:$0x0] =	sbarrier.arrive $0xFFFF  }
0x3f2: {  	s13 =	simm.s32 $0x8;
	s3 =	rddreg [dreg:$0xe]  }
0x3f3: {  	s15 =	simm.s32 $0x10;
	s18 =	simm.s32 $0x7;
	s16 =	rddreg [dreg:$0x14]  }
0x3f4: {  	[hbm:s3@s15], [sflag:s30] =	dma.strided [spmem:s16@s13], $0x1400, s26, $0x8   }
0x3f5: {  	_ =	swait.ge [sflag:s18], $0x1400  }
0x3f6: {  	[sflag:s18] =	ssyncset.done $0x0  }
0x3f7: {  	[sflag:s18] =	ssyncadd.s32 $0xFFFFEC00  }
0x3f8: {  	[spmem:s16@s13], [sflag:s30] =	dma.strided [hbm:s22@s15], $0x1400, s26, $0x8   }
0x3f9: {  	_ =	swait.ge [sflag:s18], $0x1400  }
0x3fa: {  	[sflag:s18] =	ssyncset.done $0x0  }
0x3fb: {  	[sflag:s18] =	ssyncadd.s32 $0xFFFFEC00  }
0x3fc: {  	[bflag:$0x0] =	sbarrier.arrive $0xFFFF  }
0x3fd: {  	s3 =	simm.s32 $0x0;
	s15 =	rddreg [dreg:$0xa]  }
0x3fe: {  	[tilespmem:s3], [sflag:$0x1] =	stream.linear.gather [hbm4b:s15+s3], $0x80, $0x38;
	[tilespmem:$0x16600] =	vst v63  }
0x3ff: {  	s16 =	rddreg [dreg:$0xb]  }
0x400: {  	[tilespmem:s31], [sflag:$0x1] =	stream.linear.gather [hbm4b:s16+s3], $0x80, $0x38;
	[tilespmem:$0x16600] =	vst v63  }
0x401: {  	s17 =	rddreg [dreg:$0xc]  }
0x402: {  	[tilespmem:s0], [sflag:$0x2] =	stream.linear.gather [hbm4b:s17+s3], $0x80, $0x38;
	[tilespmem:$0x16600] =	vst v63  }
0x403: {  	s13 =	simm.s32 $0x0;
	s18 =	rddreg [dreg:$0xd]  }
0x404: {  	[tilespmem:s6], [sflag:$0x2] =	stream.linear.gather [hbm4b:s18+s3], $0x80, $0x38;
	[tilespmem:$0x16600] =	vst v63  }
.LBB2_10:
0x405: {  	_ =	swait.ge [sflag:s26], $0x80  }
0x406: {  	[sflag:s26] =	ssyncset.done $0x0  }
0x407: {  	[sflag:s26] =	ssyncadd.s32 $0xFFFFFF80  }
0x408: {  	_ =	swait.ge [sflag:s26], $0x80  }
0x409: {  	[sflag:s26] =	ssyncset.done $0x0  }
0x40a: {  	s15 =	simm.s32 $0x200;
	[sflag:s26] =	ssyncadd.s32 $0xFFFFFF80  }
0x40b: {  	[tilespmem:s15], [sflag:$0x3] =	stream.indirect.gather [hbm4b:s7+s0], $0x80, s3, s0, $0xb8;
	[tilespmem:$0x16600] =	vst v63  }
0x40c: {  	_ =	swait.ge [sflag:s10], $0x80  }
0x40d: {  	[sflag:s10] =	ssyncset.done $0x0  }
0x40e: {  	[sflag:s10] =	ssyncadd.s32 $0xFFFFFF80  }
0x40f: {  	_ =	swait.ge [sflag:s10], $0x80  }
0x410: {  	[sflag:s10] =	ssyncset.done $0x0  }
0x411: {  	[sflag:s10] =	ssyncadd.s32 $0xFFFFFF80  }
0x412: {  	[tilespmem:s11], [sflag:$0x4] =	stream.indirect.gather [hbm4b:s7+s0], $0x80, s0, s0, $0xb8;
	[tilespmem:$0x16600] =	vst v63  }
0x413: {  	_ =	swait.ge [sflag:s12], $0x4000  }
0x414: {  	[sflag:s12] =	ssyncset.done $0x0  }
0x415: {  	s16 =	simm.s32 $0x0;
	[sflag:s12] =	ssyncadd.s32 $0xFFFFC000  }
0x416: {  	v0 =	vld [tilespmem:s16+$0x240];
	_ =	sdelay $0x3  }
0x417: {  	s15 =	simm.s32 $0x8220  }
0x418: {  	[tilespmem:s15+$0xFFFFFFE0] =	vst v0  }
0x419: {  	v0 =	vld [tilespmem:s16+$0x250];
	_ =	sdelay $0x4  }
0x41a: {  	[tilespmem:s15+$0xFFFFFFF0] =	vst v0  }
0x41b: {  	v0 =	vld [tilespmem:s16+$0x260];
	_ =	sdelay $0x4  }
0x41c: {  	[tilespmem:s15+$0x0] =	vst v0  }
0x41d: {  	v0 =	vld [tilespmem:s16+$0x270];
	_ =	sdelay $0x4  }
0x41e: {  	s18 =	simm.s32 $0x400;
	s16 =	simm.s32 $0x80;
	[tilespmem:s15+$0x10] =	vst v0  }
.LBB2_11:
0x41f: {  	p1 =	sne.s32 s18, $0xFE00;
	v0 =	vld [tilespmem:s16+$0x240];
	_ =	sdelay $0x3  }
0x420: {  	s15 =	sadd.s32 $0x40, s15  }
0x421: {  	[tilespmem:s15+$0xFFFFFFE0] =	vst v0  }
0x422: {  	v0 =	vld [tilespmem:s16+$0x250];
	_ =	sdelay $0x4  }
0x423: {  	[tilespmem:s15+$0xFFFFFFF0] =	vst v0  }
0x424: {  	v0 =	vld [tilespmem:s16+$0x260];
	_ =	sdelay $0x4  }
0x425: {  	[tilespmem:s15+$0x0] =	vst v0  }
0x426: {  	v0 =	vld [tilespmem:s16+$0x270]  }
.Ltmp15:
0x427: {  	(pc) =	sbr.rel @p1 .LBB2_11-.Ltmp15, $2  }
0x428: {  	_ =	sdelay $0x2  }
0x429: {  	s16 =	sshra.s32 s18, $0x2;
	s18 =	sadd.s32 $0x200, s18;
	[tilespmem:s15+$0x10] =	vst v0  }
0x42a: {  	v0 =	vld [tilespmem:s16+$0x240];
	_ =	sdelay $0x3  }
0x42b: {  	s15 =	sadd.s32 $0x40, s15  }
0x42c: {  	[tilespmem:s15+$0xFFFFFFE0] =	vst v0  }
0x42d: {  	v0 =	vld [tilespmem:s16+$0x250];
	_ =	sdelay $0x4  }
0x42e: {  	[tilespmem:s15+$0xFFFFFFF0] =	vst v0  }
0x42f: {  	v0 =	vld [tilespmem:s16+$0x260];
	_ =	sdelay $0x4  }
0x430: {  	[tilespmem:s15+$0x0] =	vst v0  }
0x431: {  	v0 =	vld [tilespmem:s16+$0x270];
	_ =	sdelay $0x4  }
0x432: {  	[tilespmem:s15+$0x10] =	vst v0  }
0x433: {  	[spmem:s4] =	stream.indirect.scatter.add.f32 [tilespmem:s24], [sflag:$0x5], $0x40, s31, s0, $0xb8;
	[tilespmem:$0x16600] =	vst v63  }
0x434: {  	_ =	swait.ge [sflag:s25], $0x4000  }
0x435: {  	[sflag:s25] =	ssyncset.done $0x0  }
0x436: {  	s18 =	simm.s32 $0x0;
	[sflag:s25] =	ssyncadd.s32 $0xFFFFC000  }
0x437: {  	v63 =	vld [tilespmem:s18+$0x4240];
	_ =	sdelay $0x3  }
0x438: {  	s15 =	simm.s32 $0xA220  }
0x439: {  	[tilespmem:s15+$0xFFFFFFE0] =	vst v63  }
0x43a: {  	v0 =	vld [tilespmem:s18+$0x4250];
	_ =	sdelay $0x4  }
0x43b: {  	[tilespmem:s15+$0xFFFFFFF0] =	vst v0  }
0x43c: {  	v0 =	vld [tilespmem:s18+$0x4260];
	_ =	sdelay $0x4  }
0x43d: {  	[tilespmem:s15+$0x0] =	vst v0  }
0x43e: {  	v0 =	vld [tilespmem:s18+$0x4270];
	_ =	sdelay $0x4  }
0x43f: {  	s16 =	simm.s32 $0x80;
	s18 =	simm.s32 $0x400;
	[tilespmem:s15+$0x10] =	vst v0  }
.LBB2_13:
0x440: {  	p1 =	sne.s32 s18, $0xFE00;
	v0 =	vld [tilespmem:s16+$0x4240];
	_ =	sdelay $0x3  }
0x441: {  	s15 =	sadd.s32 $0x40, s15  }
0x442: {  	[tilespmem:s15+$0xFFFFFFE0] =	vst v0  }
0x443: {  	v0 =	vld [tilespmem:s16+$0x4250];
	_ =	sdelay $0x4  }
0x444: {  	[tilespmem:s15+$0xFFFFFFF0] =	vst v0  }
0x445: {  	v0 =	vld [tilespmem:s16+$0x4260];
	_ =	sdelay $0x4  }
0x446: {  	[tilespmem:s15+$0x0] =	vst v0  }
0x447: {  	v0 =	vld [tilespmem:s16+$0x4270]  }
.Ltmp16:
0x448: {  	(pc) =	sbr.rel @p1 .LBB2_13-.Ltmp16, $2  }
0x449: {  	_ =	sdelay $0x2  }
0x44a: {  	s16 =	sshra.s32 s18, $0x2;
	s18 =	sadd.s32 $0x200, s18;
	[tilespmem:s15+$0x10] =	vst v0  }
0x44b: {  	v0 =	vld [tilespmem:s16+$0x4240];
	_ =	sdelay $0x3  }
0x44c: {  	s15 =	sadd.s32 $0x40, s15  }
0x44d: {  	[tilespmem:s15+$0xFFFFFFE0] =	vst v0  }
0x44e: {  	v0 =	vld [tilespmem:s16+$0x4250];
	_ =	sdelay $0x4  }
0x44f: {  	[tilespmem:s15+$0xFFFFFFF0] =	vst v0  }
0x450: {  	v0 =	vld [tilespmem:s16+$0x4260];
	_ =	sdelay $0x4  }
0x451: {  	[tilespmem:s15+$0x0] =	vst v0  }
0x452: {  	v0 =	vld [tilespmem:s16+$0x4270];
	_ =	sdelay $0x3  }
0x453: {  	p1 =	seq.s32 s13, $0x4F  }
.Ltmp17:
0x454: {  	[tilespmem:s15+$0x10] =	vst v0;
	(pc) =	sbr.rel @p1 .LBB2_15-.Ltmp17, $4  }
0x455: {  	[spmem:s4] =	stream.indirect.scatter.add.f32 [tilespmem:s14], [sflag:$0x6], $0x40, s6, s0, $0xb8;
	[tilespmem:$0x16600] =	vst v63  }
0x456: {  	_ =	swait.ge [sflag:s28], $0x2000  }
0x457: {  	[sflag:s28] =	ssyncset.done $0x0  }
0x458: {  	[sflag:s28] =	ssyncadd.s32 $0xFFFFE000  }
0x459: {  	s15 =	sshll.u32 s13, $0x8  }
0x45a: {  	s16 =	sadd.s32 s15, s19  }
0x45b: {  	s16 =	sshrl.u32 s16, $0x3  }
0x45c: {  	s17 =	sadd.s32 s2, s16  }
0x45d: {  	[tilespmem:s5], [sflag:$0x1] =	stream.linear.gather [hbm4b:s17+s5], $0x80, $0x38;
	[tilespmem:$0x16600] =	vst v63  }
0x45e: {  	s16 =	sadd.s32 s1, s16  }
0x45f: {  	[tilespmem:s31], [sflag:$0x1] =	stream.linear.gather [hbm4b:s16+s5], $0x80, $0x38;
	[tilespmem:$0x16600] =	vst v63  }
0x460: {  	s15 =	sadd.s32 s15, s20;
	_ =	swait.ge [sflag:s29], $0x2000  }
.Ltmp18:
0x461: {  	s15 =	sshrl.u32 s15, $0x3;
	[sflag:s29] =	ssyncset.done $0x0;
	(pc) =	sbr.rel .LBB2_10-.Ltmp18, $4  }
0x462: {  	s18 =	sadd.s32 s2, s15;
	[sflag:s29] =	ssyncadd.s32 $0xFFFFE000  }
0x463: {  	[tilespmem:s0], [sflag:$0x2] =	stream.linear.gather [hbm4b:s18+s5], $0x80, $0x38;
	[tilespmem:$0x16600] =	vst v63  }
0x464: {  	s13 =	sadd.s32 $0x1, s13;
	s15 =	sadd.s32 s1, s15  }
0x465: {  	[tilespmem:s6], [sflag:$0x2] =	stream.linear.gather [hbm4b:s15+s5], $0x80, $0x38;
	[tilespmem:$0x16600] =	vst v63  }
.LBB2_15:
.Ltmp19:
0x466: {  	(pc) =	sbr.rel .LBB2_31-.Ltmp19, $3  }
0x467: {  	_ =	sdelay $0x1  }
0x468: {  	s3 =	rddreg [dreg:$0x6]  }
0x469: {  	s17 =	rddreg [dreg:$0x13]  }
.LBB2_32:
0x46a: {  	_ =	sfence.sel $0x180000  }
0x46b: {  	[bflag:$0x0] =	sbarrier.arrive $0xFFFF  }
0x46c: {  	_ =	strace $0x9000004D  }
0x46d: {  	s0 =	stileid.u32;
	[bflag:$0x2] =	sbarrier.arrive $0xFFFF  }
0x46e: {  	p0 =	sne.s32 s0, $0x0;
	s0 =	rddreg [dreg:$0x5]  }
0x46f: {  	s0 =	sadd.s32 @!p0 $0x100000, s0  }
0x470: {  	[sflag:s0] =	ssyncadd.tile.s32 @!p0 $0x1;
	_ =	shalt  }
.Lfunc_end2:
_tile_overlayer_lowered:
.L_overlay_start_2:
0x471: {  	(tag) =	ssettag $0x2  }
0x472: {  	s0 =	rddreg [dreg:$0x0];
	s2 =	stileid.u32  }
0x473: {  	s1 =	rddreg [dreg:$0x1];
	p0 =	sne.s32 s2, $0x0  }
0x474: {  	s3 =	rddreg [dreg:$0x2];
	[bflag:$0x3] =	sbarrier.arrive $0xFFFF;
	s2 =	simm.s32 @!p0 $0x1C07  }
0x475: {  	[timem:s3], [sflag:s2] =	dma.local @!p0 [hbm:s0], s1  }
0x476: {  	s0 =	simm.s32 @!p0 $0x7  }
0x477: {  	_ =	swait.ge @!p0 [sflag:s0], s1  }
0x478: {  	s1 =	ssub.s32 @!p0 $0x0, s1;
	[sflag:s0] =	ssyncset.done @!p0 $0x0  }
0x479: {  	[sflag:s0] =	ssyncadd.s32 @!p0 s1  }
0x47a: {  	[bflag:$0x3] =	sbarrier.arrive $0xFFFF  }
0x47b: {  	_ =	shalt  }

// kernel: kernel.7.cloned.1.call-start
scs
__scs_entry_jumppad:
0x0: {  	(pc) =	sbr.rel $0x88, $3  }
0x1: {  	(tag) =	ssettag $0x0;
	lr =	simm.s32 $0x1  }
0x2: {  	[smem:$0x3F8E] =	sst lr;
	_ =	strace $0xD0000000  }
0x3: {  	_ = 	snop  }
0x4: {  	_ = 	snop  }
0x5: {  	_ = 	snop  }
0x6: {  	_ = 	snop  }
0x7: {  	_ = 	snop  }
__scs_overlays_trampoline_lowered:
0x8: {  	[smem:$0x3F9D] =	sst s0  }
0x9: {  	[smem:$0x3F9E] =	sst s1  }
0xa: {  	[smem:$0x3F9F] =	sst s2  }
0xb: {  	[smem:$0x3FA0] =	sst s3  }
0xc: {  	[smem:$0x3FA1] =	sst s4  }
0xd: {  	[smem:$0x3FA2] =	sst s5  }
0xe: {  	[smem:$0x3FA3] =	sst s6  }
0xf: {  	[smem:$0x3FA4] =	sst s7  }
0x10: {  	[smem:$0x3FA5] =	sst s8  }
0x11: {  	[smem:$0x3FA6] =	sst s9;
	s0 =	simm.s32 @!p0 $0x0  }
0x12: {  	s1 =	sld [smem:$0x3F8C];
	s0 =	simm.s32 @p0 $0x1  }
0x13: {  	[smem:$0x3FA7] =	sst s0;
	s0 =	simm.s32 @!p1 $0x0  }
0x14: {  	s2 =	sld [smem:$0x3F8B];
	s0 =	simm.s32 @p1 $0x1  }
0x15: {  	[smem:$0x3FA8] =	sst s0;
	s0 =	simm.s32 @!p2 $0x0  }
0x16: {  	s3 =	sld [smem:$0x3FDB];
	s0 =	simm.s32 @p2 $0x1  }
0x17: {  	s4 =	simm.s32 $0x1BF5;
	[smem:$0x3FAA] =	sst s0  }
0x18: {  	s0 =	sld [smem:$0x3F8D];
	_ =	swait.ge [sflag:s4], $0x0  }
0x19: {  	s7 =	sld [smem:$0x3F8E]  }
0x1a: {  	s8 =	sadd.s32 $0xFFFFE003, lr  }
0x1b: {  	s9 =	sadd.s32 $0xFFFFFEF7, lr;
	s5 =	simm.s32 $0xFFFFFFFF;
	p2 =	slt.u32 s8, $0xFFFFF086  }
0x1c: {  	p1 =	slt.u32 s9, $0xF7A;
	s5 =	simm.s32 @!p2 $0x0  }
0x1d: {  	s5 =	simm.s32 @p1 $0x1;
	p0 =	seq.s32 s7, s2  }
0x1e: {  	s7 =	smul.u32 @!p0 $0xF7A, s2;
	p2 =	seq.s32 @!p0 s5, $0x0  }
0x1f: {  	s9 =	smul.u32 $0xF7A, s1;
	s8 =	simm.s32 @!p0 $0x1BF5;
	p2 =	por !p2, p0  }
0x20: {  	[sflag:s8] =	ssyncset.s32 @!p0 $0xFFFFF086;
	s6 =	sadd.s32 @!p0 s3, s7;
	s7 =	simm.s32 @!p0 $0x108  }
0x21: {  	s3 =	sadd.s32 s3, s9;
	s6 =	sadd.s32 @!p0 $0x88, s6;
	s7 =	simm.s32 @p2 $0x1082  }
0x22: {  	[simem:s7], [sflag:s8] =	dma.local @!p0 [hbm:s6], $0xF7A  }
0x23: {  	s9 =	sor.u32 $0xD0000000, s2;
	s6 =	simm.s32 $0x108;
	_ =	swait.ge @!p0 [sflag:s8], $0x0  }
0x24: {  	s3 =	sadd.s32 $0x88, s3;
	s6 =	simm.s32 @!p1 $0x1082;
	[sflag:s4] =	ssyncset.s32 $0xFFFFF086  }
0x25: {  	[simem:s6], [sflag:s4] =	dma.local [hbm:s3], $0xF7A  }
0x26: {  	[smem:$0x3F8E] =	sst s1;
	(tag) =	ssettag s2;
	_ =	strace s9  }
0x27: {  	s1 =	sld [smem:$0x3F9E]  }
0x28: {  	s2 =	sld [smem:$0x3F9F]  }
0x29: {  	s4 =	sld [smem:$0x3FA1]  }
0x2a: {  	p0 =	seq.s32 s5, $0x0;
	s5 =	sld [smem:$0x3FA2]  }
0x2b: {  	s6 =	sld [smem:$0x3FA3]  }
0x2c: {  	s7 =	sld [smem:$0x3FA4]  }
0x2d: {  	s3 =	simm.s32 $0x108;
	s8 =	sld [smem:$0x3FA5]  }
0x2e: {  	s3 =	simm.s32 @!p0 $0x1082;
	s9 =	sld [smem:$0x3FA6]  }
0x2f: {  	lr =	sadd.s32 s0, s3;
	s0 =	sld [smem:$0x3F9D]  }
0x30: {  	s3 =	sld [smem:$0x3FA0]  }
0x31: {  	[smem:$0x3FA9] =	sst s10  }
0x32: {  	s10 =	sld [smem:$0x3FA7];
	_ =	sdelay $0x3  }
0x33: {  	p0 =	seq.s32 s10, $0x1;
	s10 =	sld [smem:$0x3FA9];
	_ =	sdelay $0x3  }
0x34: {  	[smem:$0x3FA9] =	sst s10  }
0x35: {  	s10 =	sld [smem:$0x3FA8];
	_ =	sdelay $0x3  }
0x36: {  	p1 =	seq.s32 s10, $0x1;
	s10 =	sld [smem:$0x3FA9];
	_ =	sdelay $0x3  }
0x37: {  	[smem:$0x3FA9] =	sst s10  }
0x38: {  	s10 =	sld [smem:$0x3FAA]  }
0x39: {  	_ = 	snop;
	(pc) =	sbr.ind lr, $3  }
0x3a: {  	_ = 	snop  }
0x3b: {  	_ = 	snop  }
0x3c: {  	p2 =	seq.s32 s10, $0x1;
	s10 =	sld [smem:$0x3FA9]  }
0x3d: {  	_ =	shalt  }
0x3e: {  	_ =	shalt  }
0x3f: {  	_ =	shalt  }
0x40: {  	_ =	shalt  }
0x41: {  	_ =	shalt  }
0x42: {  	_ =	shalt  }
0x43: {  	_ =	shalt  }
0x44: {  	_ =	shalt  }
0x45: {  	_ =	shalt  }
0x46: {  	_ =	shalt  }
0x47: {  	_ =	shalt  }
0x48: {  	_ =	shalt  }
0x49: {  	_ =	shalt  }
0x4a: {  	_ =	shalt  }
0x4b: {  	_ =	shalt  }
0x4c: {  	_ =	shalt  }
0x4d: {  	_ =	shalt  }
0x4e: {  	_ =	shalt  }
0x4f: {  	_ =	shalt  }
0x50: {  	_ =	shalt  }
0x51: {  	_ =	shalt  }
0x52: {  	_ =	shalt  }
0x53: {  	_ =	shalt  }
0x54: {  	_ =	shalt  }
0x55: {  	_ =	shalt  }
0x56: {  	_ =	shalt  }
0x57: {  	_ =	shalt  }
0x58: {  	_ =	shalt  }
0x59: {  	_ =	shalt  }
0x5a: {  	_ =	shalt  }
0x5b: {  	_ =	shalt  }
0x5c: {  	_ =	shalt  }
0x5d: {  	_ =	shalt  }
0x5e: {  	_ =	shalt  }
0x5f: {  	_ =	shalt  }
0x60: {  	_ =	shalt  }
0x61: {  	_ =	shalt  }
0x62: {  	_ =	shalt  }
0x63: {  	_ =	shalt  }
0x64: {  	_ =	shalt  }
0x65: {  	_ =	shalt  }
0x66: {  	_ =	shalt  }
0x67: {  	_ =	shalt  }
0x68: {  	_ =	shalt  }
0x69: {  	_ =	shalt  }
0x6a: {  	_ =	shalt  }
0x6b: {  	_ =	shalt  }
0x6c: {  	_ =	shalt  }
0x6d: {  	_ =	shalt  }
0x6e: {  	_ =	shalt  }
0x6f: {  	_ =	shalt  }
0x70: {  	_ =	shalt  }
0x71: {  	_ =	shalt  }
0x72: {  	_ =	shalt  }
0x73: {  	_ =	shalt  }
0x74: {  	_ =	shalt  }
0x75: {  	_ =	shalt  }
0x76: {  	_ =	shalt  }
0x77: {  	_ =	shalt  }
0x78: {  	_ =	shalt  }
0x79: {  	_ =	shalt  }
0x7a: {  	_ =	shalt  }
0x7b: {  	_ =	shalt  }
0x7c: {  	_ =	shalt  }
0x7d: {  	_ =	shalt  }
0x7e: {  	_ =	shalt  }
0x7f: {  	_ =	shalt  }
0x80: {  	_ =	shalt  }
0x81: {  	_ =	shalt  }
0x82: {  	_ =	shalt  }
0x83: {  	_ =	shalt  }
0x84: {  	_ =	shalt  }
0x85: {  	_ =	shalt  }
0x86: {  	_ =	shalt  }
0x87: {  	_ =	shalt  }
.Lfunc_end0:
.L_simem_size_0:
called_computation_lowered:
.L_overlay_start_0:
0x88: {  	s2 =	sld [smem:$0x3FD9]  }
0x89: {  	s3 =	sld [smem:$0x3FFE];
	_ =	sdelay $0x1  }
0x8a: {  	s1 =	srdreg.scid  }
0x8b: {  	s0 =	sand.u32 $0x1, s1  }
0x8c: {  	s15 =	sshll.u32 s0, $0xA;
	s2 =	sadd.s32 s3, s2  }
0x8d: {  	s2 =	sadd.s32 s2, s15  }
0x8e: {  	[smem:$0x3FB5] =	sst s2  }
0x8f: {  	_ = 	snop  }
0x90: {  	s2 =	sld [smem:$0x3FD0];
	_ =	sdelay $0x2  }
0x91: {  	s16 =	simm.s32 $0xA;
	s4 =	simm.s32 $0x10  }
0x92: {  	[smem:s4], [sflag:s16] =	dma.local [hbm:s2], $0x1  }
0x93: {  	_ =	swait.eq [sflag:s16], $0x1  }
0x94: {  	s17 =	sld [smem:$0x11];
	[sflag:s16] =	ssyncset.done $0x0  }
0x95: {  	s18 =	sld [smem:$0x12];
	[sflag:s16] =	ssyncadd.s32 $0xFFFFFFFF  }
0x96: {  	s19 =	sld [smem:$0x14];
	(tm) =	ssettm $0x1  }
0x97: {  	s5 =	sld [smem:$0x3FFB];
	_ =	sdelay $0x3  }
0x98: {  	_ =	strace s5  }
0x99: {  	s5 =	sld [smem:$0x3FFC];
	_ =	sdelay $0x3  }
0x9a: {  	_ =	strace s5  }
0x9b: {  	s5 =	sld [smem:$0x3FFD];
	_ =	sdelay $0x3  }
0x9c: {  	_ =	strace s5  }
0x9d: {  	_ =	strace $0x8FFFFFFF  }
0x9e: {  	s20 =	sld [smem:$0x3FDB];
	_ =	sdelay $0x1  }
0x9f: {  	s6 =	simm.s32 $_scs_section_size  }
0xa0: {  	s7 =	simm.s32 $_size__tile_overlayer_lowered;
	s8 =	simm.s32 $_tile_overlayer_lowered  }
0xa1: {  	s23 =	simm.s32 $0x1BFF;
	s22 =	sshll.u32 s8, $0x1;
	s5 =	sadd.s32 s6, s20  }
0xa2: {  	s9 =	simm.s32 $0x0;
	s21 =	sshll.u32 s7, $0x1;
	s7 =	sadd.s32 s22, s5  }
0xa3: {  	[timem:s9], [sflag:s23] =	dma.local [hbm:s7], s21  }
0xa4: {  	_ =	swait.ge [sflag:s23], s21  }
0xa5: {  	s6 =	ssub.s32 $0x0, s21;
	[sflag:s23] =	ssyncset.done $0x0  }
0xa6: {  	[sflag:s23] =	ssyncadd.s32 s6;
	_ =	sdelay $0x1  }
0xa7: {  	s24 =	simm.s32 $0x1B8B  }
0xa8: {  	_ =	swait.ge [sflag:s24], $0x1  }
0xa9: {  	[sflag:s24] =	ssyncset.done $0x0  }
0xaa: {  	s25 =	simm.s32 $0x1B8E;
	[sflag:s24] =	ssyncadd.s32 $0xFFFFFFFF  }
0xab: {  	s26 =	simm.s32 $execute0_lowered;
	[smem:$0x3FD2] =	sst s25  }
0xac: {  	s6 =	sshll.u32 s26, $0x1;
	_ =	strace $0x80000046;
	[dreg:$0x1] =	wrdreg $0xFFFFFFFF  }
0xad: {  	s28 =	simm.s32 $_size_execute0_lowered;
	s5 =	sadd.s32 s5, s6;
	[dreg:$0x0] =	wrdreg $0x0  }
0xae: {  	s6 =	sshll.u32 s28, $0x1;
	[dreg:$0x2] =	wrdreg s5  }
0xaf: {  	[dreg:$0x3] =	wrdreg s6  }
0xb0: {  	[dreg:$0x4] =	wrdreg $0xC0  }
0xb1: {  	_ =	task [dreg:s9], $0x5FFFF  }
0xb2: {  	[dreg:$0x1] =	wrdreg $0xFFFFFFFF  }
0xb3: {  	[dreg:$0x0] =	wrdreg $0x60  }
0xb4: {  	[dreg:$0x2] =	wrdreg s19  }
0xb5: {  	[dreg:$0x3] =	wrdreg s17  }
0xb6: {  	[dreg:$0x4] =	wrdreg s18  }
0xb7: {  	[dreg:$0x5] =	wrdreg $0x5000  }
0xb8: {  	[dreg:$0x6] =	wrdreg $0x9  }
0xb9: {  	_ =	task.clear_ibuf [dreg:s9], $0x7FFFF;
	_ =	strace $0x90000046  }
0xba: {  	s29 =	simm.s32 $0x9;
	_ =	strace $0x80000048  }
0xbb: {  	_ =	swait.ge [sflag:s29], $0x1  }
0xbc: {  	[sflag:s29] =	ssyncadd.s32 $0xFFFFFFFF  }
0xbd: {  	_ =	strace $0x90000048  }
0xbe: {  	_ =	sfence  }
0xbf: {  	s30 =	sld [smem:$0x0];
	_ =	sdelay $0x2  }
0xc0: {  	s31 =	sshll.u32 s1, $0xD;
	s1 =	sshrl.u32 s1, $0x2  }
0xc1: {  	s3 =	sand.u32 $0x4000, s31;
	s1 =	sadd.s32 s1, s30  }
0xc2: {  	s0 =	sor.u32 s3, s0;
	s1 =	sshll.u32 s1, $0x11  }
0xc3: {  	s0 =	sor.u32 s1, s0  }
0xc4: {  	s0 =	sadd.s32 $0x8F2B, s0  }
0xc5: {  	[sflag:s0] =	ssyncadd.remote.s32 $0x1  }
0xc6: {  	_ =	sfence.sel $0xFFFF  }
0xc7: {  	[dreg:$0x0] =	wrdreg $0xFFFFFFFF;
	(pc) =	sbr.abs _section_cstart, $3  }
0xc8: {  	[dreg:$0x1] =	wrdreg $0xFFFFFFFF  }
0xc9: {  	_ =	task.clear_ibuf [dreg:s9], $0x2FFFF;
	_ =	strace $0x9FFFFFFF  }
0xca: {  	(tm) =	ssettm $0x7FFFFFFF  }
0xcb: {  	_ =	shalt  }
tec
execute0_lowered:
.L_overlay_start_1:
0x0: {  	(tag) =	ssettag $0x1  }
0x1: {  	s8 =	rddreg [dreg:$0x0]  }
0x2: {  	s1 =	rddreg [dreg:$0x1];
	s2 =	srdreg.scid  }
0x3: {  	s0 =	stileid.u32;
	s5 =	rddreg [dreg:$0x2]  }
0x4: {  	s3 =	rddreg [dreg:$0x3];
	s4 =	simm.s32 $0x0;
	s7 =	smul.u32 $0x5000, s0  }
0x5: {  	s15 =	simm.s32 $0x1;
	s16 =	simm.s32 $0x10;
	s10 =	smul.u32 $0x14000, s0  }
0x6: {  	s6 =	sand.u32 $0x1, s2;
	s2 =	rddreg [dreg:$0x4];
	s13 =	smul.u32 $0x2800, s0  }
0x7: {  	s17 =	simm.s32 $0x0;
	[smem:$0x7FF] =	sst s4;
	s9 =	smul.u32 $0x140000, s6  }
0x8: {  	s31 =	sshll.u32 s0, $0x6;
	s11 =	ssub.s32 $0x2, s6;
	s6 =	smul.u32 $0x28000, s6  }
0x9: {  	_ =	strace $0x80000047;
	s12 =	sshrl.u32 s11, $0x1;
	s7 =	sshrl.u32 s7, $0x2  }
0xa: {  	v0 =	vlaneseq.u32;
	s11 =	ssub.s32 s11, s12;
	s9 =	sadd.s32 s10, s9;
	s28 =	sadd.s32 s13, s6  }
0xb: {  	v0 =	vmul.u32 $0x8, v0;
	s14 =	sadd.s32 s7, s3;
	s10 =	simm.s32 $0x80;
	s12 =	simm.s32 $0x2  }
0xc: {  	s13 =	sor.u32 $0x1C02, s31;
	s9 =	sshrl.u32 s9, $0x3;
	s29 =	sor.u32 $0x80, s28  }
0xd: {  	v1 =	vimm.f32 $1.000000000e+00;
	v2 =	vor.u32 $0x80, v0;
	s6 =	smax.u32 s11, $0x1;
	s30 =	sshrl.u32 s28, $0x3;
	s11 =	simm.s32 $0x100  }
0xe: {  	v3 =	vor.u32 $0x100, v0;
	v4 =	vor.u32 $0x180, v0;
	v5 =	vor.u32 $0x200, v0;
	s14 =	sshrl.u32 s14, $0x3;
	s5 =	sadd.s32 s5, s9;
	s7 =	sshrl.u32 s29, $0x3  }
0xf: {  	v6 =	vor.u32 $0x280, v0;
	v7 =	vor.u32 $0x300, v0;
	v8 =	vor.u32 $0x380, v0;
	s9 =	simm.s32 $0x8;
	s7 =	sadd.s32 s7, s8;
	s8 =	sadd.s32 s30, s8  }
.LBB2_1:
0x10: {  	[tilespmem:s11], [sflag:$0x2] =	stream.strided.gather [hbm4b:s1+s9], $0x400, s10, s9, $0x38;
	[tilespmem:$0x1900] =	vst v63  }
0x11: {  	_ =	swait.ge [sflag:s12], $0x400  }
0x12: {  	[sflag:s12] =	ssyncset.done $0x0  }
0x13: {  	[sflag:s12] =	ssyncadd.s32 $0xFFFFFC00  }
0x14: {  	[tilespmem:v0+s11+$0x0] =	vst.idx.msk $0xffff, v1  }
0x15: {  	[tilespmem:v2+s11+$0x0] =	vst.idx.msk $0xffff, v1  }
0x16: {  	[tilespmem:v3+s11+$0x0] =	vst.idx.msk $0xffff, v1  }
0x17: {  	[tilespmem:v4+s11+$0x0] =	vst.idx.msk $0xffff, v1  }
0x18: {  	[tilespmem:v5+s11+$0x0] =	vst.idx.msk $0xffff, v1  }
0x19: {  	[tilespmem:v6+s11+$0x0] =	vst.idx.msk $0xffff, v1  }
0x1a: {  	[tilespmem:v7+s11+$0x0] =	vst.idx.msk $0xffff, v1  }
0x1b: {  	[tilespmem:v8+s11+$0x0] =	vst.idx.msk $0xffff, v1  }
0x1c: {  	[spmem:s14@s15], [sflag:s13] =	dma.strided [hbm:s1@s16], $0x280, s15, $0x1   }
0x1d: {  	_ =	swait.ge [sflag:s12], $0x280  }
0x1e: {  	[sflag:s12] =	ssyncset.done $0x0  }
0x1f: {  	[sflag:s12] =	ssyncadd.s32 $0xFFFFFD80  }
0x20: {  	s18 =	sadd.s32 $0x0, s8;
	[bflag:$0x0] =	sbarrier.arrive $0xFFFF  }
0x21: {  	[tilespmem:s4], [sflag:$0x2] =	stream.linear.gather [hbm4b:s18+s4], $0x80, $0x38;
	[tilespmem:$0x1900] =	vst v63  }
0x22: {  	_ =	swait.ge [sflag:s12], $0x80  }
0x23: {  	[sflag:s12] =	ssyncset.done $0x0  }
0x24: {  	[sflag:s12] =	ssyncadd.s32 $0xFFFFFF80  }
0x25: {  	[spmem:s3] =	stream.indirect.scatter.add.f32 [tilespmem:s11], [sflag:$0x1], $0x8, s4, s10, $0xb8;
	[tilespmem:$0x1900] =	vst v63  }
0x26: {  	s31 =	sadd.s32 $0x0, s7  }
0x27: {  	[tilespmem:s10], [sflag:$0x2] =	stream.linear.gather [hbm4b:s31+s4], $0x80, $0x38;
	[tilespmem:$0x1900] =	vst v63  }
0x28: {  	_ =	swait.ge [sflag:s12], $0x80  }
0x29: {  	[sflag:s12] =	ssyncset.done $0x0  }
0x2a: {  	[sflag:s12] =	ssyncadd.s32 $0xFFFFFF80  }
0x2b: {  	[spmem:s3] =	stream.indirect.scatter.add.f32 [tilespmem:s11], [sflag:$0x1], $0x8, s10, s10, $0xb8;
	[tilespmem:$0x1900] =	vst v63  }
0x2c: {  	_ =	swait.ge [sflag:s15], $0x400  }
0x2d: {  	[sflag:s15] =	ssyncset.done $0x0  }
0x2e: {  	[sflag:s15] =	ssyncadd.s32 $0xFFFFFC00  }
0x2f: {  	_ =	swait.ge [sflag:s15], $0x400  }
0x30: {  	s19 =	simm.s32 $0x40;
	s18 =	simm.s32 $0x20;
	[sflag:s15] =	ssyncset.done $0x0  }
.LBB2_2:
0x31: {  	s20 =	sadd.s32 s18, s8  }
0x32: {  	[sflag:s15] =	ssyncadd.s32 $0xFFFFFC00;
	s21 =	smov.u32 s19;
	s22 =	sadd.s32 $0x20, s19  }
0x33: {  	[tilespmem:s4], [sflag:$0x2] =	stream.linear.gather [hbm4b:s20+s4], $0x80, $0x38;
	[tilespmem:$0x1900] =	vst v63  }
0x34: {  	p0 =	sne.s32 s19, $0x4E0;
	_ =	swait.ge [sflag:s12], $0x80  }
0x35: {  	[sflag:s12] =	ssyncset.done $0x0  }
0x36: {  	[sflag:s12] =	ssyncadd.s32 $0xFFFFFF80  }
0x37: {  	[spmem:s3] =	stream.indirect.scatter.add.f32 [tilespmem:s11], [sflag:$0x1], $0x8, s4, s10, $0xb8;
	[tilespmem:$0x1900] =	vst v63  }
0x38: {  	s19 =	sadd.s32 s18, s7;
	s18 =	smov.u32 s21  }
0x39: {  	[tilespmem:s10], [sflag:$0x2] =	stream.linear.gather [hbm4b:s19+s4], $0x80, $0x38;
	[tilespmem:$0x1900] =	vst v63  }
0x3a: {  	_ =	swait.ge [sflag:s12], $0x80  }
0x3b: {  	[sflag:s12] =	ssyncset.done $0x0  }
0x3c: {  	[sflag:s12] =	ssyncadd.s32 $0xFFFFFF80  }
0x3d: {  	[spmem:s3] =	stream.indirect.scatter.add.f32 [tilespmem:s11], [sflag:$0x1], $0x8, s10, s10, $0xb8;
	[tilespmem:$0x1900] =	vst v63  }
.Ltmp0:
0x3e: {  	_ =	swait.ge [sflag:s15], $0x400;
	(pc) =	sbr.rel @p0 .LBB2_2-.Ltmp0, $4  }
0x3f: {  	[sflag:s15] =	ssyncset.done $0x0  }
0x40: {  	[sflag:s15] =	ssyncadd.s32 $0xFFFFFC00  }
0x41: {  	_ =	swait.ge [sflag:s15], $0x400  }
0x42: {  	s19 =	smov.u32 s22;
	[sflag:s15] =	ssyncset.done $0x0  }
0x43: {  	s19 =	sadd.s32 s18, s8;
	[sflag:s15] =	ssyncadd.s32 $0xFFFFFC00  }
0x44: {  	[tilespmem:s4], [sflag:$0x2] =	stream.linear.gather [hbm4b:s19+s4], $0x80, $0x38;
	[tilespmem:$0x1900] =	vst v63  }
0x45: {  	_ =	swait.ge [sflag:s12], $0x80  }
0x46: {  	[sflag:s12] =	ssyncset.done $0x0  }
0x47: {  	[sflag:s12] =	ssyncadd.s32 $0xFFFFFF80  }
0x48: {  	[spmem:s3] =	stream.indirect.scatter.add.f32 [tilespmem:s11], [sflag:$0x1], $0x8, s4, s10, $0xb8;
	[tilespmem:$0x1900] =	vst v63  }
0x49: {  	s31 =	sadd.s32 s18, s7  }
0x4a: {  	[tilespmem:s10], [sflag:$0x2] =	stream.linear.gather [hbm4b:s31+s4], $0x80, $0x38;
	[tilespmem:$0x1900] =	vst v63  }
0x4b: {  	_ =	swait.ge [sflag:s12], $0x80  }
0x4c: {  	[sflag:s12] =	ssyncset.done $0x0  }
0x4d: {  	[sflag:s12] =	ssyncadd.s32 $0xFFFFFF80  }
0x4e: {  	[spmem:s3] =	stream.indirect.scatter.add.f32 [tilespmem:s11], [sflag:$0x1], $0x8, s10, s10, $0xb8;
	[tilespmem:$0x1900] =	vst v63  }
0x4f: {  	_ =	swait.ge [sflag:s15], $0x400  }
0x50: {  	[sflag:s15] =	ssyncset.done $0x0  }
0x51: {  	[sflag:s15] =	ssyncadd.s32 $0xFFFFFC00  }
0x52: {  	_ =	swait.ge [sflag:s15], $0x400  }
0x53: {  	s17 =	sadd.s32 $0x1, s17;
	[sflag:s15] =	ssyncset.done $0x0  }
0x54: {  	p0 =	sne.s32 s17, s6;
	[sflag:s15] =	ssyncadd.s32 $0xFFFFFC00  }
.Ltmp1:
0x55: {  	[bflag:$0x0] =	sbarrier.arrive $0xFFFF;
	(pc) =	sbr.rel @p0 .LBB2_1-.Ltmp1, $4  }
0x56: {  	[hbm:s5@s16], [sflag:s13] =	dma.strided [spmem:s14@s15], $0x280, s15, $0x1   }
0x57: {  	_ =	swait.ge [sflag:s12], $0x280  }
0x58: {  	[sflag:s12] =	ssyncset.done $0x0  }
0x59: {  	[sflag:s12] =	ssyncadd.s32 $0xFFFFFD80  }
0x5a: {  	_ =	sfence.sel $0x180000  }
0x5b: {  	[bflag:$0x0] =	sbarrier.arrive $0xFFFF  }
0x5c: {  	p0 =	sne.s32 s0, $0x0;
	_ =	strace $0x90000047  }
0x5d: {  	s0 =	sadd.s32 @!p0 $0x100000, s2;
	[bflag:$0x2] =	sbarrier.arrive $0xFFFF  }
0x5e: {  	[sflag:s0] =	ssyncadd.tile.s32 @!p0 $0x1;
	_ =	shalt  }
.Lfunc_end2:
_tile_overlayer_lowered:
.L_overlay_start_2:
0x5f: {  	(tag) =	ssettag $0x2  }
0x60: {  	s0 =	rddreg [dreg:$0x0];
	s2 =	stileid.u32  }
0x61: {  	s1 =	rddreg [dreg:$0x1];
	p0 =	sne.s32 s2, $0x0  }
0x62: {  	s3 =	rddreg [dreg:$0x2];
	[bflag:$0x3] =	sbarrier.arrive $0xFFFF;
	s2 =	simm.s32 @!p0 $0x1C02  }
0x63: {  	[timem:s3], [sflag:s2] =	dma.local @!p0 [hbm:s0], s1  }
0x64: {  	s0 =	simm.s32 @!p0 $0x2  }
0x65: {  	_ =	swait.ge @!p0 [sflag:s0], s1  }
0x66: {  	s1 =	ssub.s32 @!p0 $0x0, s1;
	[sflag:s0] =	ssyncset.done @!p0 $0x0  }
0x67: {  	[sflag:s0] =	ssyncadd.s32 @!p0 s1  }
0x68: {  	[bflag:$0x3] =	sbarrier.arrive $0xFFFF  }
0x69: {  	_ =	shalt  }

</sc_bundles>
